<compile_context>
chip_gen: v7x
topology: tpu7x:2x2x1
jax: 0.10.2.dev20260603
libtpu: 0.0.44.dev20260713+nightly
codegen_flags: <defaults>
</compile_context>

<pallas_src>
import jax
import jax.numpy as jnp
from jax import lax
from jax.experimental import pallas as pl
from jax.experimental.pallas import tpu as pltpu
from jax.experimental.pallas import tpu_sc as plsc

MAXLEN = 200
EMBED = 128
BATCH = 1024
NW = 32
BPW = BATCH // NW
TG = 4
NCH = MAXLEN // TG
ROWS = TG * BPW
LANES = 16
NBUF = 4
MAIN = NCH - 2


def _body(x_hbm, tok_hbm, pos_hbm, out_hbm, pos_v, idx_v, bufs, sgs, sos):
    wid = lax.axis_index("s") * 2 + lax.axis_index("c")
    base = wid * BPW
    pltpu.sync_copy(pos_hbm, pos_v)
    pltpu.sync_copy(x_hbm.at[wid], idx_v)

    def gather(k, b):
        pltpu.async_copy(tok_hbm.at[idx_v.at[k]], bufs[b], sgs[b])

    def wait_gather(b):
        pltpu.make_async_copy(tok_hbm.at[pl.ds(0, ROWS)], bufs[b], sgs[b]).wait()

    def wait_store(b):
        pltpu.make_async_copy(
            bufs[b], out_hbm.at[0, pl.ds(0, ROWS)], sos[b]
        ).wait()

    def add_and_store(k, b):
        slices = [pl.ds(c * LANES, LANES) for c in range(EMBED // LANES)]
        pv = [
            [pos_v[TG * k + tt, sl] for sl in slices] for tt in range(TG)
        ]

        @pl.loop(0, BPW)
        def _j(j):
            for tt in range(TG):
                r = tt * BPW + j
                for c, sl in enumerate(slices):
                    bufs[b][r, sl] = bufs[b][r, sl] + pv[tt][c]

        for tt in range(TG):
            pltpu.async_copy(
                bufs[b].at[pl.ds(tt * BPW, BPW)],
                out_hbm.at[pl.ds(base, BPW), TG * k + tt],
                sos[b],
            )

    gather(0, 0)
    gather(1, 1)

    @pl.loop(0, MAIN // NBUF)
    def _p(p):
        for bb in range(NBUF):
            k = NBUF * p + bb
            nb = (bb + 2) % NBUF
            if bb < 2:
                @pl.when(p > 0)
                def _w():
                    wait_store(nb)
            else:
                wait_store(nb)
            gather(k + 2, nb)
            wait_gather(bb)
            add_and_store(k, bb)

    for k in (MAIN, MAIN + 1):
        b = k % NBUF
        wait_gather(b)
        add_and_store(k, b)
    for b in range(NBUF):
        wait_store(b)


def _kernel_body(x_hbm, tok_hbm, pos_hbm, out_hbm, pos_v, idx_v,
                 buf0, buf1, buf2, buf3, sg0, sg1, sg2, sg3,
                 so0, so1, so2, so3):
    _body(x_hbm, tok_hbm, pos_hbm, out_hbm, pos_v, idx_v,
          (buf0, buf1, buf2, buf3), (sg0, sg1, sg2, sg3),
          (so0, so1, so2, so3))


def kernel(x, token_table, pos_table):
    xt = (
        x.reshape(NW, BPW, NCH, TG)
        .transpose(0, 2, 3, 1)
        .reshape(NW, NCH, ROWS)
        .astype(jnp.int32)
    )
    mesh = plsc.VectorSubcoreMesh(core_axis_name="c", subcore_axis_name="s")
    f = pl.kernel(
        _kernel_body,
        out_type=jax.ShapeDtypeStruct((BATCH, MAXLEN, EMBED), jnp.float32),
        mesh=mesh,
        scratch_types=[
            pltpu.VMEM((MAXLEN, EMBED), jnp.float32),
            pltpu.VMEM((NCH, ROWS), jnp.int32),
            pltpu.VMEM((ROWS, EMBED), jnp.float32),
            pltpu.VMEM((ROWS, EMBED), jnp.float32),
            pltpu.VMEM((ROWS, EMBED), jnp.float32),
            pltpu.VMEM((ROWS, EMBED), jnp.float32),
            pltpu.SemaphoreType.DMA,
            pltpu.SemaphoreType.DMA,
            pltpu.SemaphoreType.DMA,
            pltpu.SemaphoreType.DMA,
            pltpu.SemaphoreType.DMA,
            pltpu.SemaphoreType.DMA,
            pltpu.SemaphoreType.DMA,
            pltpu.SemaphoreType.DMA,
        ],
    )
    return f(xt, token_table, pos_table)

# --- scband reference (transcript-rebuilt; emitter-appended) ---
"""Pipeline reference for scband-token-and-position-embedding-15779709846214 (READ-ONLY COPY).

The authoritative reference and input builder live on the scoring server;
editing this copy changes nothing except your own understanding.
"""

import jax, jax.numpy as jnp
import numpy as np

MAXLEN = 200
VOCAB_SIZE = 100000
EMBED_DIM = 128
BATCH = 1024

def setup_inputs(seed: int = 0) -> dict:
    key = jax.random.key(seed)
    k1, k2, k3 = jax.random.split(key, 3)
    x = jax.random.randint(k1, (BATCH, MAXLEN), 0, VOCAB_SIZE, dtype=jnp.int64 if jax.config.jax_enable_x64 else jnp.int32)
    token_table = jax.random.normal(k2, (VOCAB_SIZE, EMBED_DIM), dtype=jnp.float32) * 0.02
    pos_table = jax.random.normal(k3, (MAXLEN, EMBED_DIM), dtype=jnp.float32) * 0.02
    return {"x": x, "token_table": token_table, "pos_table": pos_table}

def reference(x, token_table, pos_table):
    maxlen = x.shape[-1]
    positions = jnp.arange(0, maxlen, 1)
    pos_emb = jnp.take(pos_table, positions, axis=0)      # [maxlen, embed_dim]
    tok_emb = jnp.take(token_table, x, axis=0)            # [batch, maxlen, embed_dim]
    return tok_emb + pos_emb[None, :, :]

if __name__ == "__main__":
    import jax
    _d = setup_inputs()
    print(jax.jit(kernel)(*tuple(_d.values())))

</pallas_src>

<mosaic_0001>
#map = affine_map<(d0, d1) -> (0, 0, 0)>
#map1 = affine_map<(d0, d1) -> (0, 0)>
module attributes {stable_mosaic.version = 14 : i64} {
  func.func @_kernel_body(%arg0: i32, %arg1: i32, %arg2: memref<32x50x128xi32, #tpu.memory_space<hbm>>, %arg3: memref<100000x128xf32, #tpu.memory_space<hbm>>, %arg4: memref<200x128xf32, #tpu.memory_space<hbm>>, %arg5: memref<1024x200x128xf32, #tpu.memory_space<hbm>>, %arg6: memref<200x128xf32, #tpu.memory_space<vmem>>, %arg7: memref<50x128xi32, #tpu.memory_space<vmem>>, %arg8: memref<128x128xf32, #tpu.memory_space<vmem>>, %arg9: memref<128x128xf32, #tpu.memory_space<vmem>>, %arg10: memref<128x128xf32, #tpu.memory_space<vmem>>, %arg11: memref<128x128xf32, #tpu.memory_space<vmem>>, %arg12: memref<!tpu.dma_semaphore, #tpu.memory_space<semaphore_mem>>, %arg13: memref<!tpu.dma_semaphore, #tpu.memory_space<semaphore_mem>>, %arg14: memref<!tpu.dma_semaphore, #tpu.memory_space<semaphore_mem>>, %arg15: memref<!tpu.dma_semaphore, #tpu.memory_space<semaphore_mem>>, %arg16: memref<!tpu.dma_semaphore, #tpu.memory_space<semaphore_mem>>, %arg17: memref<!tpu.dma_semaphore, #tpu.memory_space<semaphore_mem>>, %arg18: memref<!tpu.dma_semaphore, #tpu.memory_space<semaphore_mem>>, %arg19: memref<!tpu.dma_semaphore, #tpu.memory_space<semaphore_mem>>) attributes {dimension_semantics = [#tpu.dimension_semantics<core_parallel>, #tpu.dimension_semantics<subcore_parallel>], iteration_bounds = array<i64: 2, 16>, scalar_prefetch = 0 : i64, scratch_operands = 14 : i64, tpu.core_type = #tpu.core_type<sc_vector_subcore>, window_params = [{transform_indices = #map}, {transform_indices = #map1}, {transform_indices = #map1}, {transform_indices = #map}]} {
    %mul3A = arith.constant 2 : i32
    %mul3A_0 = arith.muli %arg1, %mul3A : i32
    %add3A = arith.addi %mul3A_0, %arg0 : i32
    %mul3A_1 = arith.constant 32 : i32
    %mul3A_2 = arith.muli %add3A, %mul3A_1 : i32
    "tpu.region"() ({
      %run_scoped3A = tpu.sem_alloc : memref<!tpu.dma_semaphore, #tpu.memory_space<semaphore_mem>>
      tpu.enqueue_dma source(%arg4 : memref<200x128xf32, #tpu.memory_space<hbm>>) target(%arg6 : memref<200x128xf32, #tpu.memory_space<vmem>>) target_semaphore(%run_scoped3A : memref<!tpu.dma_semaphore, #tpu.memory_space<semaphore_mem>>)
      tpu.wait_dma2 semaphore(%run_scoped3A : memref<!tpu.dma_semaphore, #tpu.memory_space<semaphore_mem>>) src(%arg4 : memref<200x128xf32, #tpu.memory_space<hbm>>) dst(%arg6 : memref<200x128xf32, #tpu.memory_space<vmem>>)
      tpu.yield
    }) : () -> ()
    "tpu.region"() ({
      %run_scoped3A = tpu.sem_alloc : memref<!tpu.dma_semaphore, #tpu.memory_space<semaphore_mem>>
      %dma_start3A_500 = arith.constant 0 : i32
      %dma_start3A_501 = arith.constant 0 : i32
      %dma_start3A_502 = tpu.memref_slice %arg2[%add3A, %dma_start3A_500, %dma_start3A_501] : memref<32x50x128xi32, #tpu.memory_space<hbm>> -> memref<1x50x128xi32, #tpu.memory_space<hbm>>
      %dma_start3A_503 = tpu.memref_squeeze %dma_start3A_502 : memref<1x50x128xi32, #tpu.memory_space<hbm>> -> memref<50x128xi32, #tpu.memory_space<hbm>>
      %dma_start3A_504 = arith.constant 0 : i32
      %dma_start3A_505 = arith.constant 0 : i32
      %dma_start3A_506 = tpu.memref_slice %arg2[%add3A, %dma_start3A_504, %dma_start3A_505] : memref<32x50x128xi32, #tpu.memory_space<hbm>> -> memref<1x50x128xi32, #tpu.memory_space<hbm>>
      %dma_start3A_507 = tpu.memref_squeeze %dma_start3A_506 : memref<1x50x128xi32, #tpu.memory_space<hbm>> -> memref<50x128xi32, #tpu.memory_space<hbm>>
      tpu.enqueue_dma source(%dma_start3A_507 : memref<50x128xi32, #tpu.memory_space<hbm>>) target(%arg7 : memref<50x128xi32, #tpu.memory_space<vmem>>) target_semaphore(%run_scoped3A : memref<!tpu.dma_semaphore, #tpu.memory_space<semaphore_mem>>)
      %dma_wait3A_508 = arith.constant 0 : i32
      %dma_wait3A_509 = arith.constant 0 : i32
      %dma_wait3A_510 = tpu.memref_slice %arg2[%add3A, %dma_wait3A_508, %dma_wait3A_509] : memref<32x50x128xi32, #tpu.memory_space<hbm>> -> memref<1x50x128xi32, #tpu.memory_space<hbm>>
      %dma_wait3A_511 = tpu.memref_squeeze %dma_wait3A_510 : memref<1x50x128xi32, #tpu.memory_space<hbm>> -> memref<50x128xi32, #tpu.memory_space<hbm>>
      %dma_wait3A_512 = arith.constant 0 : i32
      %dma_wait3A_513 = arith.constant 0 : i32
      %dma_wait3A_514 = tpu.memref_slice %arg2[%add3A, %dma_wait3A_512, %dma_wait3A_513] : memref<32x50x128xi32, #tpu.memory_space<hbm>> -> memref<1x50x128xi32, #tpu.memory_space<hbm>>
      %dma_wait3A_515 = tpu.memref_squeeze %dma_wait3A_514 : memref<1x50x128xi32, #tpu.memory_space<hbm>> -> memref<50x128xi32, #tpu.memory_space<hbm>>
      tpu.wait_dma2 semaphore(%run_scoped3A : memref<!tpu.dma_semaphore, #tpu.memory_space<semaphore_mem>>) src(%dma_wait3A_515 : memref<50x128xi32, #tpu.memory_space<hbm>>) dst(%arg7 : memref<50x128xi32, #tpu.memory_space<vmem>>)
      tpu.yield
    }) : () -> ()
    %dma_start3A = arith.constant 0 : i32
    %dma_start3A_3 = arith.constant 0 : i32
    %dma_start3A_4 = tpu.memref_slice %arg7[%dma_start3A, %dma_start3A_3] : memref<50x128xi32, #tpu.memory_space<vmem>> -> memref<1x128xi32, #tpu.memory_space<vmem>>
    %dma_start3A_5 = tpu.memref_squeeze %dma_start3A_4 : memref<1x128xi32, #tpu.memory_space<vmem>> -> memref<128xi32, #tpu.memory_space<vmem>>
    %dma_start3A_6 = arith.constant 0 : i32
    %dma_start3A_7 = arith.constant 0 : i32
    %dma_start3A_8 = tpu.memref_slice %arg3[%dma_start3A_6, %dma_start3A_7] : memref<100000x128xf32, #tpu.memory_space<hbm>> -> memref<100000x128xf32, #tpu.memory_space<hbm>>
    tpu.enqueue_indirect_dma source(%dma_start3A_8 : memref<100000x128xf32, #tpu.memory_space<hbm>>) target(%arg8 : memref<128x128xf32, #tpu.memory_space<vmem>>) offsets(%dma_start3A_5 : memref<128xi32, #tpu.memory_space<vmem>>) semaphore(%arg12 : memref<!tpu.dma_semaphore, #tpu.memory_space<semaphore_mem>>)
    %dma_start3A_9 = arith.constant 1 : i32
    %dma_start3A_10 = arith.constant 0 : i32
    %dma_start3A_11 = tpu.memref_slice %arg7[%dma_start3A_9, %dma_start3A_10] : memref<50x128xi32, #tpu.memory_space<vmem>> -> memref<1x128xi32, #tpu.memory_space<vmem>>
    %dma_start3A_12 = tpu.memref_squeeze %dma_start3A_11 : memref<1x128xi32, #tpu.memory_space<vmem>> -> memref<128xi32, #tpu.memory_space<vmem>>
    %dma_start3A_13 = arith.constant 0 : i32
    %dma_start3A_14 = arith.constant 0 : i32
    %dma_start3A_15 = tpu.memref_slice %arg3[%dma_start3A_13, %dma_start3A_14] : memref<100000x128xf32, #tpu.memory_space<hbm>> -> memref<100000x128xf32, #tpu.memory_space<hbm>>
    tpu.enqueue_indirect_dma source(%dma_start3A_15 : memref<100000x128xf32, #tpu.memory_space<hbm>>) target(%arg9 : memref<128x128xf32, #tpu.memory_space<vmem>>) offsets(%dma_start3A_12 : memref<128xi32, #tpu.memory_space<vmem>>) semaphore(%arg13 : memref<!tpu.dma_semaphore, #tpu.memory_space<semaphore_mem>>)
    %scan3A = arith.constant 0 : i32
    %scan3A_16 = arith.constant 12 : i32
    %scan3A_17 = arith.addi %scan3A, %scan3A_16 : i32
    %scan3A_18 = arith.constant 1 : i32
    scf.for %scan3A_500 = %scan3A to %scan3A_17 step %scan3A_18  : i32 {
      %mul3A_501 = arith.constant 1 : i32
      %mul3A_502 = arith.muli %scan3A_500, %mul3A_501 : i32
      %add3A_503 = arith.constant 0 : i32
      %add3A_504 = arith.addi %add3A_503, %mul3A_502 : i32
      %mul3A_505 = arith.constant 4 : i32
      %mul3A_506 = arith.muli %mul3A_505, %add3A_504 : i32
      %add3A_507 = arith.constant 0 : i32
      %add3A_508 = arith.addi %mul3A_506, %add3A_507 : i32
      %gt3A = arith.constant 0 : i32
      %gt3A_509 = arith.cmpi sgt, %add3A_504, %gt3A : i32
      %convert_element_type3A = arith.extui %gt3A_509 : i1 to i32
      %cond3A = arith.constant 0 : i32
      %cond3A_510 = arith.cmpi ne, %convert_element_type3A, %cond3A : i32
      scf.if %cond3A_510 {
        %dma_wait3A_1902 = arith.constant 0 : i32
        %dma_wait3A_1903 = arith.constant 0 : i32
        %dma_wait3A_1904 = arith.constant 0 : i32
        %dma_wait3A_1905 = tpu.memref_slice %arg5[%dma_wait3A_1902, %dma_wait3A_1903, %dma_wait3A_1904] : memref<1024x200x128xf32, #tpu.memory_space<hbm>> -> memref<1x128x128xf32, #tpu.memory_space<hbm>>
        %dma_wait3A_1906 = tpu.memref_squeeze %dma_wait3A_1905 : memref<1x128x128xf32, #tpu.memory_space<hbm>> -> memref<128x128xf32, #tpu.memory_space<hbm>>
        %dma_wait3A_1907 = arith.constant 0 : i32
        %dma_wait3A_1908 = arith.constant 0 : i32
        %dma_wait3A_1909 = tpu.memref_slice %arg5[%dma_wait3A_1902, %dma_wait3A_1907, %dma_wait3A_1908] : memref<1024x200x128xf32, #tpu.memory_space<hbm>> -> memref<1x128x128xf32, #tpu.memory_space<hbm>>
        %dma_wait3A_1910 = tpu.memref_squeeze %dma_wait3A_1909 : memref<1x128x128xf32, #tpu.memory_space<hbm>> -> memref<128x128xf32, #tpu.memory_space<hbm>>
        tpu.wait_dma2 semaphore(%arg18 : memref<!tpu.dma_semaphore, #tpu.memory_space<semaphore_mem>>) src(%arg10 : memref<128x128xf32, #tpu.memory_space<vmem>>) dst(%dma_wait3A_1910 : memref<128x128xf32, #tpu.memory_space<hbm>>)
      } else {
      }
      %add3A_511 = arith.constant 2 : i32
      %add3A_512 = arith.addi %add3A_508, %add3A_511 : i32
      %dma_start3A_513 = arith.constant 0 : i32
      %dma_start3A_514 = tpu.memref_slice %arg7[%add3A_512, %dma_start3A_513] : memref<50x128xi32, #tpu.memory_space<vmem>> -> memref<1x128xi32, #tpu.memory_space<vmem>>
      %dma_start3A_515 = tpu.memref_squeeze %dma_start3A_514 : memref<1x128xi32, #tpu.memory_space<vmem>> -> memref<128xi32, #tpu.memory_space<vmem>>
      %dma_start3A_516 = arith.constant 0 : i32
      %dma_start3A_517 = arith.constant 0 : i32
      %dma_start3A_518 = tpu.memref_slice %arg3[%dma_start3A_516, %dma_start3A_517] : memref<100000x128xf32, #tpu.memory_space<hbm>> -> memref<100000x128xf32, #tpu.memory_space<hbm>>
      tpu.enqueue_indirect_dma source(%dma_start3A_518 : memref<100000x128xf32, #tpu.memory_space<hbm>>) target(%arg10 : memref<128x128xf32, #tpu.memory_space<vmem>>) offsets(%dma_start3A_515 : memref<128xi32, #tpu.memory_space<vmem>>) semaphore(%arg14 : memref<!tpu.dma_semaphore, #tpu.memory_space<semaphore_mem>>)
      %dma_wait3A_519 = arith.constant 0 : i32
      %dma_wait3A_520 = arith.constant 0 : i32
      %dma_wait3A_521 = tpu.memref_slice %arg3[%dma_wait3A_519, %dma_wait3A_520] : memref<100000x128xf32, #tpu.memory_space<hbm>> -> memref<128x128xf32, #tpu.memory_space<hbm>>
      %dma_wait3A_522 = arith.constant 0 : i32
      %dma_wait3A_523 = arith.constant 0 : i32
      %dma_wait3A_524 = tpu.memref_slice %arg3[%dma_wait3A_522, %dma_wait3A_523] : memref<100000x128xf32, #tpu.memory_space<hbm>> -> memref<128x128xf32, #tpu.memory_space<hbm>>
      tpu.wait_dma2 semaphore(%arg12 : memref<!tpu.dma_semaphore, #tpu.memory_space<semaphore_mem>>) src(%dma_wait3A_524 : memref<128x128xf32, #tpu.memory_space<hbm>>) dst(%arg8 : memref<128x128xf32, #tpu.memory_space<vmem>>)
      %mul3A_525 = arith.constant 4 : i32
      %mul3A_526 = arith.muli %mul3A_525, %add3A_508 : i32
      %add3A_527 = arith.constant 0 : i32
      %add3A_528 = arith.addi %mul3A_526, %add3A_527 : i32
      %get3A_529 = arith.index_cast %add3A_528 : i32 to index
      %get3A_530 = arith.constant 0 : index
      %get3A_531 = tpu.vector_load %arg6[%get3A_529, %get3A_530] {strides = array<i32>} : memref<200x128xf32, #tpu.memory_space<vmem>>, vector<1x16xf32>,
      %get3A_532 = vector.shape_cast %get3A_531 : vector<1x16xf32> to vector<16xf32>
      %mul3A_533 = arith.constant 4 : i32
      %mul3A_534 = arith.muli %mul3A_533, %add3A_508 : i32
      %add3A_535 = arith.constant 0 : i32
      %add3A_536 = arith.addi %mul3A_534, %add3A_535 : i32
      %get3A_537 = arith.index_cast %add3A_536 : i32 to index
      %get3A_538 = arith.constant 16 : index
      %get3A_539 = tpu.vector_load %arg6[%get3A_537, %get3A_538] {strides = array<i32>} : memref<200x128xf32, #tpu.memory_space<vmem>>, vector<1x16xf32>,
      %get3A_540 = vector.shape_cast %get3A_539 : vector<1x16xf32> to vector<16xf32>
      %mul3A_541 = arith.constant 4 : i32
      %mul3A_542 = arith.muli %mul3A_541, %add3A_508 : i32
      %add3A_543 = arith.constant 0 : i32
      %add3A_544 = arith.addi %mul3A_542, %add3A_543 : i32
      %get3A_545 = arith.index_cast %add3A_544 : i32 to index
      %get3A_546 = arith.constant 32 : index
      %get3A_547 = tpu.vector_load %arg6[%get3A_545, %get3A_546] {strides = array<i32>} : memref<200x128xf32, #tpu.memory_space<vmem>>, vector<1x16xf32>,
      %get3A_548 = vector.shape_cast %get3A_547 : vector<1x16xf32> to vector<16xf32>
      %mul3A_549 = arith.constant 4 : i32
      %mul3A_550 = arith.muli %mul3A_549, %add3A_508 : i32
      %add3A_551 = arith.constant 0 : i32
      %add3A_552 = arith.addi %mul3A_550, %add3A_551 : i32
      %get3A_553 = arith.index_cast %add3A_552 : i32 to index
      %get3A_554 = arith.constant 48 : index
      %get3A_555 = tpu.vector_load %arg6[%get3A_553, %get3A_554] {strides = array<i32>} : memref<200x128xf32, #tpu.memory_space<vmem>>, vector<1x16xf32>,
      %get3A_556 = vector.shape_cast %get3A_555 : vector<1x16xf32> to vector<16xf32>
      %mul3A_557 = arith.constant 4 : i32
      %mul3A_558 = arith.muli %mul3A_557, %add3A_508 : i32
      %add3A_559 = arith.constant 0 : i32
      %add3A_560 = arith.addi %mul3A_558, %add3A_559 : i32
      %get3A_561 = arith.index_cast %add3A_560 : i32 to index
      %get3A_562 = arith.constant 64 : index
      %get3A_563 = tpu.vector_load %arg6[%get3A_561, %get3A_562] {strides = array<i32>} : memref<200x128xf32, #tpu.memory_space<vmem>>, vector<1x16xf32>,
      %get3A_564 = vector.shape_cast %get3A_563 : vector<1x16xf32> to vector<16xf32>
      %mul3A_565 = arith.constant 4 : i32
      %mul3A_566 = arith.muli %mul3A_565, %add3A_508 : i32
      %add3A_567 = arith.constant 0 : i32
      %add3A_568 = arith.addi %mul3A_566, %add3A_567 : i32
      %get3A_569 = arith.index_cast %add3A_568 : i32 to index
      %get3A_570 = arith.constant 80 : index
      %get3A_571 = tpu.vector_load %arg6[%get3A_569, %get3A_570] {strides = array<i32>} : memref<200x128xf32, #tpu.memory_space<vmem>>, vector<1x16xf32>,
      %get3A_572 = vector.shape_cast %get3A_571 : vector<1x16xf32> to vector<16xf32>
      %mul3A_573 = arith.constant 4 : i32
      %mul3A_574 = arith.muli %mul3A_573, %add3A_508 : i32
      %add3A_575 = arith.constant 0 : i32
      %add3A_576 = arith.addi %mul3A_574, %add3A_575 : i32
      %get3A_577 = arith.index_cast %add3A_576 : i32 to index
      %get3A_578 = arith.constant 96 : index
      %get3A_579 = tpu.vector_load %arg6[%get3A_577, %get3A_578] {strides = array<i32>} : memref<200x128xf32, #tpu.memory_space<vmem>>, vector<1x16xf32>,
      %get3A_580 = vector.shape_cast %get3A_579 : vector<1x16xf32> to vector<16xf32>
      %mul3A_581 = arith.constant 4 : i32
      %mul3A_582 = arith.muli %mul3A_581, %add3A_508 : i32
      %add3A_583 = arith.constant 0 : i32
      %add3A_584 = arith.addi %mul3A_582, %add3A_583 : i32
      %get3A_585 = arith.index_cast %add3A_584 : i32 to index
      %get3A_586 = arith.constant 112 : index
      %get3A_587 = tpu.vector_load %arg6[%get3A_585, %get3A_586] {strides = array<i32>} : memref<200x128xf32, #tpu.memory_space<vmem>>, vector<1x16xf32>,
      %get3A_588 = vector.shape_cast %get3A_587 : vector<1x16xf32> to vector<16xf32>
      %mul3A_589 = arith.constant 4 : i32
      %mul3A_590 = arith.muli %mul3A_589, %add3A_508 : i32
      %add3A_591 = arith.constant 1 : i32
      %add3A_592 = arith.addi %mul3A_590, %add3A_591 : i32
      %get3A_593 = arith.index_cast %add3A_592 : i32 to index
      %get3A_594 = arith.constant 0 : index
      %get3A_595 = tpu.vector_load %arg6[%get3A_593, %get3A_594] {strides = array<i32>} : memref<200x128xf32, #tpu.memory_space<vmem>>, vector<1x16xf32>,
      %get3A_596 = vector.shape_cast %get3A_595 : vector<1x16xf32> to vector<16xf32>
      %mul3A_597 = arith.constant 4 : i32
      %mul3A_598 = arith.muli %mul3A_597, %add3A_508 : i32
      %add3A_599 = arith.constant 1 : i32
      %add3A_600 = arith.addi %mul3A_598, %add3A_599 : i32
      %get3A_601 = arith.index_cast %add3A_600 : i32 to index
      %get3A_602 = arith.constant 16 : index
      %get3A_603 = tpu.vector_load %arg6[%get3A_601, %get3A_602] {strides = array<i32>} : memref<200x128xf32, #tpu.memory_space<vmem>>, vector<1x16xf32>,
      %get3A_604 = vector.shape_cast %get3A_603 : vector<1x16xf32> to vector<16xf32>
      %mul3A_605 = arith.constant 4 : i32
      %mul3A_606 = arith.muli %mul3A_605, %add3A_508 : i32
      %add3A_607 = arith.constant 1 : i32
      %add3A_608 = arith.addi %mul3A_606, %add3A_607 : i32
      %get3A_609 = arith.index_cast %add3A_608 : i32 to index
      %get3A_610 = arith.constant 32 : index
      %get3A_611 = tpu.vector_load %arg6[%get3A_609, %get3A_610] {strides = array<i32>} : memref<200x128xf32, #tpu.memory_space<vmem>>, vector<1x16xf32>,
      %get3A_612 = vector.shape_cast %get3A_611 : vector<1x16xf32> to vector<16xf32>
      %mul3A_613 = arith.constant 4 : i32
      %mul3A_614 = arith.muli %mul3A_613, %add3A_508 : i32
      %add3A_615 = arith.constant 1 : i32
      %add3A_616 = arith.addi %mul3A_614, %add3A_615 : i32
      %get3A_617 = arith.index_cast %add3A_616 : i32 to index
      %get3A_618 = arith.constant 48 : index
      %get3A_619 = tpu.vector_load %arg6[%get3A_617, %get3A_618] {strides = array<i32>} : memref<200x128xf32, #tpu.memory_space<vmem>>, vector<1x16xf32>,
      %get3A_620 = vector.shape_cast %get3A_619 : vector<1x16xf32> to vector<16xf32>
      %mul3A_621 = arith.constant 4 : i32
      %mul3A_622 = arith.muli %mul3A_621, %add3A_508 : i32
      %add3A_623 = arith.constant 1 : i32
      %add3A_624 = arith.addi %mul3A_622, %add3A_623 : i32
      %get3A_625 = arith.index_cast %add3A_624 : i32 to index
      %get3A_626 = arith.constant 64 : index
      %get3A_627 = tpu.vector_load %arg6[%get3A_625, %get3A_626] {strides = array<i32>} : memref<200x128xf32, #tpu.memory_space<vmem>>, vector<1x16xf32>,
      %get3A_628 = vector.shape_cast %get3A_627 : vector<1x16xf32> to vector<16xf32>
      %mul3A_629 = arith.constant 4 : i32
      %mul3A_630 = arith.muli %mul3A_629, %add3A_508 : i32
      %add3A_631 = arith.constant 1 : i32
      %add3A_632 = arith.addi %mul3A_630, %add3A_631 : i32
      %get3A_633 = arith.index_cast %add3A_632 : i32 to index
      %get3A_634 = arith.constant 80 : index
      %get3A_635 = tpu.vector_load %arg6[%get3A_633, %get3A_634] {strides = array<i32>} : memref<200x128xf32, #tpu.memory_space<vmem>>, vector<1x16xf32>,
      %get3A_636 = vector.shape_cast %get3A_635 : vector<1x16xf32> to vector<16xf32>
      %mul3A_637 = arith.constant 4 : i32
      %mul3A_638 = arith.muli %mul3A_637, %add3A_508 : i32
      %add3A_639 = arith.constant 1 : i32
      %add3A_640 = arith.addi %mul3A_638, %add3A_639 : i32
      %get3A_641 = arith.index_cast %add3A_640 : i32 to index
      %get3A_642 = arith.constant 96 : index
      %get3A_643 = tpu.vector_load %arg6[%get3A_641, %get3A_642] {strides = array<i32>} : memref<200x128xf32, #tpu.memory_space<vmem>>, vector<1x16xf32>,
      %get3A_644 = vector.shape_cast %get3A_643 : vector<1x16xf32> to vector<16xf32>
      %mul3A_645 = arith.constant 4 : i32
      %mul3A_646 = arith.muli %mul3A_645, %add3A_508 : i32
      %add3A_647 = arith.constant 1 : i32
      %add3A_648 = arith.addi %mul3A_646, %add3A_647 : i32
      %get3A_649 = arith.index_cast %add3A_648 : i32 to index
      %get3A_650 = arith.constant 112 : index
      %get3A_651 = tpu.vector_load %arg6[%get3A_649, %get3A_650] {strides = array<i32>} : memref<200x128xf32, #tpu.memory_space<vmem>>, vector<1x16xf32>,
      %get3A_652 = vector.shape_cast %get3A_651 : vector<1x16xf32> to vector<16xf32>
      %mul3A_653 = arith.constant 4 : i32
      %mul3A_654 = arith.muli %mul3A_653, %add3A_508 : i32
      %add3A_655 = arith.constant 2 : i32
      %add3A_656 = arith.addi %mul3A_654, %add3A_655 : i32
      %get3A_657 = arith.index_cast %add3A_656 : i32 to index
      %get3A_658 = arith.constant 0 : index
      %get3A_659 = tpu.vector_load %arg6[%get3A_657, %get3A_658] {strides = array<i32>} : memref<200x128xf32, #tpu.memory_space<vmem>>, vector<1x16xf32>,
      %get3A_660 = vector.shape_cast %get3A_659 : vector<1x16xf32> to vector<16xf32>
      %mul3A_661 = arith.constant 4 : i32
      %mul3A_662 = arith.muli %mul3A_661, %add3A_508 : i32
      %add3A_663 = arith.constant 2 : i32
      %add3A_664 = arith.addi %mul3A_662, %add3A_663 : i32
      %get3A_665 = arith.index_cast %add3A_664 : i32 to index
      %get3A_666 = arith.constant 16 : index
      %get3A_667 = tpu.vector_load %arg6[%get3A_665, %get3A_666] {strides = array<i32>} : memref<200x128xf32, #tpu.memory_space<vmem>>, vector<1x16xf32>,
      %get3A_668 = vector.shape_cast %get3A_667 : vector<1x16xf32> to vector<16xf32>
      %mul3A_669 = arith.constant 4 : i32
      %mul3A_670 = arith.muli %mul3A_669, %add3A_508 : i32
      %add3A_671 = arith.constant 2 : i32
      %add3A_672 = arith.addi %mul3A_670, %add3A_671 : i32
      %get3A_673 = arith.index_cast %add3A_672 : i32 to index
      %get3A_674 = arith.constant 32 : index
      %get3A_675 = tpu.vector_load %arg6[%get3A_673, %get3A_674] {strides = array<i32>} : memref<200x128xf32, #tpu.memory_space<vmem>>, vector<1x16xf32>,
      %get3A_676 = vector.shape_cast %get3A_675 : vector<1x16xf32> to vector<16xf32>
      %mul3A_677 = arith.constant 4 : i32
      %mul3A_678 = arith.muli %mul3A_677, %add3A_508 : i32
      %add3A_679 = arith.constant 2 : i32
      %add3A_680 = arith.addi %mul3A_678, %add3A_679 : i32
      %get3A_681 = arith.index_cast %add3A_680 : i32 to index
      %get3A_682 = arith.constant 48 : index
      %get3A_683 = tpu.vector_load %arg6[%get3A_681, %get3A_682] {strides = array<i32>} : memref<200x128xf32, #tpu.memory_space<vmem>>, vector<1x16xf32>,
      %get3A_684 = vector.shape_cast %get3A_683 : vector<1x16xf32> to vector<16xf32>
      %mul3A_685 = arith.constant 4 : i32
      %mul3A_686 = arith.muli %mul3A_685, %add3A_508 : i32
      %add3A_687 = arith.constant 2 : i32
      %add3A_688 = arith.addi %mul3A_686, %add3A_687 : i32
      %get3A_689 = arith.index_cast %add3A_688 : i32 to index
      %get3A_690 = arith.constant 64 : index
      %get3A_691 = tpu.vector_load %arg6[%get3A_689, %get3A_690] {strides = array<i32>} : memref<200x128xf32, #tpu.memory_space<vmem>>, vector<1x16xf32>,
      %get3A_692 = vector.shape_cast %get3A_691 : vector<1x16xf32> to vector<16xf32>
      %mul3A_693 = arith.constant 4 : i32
      %mul3A_694 = arith.muli %mul3A_693, %add3A_508 : i32
      %add3A_695 = arith.constant 2 : i32
      %add3A_696 = arith.addi %mul3A_694, %add3A_695 : i32
      %get3A_697 = arith.index_cast %add3A_696 : i32 to index
      %get3A_698 = arith.constant 80 : index
      %get3A_699 = tpu.vector_load %arg6[%get3A_697, %get3A_698] {strides = array<i32>} : memref<200x128xf32, #tpu.memory_space<vmem>>, vector<1x16xf32>,
      %get3A_700 = vector.shape_cast %get3A_699 : vector<1x16xf32> to vector<16xf32>
      %mul3A_701 = arith.constant 4 : i32
      %mul3A_702 = arith.muli %mul3A_701, %add3A_508 : i32
      %add3A_703 = arith.constant 2 : i32
      %add3A_704 = arith.addi %mul3A_702, %add3A_703 : i32
      %get3A_705 = arith.index_cast %add3A_704 : i32 to index
      %get3A_706 = arith.constant 96 : index
      %get3A_707 = tpu.vector_load %arg6[%get3A_705, %get3A_706] {strides = array<i32>} : memref<200x128xf32, #tpu.memory_space<vmem>>, vector<1x16xf32>,
      %get3A_708 = vector.shape_cast %get3A_707 : vector<1x16xf32> to vector<16xf32>
      %mul3A_709 = arith.constant 4 : i32
      %mul3A_710 = arith.muli %mul3A_709, %add3A_508 : i32
      %add3A_711 = arith.constant 2 : i32
      %add3A_712 = arith.addi %mul3A_710, %add3A_711 : i32
      %get3A_713 = arith.index_cast %add3A_712 : i32 to index
      %get3A_714 = arith.constant 112 : index
      %get3A_715 = tpu.vector_load %arg6[%get3A_713, %get3A_714] {strides = array<i32>} : memref<200x128xf32, #tpu.memory_space<vmem>>, vector<1x16xf32>,
      %get3A_716 = vector.shape_cast %get3A_715 : vector<1x16xf32> to vector<16xf32>
      %mul3A_717 = arith.constant 4 : i32
      %mul3A_718 = arith.muli %mul3A_717, %add3A_508 : i32
      %add3A_719 = arith.constant 3 : i32
      %add3A_720 = arith.addi %mul3A_718, %add3A_719 : i32
      %get3A_721 = arith.index_cast %add3A_720 : i32 to index
      %get3A_722 = arith.constant 0 : index
      %get3A_723 = tpu.vector_load %arg6[%get3A_721, %get3A_722] {strides = array<i32>} : memref<200x128xf32, #tpu.memory_space<vmem>>, vector<1x16xf32>,
      %get3A_724 = vector.shape_cast %get3A_723 : vector<1x16xf32> to vector<16xf32>
      %mul3A_725 = arith.constant 4 : i32
      %mul3A_726 = arith.muli %mul3A_725, %add3A_508 : i32
      %add3A_727 = arith.constant 3 : i32
      %add3A_728 = arith.addi %mul3A_726, %add3A_727 : i32
      %get3A_729 = arith.index_cast %add3A_728 : i32 to index
      %get3A_730 = arith.constant 16 : index
      %get3A_731 = tpu.vector_load %arg6[%get3A_729, %get3A_730] {strides = array<i32>} : memref<200x128xf32, #tpu.memory_space<vmem>>, vector<1x16xf32>,
      %get3A_732 = vector.shape_cast %get3A_731 : vector<1x16xf32> to vector<16xf32>
      %mul3A_733 = arith.constant 4 : i32
      %mul3A_734 = arith.muli %mul3A_733, %add3A_508 : i32
      %add3A_735 = arith.constant 3 : i32
      %add3A_736 = arith.addi %mul3A_734, %add3A_735 : i32
      %get3A_737 = arith.index_cast %add3A_736 : i32 to index
      %get3A_738 = arith.constant 32 : index
      %get3A_739 = tpu.vector_load %arg6[%get3A_737, %get3A_738] {strides = array<i32>} : memref<200x128xf32, #tpu.memory_space<vmem>>, vector<1x16xf32>,
      %get3A_740 = vector.shape_cast %get3A_739 : vector<1x16xf32> to vector<16xf32>
      %mul3A_741 = arith.constant 4 : i32
      %mul3A_742 = arith.muli %mul3A_741, %add3A_508 : i32
      %add3A_743 = arith.constant 3 : i32
      %add3A_744 = arith.addi %mul3A_742, %add3A_743 : i32
      %get3A_745 = arith.index_cast %add3A_744 : i32 to index
      %get3A_746 = arith.constant 48 : index
      %get3A_747 = tpu.vector_load %arg6[%get3A_745, %get3A_746] {strides = array<i32>} : memref<200x128xf32, #tpu.memory_space<vmem>>, vector<1x16xf32>,
      %get3A_748 = vector.shape_cast %get3A_747 : vector<1x16xf32> to vector<16xf32>
      %mul3A_749 = arith.constant 4 : i32
      %mul3A_750 = arith.muli %mul3A_749, %add3A_508 : i32
      %add3A_751 = arith.constant 3 : i32
      %add3A_752 = arith.addi %mul3A_750, %add3A_751 : i32
      %get3A_753 = arith.index_cast %add3A_752 : i32 to index
      %get3A_754 = arith.constant 64 : index
      %get3A_755 = tpu.vector_load %arg6[%get3A_753, %get3A_754] {strides = array<i32>} : memref<200x128xf32, #tpu.memory_space<vmem>>, vector<1x16xf32>,
      %get3A_756 = vector.shape_cast %get3A_755 : vector<1x16xf32> to vector<16xf32>
      %mul3A_757 = arith.constant 4 : i32
      %mul3A_758 = arith.muli %mul3A_757, %add3A_508 : i32
      %add3A_759 = arith.constant 3 : i32
      %add3A_760 = arith.addi %mul3A_758, %add3A_759 : i32
      %get3A_761 = arith.index_cast %add3A_760 : i32 to index
      %get3A_762 = arith.constant 80 : index
      %get3A_763 = tpu.vector_load %arg6[%get3A_761, %get3A_762] {strides = array<i32>} : memref<200x128xf32, #tpu.memory_space<vmem>>, vector<1x16xf32>,
      %get3A_764 = vector.shape_cast %get3A_763 : vector<1x16xf32> to vector<16xf32>
      %mul3A_765 = arith.constant 4 : i32
      %mul3A_766 = arith.muli %mul3A_765, %add3A_508 : i32
      %add3A_767 = arith.constant 3 : i32
      %add3A_768 = arith.addi %mul3A_766, %add3A_767 : i32
      %get3A_769 = arith.index_cast %add3A_768 : i32 to index
      %get3A_770 = arith.constant 96 : index
      %get3A_771 = tpu.vector_load %arg6[%get3A_769, %get3A_770] {strides = array<i32>} : memref<200x128xf32, #tpu.memory_space<vmem>>, vector<1x16xf32>,
      %get3A_772 = vector.shape_cast %get3A_771 : vector<1x16xf32> to vector<16xf32>
      %mul3A_773 = arith.constant 4 : i32
      %mul3A_774 = arith.muli %mul3A_773, %add3A_508 : i32
      %add3A_775 = arith.constant 3 : i32
      %add3A_776 = arith.addi %mul3A_774, %add3A_775 : i32
      %get3A_777 = arith.index_cast %add3A_776 : i32 to index
      %get3A_778 = arith.constant 112 : index
      %get3A_779 = tpu.vector_load %arg6[%get3A_777, %get3A_778] {strides = array<i32>} : memref<200x128xf32, #tpu.memory_space<vmem>>, vector<1x16xf32>,
      %get3A_780 = vector.shape_cast %get3A_779 : vector<1x16xf32> to vector<16xf32>
      %scan3A_781 = arith.constant 0 : i32
      %scan3A_782 = arith.constant 32 : i32
      %scan3A_783 = arith.addi %scan3A_781, %scan3A_782 : i32
      %scan3A_784 = arith.constant 1 : i32
      scf.for %scan3A_1902 = %scan3A_781 to %scan3A_783 step %scan3A_784  : i32 {
        %mul3A_1903 = arith.constant 1 : i32
        %mul3A_1904 = arith.muli %scan3A_1902, %mul3A_1903 : i32
        %add3A_1905 = arith.constant 0 : i32
        %add3A_1906 = arith.addi %add3A_1905, %mul3A_1904 : i32
        %add3A_1907 = arith.constant 0 : i32
        %add3A_1908 = arith.addi %add3A_1907, %add3A_1906 : i32
        %get3A_1909 = arith.index_cast %add3A_1908 : i32 to index
        %get3A_1910 = arith.constant 0 : index
        %get3A_1911 = tpu.vector_load %arg8[%get3A_1909, %get3A_1910] {strides = array<i32>} : memref<128x128xf32, #tpu.memory_space<vmem>>, vector<1x16xf32>,
        %get3A_1912 = vector.shape_cast %get3A_1911 : vector<1x16xf32> to vector<16xf32>
        %add3A_1913 = arith.addf %get3A_1912, %get3A_532 : vector<16xf32>
        %swap3A = arith.index_cast %add3A_1908 : i32 to index
        %swap3A_1914 = arith.constant 0 : index
        %swap3A_1915 = tpu.vector_load %arg8[%swap3A, %swap3A_1914] {strides = array<i32>} : memref<128x128xf32, #tpu.memory_space<vmem>>, vector<1x16xf32>,
        %swap3A_1916 = vector.shape_cast %swap3A_1915 : vector<1x16xf32> to vector<16xf32>
        %swap3A_1917 = vector.shape_cast %add3A_1913 : vector<16xf32> to vector<1x16xf32>
        tpu.vector_store %arg8[%swap3A, %swap3A_1914], %swap3A_1917 {strides = array<i32>} : memref<128x128xf32, #tpu.memory_space<vmem>>, vector<1x16xf32>,
        %get3A_1918 = arith.index_cast %add3A_1908 : i32 to index
        %get3A_1919 = arith.constant 16 : index
        %get3A_1920 = tpu.vector_load %arg8[%get3A_1918, %get3A_1919] {strides = array<i32>} : memref<128x128xf32, #tpu.memory_space<vmem>>, vector<1x16xf32>,
        %get3A_1921 = vector.shape_cast %get3A_1920 : vector<1x16xf32> to vector<16xf32>
        %add3A_1922 = arith.addf %get3A_1921, %get3A_540 : vector<16xf32>
        %swap3A_1923 = arith.index_cast %add3A_1908 : i32 to index
        %swap3A_1924 = arith.constant 16 : index
        %swap3A_1925 = tpu.vector_load %arg8[%swap3A_1923, %swap3A_1924] {strides = array<i32>} : memref<128x128xf32, #tpu.memory_space<vmem>>, vector<1x16xf32>,
        %swap3A_1926 = vector.shape_cast %swap3A_1925 : vector<1x16xf32> to vector<16xf32>
        %swap3A_1927 = vector.shape_cast %add3A_1922 : vector<16xf32> to vector<1x16xf32>
        tpu.vector_store %arg8[%swap3A_1923, %swap3A_1924], %swap3A_1927 {strides = array<i32>} : memref<128x128xf32, #tpu.memory_space<vmem>>, vector<1x16xf32>,
        %get3A_1928 = arith.index_cast %add3A_1908 : i32 to index
        %get3A_1929 = arith.constant 32 : index
        %get3A_1930 = tpu.vector_load %arg8[%get3A_1928, %get3A_1929] {strides = array<i32>} : memref<128x128xf32, #tpu.memory_space<vmem>>, vector<1x16xf32>,
        %get3A_1931 = vector.shape_cast %get3A_1930 : vector<1x16xf32> to vector<16xf32>
        %add3A_1932 = arith.addf %get3A_1931, %get3A_548 : vector<16xf32>
        %swap3A_1933 = arith.index_cast %add3A_1908 : i32 to index
        %swap3A_1934 = arith.constant 32 : index
        %swap3A_1935 = tpu.vector_load %arg8[%swap3A_1933, %swap3A_1934] {strides = array<i32>} : memref<128x128xf32, #tpu.memory_space<vmem>>, vector<1x16xf32>,
        %swap3A_1936 = vector.shape_cast %swap3A_1935 : vector<1x16xf32> to vector<16xf32>
        %swap3A_1937 = vector.shape_cast %add3A_1932 : vector<16xf32> to vector<1x16xf32>
        tpu.vector_store %arg8[%swap3A_1933, %swap3A_1934], %swap3A_1937 {strides = array<i32>} : memref<128x128xf32, #tpu.memory_space<vmem>>, vector<1x16xf32>,
        %get3A_1938 = arith.index_cast %add3A_1908 : i32 to index
        %get3A_1939 = arith.constant 48 : index
        %get3A_1940 = tpu.vector_load %arg8[%get3A_1938, %get3A_1939] {strides = array<i32>} : memref<128x128xf32, #tpu.memory_space<vmem>>, vector<1x16xf32>,
        %get3A_1941 = vector.shape_cast %get3A_1940 : vector<1x16xf32> to vector<16xf32>
        %add3A_1942 = arith.addf %get3A_1941, %get3A_556 : vector<16xf32>
        %swap3A_1943 = arith.index_cast %add3A_1908 : i32 to index
        %swap3A_1944 = arith.constant 48 : index
        %swap3A_1945 = tpu.vector_load %arg8[%swap3A_1943, %swap3A_1944] {strides = array<i32>} : memref<128x128xf32, #tpu.memory_space<vmem>>, vector<1x16xf32>,
        %swap3A_1946 = vector.shape_cast %swap3A_1945 : vector<1x16xf32> to vector<16xf32>
        %swap3A_1947 = vector.shape_cast %add3A_1942 : vector<16xf32> to vector<1x16xf32>
        tpu.vector_store %arg8[%swap3A_1943, %swap3A_1944], %swap3A_1947 {strides = array<i32>} : memref<128x128xf32, #tpu.memory_space<vmem>>, vector<1x16xf32>,
        %get3A_1948 = arith.index_cast %add3A_1908 : i32 to index
        %get3A_1949 = arith.constant 64 : index
        %get3A_1950 = tpu.vector_load %arg8[%get3A_1948, %get3A_1949] {strides = array<i32>} : memref<128x128xf32, #tpu.memory_space<vmem>>, vector<1x16xf32>,
        %get3A_1951 = vector.shape_cast %get3A_1950 : vector<1x16xf32> to vector<16xf32>
        %add3A_1952 = arith.addf %get3A_1951, %get3A_564 : vector<16xf32>
        %swap3A_1953 = arith.index_cast %add3A_1908 : i32 to index
        %swap3A_1954 = arith.constant 64 : index
        %swap3A_1955 = tpu.vector_load %arg8[%swap3A_1953, %swap3A_1954] {strides = array<i32>} : memref<128x128xf32, #tpu.memory_space<vmem>>, vector<1x16xf32>,
        %swap3A_1956 = vector.shape_cast %swap3A_1955 : vector<1x16xf32> to vector<16xf32>
        %swap3A_1957 = vector.shape_cast %add3A_1952 : vector<16xf32> to vector<1x16xf32>
        tpu.vector_store %arg8[%swap3A_1953, %swap3A_1954], %swap3A_1957 {strides = array<i32>} : memref<128x128xf32, #tpu.memory_space<vmem>>, vector<1x16xf32>,
        %get3A_1958 = arith.index_cast %add3A_1908 : i32 to index
        %get3A_1959 = arith.constant 80 : index
        %get3A_1960 = tpu.vector_load %arg8[%get3A_1958, %get3A_1959] {strides = array<i32>} : memref<128x128xf32, #tpu.memory_space<vmem>>, vector<1x16xf32>,
        %get3A_1961 = vector.shape_cast %get3A_1960 : vector<1x16xf32> to vector<16xf32>
        %add3A_1962 = arith.addf %get3A_1961, %get3A_572 : vector<16xf32>
        %swap3A_1963 = arith.index_cast %add3A_1908 : i32 to index
        %swap3A_1964 = arith.constant 80 : index
        %swap3A_1965 = tpu.vector_load %arg8[%swap3A_1963, %swap3A_1964] {strides = array<i32>} : memref<128x128xf32, #tpu.memory_space<vmem>>, vector<1x16xf32>,
        %swap3A_1966 = vector.shape_cast %swap3A_1965 : vector<1x16xf32> to vector<16xf32>
        %swap3A_1967 = vector.shape_cast %add3A_1962 : vector<16xf32> to vector<1x16xf32>
        tpu.vector_store %arg8[%swap3A_1963, %swap3A_1964], %swap3A_1967 {strides = array<i32>} : memref<128x128xf32, #tpu.memory_space<vmem>>, vector<1x16xf32>,
        %get3A_1968 = arith.index_cast %add3A_1908 : i32 to index
        %get3A_1969 = arith.constant 96 : index
        %get3A_1970 = tpu.vector_load %arg8[%get3A_1968, %get3A_1969] {strides = array<i32>} : memref<128x128xf32, #tpu.memory_space<vmem>>, vector<1x16xf32>,
        %get3A_1971 = vector.shape_cast %get3A_1970 : vector<1x16xf32> to vector<16xf32>
        %add3A_1972 = arith.addf %get3A_1971, %get3A_580 : vector<16xf32>
        %swap3A_1973 = arith.index_cast %add3A_1908 : i32 to index
        %swap3A_1974 = arith.constant 96 : index
        %swap3A_1975 = tpu.vector_load %arg8[%swap3A_1973, %swap3A_1974] {strides = array<i32>} : memref<128x128xf32, #tpu.memory_space<vmem>>, vector<1x16xf32>,
        %swap3A_1976 = vector.shape_cast %swap3A_1975 : vector<1x16xf32> to vector<16xf32>
        %swap3A_1977 = vector.shape_cast %add3A_1972 : vector<16xf32> to vector<1x16xf32>
        tpu.vector_store %arg8[%swap3A_1973, %swap3A_1974], %swap3A_1977 {strides = array<i32>} : memref<128x128xf32, #tpu.memory_space<vmem>>, vector<1x16xf32>,
        %get3A_1978 = arith.index_cast %add3A_1908 : i32 to index
        %get3A_1979 = arith.constant 112 : index
        %get3A_1980 = tpu.vector_load %arg8[%get3A_1978, %get3A_1979] {strides = array<i32>} : memref<128x128xf32, #tpu.memory_space<vmem>>, vector<1x16xf32>,
        %get3A_1981 = vector.shape_cast %get3A_1980 : vector<1x16xf32> to vector<16xf32>
        %add3A_1982 = arith.addf %get3A_1981, %get3A_588 : vector<16xf32>
        %swap3A_1983 = arith.index_cast %add3A_1908 : i32 to index
        %swap3A_1984 = arith.constant 112 : index
        %swap3A_1985 = tpu.vector_load %arg8[%swap3A_1983, %swap3A_1984] {strides = array<i32>} : memref<128x128xf32, #tpu.memory_space<vmem>>, vector<1x16xf32>,
        %swap3A_1986 = vector.shape_cast %swap3A_1985 : vector<1x16xf32> to vector<16xf32>
        %swap3A_1987 = vector.shape_cast %add3A_1982 : vector<16xf32> to vector<1x16xf32>
        tpu.vector_store %arg8[%swap3A_1983, %swap3A_1984], %swap3A_1987 {strides = array<i32>} : memref<128x128xf32, #tpu.memory_space<vmem>>, vector<1x16xf32>,
        %add3A_1988 = arith.constant 32 : i32
        %add3A_1989 = arith.addi %add3A_1988, %add3A_1906 : i32
        %get3A_1990 = arith.index_cast %add3A_1989 : i32 to index
        %get3A_1991 = arith.constant 0 : index
        %get3A_1992 = tpu.vector_load %arg8[%get3A_1990, %get3A_1991] {strides = array<i32>} : memref<128x128xf32, #tpu.memory_space<vmem>>, vector<1x16xf32>,
        %get3A_1993 = vector.shape_cast %get3A_1992 : vector<1x16xf32> to vector<16xf32>
        %add3A_1994 = arith.addf %get3A_1993, %get3A_596 : vector<16xf32>
        %swap3A_1995 = arith.index_cast %add3A_1989 : i32 to index
        %swap3A_1996 = arith.constant 0 : index
        %swap3A_1997 = tpu.vector_load %arg8[%swap3A_1995, %swap3A_1996] {strides = array<i32>} : memref<128x128xf32, #tpu.memory_space<vmem>>, vector<1x16xf32>,
        %swap3A_1998 = vector.shape_cast %swap3A_1997 : vector<1x16xf32> to vector<16xf32>
        %swap3A_1999 = vector.shape_cast %add3A_1994 : vector<16xf32> to vector<1x16xf32>
        tpu.vector_store %arg8[%swap3A_1995, %swap3A_1996], %swap3A_1999 {strides = array<i32>} : memref<128x128xf32, #tpu.memory_space<vmem>>, vector<1x16xf32>,
        %get3A_2000 = arith.index_cast %add3A_1989 : i32 to index
        %get3A_2001 = arith.constant 16 : index
        %get3A_2002 = tpu.vector_load %arg8[%get3A_2000, %get3A_2001] {strides = array<i32>} : memref<128x128xf32, #tpu.memory_space<vmem>>, vector<1x16xf32>,
        %get3A_2003 = vector.shape_cast %get3A_2002 : vector<1x16xf32> to vector<16xf32>
        %add3A_2004 = arith.addf %get3A_2003, %get3A_604 : vector<16xf32>
        %swap3A_2005 = arith.index_cast %add3A_1989 : i32 to index
        %swap3A_2006 = arith.constant 16 : index
        %swap3A_2007 = tpu.vector_load %arg8[%swap3A_2005, %swap3A_2006] {strides = array<i32>} : memref<128x128xf32, #tpu.memory_space<vmem>>, vector<1x16xf32>,
        %swap3A_2008 = vector.shape_cast %swap3A_2007 : vector<1x16xf32> to vector<16xf32>
        %swap3A_2009 = vector.shape_cast %add3A_2004 : vector<16xf32> to vector<1x16xf32>
        tpu.vector_store %arg8[%swap3A_2005, %swap3A_2006], %swap3A_2009 {strides = array<i32>} : memref<128x128xf32, #tpu.memory_space<vmem>>, vector<1x16xf32>,
        %get3A_2010 = arith.index_cast %add3A_1989 : i32 to index
        %get3A_2011 = arith.constant 32 : index
        %get3A_2012 = tpu.vector_load %arg8[%get3A_2010, %get3A_2011] {strides = array<i32>} : memref<128x128xf32, #tpu.memory_space<vmem>>, vector<1x16xf32>,
        %get3A_2013 = vector.shape_cast %get3A_2012 : vector<1x16xf32> to vector<16xf32>
        %add3A_2014 = arith.addf %get3A_2013, %get3A_612 : vector<16xf32>
        %swap3A_2015 = arith.index_cast %add3A_1989 : i32 to index
        %swap3A_2016 = arith.constant 32 : index
        %swap3A_2017 = tpu.vector_load %arg8[%swap3A_2015, %swap3A_2016] {strides = array<i32>} : memref<128x128xf32, #tpu.memory_space<vmem>>, vector<1x16xf32>,
        %swap3A_2018 = vector.shape_cast %swap3A_2017 : vector<1x16xf32> to vector<16xf32>
        %swap3A_2019 = vector.shape_cast %add3A_2014 : vector<16xf32> to vector<1x16xf32>
        tpu.vector_store %arg8[%swap3A_2015, %swap3A_2016], %swap3A_2019 {strides = array<i32>} : memref<128x128xf32, #tpu.memory_space<vmem>>, vector<1x16xf32>,
        %get3A_2020 = arith.index_cast %add3A_1989 : i32 to index
        %get3A_2021 = arith.constant 48 : index
        %get3A_2022 = tpu.vector_load %arg8[%get3A_2020, %get3A_2021] {strides = array<i32>} : memref<128x128xf32, #tpu.memory_space<vmem>>, vector<1x16xf32>,
        %get3A_2023 = vector.shape_cast %get3A_2022 : vector<1x16xf32> to vector<16xf32>
        %add3A_2024 = arith.addf %get3A_2023, %get3A_620 : vector<16xf32>
        %swap3A_2025 = arith.index_cast %add3A_1989 : i32 to index
        %swap3A_2026 = arith.constant 48 : index
        %swap3A_2027 = tpu.vector_load %arg8[%swap3A_2025, %swap3A_2026] {strides = array<i32>} : memref<128x128xf32, #tpu.memory_space<vmem>>, vector<1x16xf32>,
        %swap3A_2028 = vector.shape_cast %swap3A_2027 : vector<1x16xf32> to vector<16xf32>
        %swap3A_2029 = vector.shape_cast %add3A_2024 : vector<16xf32> to vector<1x16xf32>
        tpu.vector_store %arg8[%swap3A_2025, %swap3A_2026], %swap3A_2029 {strides = array<i32>} : memref<128x128xf32, #tpu.memory_space<vmem>>, vector<1x16xf32>,
        %get3A_2030 = arith.index_cast %add3A_1989 : i32 to index
        %get3A_2031 = arith.constant 64 : index
        %get3A_2032 = tpu.vector_load %arg8[%get3A_2030, %get3A_2031] {strides = array<i32>} : memref<128x128xf32, #tpu.memory_space<vmem>>, vector<1x16xf32>,
        %get3A_2033 = vector.shape_cast %get3A_2032 : vector<1x16xf32> to vector<16xf32>
        %add3A_2034 = arith.addf %get3A_2033, %get3A_628 : vector<16xf32>
        %swap3A_2035 = arith.index_cast %add3A_1989 : i32 to index
        %swap3A_2036 = arith.constant 64 : index
        %swap3A_2037 = tpu.vector_load %arg8[%swap3A_2035, %swap3A_2036] {strides = array<i32>} : memref<128x128xf32, #tpu.memory_space<vmem>>, vector<1x16xf32>,
        %swap3A_2038 = vector.shape_cast %swap3A_2037 : vector<1x16xf32> to vector<16xf32>
        %swap3A_2039 = vector.shape_cast %add3A_2034 : vector<16xf32> to vector<1x16xf32>
        tpu.vector_store %arg8[%swap3A_2035, %swap3A_2036], %swap3A_2039 {strides = array<i32>} : memref<128x128xf32, #tpu.memory_space<vmem>>, vector<1x16xf32>,
        %get3A_2040 = arith.index_cast %add3A_1989 : i32 to index
        %get3A_2041 = arith.constant 80 : index
        %get3A_2042 = tpu.vector_load %arg8[%get3A_2040, %get3A_2041] {strides = array<i32>} : memref<128x128xf32, #tpu.memory_space<vmem>>, vector<1x16xf32>,
        %get3A_2043 = vector.shape_cast %get3A_2042 : vector<1x16xf32> to vector<16xf32>
        %add3A_2044 = arith.addf %get3A_2043, %get3A_636 : vector<16xf32>
        %swap3A_2045 = arith.index_cast %add3A_1989 : i32 to index
        %swap3A_2046 = arith.constant 80 : index
        %swap3A_2047 = tpu.vector_load %arg8[%swap3A_2045, %swap3A_2046] {strides = array<i32>} : memref<128x128xf32, #tpu.memory_space<vmem>>, vector<1x16xf32>,
        %swap3A_2048 = vector.shape_cast %swap3A_2047 : vector<1x16xf32> to vector<16xf32>
        %swap3A_2049 = vector.shape_cast %add3A_2044 : vector<16xf32> to vector<1x16xf32>
        tpu.vector_store %arg8[%swap3A_2045, %swap3A_2046], %swap3A_2049 {strides = array<i32>} : memref<128x128xf32, #tpu.memory_space<vmem>>, vector<1x16xf32>,
        %get3A_2050 = arith.index_cast %add3A_1989 : i32 to index
        %get3A_2051 = arith.constant 96 : index
        %get3A_2052 = tpu.vector_load %arg8[%get3A_2050, %get3A_2051] {strides = array<i32>} : memref<128x128xf32, #tpu.memory_space<vmem>>, vector<1x16xf32>,
        %get3A_2053 = vector.shape_cast %get3A_2052 : vector<1x16xf32> to vector<16xf32>
        %add3A_2054 = arith.addf %get3A_2053, %get3A_644 : vector<16xf32>
        %swap3A_2055 = arith.index_cast %add3A_1989 : i32 to index
        %swap3A_2056 = arith.constant 96 : index
        %swap3A_2057 = tpu.vector_load %arg8[%swap3A_2055, %swap3A_2056] {strides = array<i32>} : memref<128x128xf32, #tpu.memory_space<vmem>>, vector<1x16xf32>,
        %swap3A_2058 = vector.shape_cast %swap3A_2057 : vector<1x16xf32> to vector<16xf32>
        %swap3A_2059 = vector.shape_cast %add3A_2054 : vector<16xf32> to vector<1x16xf32>
        tpu.vector_store %arg8[%swap3A_2055, %swap3A_2056], %swap3A_2059 {strides = array<i32>} : memref<128x128xf32, #tpu.memory_space<vmem>>, vector<1x16xf32>,
        %get3A_2060 = arith.index_cast %add3A_1989 : i32 to index
        %get3A_2061 = arith.constant 112 : index
        %get3A_2062 = tpu.vector_load %arg8[%get3A_2060, %get3A_2061] {strides = array<i32>} : memref<128x128xf32, #tpu.memory_space<vmem>>, vector<1x16xf32>,
        %get3A_2063 = vector.shape_cast %get3A_2062 : vector<1x16xf32> to vector<16xf32>
        %add3A_2064 = arith.addf %get3A_2063, %get3A_652 : vector<16xf32>
        %swap3A_2065 = arith.index_cast %add3A_1989 : i32 to index
        %swap3A_2066 = arith.constant 112 : index
        %swap3A_2067 = tpu.vector_load %arg8[%swap3A_2065, %swap3A_2066] {strides = array<i32>} : memref<128x128xf32, #tpu.memory_space<vmem>>, vector<1x16xf32>,
        %swap3A_2068 = vector.shape_cast %swap3A_2067 : vector<1x16xf32> to vector<16xf32>
        %swap3A_2069 = vector.shape_cast %add3A_2064 : vector<16xf32> to vector<1x16xf32>
        tpu.vector_store %arg8[%swap3A_2065, %swap3A_2066], %swap3A_2069 {strides = array<i32>} : memref<128x128xf32, #tpu.memory_space<vmem>>, vector<1x16xf32>,
        %add3A_2070 = arith.constant 64 : i32
        %add3A_2071 = arith.addi %add3A_2070, %add3A_1906 : i32
        %get3A_2072 = arith.index_cast %add3A_2071 : i32 to index
        %get3A_2073 = arith.constant 0 : index
        %get3A_2074 = tpu.vector_load %arg8[%get3A_2072, %get3A_2073] {strides = array<i32>} : memref<128x128xf32, #tpu.memory_space<vmem>>, vector<1x16xf32>,
        %get3A_2075 = vector.shape_cast %get3A_2074 : vector<1x16xf32> to vector<16xf32>
        %add3A_2076 = arith.addf %get3A_2075, %get3A_660 : vector<16xf32>
        %swap3A_2077 = arith.index_cast %add3A_2071 : i32 to index
        %swap3A_2078 = arith.constant 0 : index
        %swap3A_2079 = tpu.vector_load %arg8[%swap3A_2077, %swap3A_2078] {strides = array<i32>} : memref<128x128xf32, #tpu.memory_space<vmem>>, vector<1x16xf32>,
        %swap3A_2080 = vector.shape_cast %swap3A_2079 : vector<1x16xf32> to vector<16xf32>
        %swap3A_2081 = vector.shape_cast %add3A_2076 : vector<16xf32> to vector<1x16xf32>
        tpu.vector_store %arg8[%swap3A_2077, %swap3A_2078], %swap3A_2081 {strides = array<i32>} : memref<128x128xf32, #tpu.memory_space<vmem>>, vector<1x16xf32>,
        %get3A_2082 = arith.index_cast %add3A_2071 : i32 to index
        %get3A_2083 = arith.constant 16 : index
        %get3A_2084 = tpu.vector_load %arg8[%get3A_2082, %get3A_2083] {strides = array<i32>} : memref<128x128xf32, #tpu.memory_space<vmem>>, vector<1x16xf32>,
        %get3A_2085 = vector.shape_cast %get3A_2084 : vector<1x16xf32> to vector<16xf32>
        %add3A_2086 = arith.addf %get3A_2085, %get3A_668 : vector<16xf32>
        %swap3A_2087 = arith.index_cast %add3A_2071 : i32 to index
        %swap3A_2088 = arith.constant 16 : index
        %swap3A_2089 = tpu.vector_load %arg8[%swap3A_2087, %swap3A_2088] {strides = array<i32>} : memref<128x128xf32, #tpu.memory_space<vmem>>, vector<1x16xf32>,
        %swap3A_2090 = vector.shape_cast %swap3A_2089 : vector<1x16xf32> to vector<16xf32>
        %swap3A_2091 = vector.shape_cast %add3A_2086 : vector<16xf32> to vector<1x16xf32>
        tpu.vector_store %arg8[%swap3A_2087, %swap3A_2088], %swap3A_2091 {strides = array<i32>} : memref<128x128xf32, #tpu.memory_space<vmem>>, vector<1x16xf32>,
        %get3A_2092 = arith.index_cast %add3A_2071 : i32 to index
        %get3A_2093 = arith.constant 32 : index
        %get3A_2094 = tpu.vector_load %arg8[%get3A_2092, %get3A_2093] {strides = array<i32>} : memref<128x128xf32, #tpu.memory_space<vmem>>, vector<1x16xf32>,
        %get3A_2095 = vector.shape_cast %get3A_2094 : vector<1x16xf32> to vector<16xf32>
        %add3A_2096 = arith.addf %get3A_2095, %get3A_676 : vector<16xf32>
        %swap3A_2097 = arith.index_cast %add3A_2071 : i32 to index
        %swap3A_2098 = arith.constant 32 : index
        %swap3A_2099 = tpu.vector_load %arg8[%swap3A_2097, %swap3A_2098] {strides = array<i32>} : memref<128x128xf32, #tpu.memory_space<vmem>>, vector<1x16xf32>,
        %swap3A_2100 = vector.shape_cast %swap3A_2099 : vector<1x16xf32> to vector<16xf32>
        %swap3A_2101 = vector.shape_cast %add3A_2096 : vector<16xf32> to vector<1x16xf32>
        tpu.vector_store %arg8[%swap3A_2097, %swap3A_2098], %swap3A_2101 {strides = array<i32>} : memref<128x128xf32, #tpu.memory_space<vmem>>, vector<1x16xf32>,
        %get3A_2102 = arith.index_cast %add3A_2071 : i32 to index
        %get3A_2103 = arith.constant 48 : index
        %get3A_2104 = tpu.vector_load %arg8[%get3A_2102, %get3A_2103] {strides = array<i32>} : memref<128x128xf32, #tpu.memory_space<vmem>>, vector<1x16xf32>,
        %get3A_2105 = vector.shape_cast %get3A_2104 : vector<1x16xf32> to vector<16xf32>
        %add3A_2106 = arith.addf %get3A_2105, %get3A_684 : vector<16xf32>
        %swap3A_2107 = arith.index_cast %add3A_2071 : i32 to index
        %swap3A_2108 = arith.constant 48 : index
        %swap3A_2109 = tpu.vector_load %arg8[%swap3A_2107, %swap3A_2108] {strides = array<i32>} : memref<128x128xf32, #tpu.memory_space<vmem>>, vector<1x16xf32>,
        %swap3A_2110 = vector.shape_cast %swap3A_2109 : vector<1x16xf32> to vector<16xf32>
        %swap3A_2111 = vector.shape_cast %add3A_2106 : vector<16xf32> to vector<1x16xf32>
        tpu.vector_store %arg8[%swap3A_2107, %swap3A_2108], %swap3A_2111 {strides = array<i32>} : memref<128x128xf32, #tpu.memory_space<vmem>>, vector<1x16xf32>,
        %get3A_2112 = arith.index_cast %add3A_2071 : i32 to index
        %get3A_2113 = arith.constant 64 : index
        %get3A_2114 = tpu.vector_load %arg8[%get3A_2112, %get3A_2113] {strides = array<i32>} : memref<128x128xf32, #tpu.memory_space<vmem>>, vector<1x16xf32>,
        %get3A_2115 = vector.shape_cast %get3A_2114 : vector<1x16xf32> to vector<16xf32>
        %add3A_2116 = arith.addf %get3A_2115, %get3A_692 : vector<16xf32>
        %swap3A_2117 = arith.index_cast %add3A_2071 : i32 to index
        %swap3A_2118 = arith.constant 64 : index
        %swap3A_2119 = tpu.vector_load %arg8[%swap3A_2117, %swap3A_2118] {strides = array<i32>} : memref<128x128xf32, #tpu.memory_space<vmem>>, vector<1x16xf32>,
        %swap3A_2120 = vector.shape_cast %swap3A_2119 : vector<1x16xf32> to vector<16xf32>
        %swap3A_2121 = vector.shape_cast %add3A_2116 : vector<16xf32> to vector<1x16xf32>
        tpu.vector_store %arg8[%swap3A_2117, %swap3A_2118], %swap3A_2121 {strides = array<i32>} : memref<128x128xf32, #tpu.memory_space<vmem>>, vector<1x16xf32>,
        %get3A_2122 = arith.index_cast %add3A_2071 : i32 to index
        %get3A_2123 = arith.constant 80 : index
        %get3A_2124 = tpu.vector_load %arg8[%get3A_2122, %get3A_2123] {strides = array<i32>} : memref<128x128xf32, #tpu.memory_space<vmem>>, vector<1x16xf32>,
        %get3A_2125 = vector.shape_cast %get3A_2124 : vector<1x16xf32> to vector<16xf32>
        %add3A_2126 = arith.addf %get3A_2125, %get3A_700 : vector<16xf32>
        %swap3A_2127 = arith.index_cast %add3A_2071 : i32 to index
        %swap3A_2128 = arith.constant 80 : index
        %swap3A_2129 = tpu.vector_load %arg8[%swap3A_2127, %swap3A_2128] {strides = array<i32>} : memref<128x128xf32, #tpu.memory_space<vmem>>, vector<1x16xf32>,
        %swap3A_2130 = vector.shape_cast %swap3A_2129 : vector<1x16xf32> to vector<16xf32>
        %swap3A_2131 = vector.shape_cast %add3A_2126 : vector<16xf32> to vector<1x16xf32>
        tpu.vector_store %arg8[%swap3A_2127, %swap3A_2128], %swap3A_2131 {strides = array<i32>} : memref<128x128xf32, #tpu.memory_space<vmem>>, vector<1x16xf32>,
        %get3A_2132 = arith.index_cast %add3A_2071 : i32 to index
        %get3A_2133 = arith.constant 96 : index
        %get3A_2134 = tpu.vector_load %arg8[%get3A_2132, %get3A_2133] {strides = array<i32>} : memref<128x128xf32, #tpu.memory_space<vmem>>, vector<1x16xf32>,
        %get3A_2135 = vector.shape_cast %get3A_2134 : vector<1x16xf32> to vector<16xf32>
        %add3A_2136 = arith.addf %get3A_2135, %get3A_708 : vector<16xf32>
        %swap3A_2137 = arith.index_cast %add3A_2071 : i32 to index
        %swap3A_2138 = arith.constant 96 : index
        %swap3A_2139 = tpu.vector_load %arg8[%swap3A_2137, %swap3A_2138] {strides = array<i32>} : memref<128x128xf32, #tpu.memory_space<vmem>>, vector<1x16xf32>,
        %swap3A_2140 = vector.shape_cast %swap3A_2139 : vector<1x16xf32> to vector<16xf32>
        %swap3A_2141 = vector.shape_cast %add3A_2136 : vector<16xf32> to vector<1x16xf32>
        tpu.vector_store %arg8[%swap3A_2137, %swap3A_2138], %swap3A_2141 {strides = array<i32>} : memref<128x128xf32, #tpu.memory_space<vmem>>, vector<1x16xf32>,
        %get3A_2142 = arith.index_cast %add3A_2071 : i32 to index
        %get3A_2143 = arith.constant 112 : index
        %get3A_2144 = tpu.vector_load %arg8[%get3A_2142, %get3A_2143] {strides = array<i32>} : memref<128x128xf32, #tpu.memory_space<vmem>>, vector<1x16xf32>,
        %get3A_2145 = vector.shape_cast %get3A_2144 : vector<1x16xf32> to vector<16xf32>
        %add3A_2146 = arith.addf %get3A_2145, %get3A_716 : vector<16xf32>
        %swap3A_2147 = arith.index_cast %add3A_2071 : i32 to index
        %swap3A_2148 = arith.constant 112 : index
        %swap3A_2149 = tpu.vector_load %arg8[%swap3A_2147, %swap3A_2148] {strides = array<i32>} : memref<128x128xf32, #tpu.memory_space<vmem>>, vector<1x16xf32>,
        %swap3A_2150 = vector.shape_cast %swap3A_2149 : vector<1x16xf32> to vector<16xf32>
        %swap3A_2151 = vector.shape_cast %add3A_2146 : vector<16xf32> to vector<1x16xf32>
        tpu.vector_store %arg8[%swap3A_2147, %swap3A_2148], %swap3A_2151 {strides = array<i32>} : memref<128x128xf32, #tpu.memory_space<vmem>>, vector<1x16xf32>,
        %add3A_2152 = arith.constant 96 : i32
        %add3A_2153 = arith.addi %add3A_2152, %add3A_1906 : i32
        %get3A_2154 = arith.index_cast %add3A_2153 : i32 to index
        %get3A_2155 = arith.constant 0 : index
        %get3A_2156 = tpu.vector_load %arg8[%get3A_2154, %get3A_2155] {strides = array<i32>} : memref<128x128xf32, #tpu.memory_space<vmem>>, vector<1x16xf32>,
        %get3A_2157 = vector.shape_cast %get3A_2156 : vector<1x16xf32> to vector<16xf32>
        %add3A_2158 = arith.addf %get3A_2157, %get3A_724 : vector<16xf32>
        %swap3A_2159 = arith.index_cast %add3A_2153 : i32 to index
        %swap3A_2160 = arith.constant 0 : index
        %swap3A_2161 = tpu.vector_load %arg8[%swap3A_2159, %swap3A_2160] {strides = array<i32>} : memref<128x128xf32, #tpu.memory_space<vmem>>, vector<1x16xf32>,
        %swap3A_2162 = vector.shape_cast %swap3A_2161 : vector<1x16xf32> to vector<16xf32>
        %swap3A_2163 = vector.shape_cast %add3A_2158 : vector<16xf32> to vector<1x16xf32>
        tpu.vector_store %arg8[%swap3A_2159, %swap3A_2160], %swap3A_2163 {strides = array<i32>} : memref<128x128xf32, #tpu.memory_space<vmem>>, vector<1x16xf32>,
        %get3A_2164 = arith.index_cast %add3A_2153 : i32 to index
        %get3A_2165 = arith.constant 16 : index
        %get3A_2166 = tpu.vector_load %arg8[%get3A_2164, %get3A_2165] {strides = array<i32>} : memref<128x128xf32, #tpu.memory_space<vmem>>, vector<1x16xf32>,
        %get3A_2167 = vector.shape_cast %get3A_2166 : vector<1x16xf32> to vector<16xf32>
        %add3A_2168 = arith.addf %get3A_2167, %get3A_732 : vector<16xf32>
        %swap3A_2169 = arith.index_cast %add3A_2153 : i32 to index
        %swap3A_2170 = arith.constant 16 : index
        %swap3A_2171 = tpu.vector_load %arg8[%swap3A_2169, %swap3A_2170] {strides = array<i32>} : memref<128x128xf32, #tpu.memory_space<vmem>>, vector<1x16xf32>,
        %swap3A_2172 = vector.shape_cast %swap3A_2171 : vector<1x16xf32> to vector<16xf32>
        %swap3A_2173 = vector.shape_cast %add3A_2168 : vector<16xf32> to vector<1x16xf32>
        tpu.vector_store %arg8[%swap3A_2169, %swap3A_2170], %swap3A_2173 {strides = array<i32>} : memref<128x128xf32, #tpu.memory_space<vmem>>, vector<1x16xf32>,
        %get3A_2174 = arith.index_cast %add3A_2153 : i32 to index
        %get3A_2175 = arith.constant 32 : index
        %get3A_2176 = tpu.vector_load %arg8[%get3A_2174, %get3A_2175] {strides = array<i32>} : memref<128x128xf32, #tpu.memory_space<vmem>>, vector<1x16xf32>,
        %get3A_2177 = vector.shape_cast %get3A_2176 : vector<1x16xf32> to vector<16xf32>
        %add3A_2178 = arith.addf %get3A_2177, %get3A_740 : vector<16xf32>
        %swap3A_2179 = arith.index_cast %add3A_2153 : i32 to index
        %swap3A_2180 = arith.constant 32 : index
        %swap3A_2181 = tpu.vector_load %arg8[%swap3A_2179, %swap3A_2180] {strides = array<i32>} : memref<128x128xf32, #tpu.memory_space<vmem>>, vector<1x16xf32>,
        %swap3A_2182 = vector.shape_cast %swap3A_2181 : vector<1x16xf32> to vector<16xf32>
        %swap3A_2183 = vector.shape_cast %add3A_2178 : vector<16xf32> to vector<1x16xf32>
        tpu.vector_store %arg8[%swap3A_2179, %swap3A_2180], %swap3A_2183 {strides = array<i32>} : memref<128x128xf32, #tpu.memory_space<vmem>>, vector<1x16xf32>,
        %get3A_2184 = arith.index_cast %add3A_2153 : i32 to index
        %get3A_2185 = arith.constant 48 : index
        %get3A_2186 = tpu.vector_load %arg8[%get3A_2184, %get3A_2185] {strides = array<i32>} : memref<128x128xf32, #tpu.memory_space<vmem>>, vector<1x16xf32>,
        %get3A_2187 = vector.shape_cast %get3A_2186 : vector<1x16xf32> to vector<16xf32>
        %add3A_2188 = arith.addf %get3A_2187, %get3A_748 : vector<16xf32>
        %swap3A_2189 = arith.index_cast %add3A_2153 : i32 to index
        %swap3A_2190 = arith.constant 48 : index
        %swap3A_2191 = tpu.vector_load %arg8[%swap3A_2189, %swap3A_2190] {strides = array<i32>} : memref<128x128xf32, #tpu.memory_space<vmem>>, vector<1x16xf32>,
        %swap3A_2192 = vector.shape_cast %swap3A_2191 : vector<1x16xf32> to vector<16xf32>
        %swap3A_2193 = vector.shape_cast %add3A_2188 : vector<16xf32> to vector<1x16xf32>
        tpu.vector_store %arg8[%swap3A_2189, %swap3A_2190], %swap3A_2193 {strides = array<i32>} : memref<128x128xf32, #tpu.memory_space<vmem>>, vector<1x16xf32>,
        %get3A_2194 = arith.index_cast %add3A_2153 : i32 to index
        %get3A_2195 = arith.constant 64 : index
        %get3A_2196 = tpu.vector_load %arg8[%get3A_2194, %get3A_2195] {strides = array<i32>} : memref<128x128xf32, #tpu.memory_space<vmem>>, vector<1x16xf32>,
        %get3A_2197 = vector.shape_cast %get3A_2196 : vector<1x16xf32> to vector<16xf32>
        %add3A_2198 = arith.addf %get3A_2197, %get3A_756 : vector<16xf32>
        %swap3A_2199 = arith.index_cast %add3A_2153 : i32 to index
        %swap3A_2200 = arith.constant 64 : index
        %swap3A_2201 = tpu.vector_load %arg8[%swap3A_2199, %swap3A_2200] {strides = array<i32>} : memref<128x128xf32, #tpu.memory_space<vmem>>, vector<1x16xf32>,
        %swap3A_2202 = vector.shape_cast %swap3A_2201 : vector<1x16xf32> to vector<16xf32>
        %swap3A_2203 = vector.shape_cast %add3A_2198 : vector<16xf32> to vector<1x16xf32>
        tpu.vector_store %arg8[%swap3A_2199, %swap3A_2200], %swap3A_2203 {strides = array<i32>} : memref<128x128xf32, #tpu.memory_space<vmem>>, vector<1x16xf32>,
        %get3A_2204 = arith.index_cast %add3A_2153 : i32 to index
        %get3A_2205 = arith.constant 80 : index
        %get3A_2206 = tpu.vector_load %arg8[%get3A_2204, %get3A_2205] {strides = array<i32>} : memref<128x128xf32, #tpu.memory_space<vmem>>, vector<1x16xf32>,
        %get3A_2207 = vector.shape_cast %get3A_2206 : vector<1x16xf32> to vector<16xf32>
        %add3A_2208 = arith.addf %get3A_2207, %get3A_764 : vector<16xf32>
        %swap3A_2209 = arith.index_cast %add3A_2153 : i32 to index
        %swap3A_2210 = arith.constant 80 : index
        %swap3A_2211 = tpu.vector_load %arg8[%swap3A_2209, %swap3A_2210] {strides = array<i32>} : memref<128x128xf32, #tpu.memory_space<vmem>>, vector<1x16xf32>,
        %swap3A_2212 = vector.shape_cast %swap3A_2211 : vector<1x16xf32> to vector<16xf32>
        %swap3A_2213 = vector.shape_cast %add3A_2208 : vector<16xf32> to vector<1x16xf32>
        tpu.vector_store %arg8[%swap3A_2209, %swap3A_2210], %swap3A_2213 {strides = array<i32>} : memref<128x128xf32, #tpu.memory_space<vmem>>, vector<1x16xf32>,
        %get3A_2214 = arith.index_cast %add3A_2153 : i32 to index
        %get3A_2215 = arith.constant 96 : index
        %get3A_2216 = tpu.vector_load %arg8[%get3A_2214, %get3A_2215] {strides = array<i32>} : memref<128x128xf32, #tpu.memory_space<vmem>>, vector<1x16xf32>,
        %get3A_2217 = vector.shape_cast %get3A_2216 : vector<1x16xf32> to vector<16xf32>
        %add3A_2218 = arith.addf %get3A_2217, %get3A_772 : vector<16xf32>
        %swap3A_2219 = arith.index_cast %add3A_2153 : i32 to index
        %swap3A_2220 = arith.constant 96 : index
        %swap3A_2221 = tpu.vector_load %arg8[%swap3A_2219, %swap3A_2220] {strides = array<i32>} : memref<128x128xf32, #tpu.memory_space<vmem>>, vector<1x16xf32>,
        %swap3A_2222 = vector.shape_cast %swap3A_2221 : vector<1x16xf32> to vector<16xf32>
        %swap3A_2223 = vector.shape_cast %add3A_2218 : vector<16xf32> to vector<1x16xf32>
        tpu.vector_store %arg8[%swap3A_2219, %swap3A_2220], %swap3A_2223 {strides = array<i32>} : memref<128x128xf32, #tpu.memory_space<vmem>>, vector<1x16xf32>,
        %get3A_2224 = arith.index_cast %add3A_2153 : i32 to index
        %get3A_2225 = arith.constant 112 : index
        %get3A_2226 = tpu.vector_load %arg8[%get3A_2224, %get3A_2225] {strides = array<i32>} : memref<128x128xf32, #tpu.memory_space<vmem>>, vector<1x16xf32>,
        %get3A_2227 = vector.shape_cast %get3A_2226 : vector<1x16xf32> to vector<16xf32>
        %add3A_2228 = arith.addf %get3A_2227, %get3A_780 : vector<16xf32>
        %swap3A_2229 = arith.index_cast %add3A_2153 : i32 to index
        %swap3A_2230 = arith.constant 112 : index
        %swap3A_2231 = tpu.vector_load %arg8[%swap3A_2229, %swap3A_2230] {strides = array<i32>} : memref<128x128xf32, #tpu.memory_space<vmem>>, vector<1x16xf32>,
        %swap3A_2232 = vector.shape_cast %swap3A_2231 : vector<1x16xf32> to vector<16xf32>
        %swap3A_2233 = vector.shape_cast %add3A_2228 : vector<16xf32> to vector<1x16xf32>
        tpu.vector_store %arg8[%swap3A_2229, %swap3A_2230], %swap3A_2233 {strides = array<i32>} : memref<128x128xf32, #tpu.memory_space<vmem>>, vector<1x16xf32>,
      }
      %scan3A_785 = arith.constant 32 : i32
      %mul3A_786 = arith.constant 4 : i32
      %mul3A_787 = arith.muli %mul3A_786, %add3A_508 : i32
      %add3A_788 = arith.constant 0 : i32
      %add3A_789 = arith.addi %mul3A_787, %add3A_788 : i32
      %dma_start3A_790 = arith.constant 0 : i32
      %dma_start3A_791 = arith.constant 0 : i32
      %dma_start3A_792 = tpu.memref_slice %arg8[%dma_start3A_790, %dma_start3A_791] : memref<128x128xf32, #tpu.memory_space<vmem>> -> memref<32x128xf32, #tpu.memory_space<vmem>>
      %dma_start3A_793 = arith.constant 0 : i32
      %dma_start3A_794 = tpu.memref_slice %arg5[%mul3A_2, %add3A_789, %dma_start3A_793] : memref<1024x200x128xf32, #tpu.memory_space<hbm>> -> memref<32x1x128xf32, #tpu.memory_space<hbm>>
      %dma_start3A_795 = tpu.memref_squeeze %dma_start3A_794 : memref<32x1x128xf32, #tpu.memory_space<hbm>> -> memref<32x128xf32, #tpu.memory_space<hbm>>
      %dma_start3A_796 = arith.constant 0 : i32
      %dma_start3A_797 = tpu.memref_slice %arg5[%mul3A_2, %add3A_789, %dma_start3A_796] : memref<1024x200x128xf32, #tpu.memory_space<hbm>> -> memref<32x1x128xf32, #tpu.memory_space<hbm>>
      %dma_start3A_798 = tpu.memref_squeeze %dma_start3A_797 : memref<32x1x128xf32, #tpu.memory_space<hbm>> -> memref<32x128xf32, #tpu.memory_space<hbm>>
      %dma_start3A_799 = arith.constant 0 : i32
      %dma_start3A_800 = arith.constant 0 : i32
      %dma_start3A_801 = tpu.memref_slice %arg8[%dma_start3A_799, %dma_start3A_800] : memref<128x128xf32, #tpu.memory_space<vmem>> -> memref<32x128xf32, #tpu.memory_space<vmem>>
      tpu.enqueue_dma source(%dma_start3A_801 : memref<32x128xf32, #tpu.memory_space<vmem>>) target(%dma_start3A_798 : memref<32x128xf32, #tpu.memory_space<hbm>>) target_semaphore(%arg16 : memref<!tpu.dma_semaphore, #tpu.memory_space<semaphore_mem>>)
      %mul3A_802 = arith.constant 4 : i32
      %mul3A_803 = arith.muli %mul3A_802, %add3A_508 : i32
      %add3A_804 = arith.constant 1 : i32
      %add3A_805 = arith.addi %mul3A_803, %add3A_804 : i32
      %dma_start3A_806 = arith.constant 32 : i32
      %dma_start3A_807 = arith.constant 0 : i32
      %dma_start3A_808 = tpu.memref_slice %arg8[%dma_start3A_806, %dma_start3A_807] : memref<128x128xf32, #tpu.memory_space<vmem>> -> memref<32x128xf32, #tpu.memory_space<vmem>>
      %dma_start3A_809 = arith.constant 0 : i32
      %dma_start3A_810 = tpu.memref_slice %arg5[%mul3A_2, %add3A_805, %dma_start3A_809] : memref<1024x200x128xf32, #tpu.memory_space<hbm>> -> memref<32x1x128xf32, #tpu.memory_space<hbm>>
      %dma_start3A_811 = tpu.memref_squeeze %dma_start3A_810 : memref<32x1x128xf32, #tpu.memory_space<hbm>> -> memref<32x128xf32, #tpu.memory_space<hbm>>
      %dma_start3A_812 = arith.constant 0 : i32
      %dma_start3A_813 = tpu.memref_slice %arg5[%mul3A_2, %add3A_805, %dma_start3A_812] : memref<1024x200x128xf32, #tpu.memory_space<hbm>> -> memref<32x1x128xf32, #tpu.memory_space<hbm>>
      %dma_start3A_814 = tpu.memref_squeeze %dma_start3A_813 : memref<32x1x128xf32, #tpu.memory_space<hbm>> -> memref<32x128xf32, #tpu.memory_space<hbm>>
      %dma_start3A_815 = arith.constant 32 : i32
      %dma_start3A_816 = arith.constant 0 : i32
      %dma_start3A_817 = tpu.memref_slice %arg8[%dma_start3A_815, %dma_start3A_816] : memref<128x128xf32, #tpu.memory_space<vmem>> -> memref<32x128xf32, #tpu.memory_space<vmem>>
      tpu.enqueue_dma source(%dma_start3A_817 : memref<32x128xf32, #tpu.memory_space<vmem>>) target(%dma_start3A_814 : memref<32x128xf32, #tpu.memory_space<hbm>>) target_semaphore(%arg16 : memref<!tpu.dma_semaphore, #tpu.memory_space<semaphore_mem>>)
      %mul3A_818 = arith.constant 4 : i32
      %mul3A_819 = arith.muli %mul3A_818, %add3A_508 : i32
      %add3A_820 = arith.constant 2 : i32
      %add3A_821 = arith.addi %mul3A_819, %add3A_820 : i32
      %dma_start3A_822 = arith.constant 64 : i32
      %dma_start3A_823 = arith.constant 0 : i32
      %dma_start3A_824 = tpu.memref_slice %arg8[%dma_start3A_822, %dma_start3A_823] : memref<128x128xf32, #tpu.memory_space<vmem>> -> memref<32x128xf32, #tpu.memory_space<vmem>>
      %dma_start3A_825 = arith.constant 0 : i32
      %dma_start3A_826 = tpu.memref_slice %arg5[%mul3A_2, %add3A_821, %dma_start3A_825] : memref<1024x200x128xf32, #tpu.memory_space<hbm>> -> memref<32x1x128xf32, #tpu.memory_space<hbm>>
      %dma_start3A_827 = tpu.memref_squeeze %dma_start3A_826 : memref<32x1x128xf32, #tpu.memory_space<hbm>> -> memref<32x128xf32, #tpu.memory_space<hbm>>
      %dma_start3A_828 = arith.constant 0 : i32
      %dma_start3A_829 = tpu.memref_slice %arg5[%mul3A_2, %add3A_821, %dma_start3A_828] : memref<1024x200x128xf32, #tpu.memory_space<hbm>> -> memref<32x1x128xf32, #tpu.memory_space<hbm>>
      %dma_start3A_830 = tpu.memref_squeeze %dma_start3A_829 : memref<32x1x128xf32, #tpu.memory_space<hbm>> -> memref<32x128xf32, #tpu.memory_space<hbm>>
      %dma_start3A_831 = arith.constant 64 : i32
      %dma_start3A_832 = arith.constant 0 : i32
      %dma_start3A_833 = tpu.memref_slice %arg8[%dma_start3A_831, %dma_start3A_832] : memref<128x128xf32, #tpu.memory_space<vmem>> -> memref<32x128xf32, #tpu.memory_space<vmem>>
      tpu.enqueue_dma source(%dma_start3A_833 : memref<32x128xf32, #tpu.memory_space<vmem>>) target(%dma_start3A_830 : memref<32x128xf32, #tpu.memory_space<hbm>>) target_semaphore(%arg16 : memref<!tpu.dma_semaphore, #tpu.memory_space<semaphore_mem>>)
      %mul3A_834 = arith.constant 4 : i32
      %mul3A_835 = arith.muli %mul3A_834, %add3A_508 : i32
      %add3A_836 = arith.constant 3 : i32
      %add3A_837 = arith.addi %mul3A_835, %add3A_836 : i32
      %dma_start3A_838 = arith.constant 96 : i32
      %dma_start3A_839 = arith.constant 0 : i32
      %dma_start3A_840 = tpu.memref_slice %arg8[%dma_start3A_838, %dma_start3A_839] : memref<128x128xf32, #tpu.memory_space<vmem>> -> memref<32x128xf32, #tpu.memory_space<vmem>>
      %dma_start3A_841 = arith.constant 0 : i32
      %dma_start3A_842 = tpu.memref_slice %arg5[%mul3A_2, %add3A_837, %dma_start3A_841] : memref<1024x200x128xf32, #tpu.memory_space<hbm>> -> memref<32x1x128xf32, #tpu.memory_space<hbm>>
      %dma_start3A_843 = tpu.memref_squeeze %dma_start3A_842 : memref<32x1x128xf32, #tpu.memory_space<hbm>> -> memref<32x128xf32, #tpu.memory_space<hbm>>
      %dma_start3A_844 = arith.constant 0 : i32
      %dma_start3A_845 = tpu.memref_slice %arg5[%mul3A_2, %add3A_837, %dma_start3A_844] : memref<1024x200x128xf32, #tpu.memory_space<hbm>> -> memref<32x1x128xf32, #tpu.memory_space<hbm>>
      %dma_start3A_846 = tpu.memref_squeeze %dma_start3A_845 : memref<32x1x128xf32, #tpu.memory_space<hbm>> -> memref<32x128xf32, #tpu.memory_space<hbm>>
      %dma_start3A_847 = arith.constant 96 : i32
      %dma_start3A_848 = arith.constant 0 : i32
      %dma_start3A_849 = tpu.memref_slice %arg8[%dma_start3A_847, %dma_start3A_848] : memref<128x128xf32, #tpu.memory_space<vmem>> -> memref<32x128xf32, #tpu.memory_space<vmem>>
      tpu.enqueue_dma source(%dma_start3A_849 : memref<32x128xf32, #tpu.memory_space<vmem>>) target(%dma_start3A_846 : memref<32x128xf32, #tpu.memory_space<hbm>>) target_semaphore(%arg16 : memref<!tpu.dma_semaphore, #tpu.memory_space<semaphore_mem>>)
      %mul3A_850 = arith.constant 4 : i32
      %mul3A_851 = arith.muli %mul3A_850, %add3A_504 : i32
      %add3A_852 = arith.constant 1 : i32
      %add3A_853 = arith.addi %mul3A_851, %add3A_852 : i32
      %gt3A_854 = arith.constant 0 : i32
      %gt3A_855 = arith.cmpi sgt, %add3A_504, %gt3A_854 : i32
      %convert_element_type3A_856 = arith.extui %gt3A_855 : i1 to i32
      %cond3A_857 = arith.constant 0 : i32
      %cond3A_858 = arith.cmpi ne, %convert_element_type3A_856, %cond3A_857 : i32
      scf.if %cond3A_858 {
        %dma_wait3A_1902 = arith.constant 0 : i32
        %dma_wait3A_1903 = arith.constant 0 : i32
        %dma_wait3A_1904 = arith.constant 0 : i32
        %dma_wait3A_1905 = tpu.memref_slice %arg5[%dma_wait3A_1902, %dma_wait3A_1903, %dma_wait3A_1904] : memref<1024x200x128xf32, #tpu.memory_space<hbm>> -> memref<1x128x128xf32, #tpu.memory_space<hbm>>
        %dma_wait3A_1906 = tpu.memref_squeeze %dma_wait3A_1905 : memref<1x128x128xf32, #tpu.memory_space<hbm>> -> memref<128x128xf32, #tpu.memory_space<hbm>>
        %dma_wait3A_1907 = arith.constant 0 : i32
        %dma_wait3A_1908 = arith.constant 0 : i32
        %dma_wait3A_1909 = tpu.memref_slice %arg5[%dma_wait3A_1902, %dma_wait3A_1907, %dma_wait3A_1908] : memref<1024x200x128xf32, #tpu.memory_space<hbm>> -> memref<1x128x128xf32, #tpu.memory_space<hbm>>
        %dma_wait3A_1910 = tpu.memref_squeeze %dma_wait3A_1909 : memref<1x128x128xf32, #tpu.memory_space<hbm>> -> memref<128x128xf32, #tpu.memory_space<hbm>>
        tpu.wait_dma2 semaphore(%arg19 : memref<!tpu.dma_semaphore, #tpu.memory_space<semaphore_mem>>) src(%arg11 : memref<128x128xf32, #tpu.memory_space<vmem>>) dst(%dma_wait3A_1910 : memref<128x128xf32, #tpu.memory_space<hbm>>)
      } else {
      }
      %add3A_859 = arith.constant 2 : i32
      %add3A_860 = arith.addi %add3A_853, %add3A_859 : i32
      %dma_start3A_861 = arith.constant 0 : i32
      %dma_start3A_862 = tpu.memref_slice %arg7[%add3A_860, %dma_start3A_861] : memref<50x128xi32, #tpu.memory_space<vmem>> -> memref<1x128xi32, #tpu.memory_space<vmem>>
      %dma_start3A_863 = tpu.memref_squeeze %dma_start3A_862 : memref<1x128xi32, #tpu.memory_space<vmem>> -> memref<128xi32, #tpu.memory_space<vmem>>
      %dma_start3A_864 = arith.constant 0 : i32
      %dma_start3A_865 = arith.constant 0 : i32
      %dma_start3A_866 = tpu.memref_slice %arg3[%dma_start3A_864, %dma_start3A_865] : memref<100000x128xf32, #tpu.memory_space<hbm>> -> memref<100000x128xf32, #tpu.memory_space<hbm>>
      tpu.enqueue_indirect_dma source(%dma_start3A_866 : memref<100000x128xf32, #tpu.memory_space<hbm>>) target(%arg11 : memref<128x128xf32, #tpu.memory_space<vmem>>) offsets(%dma_start3A_863 : memref<128xi32, #tpu.memory_space<vmem>>) semaphore(%arg15 : memref<!tpu.dma_semaphore, #tpu.memory_space<semaphore_mem>>)
      %dma_wait3A_867 = arith.constant 0 : i32
      %dma_wait3A_868 = arith.constant 0 : i32
      %dma_wait3A_869 = tpu.memref_slice %arg3[%dma_wait3A_867, %dma_wait3A_868] : memref<100000x128xf32, #tpu.memory_space<hbm>> -> memref<128x128xf32, #tpu.memory_space<hbm>>
      %dma_wait3A_870 = arith.constant 0 : i32
      %dma_wait3A_871 = arith.constant 0 : i32
      %dma_wait3A_872 = tpu.memref_slice %arg3[%dma_wait3A_870, %dma_wait3A_871] : memref<100000x128xf32, #tpu.memory_space<hbm>> -> memref<128x128xf32, #tpu.memory_space<hbm>>
      tpu.wait_dma2 semaphore(%arg13 : memref<!tpu.dma_semaphore, #tpu.memory_space<semaphore_mem>>) src(%dma_wait3A_872 : memref<128x128xf32, #tpu.memory_space<hbm>>) dst(%arg9 : memref<128x128xf32, #tpu.memory_space<vmem>>)
      %mul3A_873 = arith.constant 4 : i32
      %mul3A_874 = arith.muli %mul3A_873, %add3A_853 : i32
      %add3A_875 = arith.constant 0 : i32
      %add3A_876 = arith.addi %mul3A_874, %add3A_875 : i32
      %get3A_877 = arith.index_cast %add3A_876 : i32 to index
      %get3A_878 = arith.constant 0 : index
      %get3A_879 = tpu.vector_load %arg6[%get3A_877, %get3A_878] {strides = array<i32>} : memref<200x128xf32, #tpu.memory_space<vmem>>, vector<1x16xf32>,
      %get3A_880 = vector.shape_cast %get3A_879 : vector<1x16xf32> to vector<16xf32>
      %mul3A_881 = arith.constant 4 : i32
      %mul3A_882 = arith.muli %mul3A_881, %add3A_853 : i32
      %add3A_883 = arith.constant 0 : i32
      %add3A_884 = arith.addi %mul3A_882, %add3A_883 : i32
      %get3A_885 = arith.index_cast %add3A_884 : i32 to index
      %get3A_886 = arith.constant 16 : index
      %get3A_887 = tpu.vector_load %arg6[%get3A_885, %get3A_886] {strides = array<i32>} : memref<200x128xf32, #tpu.memory_space<vmem>>, vector<1x16xf32>,
      %get3A_888 = vector.shape_cast %get3A_887 : vector<1x16xf32> to vector<16xf32>
      %mul3A_889 = arith.constant 4 : i32
      %mul3A_890 = arith.muli %mul3A_889, %add3A_853 : i32
      %add3A_891 = arith.constant 0 : i32
      %add3A_892 = arith.addi %mul3A_890, %add3A_891 : i32
      %get3A_893 = arith.index_cast %add3A_892 : i32 to index
      %get3A_894 = arith.constant 32 : index
      %get3A_895 = tpu.vector_load %arg6[%get3A_893, %get3A_894] {strides = array<i32>} : memref<200x128xf32, #tpu.memory_space<vmem>>, vector<1x16xf32>,
      %get3A_896 = vector.shape_cast %get3A_895 : vector<1x16xf32> to vector<16xf32>
      %mul3A_897 = arith.constant 4 : i32
      %mul3A_898 = arith.muli %mul3A_897, %add3A_853 : i32
      %add3A_899 = arith.constant 0 : i32
      %add3A_900 = arith.addi %mul3A_898, %add3A_899 : i32
      %get3A_901 = arith.index_cast %add3A_900 : i32 to index
      %get3A_902 = arith.constant 48 : index
      %get3A_903 = tpu.vector_load %arg6[%get3A_901, %get3A_902] {strides = array<i32>} : memref<200x128xf32, #tpu.memory_space<vmem>>, vector<1x16xf32>,
      %get3A_904 = vector.shape_cast %get3A_903 : vector<1x16xf32> to vector<16xf32>
      %mul3A_905 = arith.constant 4 : i32
      %mul3A_906 = arith.muli %mul3A_905, %add3A_853 : i32
      %add3A_907 = arith.constant 0 : i32
      %add3A_908 = arith.addi %mul3A_906, %add3A_907 : i32
      %get3A_909 = arith.index_cast %add3A_908 : i32 to index
      %get3A_910 = arith.constant 64 : index
      %get3A_911 = tpu.vector_load %arg6[%get3A_909, %get3A_910] {strides = array<i32>} : memref<200x128xf32, #tpu.memory_space<vmem>>, vector<1x16xf32>,
      %get3A_912 = vector.shape_cast %get3A_911 : vector<1x16xf32> to vector<16xf32>
      %mul3A_913 = arith.constant 4 : i32
      %mul3A_914 = arith.muli %mul3A_913, %add3A_853 : i32
      %add3A_915 = arith.constant 0 : i32
      %add3A_916 = arith.addi %mul3A_914, %add3A_915 : i32
      %get3A_917 = arith.index_cast %add3A_916 : i32 to index
      %get3A_918 = arith.constant 80 : index
      %get3A_919 = tpu.vector_load %arg6[%get3A_917, %get3A_918] {strides = array<i32>} : memref<200x128xf32, #tpu.memory_space<vmem>>, vector<1x16xf32>,
      %get3A_920 = vector.shape_cast %get3A_919 : vector<1x16xf32> to vector<16xf32>
      %mul3A_921 = arith.constant 4 : i32
      %mul3A_922 = arith.muli %mul3A_921, %add3A_853 : i32
      %add3A_923 = arith.constant 0 : i32
      %add3A_924 = arith.addi %mul3A_922, %add3A_923 : i32
      %get3A_925 = arith.index_cast %add3A_924 : i32 to index
      %get3A_926 = arith.constant 96 : index
      %get3A_927 = tpu.vector_load %arg6[%get3A_925, %get3A_926] {strides = array<i32>} : memref<200x128xf32, #tpu.memory_space<vmem>>, vector<1x16xf32>,
      %get3A_928 = vector.shape_cast %get3A_927 : vector<1x16xf32> to vector<16xf32>
      %mul3A_929 = arith.constant 4 : i32
      %mul3A_930 = arith.muli %mul3A_929, %add3A_853 : i32
      %add3A_931 = arith.constant 0 : i32
      %add3A_932 = arith.addi %mul3A_930, %add3A_931 : i32
      %get3A_933 = arith.index_cast %add3A_932 : i32 to index
      %get3A_934 = arith.constant 112 : index
      %get3A_935 = tpu.vector_load %arg6[%get3A_933, %get3A_934] {strides = array<i32>} : memref<200x128xf32, #tpu.memory_space<vmem>>, vector<1x16xf32>,
      %get3A_936 = vector.shape_cast %get3A_935 : vector<1x16xf32> to vector<16xf32>
      %mul3A_937 = arith.constant 4 : i32
      %mul3A_938 = arith.muli %mul3A_937, %add3A_853 : i32
      %add3A_939 = arith.constant 1 : i32
      %add3A_940 = arith.addi %mul3A_938, %add3A_939 : i32
      %get3A_941 = arith.index_cast %add3A_940 : i32 to index
      %get3A_942 = arith.constant 0 : index
      %get3A_943 = tpu.vector_load %arg6[%get3A_941, %get3A_942] {strides = array<i32>} : memref<200x128xf32, #tpu.memory_space<vmem>>, vector<1x16xf32>,
      %get3A_944 = vector.shape_cast %get3A_943 : vector<1x16xf32> to vector<16xf32>
      %mul3A_945 = arith.constant 4 : i32
      %mul3A_946 = arith.muli %mul3A_945, %add3A_853 : i32
      %add3A_947 = arith.constant 1 : i32
      %add3A_948 = arith.addi %mul3A_946, %add3A_947 : i32
      %get3A_949 = arith.index_cast %add3A_948 : i32 to index
      %get3A_950 = arith.constant 16 : index
      %get3A_951 = tpu.vector_load %arg6[%get3A_949, %get3A_950] {strides = array<i32>} : memref<200x128xf32, #tpu.memory_space<vmem>>, vector<1x16xf32>,
      %get3A_952 = vector.shape_cast %get3A_951 : vector<1x16xf32> to vector<16xf32>
      %mul3A_953 = arith.constant 4 : i32
      %mul3A_954 = arith.muli %mul3A_953, %add3A_853 : i32
      %add3A_955 = arith.constant 1 : i32
      %add3A_956 = arith.addi %mul3A_954, %add3A_955 : i32
      %get3A_957 = arith.index_cast %add3A_956 : i32 to index
      %get3A_958 = arith.constant 32 : index
      %get3A_959 = tpu.vector_load %arg6[%get3A_957, %get3A_958] {strides = array<i32>} : memref<200x128xf32, #tpu.memory_space<vmem>>, vector<1x16xf32>,
      %get3A_960 = vector.shape_cast %get3A_959 : vector<1x16xf32> to vector<16xf32>
      %mul3A_961 = arith.constant 4 : i32
      %mul3A_962 = arith.muli %mul3A_961, %add3A_853 : i32
      %add3A_963 = arith.constant 1 : i32
      %add3A_964 = arith.addi %mul3A_962, %add3A_963 : i32
      %get3A_965 = arith.index_cast %add3A_964 : i32 to index
      %get3A_966 = arith.constant 48 : index
      %get3A_967 = tpu.vector_load %arg6[%get3A_965, %get3A_966] {strides = array<i32>} : memref<200x128xf32, #tpu.memory_space<vmem>>, vector<1x16xf32>,
      %get3A_968 = vector.shape_cast %get3A_967 : vector<1x16xf32> to vector<16xf32>
      %mul3A_969 = arith.constant 4 : i32
      %mul3A_970 = arith.muli %mul3A_969, %add3A_853 : i32
      %add3A_971 = arith.constant 1 : i32
      %add3A_972 = arith.addi %mul3A_970, %add3A_971 : i32
      %get3A_973 = arith.index_cast %add3A_972 : i32 to index
      %get3A_974 = arith.constant 64 : index
      %get3A_975 = tpu.vector_load %arg6[%get3A_973, %get3A_974] {strides = array<i32>} : memref<200x128xf32, #tpu.memory_space<vmem>>, vector<1x16xf32>,
      %get3A_976 = vector.shape_cast %get3A_975 : vector<1x16xf32> to vector<16xf32>
      %mul3A_977 = arith.constant 4 : i32
      %mul3A_978 = arith.muli %mul3A_977, %add3A_853 : i32
      %add3A_979 = arith.constant 1 : i32
      %add3A_980 = arith.addi %mul3A_978, %add3A_979 : i32
      %get3A_981 = arith.index_cast %add3A_980 : i32 to index
      %get3A_982 = arith.constant 80 : index
      %get3A_983 = tpu.vector_load %arg6[%get3A_981, %get3A_982] {strides = array<i32>} : memref<200x128xf32, #tpu.memory_space<vmem>>, vector<1x16xf32>,
      %get3A_984 = vector.shape_cast %get3A_983 : vector<1x16xf32> to vector<16xf32>
      %mul3A_985 = arith.constant 4 : i32
      %mul3A_986 = arith.muli %mul3A_985, %add3A_853 : i32
      %add3A_987 = arith.constant 1 : i32
      %add3A_988 = arith.addi %mul3A_986, %add3A_987 : i32
      %get3A_989 = arith.index_cast %add3A_988 : i32 to index
      %get3A_990 = arith.constant 96 : index
      %get3A_991 = tpu.vector_load %arg6[%get3A_989, %get3A_990] {strides = array<i32>} : memref<200x128xf32, #tpu.memory_space<vmem>>, vector<1x16xf32>,
      %get3A_992 = vector.shape_cast %get3A_991 : vector<1x16xf32> to vector<16xf32>
      %mul3A_993 = arith.constant 4 : i32
      %mul3A_994 = arith.muli %mul3A_993, %add3A_853 : i32
      %add3A_995 = arith.constant 1 : i32
      %add3A_996 = arith.addi %mul3A_994, %add3A_995 : i32
      %get3A_997 = arith.index_cast %add3A_996 : i32 to index
      %get3A_998 = arith.constant 112 : index
      %get3A_999 = tpu.vector_load %arg6[%get3A_997, %get3A_998] {strides = array<i32>} : memref<200x128xf32, #tpu.memory_space<vmem>>, vector<1x16xf32>,
      %get3A_1000 = vector.shape_cast %get3A_999 : vector<1x16xf32> to vector<16xf32>
      %mul3A_1001 = arith.constant 4 : i32
      %mul3A_1002 = arith.muli %mul3A_1001, %add3A_853 : i32
      %add3A_1003 = arith.constant 2 : i32
      %add3A_1004 = arith.addi %mul3A_1002, %add3A_1003 : i32
      %get3A_1005 = arith.index_cast %add3A_1004 : i32 to index
      %get3A_1006 = arith.constant 0 : index
      %get3A_1007 = tpu.vector_load %arg6[%get3A_1005, %get3A_1006] {strides = array<i32>} : memref<200x128xf32, #tpu.memory_space<vmem>>, vector<1x16xf32>,
      %get3A_1008 = vector.shape_cast %get3A_1007 : vector<1x16xf32> to vector<16xf32>
      %mul3A_1009 = arith.constant 4 : i32
      %mul3A_1010 = arith.muli %mul3A_1009, %add3A_853 : i32
      %add3A_1011 = arith.constant 2 : i32
      %add3A_1012 = arith.addi %mul3A_1010, %add3A_1011 : i32
      %get3A_1013 = arith.index_cast %add3A_1012 : i32 to index
      %get3A_1014 = arith.constant 16 : index
      %get3A_1015 = tpu.vector_load %arg6[%get3A_1013, %get3A_1014] {strides = array<i32>} : memref<200x128xf32, #tpu.memory_space<vmem>>, vector<1x16xf32>,
      %get3A_1016 = vector.shape_cast %get3A_1015 : vector<1x16xf32> to vector<16xf32>
      %mul3A_1017 = arith.constant 4 : i32
      %mul3A_1018 = arith.muli %mul3A_1017, %add3A_853 : i32
      %add3A_1019 = arith.constant 2 : i32
      %add3A_1020 = arith.addi %mul3A_1018, %add3A_1019 : i32
      %get3A_1021 = arith.index_cast %add3A_1020 : i32 to index
      %get3A_1022 = arith.constant 32 : index
      %get3A_1023 = tpu.vector_load %arg6[%get3A_1021, %get3A_1022] {strides = array<i32>} : memref<200x128xf32, #tpu.memory_space<vmem>>, vector<1x16xf32>,
      %get3A_1024 = vector.shape_cast %get3A_1023 : vector<1x16xf32> to vector<16xf32>
      %mul3A_1025 = arith.constant 4 : i32
      %mul3A_1026 = arith.muli %mul3A_1025, %add3A_853 : i32
      %add3A_1027 = arith.constant 2 : i32
      %add3A_1028 = arith.addi %mul3A_1026, %add3A_1027 : i32
      %get3A_1029 = arith.index_cast %add3A_1028 : i32 to index
      %get3A_1030 = arith.constant 48 : index
      %get3A_1031 = tpu.vector_load %arg6[%get3A_1029, %get3A_1030] {strides = array<i32>} : memref<200x128xf32, #tpu.memory_space<vmem>>, vector<1x16xf32>,
      %get3A_1032 = vector.shape_cast %get3A_1031 : vector<1x16xf32> to vector<16xf32>
      %mul3A_1033 = arith.constant 4 : i32
      %mul3A_1034 = arith.muli %mul3A_1033, %add3A_853 : i32
      %add3A_1035 = arith.constant 2 : i32
      %add3A_1036 = arith.addi %mul3A_1034, %add3A_1035 : i32
      %get3A_1037 = arith.index_cast %add3A_1036 : i32 to index
      %get3A_1038 = arith.constant 64 : index
      %get3A_1039 = tpu.vector_load %arg6[%get3A_1037, %get3A_1038] {strides = array<i32>} : memref<200x128xf32, #tpu.memory_space<vmem>>, vector<1x16xf32>,
      %get3A_1040 = vector.shape_cast %get3A_1039 : vector<1x16xf32> to vector<16xf32>
      %mul3A_1041 = arith.constant 4 : i32
      %mul3A_1042 = arith.muli %mul3A_1041, %add3A_853 : i32
      %add3A_1043 = arith.constant 2 : i32
      %add3A_1044 = arith.addi %mul3A_1042, %add3A_1043 : i32
      %get3A_1045 = arith.index_cast %add3A_1044 : i32 to index
      %get3A_1046 = arith.constant 80 : index
      %get3A_1047 = tpu.vector_load %arg6[%get3A_1045, %get3A_1046] {strides = array<i32>} : memref<200x128xf32, #tpu.memory_space<vmem>>, vector<1x16xf32>,
      %get3A_1048 = vector.shape_cast %get3A_1047 : vector<1x16xf32> to vector<16xf32>
      %mul3A_1049 = arith.constant 4 : i32
      %mul3A_1050 = arith.muli %mul3A_1049, %add3A_853 : i32
      %add3A_1051 = arith.constant 2 : i32
      %add3A_1052 = arith.addi %mul3A_1050, %add3A_1051 : i32
      %get3A_1053 = arith.index_cast %add3A_1052 : i32 to index
      %get3A_1054 = arith.constant 96 : index
      %get3A_1055 = tpu.vector_load %arg6[%get3A_1053, %get3A_1054] {strides = array<i32>} : memref<200x128xf32, #tpu.memory_space<vmem>>, vector<1x16xf32>,
      %get3A_1056 = vector.shape_cast %get3A_1055 : vector<1x16xf32> to vector<16xf32>
      %mul3A_1057 = arith.constant 4 : i32
      %mul3A_1058 = arith.muli %mul3A_1057, %add3A_853 : i32
      %add3A_1059 = arith.constant 2 : i32
      %add3A_1060 = arith.addi %mul3A_1058, %add3A_1059 : i32
      %get3A_1061 = arith.index_cast %add3A_1060 : i32 to index
      %get3A_1062 = arith.constant 112 : index
      %get3A_1063 = tpu.vector_load %arg6[%get3A_1061, %get3A_1062] {strides = array<i32>} : memref<200x128xf32, #tpu.memory_space<vmem>>, vector<1x16xf32>,
      %get3A_1064 = vector.shape_cast %get3A_1063 : vector<1x16xf32> to vector<16xf32>
      %mul3A_1065 = arith.constant 4 : i32
      %mul3A_1066 = arith.muli %mul3A_1065, %add3A_853 : i32
      %add3A_1067 = arith.constant 3 : i32
      %add3A_1068 = arith.addi %mul3A_1066, %add3A_1067 : i32
      %get3A_1069 = arith.index_cast %add3A_1068 : i32 to index
      %get3A_1070 = arith.constant 0 : index
      %get3A_1071 = tpu.vector_load %arg6[%get3A_1069, %get3A_1070] {strides = array<i32>} : memref<200x128xf32, #tpu.memory_space<vmem>>, vector<1x16xf32>,
      %get3A_1072 = vector.shape_cast %get3A_1071 : vector<1x16xf32> to vector<16xf32>
      %mul3A_1073 = arith.constant 4 : i32
      %mul3A_1074 = arith.muli %mul3A_1073, %add3A_853 : i32
      %add3A_1075 = arith.constant 3 : i32
      %add3A_1076 = arith.addi %mul3A_1074, %add3A_1075 : i32
      %get3A_1077 = arith.index_cast %add3A_1076 : i32 to index
      %get3A_1078 = arith.constant 16 : index
      %get3A_1079 = tpu.vector_load %arg6[%get3A_1077, %get3A_1078] {strides = array<i32>} : memref<200x128xf32, #tpu.memory_space<vmem>>, vector<1x16xf32>,
      %get3A_1080 = vector.shape_cast %get3A_1079 : vector<1x16xf32> to vector<16xf32>
      %mul3A_1081 = arith.constant 4 : i32
      %mul3A_1082 = arith.muli %mul3A_1081, %add3A_853 : i32
      %add3A_1083 = arith.constant 3 : i32
      %add3A_1084 = arith.addi %mul3A_1082, %add3A_1083 : i32
      %get3A_1085 = arith.index_cast %add3A_1084 : i32 to index
      %get3A_1086 = arith.constant 32 : index
      %get3A_1087 = tpu.vector_load %arg6[%get3A_1085, %get3A_1086] {strides = array<i32>} : memref<200x128xf32, #tpu.memory_space<vmem>>, vector<1x16xf32>,
      %get3A_1088 = vector.shape_cast %get3A_1087 : vector<1x16xf32> to vector<16xf32>
      %mul3A_1089 = arith.constant 4 : i32
      %mul3A_1090 = arith.muli %mul3A_1089, %add3A_853 : i32
      %add3A_1091 = arith.constant 3 : i32
      %add3A_1092 = arith.addi %mul3A_1090, %add3A_1091 : i32
      %get3A_1093 = arith.index_cast %add3A_1092 : i32 to index
      %get3A_1094 = arith.constant 48 : index
      %get3A_1095 = tpu.vector_load %arg6[%get3A_1093, %get3A_1094] {strides = array<i32>} : memref<200x128xf32, #tpu.memory_space<vmem>>, vector<1x16xf32>,
      %get3A_1096 = vector.shape_cast %get3A_1095 : vector<1x16xf32> to vector<16xf32>
      %mul3A_1097 = arith.constant 4 : i32
      %mul3A_1098 = arith.muli %mul3A_1097, %add3A_853 : i32
      %add3A_1099 = arith.constant 3 : i32
      %add3A_1100 = arith.addi %mul3A_1098, %add3A_1099 : i32
      %get3A_1101 = arith.index_cast %add3A_1100 : i32 to index
      %get3A_1102 = arith.constant 64 : index
      %get3A_1103 = tpu.vector_load %arg6[%get3A_1101, %get3A_1102] {strides = array<i32>} : memref<200x128xf32, #tpu.memory_space<vmem>>, vector<1x16xf32>,
      %get3A_1104 = vector.shape_cast %get3A_1103 : vector<1x16xf32> to vector<16xf32>
      %mul3A_1105 = arith.constant 4 : i32
      %mul3A_1106 = arith.muli %mul3A_1105, %add3A_853 : i32
      %add3A_1107 = arith.constant 3 : i32
      %add3A_1108 = arith.addi %mul3A_1106, %add3A_1107 : i32
      %get3A_1109 = arith.index_cast %add3A_1108 : i32 to index
      %get3A_1110 = arith.constant 80 : index
      %get3A_1111 = tpu.vector_load %arg6[%get3A_1109, %get3A_1110] {strides = array<i32>} : memref<200x128xf32, #tpu.memory_space<vmem>>, vector<1x16xf32>,
      %get3A_1112 = vector.shape_cast %get3A_1111 : vector<1x16xf32> to vector<16xf32>
      %mul3A_1113 = arith.constant 4 : i32
      %mul3A_1114 = arith.muli %mul3A_1113, %add3A_853 : i32
      %add3A_1115 = arith.constant 3 : i32
      %add3A_1116 = arith.addi %mul3A_1114, %add3A_1115 : i32
      %get3A_1117 = arith.index_cast %add3A_1116 : i32 to index
      %get3A_1118 = arith.constant 96 : index
      %get3A_1119 = tpu.vector_load %arg6[%get3A_1117, %get3A_1118] {strides = array<i32>} : memref<200x128xf32, #tpu.memory_space<vmem>>, vector<1x16xf32>,
      %get3A_1120 = vector.shape_cast %get3A_1119 : vector<1x16xf32> to vector<16xf32>
      %mul3A_1121 = arith.constant 4 : i32
      %mul3A_1122 = arith.muli %mul3A_1121, %add3A_853 : i32
      %add3A_1123 = arith.constant 3 : i32
      %add3A_1124 = arith.addi %mul3A_1122, %add3A_1123 : i32
      %get3A_1125 = arith.index_cast %add3A_1124 : i32 to index
      %get3A_1126 = arith.constant 112 : index
      %get3A_1127 = tpu.vector_load %arg6[%get3A_1125, %get3A_1126] {strides = array<i32>} : memref<200x128xf32, #tpu.memory_space<vmem>>, vector<1x16xf32>,
      %get3A_1128 = vector.shape_cast %get3A_1127 : vector<1x16xf32> to vector<16xf32>
      %scan3A_1129 = arith.constant 0 : i32
      %scan3A_1130 = arith.constant 32 : i32
      %scan3A_1131 = arith.addi %scan3A_1129, %scan3A_1130 : i32
      %scan3A_1132 = arith.constant 1 : i32
      scf.for %scan3A_1902 = %scan3A_1129 to %scan3A_1131 step %scan3A_1132  : i32 {
        %mul3A_1903 = arith.constant 1 : i32
        %mul3A_1904 = arith.muli %scan3A_1902, %mul3A_1903 : i32
        %add3A_1905 = arith.constant 0 : i32
        %add3A_1906 = arith.addi %add3A_1905, %mul3A_1904 : i32
        %add3A_1907 = arith.constant 0 : i32
        %add3A_1908 = arith.addi %add3A_1907, %add3A_1906 : i32
        %get3A_1909 = arith.index_cast %add3A_1908 : i32 to index
        %get3A_1910 = arith.constant 0 : index
        %get3A_1911 = tpu.vector_load %arg9[%get3A_1909, %get3A_1910] {strides = array<i32>} : memref<128x128xf32, #tpu.memory_space<vmem>>, vector<1x16xf32>,
        %get3A_1912 = vector.shape_cast %get3A_1911 : vector<1x16xf32> to vector<16xf32>
        %add3A_1913 = arith.addf %get3A_1912, %get3A_880 : vector<16xf32>
        %swap3A = arith.index_cast %add3A_1908 : i32 to index
        %swap3A_1914 = arith.constant 0 : index
        %swap3A_1915 = tpu.vector_load %arg9[%swap3A, %swap3A_1914] {strides = array<i32>} : memref<128x128xf32, #tpu.memory_space<vmem>>, vector<1x16xf32>,
        %swap3A_1916 = vector.shape_cast %swap3A_1915 : vector<1x16xf32> to vector<16xf32>
        %swap3A_1917 = vector.shape_cast %add3A_1913 : vector<16xf32> to vector<1x16xf32>
        tpu.vector_store %arg9[%swap3A, %swap3A_1914], %swap3A_1917 {strides = array<i32>} : memref<128x128xf32, #tpu.memory_space<vmem>>, vector<1x16xf32>,
        %get3A_1918 = arith.index_cast %add3A_1908 : i32 to index
        %get3A_1919 = arith.constant 16 : index
        %get3A_1920 = tpu.vector_load %arg9[%get3A_1918, %get3A_1919] {strides = array<i32>} : memref<128x128xf32, #tpu.memory_space<vmem>>, vector<1x16xf32>,
        %get3A_1921 = vector.shape_cast %get3A_1920 : vector<1x16xf32> to vector<16xf32>
        %add3A_1922 = arith.addf %get3A_1921, %get3A_888 : vector<16xf32>
        %swap3A_1923 = arith.index_cast %add3A_1908 : i32 to index
        %swap3A_1924 = arith.constant 16 : index
        %swap3A_1925 = tpu.vector_load %arg9[%swap3A_1923, %swap3A_1924] {strides = array<i32>} : memref<128x128xf32, #tpu.memory_space<vmem>>, vector<1x16xf32>,
        %swap3A_1926 = vector.shape_cast %swap3A_1925 : vector<1x16xf32> to vector<16xf32>
        %swap3A_1927 = vector.shape_cast %add3A_1922 : vector<16xf32> to vector<1x16xf32>
        tpu.vector_store %arg9[%swap3A_1923, %swap3A_1924], %swap3A_1927 {strides = array<i32>} : memref<128x128xf32, #tpu.memory_space<vmem>>, vector<1x16xf32>,
        %get3A_1928 = arith.index_cast %add3A_1908 : i32 to index
        %get3A_1929 = arith.constant 32 : index
        %get3A_1930 = tpu.vector_load %arg9[%get3A_1928, %get3A_1929] {strides = array<i32>} : memref<128x128xf32, #tpu.memory_space<vmem>>, vector<1x16xf32>,
        %get3A_1931 = vector.shape_cast %get3A_1930 : vector<1x16xf32> to vector<16xf32>
        %add3A_1932 = arith.addf %get3A_1931, %get3A_896 : vector<16xf32>
        %swap3A_1933 = arith.index_cast %add3A_1908 : i32 to index
        %swap3A_1934 = arith.constant 32 : index
        %swap3A_1935 = tpu.vector_load %arg9[%swap3A_1933, %swap3A_1934] {strides = array<i32>} : memref<128x128xf32, #tpu.memory_space<vmem>>, vector<1x16xf32>,
        %swap3A_1936 = vector.shape_cast %swap3A_1935 : vector<1x16xf32> to vector<16xf32>
        %swap3A_1937 = vector.shape_cast %add3A_1932 : vector<16xf32> to vector<1x16xf32>
        tpu.vector_store %arg9[%swap3A_1933, %swap3A_1934], %swap3A_1937 {strides = array<i32>} : memref<128x128xf32, #tpu.memory_space<vmem>>, vector<1x16xf32>,
        %get3A_1938 = arith.index_cast %add3A_1908 : i32 to index
        %get3A_1939 = arith.constant 48 : index
        %get3A_1940 = tpu.vector_load %arg9[%get3A_1938, %get3A_1939] {strides = array<i32>} : memref<128x128xf32, #tpu.memory_space<vmem>>, vector<1x16xf32>,
        %get3A_1941 = vector.shape_cast %get3A_1940 : vector<1x16xf32> to vector<16xf32>
        %add3A_1942 = arith.addf %get3A_1941, %get3A_904 : vector<16xf32>
        %swap3A_1943 = arith.index_cast %add3A_1908 : i32 to index
        %swap3A_1944 = arith.constant 48 : index
        %swap3A_1945 = tpu.vector_load %arg9[%swap3A_1943, %swap3A_1944] {strides = array<i32>} : memref<128x128xf32, #tpu.memory_space<vmem>>, vector<1x16xf32>,
        %swap3A_1946 = vector.shape_cast %swap3A_1945 : vector<1x16xf32> to vector<16xf32>
        %swap3A_1947 = vector.shape_cast %add3A_1942 : vector<16xf32> to vector<1x16xf32>
        tpu.vector_store %arg9[%swap3A_1943, %swap3A_1944], %swap3A_1947 {strides = array<i32>} : memref<128x128xf32, #tpu.memory_space<vmem>>, vector<1x16xf32>,
        %get3A_1948 = arith.index_cast %add3A_1908 : i32 to index
        %get3A_1949 = arith.constant 64 : index
        %get3A_1950 = tpu.vector_load %arg9[%get3A_1948, %get3A_1949] {strides = array<i32>} : memref<128x128xf32, #tpu.memory_space<vmem>>, vector<1x16xf32>,
        %get3A_1951 = vector.shape_cast %get3A_1950 : vector<1x16xf32> to vector<16xf32>
        %add3A_1952 = arith.addf %get3A_1951, %get3A_912 : vector<16xf32>
        %swap3A_1953 = arith.index_cast %add3A_1908 : i32 to index
        %swap3A_1954 = arith.constant 64 : index
        %swap3A_1955 = tpu.vector_load %arg9[%swap3A_1953, %swap3A_1954] {strides = array<i32>} : memref<128x128xf32, #tpu.memory_space<vmem>>, vector<1x16xf32>,
        %swap3A_1956 = vector.shape_cast %swap3A_1955 : vector<1x16xf32> to vector<16xf32>
        %swap3A_1957 = vector.shape_cast %add3A_1952 : vector<16xf32> to vector<1x16xf32>
        tpu.vector_store %arg9[%swap3A_1953, %swap3A_1954], %swap3A_1957 {strides = array<i32>} : memref<128x128xf32, #tpu.memory_space<vmem>>, vector<1x16xf32>,
        %get3A_1958 = arith.index_cast %add3A_1908 : i32 to index
        %get3A_1959 = arith.constant 80 : index
        %get3A_1960 = tpu.vector_load %arg9[%get3A_1958, %get3A_1959] {strides = array<i32>} : memref<128x128xf32, #tpu.memory_space<vmem>>, vector<1x16xf32>,
        %get3A_1961 = vector.shape_cast %get3A_1960 : vector<1x16xf32> to vector<16xf32>
        %add3A_1962 = arith.addf %get3A_1961, %get3A_920 : vector<16xf32>
        %swap3A_1963 = arith.index_cast %add3A_1908 : i32 to index
        %swap3A_1964 = arith.constant 80 : index
        %swap3A_1965 = tpu.vector_load %arg9[%swap3A_1963, %swap3A_1964] {strides = array<i32>} : memref<128x128xf32, #tpu.memory_space<vmem>>, vector<1x16xf32>,
        %swap3A_1966 = vector.shape_cast %swap3A_1965 : vector<1x16xf32> to vector<16xf32>
        %swap3A_1967 = vector.shape_cast %add3A_1962 : vector<16xf32> to vector<1x16xf32>
        tpu.vector_store %arg9[%swap3A_1963, %swap3A_1964], %swap3A_1967 {strides = array<i32>} : memref<128x128xf32, #tpu.memory_space<vmem>>, vector<1x16xf32>,
        %get3A_1968 = arith.index_cast %add3A_1908 : i32 to index
        %get3A_1969 = arith.constant 96 : index
        %get3A_1970 = tpu.vector_load %arg9[%get3A_1968, %get3A_1969] {strides = array<i32>} : memref<128x128xf32, #tpu.memory_space<vmem>>, vector<1x16xf32>,
        %get3A_1971 = vector.shape_cast %get3A_1970 : vector<1x16xf32> to vector<16xf32>
        %add3A_1972 = arith.addf %get3A_1971, %get3A_928 : vector<16xf32>
        %swap3A_1973 = arith.index_cast %add3A_1908 : i32 to index
        %swap3A_1974 = arith.constant 96 : index
        %swap3A_1975 = tpu.vector_load %arg9[%swap3A_1973, %swap3A_1974] {strides = array<i32>} : memref<128x128xf32, #tpu.memory_space<vmem>>, vector<1x16xf32>,
        %swap3A_1976 = vector.shape_cast %swap3A_1975 : vector<1x16xf32> to vector<16xf32>
        %swap3A_1977 = vector.shape_cast %add3A_1972 : vector<16xf32> to vector<1x16xf32>
        tpu.vector_store %arg9[%swap3A_1973, %swap3A_1974], %swap3A_1977 {strides = array<i32>} : memref<128x128xf32, #tpu.memory_space<vmem>>, vector<1x16xf32>,
        %get3A_1978 = arith.index_cast %add3A_1908 : i32 to index
        %get3A_1979 = arith.constant 112 : index
        %get3A_1980 = tpu.vector_load %arg9[%get3A_1978, %get3A_1979] {strides = array<i32>} : memref<128x128xf32, #tpu.memory_space<vmem>>, vector<1x16xf32>,
        %get3A_1981 = vector.shape_cast %get3A_1980 : vector<1x16xf32> to vector<16xf32>
        %add3A_1982 = arith.addf %get3A_1981, %get3A_936 : vector<16xf32>
        %swap3A_1983 = arith.index_cast %add3A_1908 : i32 to index
        %swap3A_1984 = arith.constant 112 : index
        %swap3A_1985 = tpu.vector_load %arg9[%swap3A_1983, %swap3A_1984] {strides = array<i32>} : memref<128x128xf32, #tpu.memory_space<vmem>>, vector<1x16xf32>,
        %swap3A_1986 = vector.shape_cast %swap3A_1985 : vector<1x16xf32> to vector<16xf32>
        %swap3A_1987 = vector.shape_cast %add3A_1982 : vector<16xf32> to vector<1x16xf32>
        tpu.vector_store %arg9[%swap3A_1983, %swap3A_1984], %swap3A_1987 {strides = array<i32>} : memref<128x128xf32, #tpu.memory_space<vmem>>, vector<1x16xf32>,
        %add3A_1988 = arith.constant 32 : i32
        %add3A_1989 = arith.addi %add3A_1988, %add3A_1906 : i32
        %get3A_1990 = arith.index_cast %add3A_1989 : i32 to index
        %get3A_1991 = arith.constant 0 : index
        %get3A_1992 = tpu.vector_load %arg9[%get3A_1990, %get3A_1991] {strides = array<i32>} : memref<128x128xf32, #tpu.memory_space<vmem>>, vector<1x16xf32>,
        %get3A_1993 = vector.shape_cast %get3A_1992 : vector<1x16xf32> to vector<16xf32>
        %add3A_1994 = arith.addf %get3A_1993, %get3A_944 : vector<16xf32>
        %swap3A_1995 = arith.index_cast %add3A_1989 : i32 to index
        %swap3A_1996 = arith.constant 0 : index
        %swap3A_1997 = tpu.vector_load %arg9[%swap3A_1995, %swap3A_1996] {strides = array<i32>} : memref<128x128xf32, #tpu.memory_space<vmem>>, vector<1x16xf32>,
        %swap3A_1998 = vector.shape_cast %swap3A_1997 : vector<1x16xf32> to vector<16xf32>
        %swap3A_1999 = vector.shape_cast %add3A_1994 : vector<16xf32> to vector<1x16xf32>
        tpu.vector_store %arg9[%swap3A_1995, %swap3A_1996], %swap3A_1999 {strides = array<i32>} : memref<128x128xf32, #tpu.memory_space<vmem>>, vector<1x16xf32>,
        %get3A_2000 = arith.index_cast %add3A_1989 : i32 to index
        %get3A_2001 = arith.constant 16 : index
        %get3A_2002 = tpu.vector_load %arg9[%get3A_2000, %get3A_2001] {strides = array<i32>} : memref<128x128xf32, #tpu.memory_space<vmem>>, vector<1x16xf32>,
        %get3A_2003 = vector.shape_cast %get3A_2002 : vector<1x16xf32> to vector<16xf32>
        %add3A_2004 = arith.addf %get3A_2003, %get3A_952 : vector<16xf32>
        %swap3A_2005 = arith.index_cast %add3A_1989 : i32 to index
        %swap3A_2006 = arith.constant 16 : index
        %swap3A_2007 = tpu.vector_load %arg9[%swap3A_2005, %swap3A_2006] {strides = array<i32>} : memref<128x128xf32, #tpu.memory_space<vmem>>, vector<1x16xf32>,
        %swap3A_2008 = vector.shape_cast %swap3A_2007 : vector<1x16xf32> to vector<16xf32>
        %swap3A_2009 = vector.shape_cast %add3A_2004 : vector<16xf32> to vector<1x16xf32>
        tpu.vector_store %arg9[%swap3A_2005, %swap3A_2006], %swap3A_2009 {strides = array<i32>} : memref<128x128xf32, #tpu.memory_space<vmem>>, vector<1x16xf32>,
        %get3A_2010 = arith.index_cast %add3A_1989 : i32 to index
        %get3A_2011 = arith.constant 32 : index
        %get3A_2012 = tpu.vector_load %arg9[%get3A_2010, %get3A_2011] {strides = array<i32>} : memref<128x128xf32, #tpu.memory_space<vmem>>, vector<1x16xf32>,
        %get3A_2013 = vector.shape_cast %get3A_2012 : vector<1x16xf32> to vector<16xf32>
        %add3A_2014 = arith.addf %get3A_2013, %get3A_960 : vector<16xf32>
        %swap3A_2015 = arith.index_cast %add3A_1989 : i32 to index
        %swap3A_2016 = arith.constant 32 : index
        %swap3A_2017 = tpu.vector_load %arg9[%swap3A_2015, %swap3A_2016] {strides = array<i32>} : memref<128x128xf32, #tpu.memory_space<vmem>>, vector<1x16xf32>,
        %swap3A_2018 = vector.shape_cast %swap3A_2017 : vector<1x16xf32> to vector<16xf32>
        %swap3A_2019 = vector.shape_cast %add3A_2014 : vector<16xf32> to vector<1x16xf32>
        tpu.vector_store %arg9[%swap3A_2015, %swap3A_2016], %swap3A_2019 {strides = array<i32>} : memref<128x128xf32, #tpu.memory_space<vmem>>, vector<1x16xf32>,
        %get3A_2020 = arith.index_cast %add3A_1989 : i32 to index
        %get3A_2021 = arith.constant 48 : index
        %get3A_2022 = tpu.vector_load %arg9[%get3A_2020, %get3A_2021] {strides = array<i32>} : memref<128x128xf32, #tpu.memory_space<vmem>>, vector<1x16xf32>,
        %get3A_2023 = vector.shape_cast %get3A_2022 : vector<1x16xf32> to vector<16xf32>
        %add3A_2024 = arith.addf %get3A_2023, %get3A_968 : vector<16xf32>
        %swap3A_2025 = arith.index_cast %add3A_1989 : i32 to index
        %swap3A_2026 = arith.constant 48 : index
        %swap3A_2027 = tpu.vector_load %arg9[%swap3A_2025, %swap3A_2026] {strides = array<i32>} : memref<128x128xf32, #tpu.memory_space<vmem>>, vector<1x16xf32>,
        %swap3A_2028 = vector.shape_cast %swap3A_2027 : vector<1x16xf32> to vector<16xf32>
        %swap3A_2029 = vector.shape_cast %add3A_2024 : vector<16xf32> to vector<1x16xf32>
        tpu.vector_store %arg9[%swap3A_2025, %swap3A_2026], %swap3A_2029 {strides = array<i32>} : memref<128x128xf32, #tpu.memory_space<vmem>>, vector<1x16xf32>,
        %get3A_2030 = arith.index_cast %add3A_1989 : i32 to index
        %get3A_2031 = arith.constant 64 : index
        %get3A_2032 = tpu.vector_load %arg9[%get3A_2030, %get3A_2031] {strides = array<i32>} : memref<128x128xf32, #tpu.memory_space<vmem>>, vector<1x16xf32>,
        %get3A_2033 = vector.shape_cast %get3A_2032 : vector<1x16xf32> to vector<16xf32>
        %add3A_2034 = arith.addf %get3A_2033, %get3A_976 : vector<16xf32>
        %swap3A_2035 = arith.index_cast %add3A_1989 : i32 to index
        %swap3A_2036 = arith.constant 64 : index
        %swap3A_2037 = tpu.vector_load %arg9[%swap3A_2035, %swap3A_2036] {strides = array<i32>} : memref<128x128xf32, #tpu.memory_space<vmem>>, vector<1x16xf32>,
        %swap3A_2038 = vector.shape_cast %swap3A_2037 : vector<1x16xf32> to vector<16xf32>
        %swap3A_2039 = vector.shape_cast %add3A_2034 : vector<16xf32> to vector<1x16xf32>
        tpu.vector_store %arg9[%swap3A_2035, %swap3A_2036], %swap3A_2039 {strides = array<i32>} : memref<128x128xf32, #tpu.memory_space<vmem>>, vector<1x16xf32>,
        %get3A_2040 = arith.index_cast %add3A_1989 : i32 to index
        %get3A_2041 = arith.constant 80 : index
        %get3A_2042 = tpu.vector_load %arg9[%get3A_2040, %get3A_2041] {strides = array<i32>} : memref<128x128xf32, #tpu.memory_space<vmem>>, vector<1x16xf32>,
        %get3A_2043 = vector.shape_cast %get3A_2042 : vector<1x16xf32> to vector<16xf32>
        %add3A_2044 = arith.addf %get3A_2043, %get3A_984 : vector<16xf32>
        %swap3A_2045 = arith.index_cast %add3A_1989 : i32 to index
        %swap3A_2046 = arith.constant 80 : index
        %swap3A_2047 = tpu.vector_load %arg9[%swap3A_2045, %swap3A_2046] {strides = array<i32>} : memref<128x128xf32, #tpu.memory_space<vmem>>, vector<1x16xf32>,
        %swap3A_2048 = vector.shape_cast %swap3A_2047 : vector<1x16xf32> to vector<16xf32>
        %swap3A_2049 = vector.shape_cast %add3A_2044 : vector<16xf32> to vector<1x16xf32>
        tpu.vector_store %arg9[%swap3A_2045, %swap3A_2046], %swap3A_2049 {strides = array<i32>} : memref<128x128xf32, #tpu.memory_space<vmem>>, vector<1x16xf32>,
        %get3A_2050 = arith.index_cast %add3A_1989 : i32 to index
        %get3A_2051 = arith.constant 96 : index
        %get3A_2052 = tpu.vector_load %arg9[%get3A_2050, %get3A_2051] {strides = array<i32>} : memref<128x128xf32, #tpu.memory_space<vmem>>, vector<1x16xf32>,
        %get3A_2053 = vector.shape_cast %get3A_2052 : vector<1x16xf32> to vector<16xf32>
        %add3A_2054 = arith.addf %get3A_2053, %get3A_992 : vector<16xf32>
        %swap3A_2055 = arith.index_cast %add3A_1989 : i32 to index
        %swap3A_2056 = arith.constant 96 : index
        %swap3A_2057 = tpu.vector_load %arg9[%swap3A_2055, %swap3A_2056] {strides = array<i32>} : memref<128x128xf32, #tpu.memory_space<vmem>>, vector<1x16xf32>,
        %swap3A_2058 = vector.shape_cast %swap3A_2057 : vector<1x16xf32> to vector<16xf32>
        %swap3A_2059 = vector.shape_cast %add3A_2054 : vector<16xf32> to vector<1x16xf32>
        tpu.vector_store %arg9[%swap3A_2055, %swap3A_2056], %swap3A_2059 {strides = array<i32>} : memref<128x128xf32, #tpu.memory_space<vmem>>, vector<1x16xf32>,
        %get3A_2060 = arith.index_cast %add3A_1989 : i32 to index
        %get3A_2061 = arith.constant 112 : index
        %get3A_2062 = tpu.vector_load %arg9[%get3A_2060, %get3A_2061] {strides = array<i32>} : memref<128x128xf32, #tpu.memory_space<vmem>>, vector<1x16xf32>,
        %get3A_2063 = vector.shape_cast %get3A_2062 : vector<1x16xf32> to vector<16xf32>
        %add3A_2064 = arith.addf %get3A_2063, %get3A_1000 : vector<16xf32>
        %swap3A_2065 = arith.index_cast %add3A_1989 : i32 to index
        %swap3A_2066 = arith.constant 112 : index
        %swap3A_2067 = tpu.vector_load %arg9[%swap3A_2065, %swap3A_2066] {strides = array<i32>} : memref<128x128xf32, #tpu.memory_space<vmem>>, vector<1x16xf32>,
        %swap3A_2068 = vector.shape_cast %swap3A_2067 : vector<1x16xf32> to vector<16xf32>
        %swap3A_2069 = vector.shape_cast %add3A_2064 : vector<16xf32> to vector<1x16xf32>
        tpu.vector_store %arg9[%swap3A_2065, %swap3A_2066], %swap3A_2069 {strides = array<i32>} : memref<128x128xf32, #tpu.memory_space<vmem>>, vector<1x16xf32>,
        %add3A_2070 = arith.constant 64 : i32
        %add3A_2071 = arith.addi %add3A_2070, %add3A_1906 : i32
        %get3A_2072 = arith.index_cast %add3A_2071 : i32 to index
        %get3A_2073 = arith.constant 0 : index
        %get3A_2074 = tpu.vector_load %arg9[%get3A_2072, %get3A_2073] {strides = array<i32>} : memref<128x128xf32, #tpu.memory_space<vmem>>, vector<1x16xf32>,
        %get3A_2075 = vector.shape_cast %get3A_2074 : vector<1x16xf32> to vector<16xf32>
        %add3A_2076 = arith.addf %get3A_2075, %get3A_1008 : vector<16xf32>
        %swap3A_2077 = arith.index_cast %add3A_2071 : i32 to index
        %swap3A_2078 = arith.constant 0 : index
        %swap3A_2079 = tpu.vector_load %arg9[%swap3A_2077, %swap3A_2078] {strides = array<i32>} : memref<128x128xf32, #tpu.memory_space<vmem>>, vector<1x16xf32>,
        %swap3A_2080 = vector.shape_cast %swap3A_2079 : vector<1x16xf32> to vector<16xf32>
        %swap3A_2081 = vector.shape_cast %add3A_2076 : vector<16xf32> to vector<1x16xf32>
        tpu.vector_store %arg9[%swap3A_2077, %swap3A_2078], %swap3A_2081 {strides = array<i32>} : memref<128x128xf32, #tpu.memory_space<vmem>>, vector<1x16xf32>,
        %get3A_2082 = arith.index_cast %add3A_2071 : i32 to index
        %get3A_2083 = arith.constant 16 : index
        %get3A_2084 = tpu.vector_load %arg9[%get3A_2082, %get3A_2083] {strides = array<i32>} : memref<128x128xf32, #tpu.memory_space<vmem>>, vector<1x16xf32>,
        %get3A_2085 = vector.shape_cast %get3A_2084 : vector<1x16xf32> to vector<16xf32>
        %add3A_2086 = arith.addf %get3A_2085, %get3A_1016 : vector<16xf32>
        %swap3A_2087 = arith.index_cast %add3A_2071 : i32 to index
        %swap3A_2088 = arith.constant 16 : index
        %swap3A_2089 = tpu.vector_load %arg9[%swap3A_2087, %swap3A_2088] {strides = array<i32>} : memref<128x128xf32, #tpu.memory_space<vmem>>, vector<1x16xf32>,
        %swap3A_2090 = vector.shape_cast %swap3A_2089 : vector<1x16xf32> to vector<16xf32>
        %swap3A_2091 = vector.shape_cast %add3A_2086 : vector<16xf32> to vector<1x16xf32>
        tpu.vector_store %arg9[%swap3A_2087, %swap3A_2088], %swap3A_2091 {strides = array<i32>} : memref<128x128xf32, #tpu.memory_space<vmem>>, vector<1x16xf32>,
        %get3A_2092 = arith.index_cast %add3A_2071 : i32 to index
        %get3A_2093 = arith.constant 32 : index
        %get3A_2094 = tpu.vector_load %arg9[%get3A_2092, %get3A_2093] {strides = array<i32>} : memref<128x128xf32, #tpu.memory_space<vmem>>, vector<1x16xf32>,
        %get3A_2095 = vector.shape_cast %get3A_2094 : vector<1x16xf32> to vector<16xf32>
        %add3A_2096 = arith.addf %get3A_2095, %get3A_1024 : vector<16xf32>
        %swap3A_2097 = arith.index_cast %add3A_2071 : i32 to index
        %swap3A_2098 = arith.constant 32 : index
        %swap3A_2099 = tpu.vector_load %arg9[%swap3A_2097, %swap3A_2098] {strides = array<i32>} : memref<128x128xf32, #tpu.memory_space<vmem>>, vector<1x16xf32>,
        %swap3A_2100 = vector.shape_cast %swap3A_2099 : vector<1x16xf32> to vector<16xf32>
        %swap3A_2101 = vector.shape_cast %add3A_2096 : vector<16xf32> to vector<1x16xf32>
        tpu.vector_store %arg9[%swap3A_2097, %swap3A_2098], %swap3A_2101 {strides = array<i32>} : memref<128x128xf32, #tpu.memory_space<vmem>>, vector<1x16xf32>,
        %get3A_2102 = arith.index_cast %add3A_2071 : i32 to index
        %get3A_2103 = arith.constant 48 : index
        %get3A_2104 = tpu.vector_load %arg9[%get3A_2102, %get3A_2103] {strides = array<i32>} : memref<128x128xf32, #tpu.memory_space<vmem>>, vector<1x16xf32>,
        %get3A_2105 = vector.shape_cast %get3A_2104 : vector<1x16xf32> to vector<16xf32>
        %add3A_2106 = arith.addf %get3A_2105, %get3A_1032 : vector<16xf32>
        %swap3A_2107 = arith.index_cast %add3A_2071 : i32 to index
        %swap3A_2108 = arith.constant 48 : index
        %swap3A_2109 = tpu.vector_load %arg9[%swap3A_2107, %swap3A_2108] {strides = array<i32>} : memref<128x128xf32, #tpu.memory_space<vmem>>, vector<1x16xf32>,
        %swap3A_2110 = vector.shape_cast %swap3A_2109 : vector<1x16xf32> to vector<16xf32>
        %swap3A_2111 = vector.shape_cast %add3A_2106 : vector<16xf32> to vector<1x16xf32>
        tpu.vector_store %arg9[%swap3A_2107, %swap3A_2108], %swap3A_2111 {strides = array<i32>} : memref<128x128xf32, #tpu.memory_space<vmem>>, vector<1x16xf32>,
        %get3A_2112 = arith.index_cast %add3A_2071 : i32 to index
        %get3A_2113 = arith.constant 64 : index
        %get3A_2114 = tpu.vector_load %arg9[%get3A_2112, %get3A_2113] {strides = array<i32>} : memref<128x128xf32, #tpu.memory_space<vmem>>, vector<1x16xf32>,
        %get3A_2115 = vector.shape_cast %get3A_2114 : vector<1x16xf32> to vector<16xf32>
        %add3A_2116 = arith.addf %get3A_2115, %get3A_1040 : vector<16xf32>
        %swap3A_2117 = arith.index_cast %add3A_2071 : i32 to index
        %swap3A_2118 = arith.constant 64 : index
        %swap3A_2119 = tpu.vector_load %arg9[%swap3A_2117, %swap3A_2118] {strides = array<i32>} : memref<128x128xf32, #tpu.memory_space<vmem>>, vector<1x16xf32>,
        %swap3A_2120 = vector.shape_cast %swap3A_2119 : vector<1x16xf32> to vector<16xf32>
        %swap3A_2121 = vector.shape_cast %add3A_2116 : vector<16xf32> to vector<1x16xf32>
        tpu.vector_store %arg9[%swap3A_2117, %swap3A_2118], %swap3A_2121 {strides = array<i32>} : memref<128x128xf32, #tpu.memory_space<vmem>>, vector<1x16xf32>,
        %get3A_2122 = arith.index_cast %add3A_2071 : i32 to index
        %get3A_2123 = arith.constant 80 : index
        %get3A_2124 = tpu.vector_load %arg9[%get3A_2122, %get3A_2123] {strides = array<i32>} : memref<128x128xf32, #tpu.memory_space<vmem>>, vector<1x16xf32>,
        %get3A_2125 = vector.shape_cast %get3A_2124 : vector<1x16xf32> to vector<16xf32>
        %add3A_2126 = arith.addf %get3A_2125, %get3A_1048 : vector<16xf32>
        %swap3A_2127 = arith.index_cast %add3A_2071 : i32 to index
        %swap3A_2128 = arith.constant 80 : index
        %swap3A_2129 = tpu.vector_load %arg9[%swap3A_2127, %swap3A_2128] {strides = array<i32>} : memref<128x128xf32, #tpu.memory_space<vmem>>, vector<1x16xf32>,
        %swap3A_2130 = vector.shape_cast %swap3A_2129 : vector<1x16xf32> to vector<16xf32>
        %swap3A_2131 = vector.shape_cast %add3A_2126 : vector<16xf32> to vector<1x16xf32>
        tpu.vector_store %arg9[%swap3A_2127, %swap3A_2128], %swap3A_2131 {strides = array<i32>} : memref<128x128xf32, #tpu.memory_space<vmem>>, vector<1x16xf32>,
        %get3A_2132 = arith.index_cast %add3A_2071 : i32 to index
        %get3A_2133 = arith.constant 96 : index
        %get3A_2134 = tpu.vector_load %arg9[%get3A_2132, %get3A_2133] {strides = array<i32>} : memref<128x128xf32, #tpu.memory_space<vmem>>, vector<1x16xf32>,
        %get3A_2135 = vector.shape_cast %get3A_2134 : vector<1x16xf32> to vector<16xf32>
        %add3A_2136 = arith.addf %get3A_2135, %get3A_1056 : vector<16xf32>
        %swap3A_2137 = arith.index_cast %add3A_2071 : i32 to index
        %swap3A_2138 = arith.constant 96 : index
        %swap3A_2139 = tpu.vector_load %arg9[%swap3A_2137, %swap3A_2138] {strides = array<i32>} : memref<128x128xf32, #tpu.memory_space<vmem>>, vector<1x16xf32>,
        %swap3A_2140 = vector.shape_cast %swap3A_2139 : vector<1x16xf32> to vector<16xf32>
        %swap3A_2141 = vector.shape_cast %add3A_2136 : vector<16xf32> to vector<1x16xf32>
        tpu.vector_store %arg9[%swap3A_2137, %swap3A_2138], %swap3A_2141 {strides = array<i32>} : memref<128x128xf32, #tpu.memory_space<vmem>>, vector<1x16xf32>,
        %get3A_2142 = arith.index_cast %add3A_2071 : i32 to index
        %get3A_2143 = arith.constant 112 : index
        %get3A_2144 = tpu.vector_load %arg9[%get3A_2142, %get3A_2143] {strides = array<i32>} : memref<128x128xf32, #tpu.memory_space<vmem>>, vector<1x16xf32>,
        %get3A_2145 = vector.shape_cast %get3A_2144 : vector<1x16xf32> to vector<16xf32>
        %add3A_2146 = arith.addf %get3A_2145, %get3A_1064 : vector<16xf32>
        %swap3A_2147 = arith.index_cast %add3A_2071 : i32 to index
        %swap3A_2148 = arith.constant 112 : index
        %swap3A_2149 = tpu.vector_load %arg9[%swap3A_2147, %swap3A_2148] {strides = array<i32>} : memref<128x128xf32, #tpu.memory_space<vmem>>, vector<1x16xf32>,
        %swap3A_2150 = vector.shape_cast %swap3A_2149 : vector<1x16xf32> to vector<16xf32>
        %swap3A_2151 = vector.shape_cast %add3A_2146 : vector<16xf32> to vector<1x16xf32>
        tpu.vector_store %arg9[%swap3A_2147, %swap3A_2148], %swap3A_2151 {strides = array<i32>} : memref<128x128xf32, #tpu.memory_space<vmem>>, vector<1x16xf32>,
        %add3A_2152 = arith.constant 96 : i32
        %add3A_2153 = arith.addi %add3A_2152, %add3A_1906 : i32
        %get3A_2154 = arith.index_cast %add3A_2153 : i32 to index
        %get3A_2155 = arith.constant 0 : index
        %get3A_2156 = tpu.vector_load %arg9[%get3A_2154, %get3A_2155] {strides = array<i32>} : memref<128x128xf32, #tpu.memory_space<vmem>>, vector<1x16xf32>,
        %get3A_2157 = vector.shape_cast %get3A_2156 : vector<1x16xf32> to vector<16xf32>
        %add3A_2158 = arith.addf %get3A_2157, %get3A_1072 : vector<16xf32>
        %swap3A_2159 = arith.index_cast %add3A_2153 : i32 to index
        %swap3A_2160 = arith.constant 0 : index
        %swap3A_2161 = tpu.vector_load %arg9[%swap3A_2159, %swap3A_2160] {strides = array<i32>} : memref<128x128xf32, #tpu.memory_space<vmem>>, vector<1x16xf32>,
        %swap3A_2162 = vector.shape_cast %swap3A_2161 : vector<1x16xf32> to vector<16xf32>
        %swap3A_2163 = vector.shape_cast %add3A_2158 : vector<16xf32> to vector<1x16xf32>
        tpu.vector_store %arg9[%swap3A_2159, %swap3A_2160], %swap3A_2163 {strides = array<i32>} : memref<128x128xf32, #tpu.memory_space<vmem>>, vector<1x16xf32>,
        %get3A_2164 = arith.index_cast %add3A_2153 : i32 to index
        %get3A_2165 = arith.constant 16 : index
        %get3A_2166 = tpu.vector_load %arg9[%get3A_2164, %get3A_2165] {strides = array<i32>} : memref<128x128xf32, #tpu.memory_space<vmem>>, vector<1x16xf32>,
        %get3A_2167 = vector.shape_cast %get3A_2166 : vector<1x16xf32> to vector<16xf32>
        %add3A_2168 = arith.addf %get3A_2167, %get3A_1080 : vector<16xf32>
        %swap3A_2169 = arith.index_cast %add3A_2153 : i32 to index
        %swap3A_2170 = arith.constant 16 : index
        %swap3A_2171 = tpu.vector_load %arg9[%swap3A_2169, %swap3A_2170] {strides = array<i32>} : memref<128x128xf32, #tpu.memory_space<vmem>>, vector<1x16xf32>,
        %swap3A_2172 = vector.shape_cast %swap3A_2171 : vector<1x16xf32> to vector<16xf32>
        %swap3A_2173 = vector.shape_cast %add3A_2168 : vector<16xf32> to vector<1x16xf32>
        tpu.vector_store %arg9[%swap3A_2169, %swap3A_2170], %swap3A_2173 {strides = array<i32>} : memref<128x128xf32, #tpu.memory_space<vmem>>, vector<1x16xf32>,
        %get3A_2174 = arith.index_cast %add3A_2153 : i32 to index
        %get3A_2175 = arith.constant 32 : index
        %get3A_2176 = tpu.vector_load %arg9[%get3A_2174, %get3A_2175] {strides = array<i32>} : memref<128x128xf32, #tpu.memory_space<vmem>>, vector<1x16xf32>,
        %get3A_2177 = vector.shape_cast %get3A_2176 : vector<1x16xf32> to vector<16xf32>
        %add3A_2178 = arith.addf %get3A_2177, %get3A_1088 : vector<16xf32>
        %swap3A_2179 = arith.index_cast %add3A_2153 : i32 to index
        %swap3A_2180 = arith.constant 32 : index
        %swap3A_2181 = tpu.vector_load %arg9[%swap3A_2179, %swap3A_2180] {strides = array<i32>} : memref<128x128xf32, #tpu.memory_space<vmem>>, vector<1x16xf32>,
        %swap3A_2182 = vector.shape_cast %swap3A_2181 : vector<1x16xf32> to vector<16xf32>
        %swap3A_2183 = vector.shape_cast %add3A_2178 : vector<16xf32> to vector<1x16xf32>
        tpu.vector_store %arg9[%swap3A_2179, %swap3A_2180], %swap3A_2183 {strides = array<i32>} : memref<128x128xf32, #tpu.memory_space<vmem>>, vector<1x16xf32>,
        %get3A_2184 = arith.index_cast %add3A_2153 : i32 to index
        %get3A_2185 = arith.constant 48 : index
        %get3A_2186 = tpu.vector_load %arg9[%get3A_2184, %get3A_2185] {strides = array<i32>} : memref<128x128xf32, #tpu.memory_space<vmem>>, vector<1x16xf32>,
        %get3A_2187 = vector.shape_cast %get3A_2186 : vector<1x16xf32> to vector<16xf32>
        %add3A_2188 = arith.addf %get3A_2187, %get3A_1096 : vector<16xf32>
        %swap3A_2189 = arith.index_cast %add3A_2153 : i32 to index
        %swap3A_2190 = arith.constant 48 : index
        %swap3A_2191 = tpu.vector_load %arg9[%swap3A_2189, %swap3A_2190] {strides = array<i32>} : memref<128x128xf32, #tpu.memory_space<vmem>>, vector<1x16xf32>,
        %swap3A_2192 = vector.shape_cast %swap3A_2191 : vector<1x16xf32> to vector<16xf32>
        %swap3A_2193 = vector.shape_cast %add3A_2188 : vector<16xf32> to vector<1x16xf32>
        tpu.vector_store %arg9[%swap3A_2189, %swap3A_2190], %swap3A_2193 {strides = array<i32>} : memref<128x128xf32, #tpu.memory_space<vmem>>, vector<1x16xf32>,
        %get3A_2194 = arith.index_cast %add3A_2153 : i32 to index
        %get3A_2195 = arith.constant 64 : index
        %get3A_2196 = tpu.vector_load %arg9[%get3A_2194, %get3A_2195] {strides = array<i32>} : memref<128x128xf32, #tpu.memory_space<vmem>>, vector<1x16xf32>,
        %get3A_2197 = vector.shape_cast %get3A_2196 : vector<1x16xf32> to vector<16xf32>
        %add3A_2198 = arith.addf %get3A_2197, %get3A_1104 : vector<16xf32>
        %swap3A_2199 = arith.index_cast %add3A_2153 : i32 to index
        %swap3A_2200 = arith.constant 64 : index
        %swap3A_2201 = tpu.vector_load %arg9[%swap3A_2199, %swap3A_2200] {strides = array<i32>} : memref<128x128xf32, #tpu.memory_space<vmem>>, vector<1x16xf32>,
        %swap3A_2202 = vector.shape_cast %swap3A_2201 : vector<1x16xf32> to vector<16xf32>
        %swap3A_2203 = vector.shape_cast %add3A_2198 : vector<16xf32> to vector<1x16xf32>
        tpu.vector_store %arg9[%swap3A_2199, %swap3A_2200], %swap3A_2203 {strides = array<i32>} : memref<128x128xf32, #tpu.memory_space<vmem>>, vector<1x16xf32>,
        %get3A_2204 = arith.index_cast %add3A_2153 : i32 to index
        %get3A_2205 = arith.constant 80 : index
        %get3A_2206 = tpu.vector_load %arg9[%get3A_2204, %get3A_2205] {strides = array<i32>} : memref<128x128xf32, #tpu.memory_space<vmem>>, vector<1x16xf32>,
        %get3A_2207 = vector.shape_cast %get3A_2206 : vector<1x16xf32> to vector<16xf32>
        %add3A_2208 = arith.addf %get3A_2207, %get3A_1112 : vector<16xf32>
        %swap3A_2209 = arith.index_cast %add3A_2153 : i32 to index
        %swap3A_2210 = arith.constant 80 : index
        %swap3A_2211 = tpu.vector_load %arg9[%swap3A_2209, %swap3A_2210] {strides = array<i32>} : memref<128x128xf32, #tpu.memory_space<vmem>>, vector<1x16xf32>,
        %swap3A_2212 = vector.shape_cast %swap3A_2211 : vector<1x16xf32> to vector<16xf32>
        %swap3A_2213 = vector.shape_cast %add3A_2208 : vector<16xf32> to vector<1x16xf32>
        tpu.vector_store %arg9[%swap3A_2209, %swap3A_2210], %swap3A_2213 {strides = array<i32>} : memref<128x128xf32, #tpu.memory_space<vmem>>, vector<1x16xf32>,
        %get3A_2214 = arith.index_cast %add3A_2153 : i32 to index
        %get3A_2215 = arith.constant 96 : index
        %get3A_2216 = tpu.vector_load %arg9[%get3A_2214, %get3A_2215] {strides = array<i32>} : memref<128x128xf32, #tpu.memory_space<vmem>>, vector<1x16xf32>,
        %get3A_2217 = vector.shape_cast %get3A_2216 : vector<1x16xf32> to vector<16xf32>
        %add3A_2218 = arith.addf %get3A_2217, %get3A_1120 : vector<16xf32>
        %swap3A_2219 = arith.index_cast %add3A_2153 : i32 to index
        %swap3A_2220 = arith.constant 96 : index
        %swap3A_2221 = tpu.vector_load %arg9[%swap3A_2219, %swap3A_2220] {strides = array<i32>} : memref<128x128xf32, #tpu.memory_space<vmem>>, vector<1x16xf32>,
        %swap3A_2222 = vector.shape_cast %swap3A_2221 : vector<1x16xf32> to vector<16xf32>
        %swap3A_2223 = vector.shape_cast %add3A_2218 : vector<16xf32> to vector<1x16xf32>
        tpu.vector_store %arg9[%swap3A_2219, %swap3A_2220], %swap3A_2223 {strides = array<i32>} : memref<128x128xf32, #tpu.memory_space<vmem>>, vector<1x16xf32>,
        %get3A_2224 = arith.index_cast %add3A_2153 : i32 to index
        %get3A_2225 = arith.constant 112 : index
        %get3A_2226 = tpu.vector_load %arg9[%get3A_2224, %get3A_2225] {strides = array<i32>} : memref<128x128xf32, #tpu.memory_space<vmem>>, vector<1x16xf32>,
        %get3A_2227 = vector.shape_cast %get3A_2226 : vector<1x16xf32> to vector<16xf32>
        %add3A_2228 = arith.addf %get3A_2227, %get3A_1128 : vector<16xf32>
        %swap3A_2229 = arith.index_cast %add3A_2153 : i32 to index
        %swap3A_2230 = arith.constant 112 : index
        %swap3A_2231 = tpu.vector_load %arg9[%swap3A_2229, %swap3A_2230] {strides = array<i32>} : memref<128x128xf32, #tpu.memory_space<vmem>>, vector<1x16xf32>,
        %swap3A_2232 = vector.shape_cast %swap3A_2231 : vector<1x16xf32> to vector<16xf32>
        %swap3A_2233 = vector.shape_cast %add3A_2228 : vector<16xf32> to vector<1x16xf32>
        tpu.vector_store %arg9[%swap3A_2229, %swap3A_2230], %swap3A_2233 {strides = array<i32>} : memref<128x128xf32, #tpu.memory_space<vmem>>, vector<1x16xf32>,
      }
      %scan3A_1133 = arith.constant 32 : i32
      %mul3A_1134 = arith.constant 4 : i32
      %mul3A_1135 = arith.muli %mul3A_1134, %add3A_853 : i32
      %add3A_1136 = arith.constant 0 : i32
      %add3A_1137 = arith.addi %mul3A_1135, %add3A_1136 : i32
      %dma_start3A_1138 = arith.constant 0 : i32
      %dma_start3A_1139 = arith.constant 0 : i32
      %dma_start3A_1140 = tpu.memref_slice %arg9[%dma_start3A_1138, %dma_start3A_1139] : memref<128x128xf32, #tpu.memory_space<vmem>> -> memref<32x128xf32, #tpu.memory_space<vmem>>
      %dma_start3A_1141 = arith.constant 0 : i32
      %dma_start3A_1142 = tpu.memref_slice %arg5[%mul3A_2, %add3A_1137, %dma_start3A_1141] : memref<1024x200x128xf32, #tpu.memory_space<hbm>> -> memref<32x1x128xf32, #tpu.memory_space<hbm>>
      %dma_start3A_1143 = tpu.memref_squeeze %dma_start3A_1142 : memref<32x1x128xf32, #tpu.memory_space<hbm>> -> memref<32x128xf32, #tpu.memory_space<hbm>>
      %dma_start3A_1144 = arith.constant 0 : i32
      %dma_start3A_1145 = tpu.memref_slice %arg5[%mul3A_2, %add3A_1137, %dma_start3A_1144] : memref<1024x200x128xf32, #tpu.memory_space<hbm>> -> memref<32x1x128xf32, #tpu.memory_space<hbm>>
      %dma_start3A_1146 = tpu.memref_squeeze %dma_start3A_1145 : memref<32x1x128xf32, #tpu.memory_space<hbm>> -> memref<32x128xf32, #tpu.memory_space<hbm>>
      %dma_start3A_1147 = arith.constant 0 : i32
      %dma_start3A_1148 = arith.constant 0 : i32
      %dma_start3A_1149 = tpu.memref_slice %arg9[%dma_start3A_1147, %dma_start3A_1148] : memref<128x128xf32, #tpu.memory_space<vmem>> -> memref<32x128xf32, #tpu.memory_space<vmem>>
      tpu.enqueue_dma source(%dma_start3A_1149 : memref<32x128xf32, #tpu.memory_space<vmem>>) target(%dma_start3A_1146 : memref<32x128xf32, #tpu.memory_space<hbm>>) target_semaphore(%arg17 : memref<!tpu.dma_semaphore, #tpu.memory_space<semaphore_mem>>)
      %mul3A_1150 = arith.constant 4 : i32
      %mul3A_1151 = arith.muli %mul3A_1150, %add3A_853 : i32
      %add3A_1152 = arith.constant 1 : i32
      %add3A_1153 = arith.addi %mul3A_1151, %add3A_1152 : i32
      %dma_start3A_1154 = arith.constant 32 : i32
      %dma_start3A_1155 = arith.constant 0 : i32
      %dma_start3A_1156 = tpu.memref_slice %arg9[%dma_start3A_1154, %dma_start3A_1155] : memref<128x128xf32, #tpu.memory_space<vmem>> -> memref<32x128xf32, #tpu.memory_space<vmem>>
      %dma_start3A_1157 = arith.constant 0 : i32
      %dma_start3A_1158 = tpu.memref_slice %arg5[%mul3A_2, %add3A_1153, %dma_start3A_1157] : memref<1024x200x128xf32, #tpu.memory_space<hbm>> -> memref<32x1x128xf32, #tpu.memory_space<hbm>>
      %dma_start3A_1159 = tpu.memref_squeeze %dma_start3A_1158 : memref<32x1x128xf32, #tpu.memory_space<hbm>> -> memref<32x128xf32, #tpu.memory_space<hbm>>
      %dma_start3A_1160 = arith.constant 0 : i32
      %dma_start3A_1161 = tpu.memref_slice %arg5[%mul3A_2, %add3A_1153, %dma_start3A_1160] : memref<1024x200x128xf32, #tpu.memory_space<hbm>> -> memref<32x1x128xf32, #tpu.memory_space<hbm>>
      %dma_start3A_1162 = tpu.memref_squeeze %dma_start3A_1161 : memref<32x1x128xf32, #tpu.memory_space<hbm>> -> memref<32x128xf32, #tpu.memory_space<hbm>>
      %dma_start3A_1163 = arith.constant 32 : i32
      %dma_start3A_1164 = arith.constant 0 : i32
      %dma_start3A_1165 = tpu.memref_slice %arg9[%dma_start3A_1163, %dma_start3A_1164] : memref<128x128xf32, #tpu.memory_space<vmem>> -> memref<32x128xf32, #tpu.memory_space<vmem>>
      tpu.enqueue_dma source(%dma_start3A_1165 : memref<32x128xf32, #tpu.memory_space<vmem>>) target(%dma_start3A_1162 : memref<32x128xf32, #tpu.memory_space<hbm>>) target_semaphore(%arg17 : memref<!tpu.dma_semaphore, #tpu.memory_space<semaphore_mem>>)
      %mul3A_1166 = arith.constant 4 : i32
      %mul3A_1167 = arith.muli %mul3A_1166, %add3A_853 : i32
      %add3A_1168 = arith.constant 2 : i32
      %add3A_1169 = arith.addi %mul3A_1167, %add3A_1168 : i32
      %dma_start3A_1170 = arith.constant 64 : i32
      %dma_start3A_1171 = arith.constant 0 : i32
      %dma_start3A_1172 = tpu.memref_slice %arg9[%dma_start3A_1170, %dma_start3A_1171] : memref<128x128xf32, #tpu.memory_space<vmem>> -> memref<32x128xf32, #tpu.memory_space<vmem>>
      %dma_start3A_1173 = arith.constant 0 : i32
      %dma_start3A_1174 = tpu.memref_slice %arg5[%mul3A_2, %add3A_1169, %dma_start3A_1173] : memref<1024x200x128xf32, #tpu.memory_space<hbm>> -> memref<32x1x128xf32, #tpu.memory_space<hbm>>
      %dma_start3A_1175 = tpu.memref_squeeze %dma_start3A_1174 : memref<32x1x128xf32, #tpu.memory_space<hbm>> -> memref<32x128xf32, #tpu.memory_space<hbm>>
      %dma_start3A_1176 = arith.constant 0 : i32
      %dma_start3A_1177 = tpu.memref_slice %arg5[%mul3A_2, %add3A_1169, %dma_start3A_1176] : memref<1024x200x128xf32, #tpu.memory_space<hbm>> -> memref<32x1x128xf32, #tpu.memory_space<hbm>>
      %dma_start3A_1178 = tpu.memref_squeeze %dma_start3A_1177 : memref<32x1x128xf32, #tpu.memory_space<hbm>> -> memref<32x128xf32, #tpu.memory_space<hbm>>
      %dma_start3A_1179 = arith.constant 64 : i32
      %dma_start3A_1180 = arith.constant 0 : i32
      %dma_start3A_1181 = tpu.memref_slice %arg9[%dma_start3A_1179, %dma_start3A_1180] : memref<128x128xf32, #tpu.memory_space<vmem>> -> memref<32x128xf32, #tpu.memory_space<vmem>>
      tpu.enqueue_dma source(%dma_start3A_1181 : memref<32x128xf32, #tpu.memory_space<vmem>>) target(%dma_start3A_1178 : memref<32x128xf32, #tpu.memory_space<hbm>>) target_semaphore(%arg17 : memref<!tpu.dma_semaphore, #tpu.memory_space<semaphore_mem>>)
      %mul3A_1182 = arith.constant 4 : i32
      %mul3A_1183 = arith.muli %mul3A_1182, %add3A_853 : i32
      %add3A_1184 = arith.constant 3 : i32
      %add3A_1185 = arith.addi %mul3A_1183, %add3A_1184 : i32
      %dma_start3A_1186 = arith.constant 96 : i32
      %dma_start3A_1187 = arith.constant 0 : i32
      %dma_start3A_1188 = tpu.memref_slice %arg9[%dma_start3A_1186, %dma_start3A_1187] : memref<128x128xf32, #tpu.memory_space<vmem>> -> memref<32x128xf32, #tpu.memory_space<vmem>>
      %dma_start3A_1189 = arith.constant 0 : i32
      %dma_start3A_1190 = tpu.memref_slice %arg5[%mul3A_2, %add3A_1185, %dma_start3A_1189] : memref<1024x200x128xf32, #tpu.memory_space<hbm>> -> memref<32x1x128xf32, #tpu.memory_space<hbm>>
      %dma_start3A_1191 = tpu.memref_squeeze %dma_start3A_1190 : memref<32x1x128xf32, #tpu.memory_space<hbm>> -> memref<32x128xf32, #tpu.memory_space<hbm>>
      %dma_start3A_1192 = arith.constant 0 : i32
      %dma_start3A_1193 = tpu.memref_slice %arg5[%mul3A_2, %add3A_1185, %dma_start3A_1192] : memref<1024x200x128xf32, #tpu.memory_space<hbm>> -> memref<32x1x128xf32, #tpu.memory_space<hbm>>
      %dma_start3A_1194 = tpu.memref_squeeze %dma_start3A_1193 : memref<32x1x128xf32, #tpu.memory_space<hbm>> -> memref<32x128xf32, #tpu.memory_space<hbm>>
      %dma_start3A_1195 = arith.constant 96 : i32
      %dma_start3A_1196 = arith.constant 0 : i32
      %dma_start3A_1197 = tpu.memref_slice %arg9[%dma_start3A_1195, %dma_start3A_1196] : memref<128x128xf32, #tpu.memory_space<vmem>> -> memref<32x128xf32, #tpu.memory_space<vmem>>
      tpu.enqueue_dma source(%dma_start3A_1197 : memref<32x128xf32, #tpu.memory_space<vmem>>) target(%dma_start3A_1194 : memref<32x128xf32, #tpu.memory_space<hbm>>) target_semaphore(%arg17 : memref<!tpu.dma_semaphore, #tpu.memory_space<semaphore_mem>>)
      %mul3A_1198 = arith.constant 4 : i32
      %mul3A_1199 = arith.muli %mul3A_1198, %add3A_504 : i32
      %add3A_1200 = arith.constant 2 : i32
      %add3A_1201 = arith.addi %mul3A_1199, %add3A_1200 : i32
      %dma_wait3A_1202 = arith.constant 0 : i32
      %dma_wait3A_1203 = arith.constant 0 : i32
      %dma_wait3A_1204 = arith.constant 0 : i32
      %dma_wait3A_1205 = tpu.memref_slice %arg5[%dma_wait3A_1202, %dma_wait3A_1203, %dma_wait3A_1204] : memref<1024x200x128xf32, #tpu.memory_space<hbm>> -> memref<1x128x128xf32, #tpu.memory_space<hbm>>
      %dma_wait3A_1206 = tpu.memref_squeeze %dma_wait3A_1205 : memref<1x128x128xf32, #tpu.memory_space<hbm>> -> memref<128x128xf32, #tpu.memory_space<hbm>>
      %dma_wait3A_1207 = arith.constant 0 : i32
      %dma_wait3A_1208 = arith.constant 0 : i32
      %dma_wait3A_1209 = tpu.memref_slice %arg5[%dma_wait3A_1202, %dma_wait3A_1207, %dma_wait3A_1208] : memref<1024x200x128xf32, #tpu.memory_space<hbm>> -> memref<1x128x128xf32, #tpu.memory_space<hbm>>
      %dma_wait3A_1210 = tpu.memref_squeeze %dma_wait3A_1209 : memref<1x128x128xf32, #tpu.memory_space<hbm>> -> memref<128x128xf32, #tpu.memory_space<hbm>>
      tpu.wait_dma2 semaphore(%arg16 : memref<!tpu.dma_semaphore, #tpu.memory_space<semaphore_mem>>) src(%arg8 : memref<128x128xf32, #tpu.memory_space<vmem>>) dst(%dma_wait3A_1210 : memref<128x128xf32, #tpu.memory_space<hbm>>)
      %add3A_1211 = arith.constant 2 : i32
      %add3A_1212 = arith.addi %add3A_1201, %add3A_1211 : i32
      %dma_start3A_1213 = arith.constant 0 : i32
      %dma_start3A_1214 = tpu.memref_slice %arg7[%add3A_1212, %dma_start3A_1213] : memref<50x128xi32, #tpu.memory_space<vmem>> -> memref<1x128xi32, #tpu.memory_space<vmem>>
      %dma_start3A_1215 = tpu.memref_squeeze %dma_start3A_1214 : memref<1x128xi32, #tpu.memory_space<vmem>> -> memref<128xi32, #tpu.memory_space<vmem>>
      %dma_start3A_1216 = arith.constant 0 : i32
      %dma_start3A_1217 = arith.constant 0 : i32
      %dma_start3A_1218 = tpu.memref_slice %arg3[%dma_start3A_1216, %dma_start3A_1217] : memref<100000x128xf32, #tpu.memory_space<hbm>> -> memref<100000x128xf32, #tpu.memory_space<hbm>>
      tpu.enqueue_indirect_dma source(%dma_start3A_1218 : memref<100000x128xf32, #tpu.memory_space<hbm>>) target(%arg8 : memref<128x128xf32, #tpu.memory_space<vmem>>) offsets(%dma_start3A_1215 : memref<128xi32, #tpu.memory_space<vmem>>) semaphore(%arg12 : memref<!tpu.dma_semaphore, #tpu.memory_space<semaphore_mem>>)
      %dma_wait3A_1219 = arith.constant 0 : i32
      %dma_wait3A_1220 = arith.constant 0 : i32
      %dma_wait3A_1221 = tpu.memref_slice %arg3[%dma_wait3A_1219, %dma_wait3A_1220] : memref<100000x128xf32, #tpu.memory_space<hbm>> -> memref<128x128xf32, #tpu.memory_space<hbm>>
      %dma_wait3A_1222 = arith.constant 0 : i32
      %dma_wait3A_1223 = arith.constant 0 : i32
      %dma_wait3A_1224 = tpu.memref_slice %arg3[%dma_wait3A_1222, %dma_wait3A_1223] : memref<100000x128xf32, #tpu.memory_space<hbm>> -> memref<128x128xf32, #tpu.memory_space<hbm>>
      tpu.wait_dma2 semaphore(%arg14 : memref<!tpu.dma_semaphore, #tpu.memory_space<semaphore_mem>>) src(%dma_wait3A_1224 : memref<128x128xf32, #tpu.memory_space<hbm>>) dst(%arg10 : memref<128x128xf32, #tpu.memory_space<vmem>>)
      %mul3A_1225 = arith.constant 4 : i32
      %mul3A_1226 = arith.muli %mul3A_1225, %add3A_1201 : i32
      %add3A_1227 = arith.constant 0 : i32
      %add3A_1228 = arith.addi %mul3A_1226, %add3A_1227 : i32
      %get3A_1229 = arith.index_cast %add3A_1228 : i32 to index
      %get3A_1230 = arith.constant 0 : index
      %get3A_1231 = tpu.vector_load %arg6[%get3A_1229, %get3A_1230] {strides = array<i32>} : memref<200x128xf32, #tpu.memory_space<vmem>>, vector<1x16xf32>,
      %get3A_1232 = vector.shape_cast %get3A_1231 : vector<1x16xf32> to vector<16xf32>
      %mul3A_1233 = arith.constant 4 : i32
      %mul3A_1234 = arith.muli %mul3A_1233, %add3A_1201 : i32
      %add3A_1235 = arith.constant 0 : i32
      %add3A_1236 = arith.addi %mul3A_1234, %add3A_1235 : i32
      %get3A_1237 = arith.index_cast %add3A_1236 : i32 to index
      %get3A_1238 = arith.constant 16 : index
      %get3A_1239 = tpu.vector_load %arg6[%get3A_1237, %get3A_1238] {strides = array<i32>} : memref<200x128xf32, #tpu.memory_space<vmem>>, vector<1x16xf32>,
      %get3A_1240 = vector.shape_cast %get3A_1239 : vector<1x16xf32> to vector<16xf32>
      %mul3A_1241 = arith.constant 4 : i32
      %mul3A_1242 = arith.muli %mul3A_1241, %add3A_1201 : i32
      %add3A_1243 = arith.constant 0 : i32
      %add3A_1244 = arith.addi %mul3A_1242, %add3A_1243 : i32
      %get3A_1245 = arith.index_cast %add3A_1244 : i32 to index
      %get3A_1246 = arith.constant 32 : index
      %get3A_1247 = tpu.vector_load %arg6[%get3A_1245, %get3A_1246] {strides = array<i32>} : memref<200x128xf32, #tpu.memory_space<vmem>>, vector<1x16xf32>,
      %get3A_1248 = vector.shape_cast %get3A_1247 : vector<1x16xf32> to vector<16xf32>
      %mul3A_1249 = arith.constant 4 : i32
      %mul3A_1250 = arith.muli %mul3A_1249, %add3A_1201 : i32
      %add3A_1251 = arith.constant 0 : i32
      %add3A_1252 = arith.addi %mul3A_1250, %add3A_1251 : i32
      %get3A_1253 = arith.index_cast %add3A_1252 : i32 to index
      %get3A_1254 = arith.constant 48 : index
      %get3A_1255 = tpu.vector_load %arg6[%get3A_1253, %get3A_1254] {strides = array<i32>} : memref<200x128xf32, #tpu.memory_space<vmem>>, vector<1x16xf32>,
      %get3A_1256 = vector.shape_cast %get3A_1255 : vector<1x16xf32> to vector<16xf32>
      %mul3A_1257 = arith.constant 4 : i32
      %mul3A_1258 = arith.muli %mul3A_1257, %add3A_1201 : i32
      %add3A_1259 = arith.constant 0 : i32
      %add3A_1260 = arith.addi %mul3A_1258, %add3A_1259 : i32
      %get3A_1261 = arith.index_cast %add3A_1260 : i32 to index
      %get3A_1262 = arith.constant 64 : index
      %get3A_1263 = tpu.vector_load %arg6[%get3A_1261, %get3A_1262] {strides = array<i32>} : memref<200x128xf32, #tpu.memory_space<vmem>>, vector<1x16xf32>,
      %get3A_1264 = vector.shape_cast %get3A_1263 : vector<1x16xf32> to vector<16xf32>
      %mul3A_1265 = arith.constant 4 : i32
      %mul3A_1266 = arith.muli %mul3A_1265, %add3A_1201 : i32
      %add3A_1267 = arith.constant 0 : i32
      %add3A_1268 = arith.addi %mul3A_1266, %add3A_1267 : i32
      %get3A_1269 = arith.index_cast %add3A_1268 : i32 to index
      %get3A_1270 = arith.constant 80 : index
      %get3A_1271 = tpu.vector_load %arg6[%get3A_1269, %get3A_1270] {strides = array<i32>} : memref<200x128xf32, #tpu.memory_space<vmem>>, vector<1x16xf32>,
      %get3A_1272 = vector.shape_cast %get3A_1271 : vector<1x16xf32> to vector<16xf32>
      %mul3A_1273 = arith.constant 4 : i32
      %mul3A_1274 = arith.muli %mul3A_1273, %add3A_1201 : i32
      %add3A_1275 = arith.constant 0 : i32
      %add3A_1276 = arith.addi %mul3A_1274, %add3A_1275 : i32
      %get3A_1277 = arith.index_cast %add3A_1276 : i32 to index
      %get3A_1278 = arith.constant 96 : index
      %get3A_1279 = tpu.vector_load %arg6[%get3A_1277, %get3A_1278] {strides = array<i32>} : memref<200x128xf32, #tpu.memory_space<vmem>>, vector<1x16xf32>,
      %get3A_1280 = vector.shape_cast %get3A_1279 : vector<1x16xf32> to vector<16xf32>
      %mul3A_1281 = arith.constant 4 : i32
      %mul3A_1282 = arith.muli %mul3A_1281, %add3A_1201 : i32
      %add3A_1283 = arith.constant 0 : i32
      %add3A_1284 = arith.addi %mul3A_1282, %add3A_1283 : i32
      %get3A_1285 = arith.index_cast %add3A_1284 : i32 to index
      %get3A_1286 = arith.constant 112 : index
      %get3A_1287 = tpu.vector_load %arg6[%get3A_1285, %get3A_1286] {strides = array<i32>} : memref<200x128xf32, #tpu.memory_space<vmem>>, vector<1x16xf32>,
      %get3A_1288 = vector.shape_cast %get3A_1287 : vector<1x16xf32> to vector<16xf32>
      %mul3A_1289 = arith.constant 4 : i32
      %mul3A_1290 = arith.muli %mul3A_1289, %add3A_1201 : i32
      %add3A_1291 = arith.constant 1 : i32
      %add3A_1292 = arith.addi %mul3A_1290, %add3A_1291 : i32
      %get3A_1293 = arith.index_cast %add3A_1292 : i32 to index
      %get3A_1294 = arith.constant 0 : index
      %get3A_1295 = tpu.vector_load %arg6[%get3A_1293, %get3A_1294] {strides = array<i32>} : memref<200x128xf32, #tpu.memory_space<vmem>>, vector<1x16xf32>,
      %get3A_1296 = vector.shape_cast %get3A_1295 : vector<1x16xf32> to vector<16xf32>
      %mul3A_1297 = arith.constant 4 : i32
      %mul3A_1298 = arith.muli %mul3A_1297, %add3A_1201 : i32
      %add3A_1299 = arith.constant 1 : i32
      %add3A_1300 = arith.addi %mul3A_1298, %add3A_1299 : i32
      %get3A_1301 = arith.index_cast %add3A_1300 : i32 to index
      %get3A_1302 = arith.constant 16 : index
      %get3A_1303 = tpu.vector_load %arg6[%get3A_1301, %get3A_1302] {strides = array<i32>} : memref<200x128xf32, #tpu.memory_space<vmem>>, vector<1x16xf32>,
      %get3A_1304 = vector.shape_cast %get3A_1303 : vector<1x16xf32> to vector<16xf32>
      %mul3A_1305 = arith.constant 4 : i32
      %mul3A_1306 = arith.muli %mul3A_1305, %add3A_1201 : i32
      %add3A_1307 = arith.constant 1 : i32
      %add3A_1308 = arith.addi %mul3A_1306, %add3A_1307 : i32
      %get3A_1309 = arith.index_cast %add3A_1308 : i32 to index
      %get3A_1310 = arith.constant 32 : index
      %get3A_1311 = tpu.vector_load %arg6[%get3A_1309, %get3A_1310] {strides = array<i32>} : memref<200x128xf32, #tpu.memory_space<vmem>>, vector<1x16xf32>,
      %get3A_1312 = vector.shape_cast %get3A_1311 : vector<1x16xf32> to vector<16xf32>
      %mul3A_1313 = arith.constant 4 : i32
      %mul3A_1314 = arith.muli %mul3A_1313, %add3A_1201 : i32
      %add3A_1315 = arith.constant 1 : i32
      %add3A_1316 = arith.addi %mul3A_1314, %add3A_1315 : i32
      %get3A_1317 = arith.index_cast %add3A_1316 : i32 to index
      %get3A_1318 = arith.constant 48 : index
      %get3A_1319 = tpu.vector_load %arg6[%get3A_1317, %get3A_1318] {strides = array<i32>} : memref<200x128xf32, #tpu.memory_space<vmem>>, vector<1x16xf32>,
      %get3A_1320 = vector.shape_cast %get3A_1319 : vector<1x16xf32> to vector<16xf32>
      %mul3A_1321 = arith.constant 4 : i32
      %mul3A_1322 = arith.muli %mul3A_1321, %add3A_1201 : i32
      %add3A_1323 = arith.constant 1 : i32
      %add3A_1324 = arith.addi %mul3A_1322, %add3A_1323 : i32
      %get3A_1325 = arith.index_cast %add3A_1324 : i32 to index
      %get3A_1326 = arith.constant 64 : index
      %get3A_1327 = tpu.vector_load %arg6[%get3A_1325, %get3A_1326] {strides = array<i32>} : memref<200x128xf32, #tpu.memory_space<vmem>>, vector<1x16xf32>,
      %get3A_1328 = vector.shape_cast %get3A_1327 : vector<1x16xf32> to vector<16xf32>
      %mul3A_1329 = arith.constant 4 : i32
      %mul3A_1330 = arith.muli %mul3A_1329, %add3A_1201 : i32
      %add3A_1331 = arith.constant 1 : i32
      %add3A_1332 = arith.addi %mul3A_1330, %add3A_1331 : i32
      %get3A_1333 = arith.index_cast %add3A_1332 : i32 to index
      %get3A_1334 = arith.constant 80 : index
      %get3A_1335 = tpu.vector_load %arg6[%get3A_1333, %get3A_1334] {strides = array<i32>} : memref<200x128xf32, #tpu.memory_space<vmem>>, vector<1x16xf32>,
      %get3A_1336 = vector.shape_cast %get3A_1335 : vector<1x16xf32> to vector<16xf32>
      %mul3A_1337 = arith.constant 4 : i32
      %mul3A_1338 = arith.muli %mul3A_1337, %add3A_1201 : i32
      %add3A_1339 = arith.constant 1 : i32
      %add3A_1340 = arith.addi %mul3A_1338, %add3A_1339 : i32
      %get3A_1341 = arith.index_cast %add3A_1340 : i32 to index
      %get3A_1342 = arith.constant 96 : index
      %get3A_1343 = tpu.vector_load %arg6[%get3A_1341, %get3A_1342] {strides = array<i32>} : memref<200x128xf32, #tpu.memory_space<vmem>>, vector<1x16xf32>,
      %get3A_1344 = vector.shape_cast %get3A_1343 : vector<1x16xf32> to vector<16xf32>
      %mul3A_1345 = arith.constant 4 : i32
      %mul3A_1346 = arith.muli %mul3A_1345, %add3A_1201 : i32
      %add3A_1347 = arith.constant 1 : i32
      %add3A_1348 = arith.addi %mul3A_1346, %add3A_1347 : i32
      %get3A_1349 = arith.index_cast %add3A_1348 : i32 to index
      %get3A_1350 = arith.constant 112 : index
      %get3A_1351 = tpu.vector_load %arg6[%get3A_1349, %get3A_1350] {strides = array<i32>} : memref<200x128xf32, #tpu.memory_space<vmem>>, vector<1x16xf32>,
      %get3A_1352 = vector.shape_cast %get3A_1351 : vector<1x16xf32> to vector<16xf32>
      %mul3A_1353 = arith.constant 4 : i32
      %mul3A_1354 = arith.muli %mul3A_1353, %add3A_1201 : i32
      %add3A_1355 = arith.constant 2 : i32
      %add3A_1356 = arith.addi %mul3A_1354, %add3A_1355 : i32
      %get3A_1357 = arith.index_cast %add3A_1356 : i32 to index
      %get3A_1358 = arith.constant 0 : index
      %get3A_1359 = tpu.vector_load %arg6[%get3A_1357, %get3A_1358] {strides = array<i32>} : memref<200x128xf32, #tpu.memory_space<vmem>>, vector<1x16xf32>,
      %get3A_1360 = vector.shape_cast %get3A_1359 : vector<1x16xf32> to vector<16xf32>
      %mul3A_1361 = arith.constant 4 : i32
      %mul3A_1362 = arith.muli %mul3A_1361, %add3A_1201 : i32
      %add3A_1363 = arith.constant 2 : i32
      %add3A_1364 = arith.addi %mul3A_1362, %add3A_1363 : i32
      %get3A_1365 = arith.index_cast %add3A_1364 : i32 to index
      %get3A_1366 = arith.constant 16 : index
      %get3A_1367 = tpu.vector_load %arg6[%get3A_1365, %get3A_1366] {strides = array<i32>} : memref<200x128xf32, #tpu.memory_space<vmem>>, vector<1x16xf32>,
      %get3A_1368 = vector.shape_cast %get3A_1367 : vector<1x16xf32> to vector<16xf32>
      %mul3A_1369 = arith.constant 4 : i32
      %mul3A_1370 = arith.muli %mul3A_1369, %add3A_1201 : i32
      %add3A_1371 = arith.constant 2 : i32
      %add3A_1372 = arith.addi %mul3A_1370, %add3A_1371 : i32
      %get3A_1373 = arith.index_cast %add3A_1372 : i32 to index
      %get3A_1374 = arith.constant 32 : index
      %get3A_1375 = tpu.vector_load %arg6[%get3A_1373, %get3A_1374] {strides = array<i32>} : memref<200x128xf32, #tpu.memory_space<vmem>>, vector<1x16xf32>,
      %get3A_1376 = vector.shape_cast %get3A_1375 : vector<1x16xf32> to vector<16xf32>
      %mul3A_1377 = arith.constant 4 : i32
      %mul3A_1378 = arith.muli %mul3A_1377, %add3A_1201 : i32
      %add3A_1379 = arith.constant 2 : i32
      %add3A_1380 = arith.addi %mul3A_1378, %add3A_1379 : i32
      %get3A_1381 = arith.index_cast %add3A_1380 : i32 to index
      %get3A_1382 = arith.constant 48 : index
      %get3A_1383 = tpu.vector_load %arg6[%get3A_1381, %get3A_1382] {strides = array<i32>} : memref<200x128xf32, #tpu.memory_space<vmem>>, vector<1x16xf32>,
      %get3A_1384 = vector.shape_cast %get3A_1383 : vector<1x16xf32> to vector<16xf32>
      %mul3A_1385 = arith.constant 4 : i32
      %mul3A_1386 = arith.muli %mul3A_1385, %add3A_1201 : i32
      %add3A_1387 = arith.constant 2 : i32
      %add3A_1388 = arith.addi %mul3A_1386, %add3A_1387 : i32
      %get3A_1389 = arith.index_cast %add3A_1388 : i32 to index
      %get3A_1390 = arith.constant 64 : index
      %get3A_1391 = tpu.vector_load %arg6[%get3A_1389, %get3A_1390] {strides = array<i32>} : memref<200x128xf32, #tpu.memory_space<vmem>>, vector<1x16xf32>,
      %get3A_1392 = vector.shape_cast %get3A_1391 : vector<1x16xf32> to vector<16xf32>
      %mul3A_1393 = arith.constant 4 : i32
      %mul3A_1394 = arith.muli %mul3A_1393, %add3A_1201 : i32
      %add3A_1395 = arith.constant 2 : i32
      %add3A_1396 = arith.addi %mul3A_1394, %add3A_1395 : i32
      %get3A_1397 = arith.index_cast %add3A_1396 : i32 to index
      %get3A_1398 = arith.constant 80 : index
      %get3A_1399 = tpu.vector_load %arg6[%get3A_1397, %get3A_1398] {strides = array<i32>} : memref<200x128xf32, #tpu.memory_space<vmem>>, vector<1x16xf32>,
      %get3A_1400 = vector.shape_cast %get3A_1399 : vector<1x16xf32> to vector<16xf32>
      %mul3A_1401 = arith.constant 4 : i32
      %mul3A_1402 = arith.muli %mul3A_1401, %add3A_1201 : i32
      %add3A_1403 = arith.constant 2 : i32
      %add3A_1404 = arith.addi %mul3A_1402, %add3A_1403 : i32
      %get3A_1405 = arith.index_cast %add3A_1404 : i32 to index
      %get3A_1406 = arith.constant 96 : index
      %get3A_1407 = tpu.vector_load %arg6[%get3A_1405, %get3A_1406] {strides = array<i32>} : memref<200x128xf32, #tpu.memory_space<vmem>>, vector<1x16xf32>,
      %get3A_1408 = vector.shape_cast %get3A_1407 : vector<1x16xf32> to vector<16xf32>
      %mul3A_1409 = arith.constant 4 : i32
      %mul3A_1410 = arith.muli %mul3A_1409, %add3A_1201 : i32
      %add3A_1411 = arith.constant 2 : i32
      %add3A_1412 = arith.addi %mul3A_1410, %add3A_1411 : i32
      %get3A_1413 = arith.index_cast %add3A_1412 : i32 to index
      %get3A_1414 = arith.constant 112 : index
      %get3A_1415 = tpu.vector_load %arg6[%get3A_1413, %get3A_1414] {strides = array<i32>} : memref<200x128xf32, #tpu.memory_space<vmem>>, vector<1x16xf32>,
      %get3A_1416 = vector.shape_cast %get3A_1415 : vector<1x16xf32> to vector<16xf32>
      %mul3A_1417 = arith.constant 4 : i32
      %mul3A_1418 = arith.muli %mul3A_1417, %add3A_1201 : i32
      %add3A_1419 = arith.constant 3 : i32
      %add3A_1420 = arith.addi %mul3A_1418, %add3A_1419 : i32
      %get3A_1421 = arith.index_cast %add3A_1420 : i32 to index
      %get3A_1422 = arith.constant 0 : index
      %get3A_1423 = tpu.vector_load %arg6[%get3A_1421, %get3A_1422] {strides = array<i32>} : memref<200x128xf32, #tpu.memory_space<vmem>>, vector<1x16xf32>,
      %get3A_1424 = vector.shape_cast %get3A_1423 : vector<1x16xf32> to vector<16xf32>
      %mul3A_1425 = arith.constant 4 : i32
      %mul3A_1426 = arith.muli %mul3A_1425, %add3A_1201 : i32
      %add3A_1427 = arith.constant 3 : i32
      %add3A_1428 = arith.addi %mul3A_1426, %add3A_1427 : i32
      %get3A_1429 = arith.index_cast %add3A_1428 : i32 to index
      %get3A_1430 = arith.constant 16 : index
      %get3A_1431 = tpu.vector_load %arg6[%get3A_1429, %get3A_1430] {strides = array<i32>} : memref<200x128xf32, #tpu.memory_space<vmem>>, vector<1x16xf32>,
      %get3A_1432 = vector.shape_cast %get3A_1431 : vector<1x16xf32> to vector<16xf32>
      %mul3A_1433 = arith.constant 4 : i32
      %mul3A_1434 = arith.muli %mul3A_1433, %add3A_1201 : i32
      %add3A_1435 = arith.constant 3 : i32
      %add3A_1436 = arith.addi %mul3A_1434, %add3A_1435 : i32
      %get3A_1437 = arith.index_cast %add3A_1436 : i32 to index
      %get3A_1438 = arith.constant 32 : index
      %get3A_1439 = tpu.vector_load %arg6[%get3A_1437, %get3A_1438] {strides = array<i32>} : memref<200x128xf32, #tpu.memory_space<vmem>>, vector<1x16xf32>,
      %get3A_1440 = vector.shape_cast %get3A_1439 : vector<1x16xf32> to vector<16xf32>
      %mul3A_1441 = arith.constant 4 : i32
      %mul3A_1442 = arith.muli %mul3A_1441, %add3A_1201 : i32
      %add3A_1443 = arith.constant 3 : i32
      %add3A_1444 = arith.addi %mul3A_1442, %add3A_1443 : i32
      %get3A_1445 = arith.index_cast %add3A_1444 : i32 to index
      %get3A_1446 = arith.constant 48 : index
      %get3A_1447 = tpu.vector_load %arg6[%get3A_1445, %get3A_1446] {strides = array<i32>} : memref<200x128xf32, #tpu.memory_space<vmem>>, vector<1x16xf32>,
      %get3A_1448 = vector.shape_cast %get3A_1447 : vector<1x16xf32> to vector<16xf32>
      %mul3A_1449 = arith.constant 4 : i32
      %mul3A_1450 = arith.muli %mul3A_1449, %add3A_1201 : i32
      %add3A_1451 = arith.constant 3 : i32
      %add3A_1452 = arith.addi %mul3A_1450, %add3A_1451 : i32
      %get3A_1453 = arith.index_cast %add3A_1452 : i32 to index
      %get3A_1454 = arith.constant 64 : index
      %get3A_1455 = tpu.vector_load %arg6[%get3A_1453, %get3A_1454] {strides = array<i32>} : memref<200x128xf32, #tpu.memory_space<vmem>>, vector<1x16xf32>,
      %get3A_1456 = vector.shape_cast %get3A_1455 : vector<1x16xf32> to vector<16xf32>
      %mul3A_1457 = arith.constant 4 : i32
      %mul3A_1458 = arith.muli %mul3A_1457, %add3A_1201 : i32
      %add3A_1459 = arith.constant 3 : i32
      %add3A_1460 = arith.addi %mul3A_1458, %add3A_1459 : i32
      %get3A_1461 = arith.index_cast %add3A_1460 : i32 to index
      %get3A_1462 = arith.constant 80 : index
      %get3A_1463 = tpu.vector_load %arg6[%get3A_1461, %get3A_1462] {strides = array<i32>} : memref<200x128xf32, #tpu.memory_space<vmem>>, vector<1x16xf32>,
      %get3A_1464 = vector.shape_cast %get3A_1463 : vector<1x16xf32> to vector<16xf32>
      %mul3A_1465 = arith.constant 4 : i32
      %mul3A_1466 = arith.muli %mul3A_1465, %add3A_1201 : i32
      %add3A_1467 = arith.constant 3 : i32
      %add3A_1468 = arith.addi %mul3A_1466, %add3A_1467 : i32
      %get3A_1469 = arith.index_cast %add3A_1468 : i32 to index
      %get3A_1470 = arith.constant 96 : index
      %get3A_1471 = tpu.vector_load %arg6[%get3A_1469, %get3A_1470] {strides = array<i32>} : memref<200x128xf32, #tpu.memory_space<vmem>>, vector<1x16xf32>,
      %get3A_1472 = vector.shape_cast %get3A_1471 : vector<1x16xf32> to vector<16xf32>
      %mul3A_1473 = arith.constant 4 : i32
      %mul3A_1474 = arith.muli %mul3A_1473, %add3A_1201 : i32
      %add3A_1475 = arith.constant 3 : i32
      %add3A_1476 = arith.addi %mul3A_1474, %add3A_1475 : i32
      %get3A_1477 = arith.index_cast %add3A_1476 : i32 to index
      %get3A_1478 = arith.constant 112 : index
      %get3A_1479 = tpu.vector_load %arg6[%get3A_1477, %get3A_1478] {strides = array<i32>} : memref<200x128xf32, #tpu.memory_space<vmem>>, vector<1x16xf32>,
      %get3A_1480 = vector.shape_cast %get3A_1479 : vector<1x16xf32> to vector<16xf32>
      %scan3A_1481 = arith.constant 0 : i32
      %scan3A_1482 = arith.constant 32 : i32
      %scan3A_1483 = arith.addi %scan3A_1481, %scan3A_1482 : i32
      %scan3A_1484 = arith.constant 1 : i32
      scf.for %scan3A_1902 = %scan3A_1481 to %scan3A_1483 step %scan3A_1484  : i32 {
        %mul3A_1903 = arith.constant 1 : i32
        %mul3A_1904 = arith.muli %scan3A_1902, %mul3A_1903 : i32
        %add3A_1905 = arith.constant 0 : i32
        %add3A_1906 = arith.addi %add3A_1905, %mul3A_1904 : i32
        %add3A_1907 = arith.constant 0 : i32
        %add3A_1908 = arith.addi %add3A_1907, %add3A_1906 : i32
        %get3A_1909 = arith.index_cast %add3A_1908 : i32 to index
        %get3A_1910 = arith.constant 0 : index
        %get3A_1911 = tpu.vector_load %arg10[%get3A_1909, %get3A_1910] {strides = array<i32>} : memref<128x128xf32, #tpu.memory_space<vmem>>, vector<1x16xf32>,
        %get3A_1912 = vector.shape_cast %get3A_1911 : vector<1x16xf32> to vector<16xf32>
        %add3A_1913 = arith.addf %get3A_1912, %get3A_1232 : vector<16xf32>
        %swap3A = arith.index_cast %add3A_1908 : i32 to index
        %swap3A_1914 = arith.constant 0 : index
        %swap3A_1915 = tpu.vector_load %arg10[%swap3A, %swap3A_1914] {strides = array<i32>} : memref<128x128xf32, #tpu.memory_space<vmem>>, vector<1x16xf32>,
        %swap3A_1916 = vector.shape_cast %swap3A_1915 : vector<1x16xf32> to vector<16xf32>
        %swap3A_1917 = vector.shape_cast %add3A_1913 : vector<16xf32> to vector<1x16xf32>
        tpu.vector_store %arg10[%swap3A, %swap3A_1914], %swap3A_1917 {strides = array<i32>} : memref<128x128xf32, #tpu.memory_space<vmem>>, vector<1x16xf32>,
        %get3A_1918 = arith.index_cast %add3A_1908 : i32 to index
        %get3A_1919 = arith.constant 16 : index
        %get3A_1920 = tpu.vector_load %arg10[%get3A_1918, %get3A_1919] {strides = array<i32>} : memref<128x128xf32, #tpu.memory_space<vmem>>, vector<1x16xf32>,
        %get3A_1921 = vector.shape_cast %get3A_1920 : vector<1x16xf32> to vector<16xf32>
        %add3A_1922 = arith.addf %get3A_1921, %get3A_1240 : vector<16xf32>
        %swap3A_1923 = arith.index_cast %add3A_1908 : i32 to index
        %swap3A_1924 = arith.constant 16 : index
        %swap3A_1925 = tpu.vector_load %arg10[%swap3A_1923, %swap3A_1924] {strides = array<i32>} : memref<128x128xf32, #tpu.memory_space<vmem>>, vector<1x16xf32>,
        %swap3A_1926 = vector.shape_cast %swap3A_1925 : vector<1x16xf32> to vector<16xf32>
        %swap3A_1927 = vector.shape_cast %add3A_1922 : vector<16xf32> to vector<1x16xf32>
        tpu.vector_store %arg10[%swap3A_1923, %swap3A_1924], %swap3A_1927 {strides = array<i32>} : memref<128x128xf32, #tpu.memory_space<vmem>>, vector<1x16xf32>,
        %get3A_1928 = arith.index_cast %add3A_1908 : i32 to index
        %get3A_1929 = arith.constant 32 : index
        %get3A_1930 = tpu.vector_load %arg10[%get3A_1928, %get3A_1929] {strides = array<i32>} : memref<128x128xf32, #tpu.memory_space<vmem>>, vector<1x16xf32>,
        %get3A_1931 = vector.shape_cast %get3A_1930 : vector<1x16xf32> to vector<16xf32>
        %add3A_1932 = arith.addf %get3A_1931, %get3A_1248 : vector<16xf32>
        %swap3A_1933 = arith.index_cast %add3A_1908 : i32 to index
        %swap3A_1934 = arith.constant 32 : index
        %swap3A_1935 = tpu.vector_load %arg10[%swap3A_1933, %swap3A_1934] {strides = array<i32>} : memref<128x128xf32, #tpu.memory_space<vmem>>, vector<1x16xf32>,
        %swap3A_1936 = vector.shape_cast %swap3A_1935 : vector<1x16xf32> to vector<16xf32>
        %swap3A_1937 = vector.shape_cast %add3A_1932 : vector<16xf32> to vector<1x16xf32>
        tpu.vector_store %arg10[%swap3A_1933, %swap3A_1934], %swap3A_1937 {strides = array<i32>} : memref<128x128xf32, #tpu.memory_space<vmem>>, vector<1x16xf32>,
        %get3A_1938 = arith.index_cast %add3A_1908 : i32 to index
        %get3A_1939 = arith.constant 48 : index
        %get3A_1940 = tpu.vector_load %arg10[%get3A_1938, %get3A_1939] {strides = array<i32>} : memref<128x128xf32, #tpu.memory_space<vmem>>, vector<1x16xf32>,
        %get3A_1941 = vector.shape_cast %get3A_1940 : vector<1x16xf32> to vector<16xf32>
        %add3A_1942 = arith.addf %get3A_1941, %get3A_1256 : vector<16xf32>
        %swap3A_1943 = arith.index_cast %add3A_1908 : i32 to index
        %swap3A_1944 = arith.constant 48 : index
        %swap3A_1945 = tpu.vector_load %arg10[%swap3A_1943, %swap3A_1944] {strides = array<i32>} : memref<128x128xf32, #tpu.memory_space<vmem>>, vector<1x16xf32>,
        %swap3A_1946 = vector.shape_cast %swap3A_1945 : vector<1x16xf32> to vector<16xf32>
        %swap3A_1947 = vector.shape_cast %add3A_1942 : vector<16xf32> to vector<1x16xf32>
        tpu.vector_store %arg10[%swap3A_1943, %swap3A_1944], %swap3A_1947 {strides = array<i32>} : memref<128x128xf32, #tpu.memory_space<vmem>>, vector<1x16xf32>,
        %get3A_1948 = arith.index_cast %add3A_1908 : i32 to index
        %get3A_1949 = arith.constant 64 : index
        %get3A_1950 = tpu.vector_load %arg10[%get3A_1948, %get3A_1949] {strides = array<i32>} : memref<128x128xf32, #tpu.memory_space<vmem>>, vector<1x16xf32>,
        %get3A_1951 = vector.shape_cast %get3A_1950 : vector<1x16xf32> to vector<16xf32>
        %add3A_1952 = arith.addf %get3A_1951, %get3A_1264 : vector<16xf32>
        %swap3A_1953 = arith.index_cast %add3A_1908 : i32 to index
        %swap3A_1954 = arith.constant 64 : index
        %swap3A_1955 = tpu.vector_load %arg10[%swap3A_1953, %swap3A_1954] {strides = array<i32>} : memref<128x128xf32, #tpu.memory_space<vmem>>, vector<1x16xf32>,
        %swap3A_1956 = vector.shape_cast %swap3A_1955 : vector<1x16xf32> to vector<16xf32>
        %swap3A_1957 = vector.shape_cast %add3A_1952 : vector<16xf32> to vector<1x16xf32>
        tpu.vector_store %arg10[%swap3A_1953, %swap3A_1954], %swap3A_1957 {strides = array<i32>} : memref<128x128xf32, #tpu.memory_space<vmem>>, vector<1x16xf32>,
        %get3A_1958 = arith.index_cast %add3A_1908 : i32 to index
        %get3A_1959 = arith.constant 80 : index
        %get3A_1960 = tpu.vector_load %arg10[%get3A_1958, %get3A_1959] {strides = array<i32>} : memref<128x128xf32, #tpu.memory_space<vmem>>, vector<1x16xf32>,
        %get3A_1961 = vector.shape_cast %get3A_1960 : vector<1x16xf32> to vector<16xf32>
        %add3A_1962 = arith.addf %get3A_1961, %get3A_1272 : vector<16xf32>
        %swap3A_1963 = arith.index_cast %add3A_1908 : i32 to index
        %swap3A_1964 = arith.constant 80 : index
        %swap3A_1965 = tpu.vector_load %arg10[%swap3A_1963, %swap3A_1964] {strides = array<i32>} : memref<128x128xf32, #tpu.memory_space<vmem>>, vector<1x16xf32>,
        %swap3A_1966 = vector.shape_cast %swap3A_1965 : vector<1x16xf32> to vector<16xf32>
        %swap3A_1967 = vector.shape_cast %add3A_1962 : vector<16xf32> to vector<1x16xf32>
        tpu.vector_store %arg10[%swap3A_1963, %swap3A_1964], %swap3A_1967 {strides = array<i32>} : memref<128x128xf32, #tpu.memory_space<vmem>>, vector<1x16xf32>,
        %get3A_1968 = arith.index_cast %add3A_1908 : i32 to index
        %get3A_1969 = arith.constant 96 : index
        %get3A_1970 = tpu.vector_load %arg10[%get3A_1968, %get3A_1969] {strides = array<i32>} : memref<128x128xf32, #tpu.memory_space<vmem>>, vector<1x16xf32>,
        %get3A_1971 = vector.shape_cast %get3A_1970 : vector<1x16xf32> to vector<16xf32>
        %add3A_1972 = arith.addf %get3A_1971, %get3A_1280 : vector<16xf32>
        %swap3A_1973 = arith.index_cast %add3A_1908 : i32 to index
        %swap3A_1974 = arith.constant 96 : index
        %swap3A_1975 = tpu.vector_load %arg10[%swap3A_1973, %swap3A_1974] {strides = array<i32>} : memref<128x128xf32, #tpu.memory_space<vmem>>, vector<1x16xf32>,
        %swap3A_1976 = vector.shape_cast %swap3A_1975 : vector<1x16xf32> to vector<16xf32>
        %swap3A_1977 = vector.shape_cast %add3A_1972 : vector<16xf32> to vector<1x16xf32>
        tpu.vector_store %arg10[%swap3A_1973, %swap3A_1974], %swap3A_1977 {strides = array<i32>} : memref<128x128xf32, #tpu.memory_space<vmem>>, vector<1x16xf32>,
        %get3A_1978 = arith.index_cast %add3A_1908 : i32 to index
        %get3A_1979 = arith.constant 112 : index
        %get3A_1980 = tpu.vector_load %arg10[%get3A_1978, %get3A_1979] {strides = array<i32>} : memref<128x128xf32, #tpu.memory_space<vmem>>, vector<1x16xf32>,
        %get3A_1981 = vector.shape_cast %get3A_1980 : vector<1x16xf32> to vector<16xf32>
        %add3A_1982 = arith.addf %get3A_1981, %get3A_1288 : vector<16xf32>
        %swap3A_1983 = arith.index_cast %add3A_1908 : i32 to index
        %swap3A_1984 = arith.constant 112 : index
        %swap3A_1985 = tpu.vector_load %arg10[%swap3A_1983, %swap3A_1984] {strides = array<i32>} : memref<128x128xf32, #tpu.memory_space<vmem>>, vector<1x16xf32>,
        %swap3A_1986 = vector.shape_cast %swap3A_1985 : vector<1x16xf32> to vector<16xf32>
        %swap3A_1987 = vector.shape_cast %add3A_1982 : vector<16xf32> to vector<1x16xf32>
        tpu.vector_store %arg10[%swap3A_1983, %swap3A_1984], %swap3A_1987 {strides = array<i32>} : memref<128x128xf32, #tpu.memory_space<vmem>>, vector<1x16xf32>,
        %add3A_1988 = arith.constant 32 : i32
        %add3A_1989 = arith.addi %add3A_1988, %add3A_1906 : i32
        %get3A_1990 = arith.index_cast %add3A_1989 : i32 to index
        %get3A_1991 = arith.constant 0 : index
        %get3A_1992 = tpu.vector_load %arg10[%get3A_1990, %get3A_1991] {strides = array<i32>} : memref<128x128xf32, #tpu.memory_space<vmem>>, vector<1x16xf32>,
        %get3A_1993 = vector.shape_cast %get3A_1992 : vector<1x16xf32> to vector<16xf32>
        %add3A_1994 = arith.addf %get3A_1993, %get3A_1296 : vector<16xf32>
        %swap3A_1995 = arith.index_cast %add3A_1989 : i32 to index
        %swap3A_1996 = arith.constant 0 : index
        %swap3A_1997 = tpu.vector_load %arg10[%swap3A_1995, %swap3A_1996] {strides = array<i32>} : memref<128x128xf32, #tpu.memory_space<vmem>>, vector<1x16xf32>,
        %swap3A_1998 = vector.shape_cast %swap3A_1997 : vector<1x16xf32> to vector<16xf32>
        %swap3A_1999 = vector.shape_cast %add3A_1994 : vector<16xf32> to vector<1x16xf32>
        tpu.vector_store %arg10[%swap3A_1995, %swap3A_1996], %swap3A_1999 {strides = array<i32>} : memref<128x128xf32, #tpu.memory_space<vmem>>, vector<1x16xf32>,
        %get3A_2000 = arith.index_cast %add3A_1989 : i32 to index
        %get3A_2001 = arith.constant 16 : index
        %get3A_2002 = tpu.vector_load %arg10[%get3A_2000, %get3A_2001] {strides = array<i32>} : memref<128x128xf32, #tpu.memory_space<vmem>>, vector<1x16xf32>,
        %get3A_2003 = vector.shape_cast %get3A_2002 : vector<1x16xf32> to vector<16xf32>
        %add3A_2004 = arith.addf %get3A_2003, %get3A_1304 : vector<16xf32>
        %swap3A_2005 = arith.index_cast %add3A_1989 : i32 to index
        %swap3A_2006 = arith.constant 16 : index
        %swap3A_2007 = tpu.vector_load %arg10[%swap3A_2005, %swap3A_2006] {strides = array<i32>} : memref<128x128xf32, #tpu.memory_space<vmem>>, vector<1x16xf32>,
        %swap3A_2008 = vector.shape_cast %swap3A_2007 : vector<1x16xf32> to vector<16xf32>
        %swap3A_2009 = vector.shape_cast %add3A_2004 : vector<16xf32> to vector<1x16xf32>
        tpu.vector_store %arg10[%swap3A_2005, %swap3A_2006], %swap3A_2009 {strides = array<i32>} : memref<128x128xf32, #tpu.memory_space<vmem>>, vector<1x16xf32>,
        %get3A_2010 = arith.index_cast %add3A_1989 : i32 to index
        %get3A_2011 = arith.constant 32 : index
        %get3A_2012 = tpu.vector_load %arg10[%get3A_2010, %get3A_2011] {strides = array<i32>} : memref<128x128xf32, #tpu.memory_space<vmem>>, vector<1x16xf32>,
        %get3A_2013 = vector.shape_cast %get3A_2012 : vector<1x16xf32> to vector<16xf32>
        %add3A_2014 = arith.addf %get3A_2013, %get3A_1312 : vector<16xf32>
        %swap3A_2015 = arith.index_cast %add3A_1989 : i32 to index
        %swap3A_2016 = arith.constant 32 : index
        %swap3A_2017 = tpu.vector_load %arg10[%swap3A_2015, %swap3A_2016] {strides = array<i32>} : memref<128x128xf32, #tpu.memory_space<vmem>>, vector<1x16xf32>,
        %swap3A_2018 = vector.shape_cast %swap3A_2017 : vector<1x16xf32> to vector<16xf32>
        %swap3A_2019 = vector.shape_cast %add3A_2014 : vector<16xf32> to vector<1x16xf32>
        tpu.vector_store %arg10[%swap3A_2015, %swap3A_2016], %swap3A_2019 {strides = array<i32>} : memref<128x128xf32, #tpu.memory_space<vmem>>, vector<1x16xf32>,
        %get3A_2020 = arith.index_cast %add3A_1989 : i32 to index
        %get3A_2021 = arith.constant 48 : index
        %get3A_2022 = tpu.vector_load %arg10[%get3A_2020, %get3A_2021] {strides = array<i32>} : memref<128x128xf32, #tpu.memory_space<vmem>>, vector<1x16xf32>,
        %get3A_2023 = vector.shape_cast %get3A_2022 : vector<1x16xf32> to vector<16xf32>
        %add3A_2024 = arith.addf %get3A_2023, %get3A_1320 : vector<16xf32>
        %swap3A_2025 = arith.index_cast %add3A_1989 : i32 to index
        %swap3A_2026 = arith.constant 48 : index
        %swap3A_2027 = tpu.vector_load %arg10[%swap3A_2025, %swap3A_2026] {strides = array<i32>} : memref<128x128xf32, #tpu.memory_space<vmem>>, vector<1x16xf32>,
        %swap3A_2028 = vector.shape_cast %swap3A_2027 : vector<1x16xf32> to vector<16xf32>
        %swap3A_2029 = vector.shape_cast %add3A_2024 : vector<16xf32> to vector<1x16xf32>
        tpu.vector_store %arg10[%swap3A_2025, %swap3A_2026], %swap3A_2029 {strides = array<i32>} : memref<128x128xf32, #tpu.memory_space<vmem>>, vector<1x16xf32>,
        %get3A_2030 = arith.index_cast %add3A_1989 : i32 to index
        %get3A_2031 = arith.constant 64 : index
        %get3A_2032 = tpu.vector_load %arg10[%get3A_2030, %get3A_2031] {strides = array<i32>} : memref<128x128xf32, #tpu.memory_space<vmem>>, vector<1x16xf32>,
        %get3A_2033 = vector.shape_cast %get3A_2032 : vector<1x16xf32> to vector<16xf32>
        %add3A_2034 = arith.addf %get3A_2033, %get3A_1328 : vector<16xf32>
        %swap3A_2035 = arith.index_cast %add3A_1989 : i32 to index
        %swap3A_2036 = arith.constant 64 : index
        %swap3A_2037 = tpu.vector_load %arg10[%swap3A_2035, %swap3A_2036] {strides = array<i32>} : memref<128x128xf32, #tpu.memory_space<vmem>>, vector<1x16xf32>,
        %swap3A_2038 = vector.shape_cast %swap3A_2037 : vector<1x16xf32> to vector<16xf32>
        %swap3A_2039 = vector.shape_cast %add3A_2034 : vector<16xf32> to vector<1x16xf32>
        tpu.vector_store %arg10[%swap3A_2035, %swap3A_2036], %swap3A_2039 {strides = array<i32>} : memref<128x128xf32, #tpu.memory_space<vmem>>, vector<1x16xf32>,
        %get3A_2040 = arith.index_cast %add3A_1989 : i32 to index
        %get3A_2041 = arith.constant 80 : index
        %get3A_2042 = tpu.vector_load %arg10[%get3A_2040, %get3A_2041] {strides = array<i32>} : memref<128x128xf32, #tpu.memory_space<vmem>>, vector<1x16xf32>,
        %get3A_2043 = vector.shape_cast %get3A_2042 : vector<1x16xf32> to vector<16xf32>
        %add3A_2044 = arith.addf %get3A_2043, %get3A_1336 : vector<16xf32>
        %swap3A_2045 = arith.index_cast %add3A_1989 : i32 to index
        %swap3A_2046 = arith.constant 80 : index
        %swap3A_2047 = tpu.vector_load %arg10[%swap3A_2045, %swap3A_2046] {strides = array<i32>} : memref<128x128xf32, #tpu.memory_space<vmem>>, vector<1x16xf32>,
        %swap3A_2048 = vector.shape_cast %swap3A_2047 : vector<1x16xf32> to vector<16xf32>
        %swap3A_2049 = vector.shape_cast %add3A_2044 : vector<16xf32> to vector<1x16xf32>
        tpu.vector_store %arg10[%swap3A_2045, %swap3A_2046], %swap3A_2049 {strides = array<i32>} : memref<128x128xf32, #tpu.memory_space<vmem>>, vector<1x16xf32>,
        %get3A_2050 = arith.index_cast %add3A_1989 : i32 to index
        %get3A_2051 = arith.constant 96 : index
        %get3A_2052 = tpu.vector_load %arg10[%get3A_2050, %get3A_2051] {strides = array<i32>} : memref<128x128xf32, #tpu.memory_space<vmem>>, vector<1x16xf32>,
        %get3A_2053 = vector.shape_cast %get3A_2052 : vector<1x16xf32> to vector<16xf32>
        %add3A_2054 = arith.addf %get3A_2053, %get3A_1344 : vector<16xf32>
        %swap3A_2055 = arith.index_cast %add3A_1989 : i32 to index
        %swap3A_2056 = arith.constant 96 : index
        %swap3A_2057 = tpu.vector_load %arg10[%swap3A_2055, %swap3A_2056] {strides = array<i32>} : memref<128x128xf32, #tpu.memory_space<vmem>>, vector<1x16xf32>,
        %swap3A_2058 = vector.shape_cast %swap3A_2057 : vector<1x16xf32> to vector<16xf32>
        %swap3A_2059 = vector.shape_cast %add3A_2054 : vector<16xf32> to vector<1x16xf32>
        tpu.vector_store %arg10[%swap3A_2055, %swap3A_2056], %swap3A_2059 {strides = array<i32>} : memref<128x128xf32, #tpu.memory_space<vmem>>, vector<1x16xf32>,
        %get3A_2060 = arith.index_cast %add3A_1989 : i32 to index
        %get3A_2061 = arith.constant 112 : index
        %get3A_2062 = tpu.vector_load %arg10[%get3A_2060, %get3A_2061] {strides = array<i32>} : memref<128x128xf32, #tpu.memory_space<vmem>>, vector<1x16xf32>,
        %get3A_2063 = vector.shape_cast %get3A_2062 : vector<1x16xf32> to vector<16xf32>
        %add3A_2064 = arith.addf %get3A_2063, %get3A_1352 : vector<16xf32>
        %swap3A_2065 = arith.index_cast %add3A_1989 : i32 to index
        %swap3A_2066 = arith.constant 112 : index
        %swap3A_2067 = tpu.vector_load %arg10[%swap3A_2065, %swap3A_2066] {strides = array<i32>} : memref<128x128xf32, #tpu.memory_space<vmem>>, vector<1x16xf32>,
        %swap3A_2068 = vector.shape_cast %swap3A_2067 : vector<1x16xf32> to vector<16xf32>
        %swap3A_2069 = vector.shape_cast %add3A_2064 : vector<16xf32> to vector<1x16xf32>
        tpu.vector_store %arg10[%swap3A_2065, %swap3A_2066], %swap3A_2069 {strides = array<i32>} : memref<128x128xf32, #tpu.memory_space<vmem>>, vector<1x16xf32>,
        %add3A_2070 = arith.constant 64 : i32
        %add3A_2071 = arith.addi %add3A_2070, %add3A_1906 : i32
        %get3A_2072 = arith.index_cast %add3A_2071 : i32 to index
        %get3A_2073 = arith.constant 0 : index
        %get3A_2074 = tpu.vector_load %arg10[%get3A_2072, %get3A_2073] {strides = array<i32>} : memref<128x128xf32, #tpu.memory_space<vmem>>, vector<1x16xf32>,
        %get3A_2075 = vector.shape_cast %get3A_2074 : vector<1x16xf32> to vector<16xf32>
        %add3A_2076 = arith.addf %get3A_2075, %get3A_1360 : vector<16xf32>
        %swap3A_2077 = arith.index_cast %add3A_2071 : i32 to index
        %swap3A_2078 = arith.constant 0 : index
        %swap3A_2079 = tpu.vector_load %arg10[%swap3A_2077, %swap3A_2078] {strides = array<i32>} : memref<128x128xf32, #tpu.memory_space<vmem>>, vector<1x16xf32>,
        %swap3A_2080 = vector.shape_cast %swap3A_2079 : vector<1x16xf32> to vector<16xf32>
        %swap3A_2081 = vector.shape_cast %add3A_2076 : vector<16xf32> to vector<1x16xf32>
        tpu.vector_store %arg10[%swap3A_2077, %swap3A_2078], %swap3A_2081 {strides = array<i32>} : memref<128x128xf32, #tpu.memory_space<vmem>>, vector<1x16xf32>,
        %get3A_2082 = arith.index_cast %add3A_2071 : i32 to index
        %get3A_2083 = arith.constant 16 : index
        %get3A_2084 = tpu.vector_load %arg10[%get3A_2082, %get3A_2083] {strides = array<i32>} : memref<128x128xf32, #tpu.memory_space<vmem>>, vector<1x16xf32>,
        %get3A_2085 = vector.shape_cast %get3A_2084 : vector<1x16xf32> to vector<16xf32>
        %add3A_2086 = arith.addf %get3A_2085, %get3A_1368 : vector<16xf32>
        %swap3A_2087 = arith.index_cast %add3A_2071 : i32 to index
        %swap3A_2088 = arith.constant 16 : index
        %swap3A_2089 = tpu.vector_load %arg10[%swap3A_2087, %swap3A_2088] {strides = array<i32>} : memref<128x128xf32, #tpu.memory_space<vmem>>, vector<1x16xf32>,
        %swap3A_2090 = vector.shape_cast %swap3A_2089 : vector<1x16xf32> to vector<16xf32>
        %swap3A_2091 = vector.shape_cast %add3A_2086 : vector<16xf32> to vector<1x16xf32>
        tpu.vector_store %arg10[%swap3A_2087, %swap3A_2088], %swap3A_2091 {strides = array<i32>} : memref<128x128xf32, #tpu.memory_space<vmem>>, vector<1x16xf32>,
        %get3A_2092 = arith.index_cast %add3A_2071 : i32 to index
        %get3A_2093 = arith.constant 32 : index
        %get3A_2094 = tpu.vector_load %arg10[%get3A_2092, %get3A_2093] {strides = array<i32>} : memref<128x128xf32, #tpu.memory_space<vmem>>, vector<1x16xf32>,
        %get3A_2095 = vector.shape_cast %get3A_2094 : vector<1x16xf32> to vector<16xf32>
        %add3A_2096 = arith.addf %get3A_2095, %get3A_1376 : vector<16xf32>
        %swap3A_2097 = arith.index_cast %add3A_2071 : i32 to index
        %swap3A_2098 = arith.constant 32 : index
        %swap3A_2099 = tpu.vector_load %arg10[%swap3A_2097, %swap3A_2098] {strides = array<i32>} : memref<128x128xf32, #tpu.memory_space<vmem>>, vector<1x16xf32>,
        %swap3A_2100 = vector.shape_cast %swap3A_2099 : vector<1x16xf32> to vector<16xf32>
        %swap3A_2101 = vector.shape_cast %add3A_2096 : vector<16xf32> to vector<1x16xf32>
        tpu.vector_store %arg10[%swap3A_2097, %swap3A_2098], %swap3A_2101 {strides = array<i32>} : memref<128x128xf32, #tpu.memory_space<vmem>>, vector<1x16xf32>,
        %get3A_2102 = arith.index_cast %add3A_2071 : i32 to index
        %get3A_2103 = arith.constant 48 : index
        %get3A_2104 = tpu.vector_load %arg10[%get3A_2102, %get3A_2103] {strides = array<i32>} : memref<128x128xf32, #tpu.memory_space<vmem>>, vector<1x16xf32>,
        %get3A_2105 = vector.shape_cast %get3A_2104 : vector<1x16xf32> to vector<16xf32>
        %add3A_2106 = arith.addf %get3A_2105, %get3A_1384 : vector<16xf32>
        %swap3A_2107 = arith.index_cast %add3A_2071 : i32 to index
        %swap3A_2108 = arith.constant 48 : index
        %swap3A_2109 = tpu.vector_load %arg10[%swap3A_2107, %swap3A_2108] {strides = array<i32>} : memref<128x128xf32, #tpu.memory_space<vmem>>, vector<1x16xf32>,
        %swap3A_2110 = vector.shape_cast %swap3A_2109 : vector<1x16xf32> to vector<16xf32>
        %swap3A_2111 = vector.shape_cast %add3A_2106 : vector<16xf32> to vector<1x16xf32>
        tpu.vector_store %arg10[%swap3A_2107, %swap3A_2108], %swap3A_2111 {strides = array<i32>} : memref<128x128xf32, #tpu.memory_space<vmem>>, vector<1x16xf32>,
        %get3A_2112 = arith.index_cast %add3A_2071 : i32 to index
        %get3A_2113 = arith.constant 64 : index
        %get3A_2114 = tpu.vector_load %arg10[%get3A_2112, %get3A_2113] {strides = array<i32>} : memref<128x128xf32, #tpu.memory_space<vmem>>, vector<1x16xf32>,
        %get3A_2115 = vector.shape_cast %get3A_2114 : vector<1x16xf32> to vector<16xf32>
        %add3A_2116 = arith.addf %get3A_2115, %get3A_1392 : vector<16xf32>
        %swap3A_2117 = arith.index_cast %add3A_2071 : i32 to index
        %swap3A_2118 = arith.constant 64 : index
        %swap3A_2119 = tpu.vector_load %arg10[%swap3A_2117, %swap3A_2118] {strides = array<i32>} : memref<128x128xf32, #tpu.memory_space<vmem>>, vector<1x16xf32>,
        %swap3A_2120 = vector.shape_cast %swap3A_2119 : vector<1x16xf32> to vector<16xf32>
        %swap3A_2121 = vector.shape_cast %add3A_2116 : vector<16xf32> to vector<1x16xf32>
        tpu.vector_store %arg10[%swap3A_2117, %swap3A_2118], %swap3A_2121 {strides = array<i32>} : memref<128x128xf32, #tpu.memory_space<vmem>>, vector<1x16xf32>,
        %get3A_2122 = arith.index_cast %add3A_2071 : i32 to index
        %get3A_2123 = arith.constant 80 : index
        %get3A_2124 = tpu.vector_load %arg10[%get3A_2122, %get3A_2123] {strides = array<i32>} : memref<128x128xf32, #tpu.memory_space<vmem>>, vector<1x16xf32>,
        %get3A_2125 = vector.shape_cast %get3A_2124 : vector<1x16xf32> to vector<16xf32>
        %add3A_2126 = arith.addf %get3A_2125, %get3A_1400 : vector<16xf32>
        %swap3A_2127 = arith.index_cast %add3A_2071 : i32 to index
        %swap3A_2128 = arith.constant 80 : index
        %swap3A_2129 = tpu.vector_load %arg10[%swap3A_2127, %swap3A_2128] {strides = array<i32>} : memref<128x128xf32, #tpu.memory_space<vmem>>, vector<1x16xf32>,
        %swap3A_2130 = vector.shape_cast %swap3A_2129 : vector<1x16xf32> to vector<16xf32>
        %swap3A_2131 = vector.shape_cast %add3A_2126 : vector<16xf32> to vector<1x16xf32>
        tpu.vector_store %arg10[%swap3A_2127, %swap3A_2128], %swap3A_2131 {strides = array<i32>} : memref<128x128xf32, #tpu.memory_space<vmem>>, vector<1x16xf32>,
        %get3A_2132 = arith.index_cast %add3A_2071 : i32 to index
        %get3A_2133 = arith.constant 96 : index
        %get3A_2134 = tpu.vector_load %arg10[%get3A_2132, %get3A_2133] {strides = array<i32>} : memref<128x128xf32, #tpu.memory_space<vmem>>, vector<1x16xf32>,
        %get3A_2135 = vector.shape_cast %get3A_2134 : vector<1x16xf32> to vector<16xf32>
        %add3A_2136 = arith.addf %get3A_2135, %get3A_1408 : vector<16xf32>
        %swap3A_2137 = arith.index_cast %add3A_2071 : i32 to index
        %swap3A_2138 = arith.constant 96 : index
        %swap3A_2139 = tpu.vector_load %arg10[%swap3A_2137, %swap3A_2138] {strides = array<i32>} : memref<128x128xf32, #tpu.memory_space<vmem>>, vector<1x16xf32>,
        %swap3A_2140 = vector.shape_cast %swap3A_2139 : vector<1x16xf32> to vector<16xf32>
        %swap3A_2141 = vector.shape_cast %add3A_2136 : vector<16xf32> to vector<1x16xf32>
        tpu.vector_store %arg10[%swap3A_2137, %swap3A_2138], %swap3A_2141 {strides = array<i32>} : memref<128x128xf32, #tpu.memory_space<vmem>>, vector<1x16xf32>,
        %get3A_2142 = arith.index_cast %add3A_2071 : i32 to index
        %get3A_2143 = arith.constant 112 : index
        %get3A_2144 = tpu.vector_load %arg10[%get3A_2142, %get3A_2143] {strides = array<i32>} : memref<128x128xf32, #tpu.memory_space<vmem>>, vector<1x16xf32>,
        %get3A_2145 = vector.shape_cast %get3A_2144 : vector<1x16xf32> to vector<16xf32>
        %add3A_2146 = arith.addf %get3A_2145, %get3A_1416 : vector<16xf32>
        %swap3A_2147 = arith.index_cast %add3A_2071 : i32 to index
        %swap3A_2148 = arith.constant 112 : index
        %swap3A_2149 = tpu.vector_load %arg10[%swap3A_2147, %swap3A_2148] {strides = array<i32>} : memref<128x128xf32, #tpu.memory_space<vmem>>, vector<1x16xf32>,
        %swap3A_2150 = vector.shape_cast %swap3A_2149 : vector<1x16xf32> to vector<16xf32>
        %swap3A_2151 = vector.shape_cast %add3A_2146 : vector<16xf32> to vector<1x16xf32>
        tpu.vector_store %arg10[%swap3A_2147, %swap3A_2148], %swap3A_2151 {strides = array<i32>} : memref<128x128xf32, #tpu.memory_space<vmem>>, vector<1x16xf32>,
        %add3A_2152 = arith.constant 96 : i32
        %add3A_2153 = arith.addi %add3A_2152, %add3A_1906 : i32
        %get3A_2154 = arith.index_cast %add3A_2153 : i32 to index
        %get3A_2155 = arith.constant 0 : index
        %get3A_2156 = tpu.vector_load %arg10[%get3A_2154, %get3A_2155] {strides = array<i32>} : memref<128x128xf32, #tpu.memory_space<vmem>>, vector<1x16xf32>,
        %get3A_2157 = vector.shape_cast %get3A_2156 : vector<1x16xf32> to vector<16xf32>
        %add3A_2158 = arith.addf %get3A_2157, %get3A_1424 : vector<16xf32>
        %swap3A_2159 = arith.index_cast %add3A_2153 : i32 to index
        %swap3A_2160 = arith.constant 0 : index
        %swap3A_2161 = tpu.vector_load %arg10[%swap3A_2159, %swap3A_2160] {strides = array<i32>} : memref<128x128xf32, #tpu.memory_space<vmem>>, vector<1x16xf32>,
        %swap3A_2162 = vector.shape_cast %swap3A_2161 : vector<1x16xf32> to vector<16xf32>
        %swap3A_2163 = vector.shape_cast %add3A_2158 : vector<16xf32> to vector<1x16xf32>
        tpu.vector_store %arg10[%swap3A_2159, %swap3A_2160], %swap3A_2163 {strides = array<i32>} : memref<128x128xf32, #tpu.memory_space<vmem>>, vector<1x16xf32>,
        %get3A_2164 = arith.index_cast %add3A_2153 : i32 to index
        %get3A_2165 = arith.constant 16 : index
        %get3A_2166 = tpu.vector_load %arg10[%get3A_2164, %get3A_2165] {strides = array<i32>} : memref<128x128xf32, #tpu.memory_space<vmem>>, vector<1x16xf32>,
        %get3A_2167 = vector.shape_cast %get3A_2166 : vector<1x16xf32> to vector<16xf32>
        %add3A_2168 = arith.addf %get3A_2167, %get3A_1432 : vector<16xf32>
        %swap3A_2169 = arith.index_cast %add3A_2153 : i32 to index
        %swap3A_2170 = arith.constant 16 : index
        %swap3A_2171 = tpu.vector_load %arg10[%swap3A_2169, %swap3A_2170] {strides = array<i32>} : memref<128x128xf32, #tpu.memory_space<vmem>>, vector<1x16xf32>,
        %swap3A_2172 = vector.shape_cast %swap3A_2171 : vector<1x16xf32> to vector<16xf32>
        %swap3A_2173 = vector.shape_cast %add3A_2168 : vector<16xf32> to vector<1x16xf32>
        tpu.vector_store %arg10[%swap3A_2169, %swap3A_2170], %swap3A_2173 {strides = array<i32>} : memref<128x128xf32, #tpu.memory_space<vmem>>, vector<1x16xf32>,
        %get3A_2174 = arith.index_cast %add3A_2153 : i32 to index
        %get3A_2175 = arith.constant 32 : index
        %get3A_2176 = tpu.vector_load %arg10[%get3A_2174, %get3A_2175] {strides = array<i32>} : memref<128x128xf32, #tpu.memory_space<vmem>>, vector<1x16xf32>,
        %get3A_2177 = vector.shape_cast %get3A_2176 : vector<1x16xf32> to vector<16xf32>
        %add3A_2178 = arith.addf %get3A_2177, %get3A_1440 : vector<16xf32>
        %swap3A_2179 = arith.index_cast %add3A_2153 : i32 to index
        %swap3A_2180 = arith.constant 32 : index
        %swap3A_2181 = tpu.vector_load %arg10[%swap3A_2179, %swap3A_2180] {strides = array<i32>} : memref<128x128xf32, #tpu.memory_space<vmem>>, vector<1x16xf32>,
        %swap3A_2182 = vector.shape_cast %swap3A_2181 : vector<1x16xf32> to vector<16xf32>
        %swap3A_2183 = vector.shape_cast %add3A_2178 : vector<16xf32> to vector<1x16xf32>
        tpu.vector_store %arg10[%swap3A_2179, %swap3A_2180], %swap3A_2183 {strides = array<i32>} : memref<128x128xf32, #tpu.memory_space<vmem>>, vector<1x16xf32>,
        %get3A_2184 = arith.index_cast %add3A_2153 : i32 to index
        %get3A_2185 = arith.constant 48 : index
        %get3A_2186 = tpu.vector_load %arg10[%get3A_2184, %get3A_2185] {strides = array<i32>} : memref<128x128xf32, #tpu.memory_space<vmem>>, vector<1x16xf32>,
        %get3A_2187 = vector.shape_cast %get3A_2186 : vector<1x16xf32> to vector<16xf32>
        %add3A_2188 = arith.addf %get3A_2187, %get3A_1448 : vector<16xf32>
        %swap3A_2189 = arith.index_cast %add3A_2153 : i32 to index
        %swap3A_2190 = arith.constant 48 : index
        %swap3A_2191 = tpu.vector_load %arg10[%swap3A_2189, %swap3A_2190] {strides = array<i32>} : memref<128x128xf32, #tpu.memory_space<vmem>>, vector<1x16xf32>,
        %swap3A_2192 = vector.shape_cast %swap3A_2191 : vector<1x16xf32> to vector<16xf32>
        %swap3A_2193 = vector.shape_cast %add3A_2188 : vector<16xf32> to vector<1x16xf32>
        tpu.vector_store %arg10[%swap3A_2189, %swap3A_2190], %swap3A_2193 {strides = array<i32>} : memref<128x128xf32, #tpu.memory_space<vmem>>, vector<1x16xf32>,
        %get3A_2194 = arith.index_cast %add3A_2153 : i32 to index
        %get3A_2195 = arith.constant 64 : index
        %get3A_2196 = tpu.vector_load %arg10[%get3A_2194, %get3A_2195] {strides = array<i32>} : memref<128x128xf32, #tpu.memory_space<vmem>>, vector<1x16xf32>,
        %get3A_2197 = vector.shape_cast %get3A_2196 : vector<1x16xf32> to vector<16xf32>
        %add3A_2198 = arith.addf %get3A_2197, %get3A_1456 : vector<16xf32>
        %swap3A_2199 = arith.index_cast %add3A_2153 : i32 to index
        %swap3A_2200 = arith.constant 64 : index
        %swap3A_2201 = tpu.vector_load %arg10[%swap3A_2199, %swap3A_2200] {strides = array<i32>} : memref<128x128xf32, #tpu.memory_space<vmem>>, vector<1x16xf32>,
        %swap3A_2202 = vector.shape_cast %swap3A_2201 : vector<1x16xf32> to vector<16xf32>
        %swap3A_2203 = vector.shape_cast %add3A_2198 : vector<16xf32> to vector<1x16xf32>
        tpu.vector_store %arg10[%swap3A_2199, %swap3A_2200], %swap3A_2203 {strides = array<i32>} : memref<128x128xf32, #tpu.memory_space<vmem>>, vector<1x16xf32>,
        %get3A_2204 = arith.index_cast %add3A_2153 : i32 to index
        %get3A_2205 = arith.constant 80 : index
        %get3A_2206 = tpu.vector_load %arg10[%get3A_2204, %get3A_2205] {strides = array<i32>} : memref<128x128xf32, #tpu.memory_space<vmem>>, vector<1x16xf32>,
        %get3A_2207 = vector.shape_cast %get3A_2206 : vector<1x16xf32> to vector<16xf32>
        %add3A_2208 = arith.addf %get3A_2207, %get3A_1464 : vector<16xf32>
        %swap3A_2209 = arith.index_cast %add3A_2153 : i32 to index
        %swap3A_2210 = arith.constant 80 : index
        %swap3A_2211 = tpu.vector_load %arg10[%swap3A_2209, %swap3A_2210] {strides = array<i32>} : memref<128x128xf32, #tpu.memory_space<vmem>>, vector<1x16xf32>,
        %swap3A_2212 = vector.shape_cast %swap3A_2211 : vector<1x16xf32> to vector<16xf32>
        %swap3A_2213 = vector.shape_cast %add3A_2208 : vector<16xf32> to vector<1x16xf32>
        tpu.vector_store %arg10[%swap3A_2209, %swap3A_2210], %swap3A_2213 {strides = array<i32>} : memref<128x128xf32, #tpu.memory_space<vmem>>, vector<1x16xf32>,
        %get3A_2214 = arith.index_cast %add3A_2153 : i32 to index
        %get3A_2215 = arith.constant 96 : index
        %get3A_2216 = tpu.vector_load %arg10[%get3A_2214, %get3A_2215] {strides = array<i32>} : memref<128x128xf32, #tpu.memory_space<vmem>>, vector<1x16xf32>,
        %get3A_2217 = vector.shape_cast %get3A_2216 : vector<1x16xf32> to vector<16xf32>
        %add3A_2218 = arith.addf %get3A_2217, %get3A_1472 : vector<16xf32>
        %swap3A_2219 = arith.index_cast %add3A_2153 : i32 to index
        %swap3A_2220 = arith.constant 96 : index
        %swap3A_2221 = tpu.vector_load %arg10[%swap3A_2219, %swap3A_2220] {strides = array<i32>} : memref<128x128xf32, #tpu.memory_space<vmem>>, vector<1x16xf32>,
        %swap3A_2222 = vector.shape_cast %swap3A_2221 : vector<1x16xf32> to vector<16xf32>
        %swap3A_2223 = vector.shape_cast %add3A_2218 : vector<16xf32> to vector<1x16xf32>
        tpu.vector_store %arg10[%swap3A_2219, %swap3A_2220], %swap3A_2223 {strides = array<i32>} : memref<128x128xf32, #tpu.memory_space<vmem>>, vector<1x16xf32>,
        %get3A_2224 = arith.index_cast %add3A_2153 : i32 to index
        %get3A_2225 = arith.constant 112 : index
        %get3A_2226 = tpu.vector_load %arg10[%get3A_2224, %get3A_2225] {strides = array<i32>} : memref<128x128xf32, #tpu.memory_space<vmem>>, vector<1x16xf32>,
        %get3A_2227 = vector.shape_cast %get3A_2226 : vector<1x16xf32> to vector<16xf32>
        %add3A_2228 = arith.addf %get3A_2227, %get3A_1480 : vector<16xf32>
        %swap3A_2229 = arith.index_cast %add3A_2153 : i32 to index
        %swap3A_2230 = arith.constant 112 : index
        %swap3A_2231 = tpu.vector_load %arg10[%swap3A_2229, %swap3A_2230] {strides = array<i32>} : memref<128x128xf32, #tpu.memory_space<vmem>>, vector<1x16xf32>,
        %swap3A_2232 = vector.shape_cast %swap3A_2231 : vector<1x16xf32> to vector<16xf32>
        %swap3A_2233 = vector.shape_cast %add3A_2228 : vector<16xf32> to vector<1x16xf32>
        tpu.vector_store %arg10[%swap3A_2229, %swap3A_2230], %swap3A_2233 {strides = array<i32>} : memref<128x128xf32, #tpu.memory_space<vmem>>, vector<1x16xf32>,
      }
      %scan3A_1485 = arith.constant 32 : i32
      %mul3A_1486 = arith.constant 4 : i32
      %mul3A_1487 = arith.muli %mul3A_1486, %add3A_1201 : i32
      %add3A_1488 = arith.constant 0 : i32
      %add3A_1489 = arith.addi %mul3A_1487, %add3A_1488 : i32
      %dma_start3A_1490 = arith.constant 0 : i32
      %dma_start3A_1491 = arith.constant 0 : i32
      %dma_start3A_1492 = tpu.memref_slice %arg10[%dma_start3A_1490, %dma_start3A_1491] : memref<128x128xf32, #tpu.memory_space<vmem>> -> memref<32x128xf32, #tpu.memory_space<vmem>>
      %dma_start3A_1493 = arith.constant 0 : i32
      %dma_start3A_1494 = tpu.memref_slice %arg5[%mul3A_2, %add3A_1489, %dma_start3A_1493] : memref<1024x200x128xf32, #tpu.memory_space<hbm>> -> memref<32x1x128xf32, #tpu.memory_space<hbm>>
      %dma_start3A_1495 = tpu.memref_squeeze %dma_start3A_1494 : memref<32x1x128xf32, #tpu.memory_space<hbm>> -> memref<32x128xf32, #tpu.memory_space<hbm>>
      %dma_start3A_1496 = arith.constant 0 : i32
      %dma_start3A_1497 = tpu.memref_slice %arg5[%mul3A_2, %add3A_1489, %dma_start3A_1496] : memref<1024x200x128xf32, #tpu.memory_space<hbm>> -> memref<32x1x128xf32, #tpu.memory_space<hbm>>
      %dma_start3A_1498 = tpu.memref_squeeze %dma_start3A_1497 : memref<32x1x128xf32, #tpu.memory_space<hbm>> -> memref<32x128xf32, #tpu.memory_space<hbm>>
      %dma_start3A_1499 = arith.constant 0 : i32
      %dma_start3A_1500 = arith.constant 0 : i32
      %dma_start3A_1501 = tpu.memref_slice %arg10[%dma_start3A_1499, %dma_start3A_1500] : memref<128x128xf32, #tpu.memory_space<vmem>> -> memref<32x128xf32, #tpu.memory_space<vmem>>
      tpu.enqueue_dma source(%dma_start3A_1501 : memref<32x128xf32, #tpu.memory_space<vmem>>) target(%dma_start3A_1498 : memref<32x128xf32, #tpu.memory_space<hbm>>) target_semaphore(%arg18 : memref<!tpu.dma_semaphore, #tpu.memory_space<semaphore_mem>>)
      %mul3A_1502 = arith.constant 4 : i32
      %mul3A_1503 = arith.muli %mul3A_1502, %add3A_1201 : i32
      %add3A_1504 = arith.constant 1 : i32
      %add3A_1505 = arith.addi %mul3A_1503, %add3A_1504 : i32
      %dma_start3A_1506 = arith.constant 32 : i32
      %dma_start3A_1507 = arith.constant 0 : i32
      %dma_start3A_1508 = tpu.memref_slice %arg10[%dma_start3A_1506, %dma_start3A_1507] : memref<128x128xf32, #tpu.memory_space<vmem>> -> memref<32x128xf32, #tpu.memory_space<vmem>>
      %dma_start3A_1509 = arith.constant 0 : i32
      %dma_start3A_1510 = tpu.memref_slice %arg5[%mul3A_2, %add3A_1505, %dma_start3A_1509] : memref<1024x200x128xf32, #tpu.memory_space<hbm>> -> memref<32x1x128xf32, #tpu.memory_space<hbm>>
      %dma_start3A_1511 = tpu.memref_squeeze %dma_start3A_1510 : memref<32x1x128xf32, #tpu.memory_space<hbm>> -> memref<32x128xf32, #tpu.memory_space<hbm>>
      %dma_start3A_1512 = arith.constant 0 : i32
      %dma_start3A_1513 = tpu.memref_slice %arg5[%mul3A_2, %add3A_1505, %dma_start3A_1512] : memref<1024x200x128xf32, #tpu.memory_space<hbm>> -> memref<32x1x128xf32, #tpu.memory_space<hbm>>
      %dma_start3A_1514 = tpu.memref_squeeze %dma_start3A_1513 : memref<32x1x128xf32, #tpu.memory_space<hbm>> -> memref<32x128xf32, #tpu.memory_space<hbm>>
      %dma_start3A_1515 = arith.constant 32 : i32
      %dma_start3A_1516 = arith.constant 0 : i32
      %dma_start3A_1517 = tpu.memref_slice %arg10[%dma_start3A_1515, %dma_start3A_1516] : memref<128x128xf32, #tpu.memory_space<vmem>> -> memref<32x128xf32, #tpu.memory_space<vmem>>
      tpu.enqueue_dma source(%dma_start3A_1517 : memref<32x128xf32, #tpu.memory_space<vmem>>) target(%dma_start3A_1514 : memref<32x128xf32, #tpu.memory_space<hbm>>) target_semaphore(%arg18 : memref<!tpu.dma_semaphore, #tpu.memory_space<semaphore_mem>>)
      %mul3A_1518 = arith.constant 4 : i32
      %mul3A_1519 = arith.muli %mul3A_1518, %add3A_1201 : i32
      %add3A_1520 = arith.constant 2 : i32
      %add3A_1521 = arith.addi %mul3A_1519, %add3A_1520 : i32
      %dma_start3A_1522 = arith.constant 64 : i32
      %dma_start3A_1523 = arith.constant 0 : i32
      %dma_start3A_1524 = tpu.memref_slice %arg10[%dma_start3A_1522, %dma_start3A_1523] : memref<128x128xf32, #tpu.memory_space<vmem>> -> memref<32x128xf32, #tpu.memory_space<vmem>>
      %dma_start3A_1525 = arith.constant 0 : i32
      %dma_start3A_1526 = tpu.memref_slice %arg5[%mul3A_2, %add3A_1521, %dma_start3A_1525] : memref<1024x200x128xf32, #tpu.memory_space<hbm>> -> memref<32x1x128xf32, #tpu.memory_space<hbm>>
      %dma_start3A_1527 = tpu.memref_squeeze %dma_start3A_1526 : memref<32x1x128xf32, #tpu.memory_space<hbm>> -> memref<32x128xf32, #tpu.memory_space<hbm>>
      %dma_start3A_1528 = arith.constant 0 : i32
      %dma_start3A_1529 = tpu.memref_slice %arg5[%mul3A_2, %add3A_1521, %dma_start3A_1528] : memref<1024x200x128xf32, #tpu.memory_space<hbm>> -> memref<32x1x128xf32, #tpu.memory_space<hbm>>
      %dma_start3A_1530 = tpu.memref_squeeze %dma_start3A_1529 : memref<32x1x128xf32, #tpu.memory_space<hbm>> -> memref<32x128xf32, #tpu.memory_space<hbm>>
      %dma_start3A_1531 = arith.constant 64 : i32
      %dma_start3A_1532 = arith.constant 0 : i32
      %dma_start3A_1533 = tpu.memref_slice %arg10[%dma_start3A_1531, %dma_start3A_1532] : memref<128x128xf32, #tpu.memory_space<vmem>> -> memref<32x128xf32, #tpu.memory_space<vmem>>
      tpu.enqueue_dma source(%dma_start3A_1533 : memref<32x128xf32, #tpu.memory_space<vmem>>) target(%dma_start3A_1530 : memref<32x128xf32, #tpu.memory_space<hbm>>) target_semaphore(%arg18 : memref<!tpu.dma_semaphore, #tpu.memory_space<semaphore_mem>>)
      %mul3A_1534 = arith.constant 4 : i32
      %mul3A_1535 = arith.muli %mul3A_1534, %add3A_1201 : i32
      %add3A_1536 = arith.constant 3 : i32
      %add3A_1537 = arith.addi %mul3A_1535, %add3A_1536 : i32
      %dma_start3A_1538 = arith.constant 96 : i32
      %dma_start3A_1539 = arith.constant 0 : i32
      %dma_start3A_1540 = tpu.memref_slice %arg10[%dma_start3A_1538, %dma_start3A_1539] : memref<128x128xf32, #tpu.memory_space<vmem>> -> memref<32x128xf32, #tpu.memory_space<vmem>>
      %dma_start3A_1541 = arith.constant 0 : i32
      %dma_start3A_1542 = tpu.memref_slice %arg5[%mul3A_2, %add3A_1537, %dma_start3A_1541] : memref<1024x200x128xf32, #tpu.memory_space<hbm>> -> memref<32x1x128xf32, #tpu.memory_space<hbm>>
      %dma_start3A_1543 = tpu.memref_squeeze %dma_start3A_1542 : memref<32x1x128xf32, #tpu.memory_space<hbm>> -> memref<32x128xf32, #tpu.memory_space<hbm>>
      %dma_start3A_1544 = arith.constant 0 : i32
      %dma_start3A_1545 = tpu.memref_slice %arg5[%mul3A_2, %add3A_1537, %dma_start3A_1544] : memref<1024x200x128xf32, #tpu.memory_space<hbm>> -> memref<32x1x128xf32, #tpu.memory_space<hbm>>
      %dma_start3A_1546 = tpu.memref_squeeze %dma_start3A_1545 : memref<32x1x128xf32, #tpu.memory_space<hbm>> -> memref<32x128xf32, #tpu.memory_space<hbm>>
      %dma_start3A_1547 = arith.constant 96 : i32
      %dma_start3A_1548 = arith.constant 0 : i32
      %dma_start3A_1549 = tpu.memref_slice %arg10[%dma_start3A_1547, %dma_start3A_1548] : memref<128x128xf32, #tpu.memory_space<vmem>> -> memref<32x128xf32, #tpu.memory_space<vmem>>
      tpu.enqueue_dma source(%dma_start3A_1549 : memref<32x128xf32, #tpu.memory_space<vmem>>) target(%dma_start3A_1546 : memref<32x128xf32, #tpu.memory_space<hbm>>) target_semaphore(%arg18 : memref<!tpu.dma_semaphore, #tpu.memory_space<semaphore_mem>>)
      %mul3A_1550 = arith.constant 4 : i32
      %mul3A_1551 = arith.muli %mul3A_1550, %add3A_504 : i32
      %add3A_1552 = arith.constant 3 : i32
      %add3A_1553 = arith.addi %mul3A_1551, %add3A_1552 : i32
      %dma_wait3A_1554 = arith.constant 0 : i32
      %dma_wait3A_1555 = arith.constant 0 : i32
      %dma_wait3A_1556 = arith.constant 0 : i32
      %dma_wait3A_1557 = tpu.memref_slice %arg5[%dma_wait3A_1554, %dma_wait3A_1555, %dma_wait3A_1556] : memref<1024x200x128xf32, #tpu.memory_space<hbm>> -> memref<1x128x128xf32, #tpu.memory_space<hbm>>
      %dma_wait3A_1558 = tpu.memref_squeeze %dma_wait3A_1557 : memref<1x128x128xf32, #tpu.memory_space<hbm>> -> memref<128x128xf32, #tpu.memory_space<hbm>>
      %dma_wait3A_1559 = arith.constant 0 : i32
      %dma_wait3A_1560 = arith.constant 0 : i32
      %dma_wait3A_1561 = tpu.memref_slice %arg5[%dma_wait3A_1554, %dma_wait3A_1559, %dma_wait3A_1560] : memref<1024x200x128xf32, #tpu.memory_space<hbm>> -> memref<1x128x128xf32, #tpu.memory_space<hbm>>
      %dma_wait3A_1562 = tpu.memref_squeeze %dma_wait3A_1561 : memref<1x128x128xf32, #tpu.memory_space<hbm>> -> memref<128x128xf32, #tpu.memory_space<hbm>>
      tpu.wait_dma2 semaphore(%arg17 : memref<!tpu.dma_semaphore, #tpu.memory_space<semaphore_mem>>) src(%arg9 : memref<128x128xf32, #tpu.memory_space<vmem>>) dst(%dma_wait3A_1562 : memref<128x128xf32, #tpu.memory_space<hbm>>)
      %add3A_1563 = arith.constant 2 : i32
      %add3A_1564 = arith.addi %add3A_1553, %add3A_1563 : i32
      %dma_start3A_1565 = arith.constant 0 : i32
      %dma_start3A_1566 = tpu.memref_slice %arg7[%add3A_1564, %dma_start3A_1565] : memref<50x128xi32, #tpu.memory_space<vmem>> -> memref<1x128xi32, #tpu.memory_space<vmem>>
      %dma_start3A_1567 = tpu.memref_squeeze %dma_start3A_1566 : memref<1x128xi32, #tpu.memory_space<vmem>> -> memref<128xi32, #tpu.memory_space<vmem>>
      %dma_start3A_1568 = arith.constant 0 : i32
      %dma_start3A_1569 = arith.constant 0 : i32
      %dma_start3A_1570 = tpu.memref_slice %arg3[%dma_start3A_1568, %dma_start3A_1569] : memref<100000x128xf32, #tpu.memory_space<hbm>> -> memref<100000x128xf32, #tpu.memory_space<hbm>>
      tpu.enqueue_indirect_dma source(%dma_start3A_1570 : memref<100000x128xf32, #tpu.memory_space<hbm>>) target(%arg9 : memref<128x128xf32, #tpu.memory_space<vmem>>) offsets(%dma_start3A_1567 : memref<128xi32, #tpu.memory_space<vmem>>) semaphore(%arg13 : memref<!tpu.dma_semaphore, #tpu.memory_space<semaphore_mem>>)
      %dma_wait3A_1571 = arith.constant 0 : i32
      %dma_wait3A_1572 = arith.constant 0 : i32
      %dma_wait3A_1573 = tpu.memref_slice %arg3[%dma_wait3A_1571, %dma_wait3A_1572] : memref<100000x128xf32, #tpu.memory_space<hbm>> -> memref<128x128xf32, #tpu.memory_space<hbm>>
      %dma_wait3A_1574 = arith.constant 0 : i32
      %dma_wait3A_1575 = arith.constant 0 : i32
      %dma_wait3A_1576 = tpu.memref_slice %arg3[%dma_wait3A_1574, %dma_wait3A_1575] : memref<100000x128xf32, #tpu.memory_space<hbm>> -> memref<128x128xf32, #tpu.memory_space<hbm>>
      tpu.wait_dma2 semaphore(%arg15 : memref<!tpu.dma_semaphore, #tpu.memory_space<semaphore_mem>>) src(%dma_wait3A_1576 : memref<128x128xf32, #tpu.memory_space<hbm>>) dst(%arg11 : memref<128x128xf32, #tpu.memory_space<vmem>>)
      %mul3A_1577 = arith.constant 4 : i32
      %mul3A_1578 = arith.muli %mul3A_1577, %add3A_1553 : i32
      %add3A_1579 = arith.constant 0 : i32
      %add3A_1580 = arith.addi %mul3A_1578, %add3A_1579 : i32
      %get3A_1581 = arith.index_cast %add3A_1580 : i32 to index
      %get3A_1582 = arith.constant 0 : index
      %get3A_1583 = tpu.vector_load %arg6[%get3A_1581, %get3A_1582] {strides = array<i32>} : memref<200x128xf32, #tpu.memory_space<vmem>>, vector<1x16xf32>,
      %get3A_1584 = vector.shape_cast %get3A_1583 : vector<1x16xf32> to vector<16xf32>
      %mul3A_1585 = arith.constant 4 : i32
      %mul3A_1586 = arith.muli %mul3A_1585, %add3A_1553 : i32
      %add3A_1587 = arith.constant 0 : i32
      %add3A_1588 = arith.addi %mul3A_1586, %add3A_1587 : i32
      %get3A_1589 = arith.index_cast %add3A_1588 : i32 to index
      %get3A_1590 = arith.constant 16 : index
      %get3A_1591 = tpu.vector_load %arg6[%get3A_1589, %get3A_1590] {strides = array<i32>} : memref<200x128xf32, #tpu.memory_space<vmem>>, vector<1x16xf32>,
      %get3A_1592 = vector.shape_cast %get3A_1591 : vector<1x16xf32> to vector<16xf32>
      %mul3A_1593 = arith.constant 4 : i32
      %mul3A_1594 = arith.muli %mul3A_1593, %add3A_1553 : i32
      %add3A_1595 = arith.constant 0 : i32
      %add3A_1596 = arith.addi %mul3A_1594, %add3A_1595 : i32
      %get3A_1597 = arith.index_cast %add3A_1596 : i32 to index
      %get3A_1598 = arith.constant 32 : index
      %get3A_1599 = tpu.vector_load %arg6[%get3A_1597, %get3A_1598] {strides = array<i32>} : memref<200x128xf32, #tpu.memory_space<vmem>>, vector<1x16xf32>,
      %get3A_1600 = vector.shape_cast %get3A_1599 : vector<1x16xf32> to vector<16xf32>
      %mul3A_1601 = arith.constant 4 : i32
      %mul3A_1602 = arith.muli %mul3A_1601, %add3A_1553 : i32
      %add3A_1603 = arith.constant 0 : i32
      %add3A_1604 = arith.addi %mul3A_1602, %add3A_1603 : i32
      %get3A_1605 = arith.index_cast %add3A_1604 : i32 to index
      %get3A_1606 = arith.constant 48 : index
      %get3A_1607 = tpu.vector_load %arg6[%get3A_1605, %get3A_1606] {strides = array<i32>} : memref<200x128xf32, #tpu.memory_space<vmem>>, vector<1x16xf32>,
      %get3A_1608 = vector.shape_cast %get3A_1607 : vector<1x16xf32> to vector<16xf32>
      %mul3A_1609 = arith.constant 4 : i32
      %mul3A_1610 = arith.muli %mul3A_1609, %add3A_1553 : i32
      %add3A_1611 = arith.constant 0 : i32
      %add3A_1612 = arith.addi %mul3A_1610, %add3A_1611 : i32
      %get3A_1613 = arith.index_cast %add3A_1612 : i32 to index
      %get3A_1614 = arith.constant 64 : index
      %get3A_1615 = tpu.vector_load %arg6[%get3A_1613, %get3A_1614] {strides = array<i32>} : memref<200x128xf32, #tpu.memory_space<vmem>>, vector<1x16xf32>,
      %get3A_1616 = vector.shape_cast %get3A_1615 : vector<1x16xf32> to vector<16xf32>
      %mul3A_1617 = arith.constant 4 : i32
      %mul3A_1618 = arith.muli %mul3A_1617, %add3A_1553 : i32
      %add3A_1619 = arith.constant 0 : i32
      %add3A_1620 = arith.addi %mul3A_1618, %add3A_1619 : i32
      %get3A_1621 = arith.index_cast %add3A_1620 : i32 to index
      %get3A_1622 = arith.constant 80 : index
      %get3A_1623 = tpu.vector_load %arg6[%get3A_1621, %get3A_1622] {strides = array<i32>} : memref<200x128xf32, #tpu.memory_space<vmem>>, vector<1x16xf32>,
      %get3A_1624 = vector.shape_cast %get3A_1623 : vector<1x16xf32> to vector<16xf32>
      %mul3A_1625 = arith.constant 4 : i32
      %mul3A_1626 = arith.muli %mul3A_1625, %add3A_1553 : i32
      %add3A_1627 = arith.constant 0 : i32
      %add3A_1628 = arith.addi %mul3A_1626, %add3A_1627 : i32
      %get3A_1629 = arith.index_cast %add3A_1628 : i32 to index
      %get3A_1630 = arith.constant 96 : index
      %get3A_1631 = tpu.vector_load %arg6[%get3A_1629, %get3A_1630] {strides = array<i32>} : memref<200x128xf32, #tpu.memory_space<vmem>>, vector<1x16xf32>,
      %get3A_1632 = vector.shape_cast %get3A_1631 : vector<1x16xf32> to vector<16xf32>
      %mul3A_1633 = arith.constant 4 : i32
      %mul3A_1634 = arith.muli %mul3A_1633, %add3A_1553 : i32
      %add3A_1635 = arith.constant 0 : i32
      %add3A_1636 = arith.addi %mul3A_1634, %add3A_1635 : i32
      %get3A_1637 = arith.index_cast %add3A_1636 : i32 to index
      %get3A_1638 = arith.constant 112 : index
      %get3A_1639 = tpu.vector_load %arg6[%get3A_1637, %get3A_1638] {strides = array<i32>} : memref<200x128xf32, #tpu.memory_space<vmem>>, vector<1x16xf32>,
      %get3A_1640 = vector.shape_cast %get3A_1639 : vector<1x16xf32> to vector<16xf32>
      %mul3A_1641 = arith.constant 4 : i32
      %mul3A_1642 = arith.muli %mul3A_1641, %add3A_1553 : i32
      %add3A_1643 = arith.constant 1 : i32
      %add3A_1644 = arith.addi %mul3A_1642, %add3A_1643 : i32
      %get3A_1645 = arith.index_cast %add3A_1644 : i32 to index
      %get3A_1646 = arith.constant 0 : index
      %get3A_1647 = tpu.vector_load %arg6[%get3A_1645, %get3A_1646] {strides = array<i32>} : memref<200x128xf32, #tpu.memory_space<vmem>>, vector<1x16xf32>,
      %get3A_1648 = vector.shape_cast %get3A_1647 : vector<1x16xf32> to vector<16xf32>
      %mul3A_1649 = arith.constant 4 : i32
      %mul3A_1650 = arith.muli %mul3A_1649, %add3A_1553 : i32
      %add3A_1651 = arith.constant 1 : i32
      %add3A_1652 = arith.addi %mul3A_1650, %add3A_1651 : i32
      %get3A_1653 = arith.index_cast %add3A_1652 : i32 to index
      %get3A_1654 = arith.constant 16 : index
      %get3A_1655 = tpu.vector_load %arg6[%get3A_1653, %get3A_1654] {strides = array<i32>} : memref<200x128xf32, #tpu.memory_space<vmem>>, vector<1x16xf32>,
      %get3A_1656 = vector.shape_cast %get3A_1655 : vector<1x16xf32> to vector<16xf32>
      %mul3A_1657 = arith.constant 4 : i32
      %mul3A_1658 = arith.muli %mul3A_1657, %add3A_1553 : i32
      %add3A_1659 = arith.constant 1 : i32
      %add3A_1660 = arith.addi %mul3A_1658, %add3A_1659 : i32
      %get3A_1661 = arith.index_cast %add3A_1660 : i32 to index
      %get3A_1662 = arith.constant 32 : index
      %get3A_1663 = tpu.vector_load %arg6[%get3A_1661, %get3A_1662] {strides = array<i32>} : memref<200x128xf32, #tpu.memory_space<vmem>>, vector<1x16xf32>,
      %get3A_1664 = vector.shape_cast %get3A_1663 : vector<1x16xf32> to vector<16xf32>
      %mul3A_1665 = arith.constant 4 : i32
      %mul3A_1666 = arith.muli %mul3A_1665, %add3A_1553 : i32
      %add3A_1667 = arith.constant 1 : i32
      %add3A_1668 = arith.addi %mul3A_1666, %add3A_1667 : i32
      %get3A_1669 = arith.index_cast %add3A_1668 : i32 to index
      %get3A_1670 = arith.constant 48 : index
      %get3A_1671 = tpu.vector_load %arg6[%get3A_1669, %get3A_1670] {strides = array<i32>} : memref<200x128xf32, #tpu.memory_space<vmem>>, vector<1x16xf32>,
      %get3A_1672 = vector.shape_cast %get3A_1671 : vector<1x16xf32> to vector<16xf32>
      %mul3A_1673 = arith.constant 4 : i32
      %mul3A_1674 = arith.muli %mul3A_1673, %add3A_1553 : i32
      %add3A_1675 = arith.constant 1 : i32
      %add3A_1676 = arith.addi %mul3A_1674, %add3A_1675 : i32
      %get3A_1677 = arith.index_cast %add3A_1676 : i32 to index
      %get3A_1678 = arith.constant 64 : index
      %get3A_1679 = tpu.vector_load %arg6[%get3A_1677, %get3A_1678] {strides = array<i32>} : memref<200x128xf32, #tpu.memory_space<vmem>>, vector<1x16xf32>,
      %get3A_1680 = vector.shape_cast %get3A_1679 : vector<1x16xf32> to vector<16xf32>
      %mul3A_1681 = arith.constant 4 : i32
      %mul3A_1682 = arith.muli %mul3A_1681, %add3A_1553 : i32
      %add3A_1683 = arith.constant 1 : i32
      %add3A_1684 = arith.addi %mul3A_1682, %add3A_1683 : i32
      %get3A_1685 = arith.index_cast %add3A_1684 : i32 to index
      %get3A_1686 = arith.constant 80 : index
      %get3A_1687 = tpu.vector_load %arg6[%get3A_1685, %get3A_1686] {strides = array<i32>} : memref<200x128xf32, #tpu.memory_space<vmem>>, vector<1x16xf32>,
      %get3A_1688 = vector.shape_cast %get3A_1687 : vector<1x16xf32> to vector<16xf32>
      %mul3A_1689 = arith.constant 4 : i32
      %mul3A_1690 = arith.muli %mul3A_1689, %add3A_1553 : i32
      %add3A_1691 = arith.constant 1 : i32
      %add3A_1692 = arith.addi %mul3A_1690, %add3A_1691 : i32
      %get3A_1693 = arith.index_cast %add3A_1692 : i32 to index
      %get3A_1694 = arith.constant 96 : index
      %get3A_1695 = tpu.vector_load %arg6[%get3A_1693, %get3A_1694] {strides = array<i32>} : memref<200x128xf32, #tpu.memory_space<vmem>>, vector<1x16xf32>,
      %get3A_1696 = vector.shape_cast %get3A_1695 : vector<1x16xf32> to vector<16xf32>
      %mul3A_1697 = arith.constant 4 : i32
      %mul3A_1698 = arith.muli %mul3A_1697, %add3A_1553 : i32
      %add3A_1699 = arith.constant 1 : i32
      %add3A_1700 = arith.addi %mul3A_1698, %add3A_1699 : i32
      %get3A_1701 = arith.index_cast %add3A_1700 : i32 to index
      %get3A_1702 = arith.constant 112 : index
      %get3A_1703 = tpu.vector_load %arg6[%get3A_1701, %get3A_1702] {strides = array<i32>} : memref<200x128xf32, #tpu.memory_space<vmem>>, vector<1x16xf32>,
      %get3A_1704 = vector.shape_cast %get3A_1703 : vector<1x16xf32> to vector<16xf32>
      %mul3A_1705 = arith.constant 4 : i32
      %mul3A_1706 = arith.muli %mul3A_1705, %add3A_1553 : i32
      %add3A_1707 = arith.constant 2 : i32
      %add3A_1708 = arith.addi %mul3A_1706, %add3A_1707 : i32
      %get3A_1709 = arith.index_cast %add3A_1708 : i32 to index
      %get3A_1710 = arith.constant 0 : index
      %get3A_1711 = tpu.vector_load %arg6[%get3A_1709, %get3A_1710] {strides = array<i32>} : memref<200x128xf32, #tpu.memory_space<vmem>>, vector<1x16xf32>,
      %get3A_1712 = vector.shape_cast %get3A_1711 : vector<1x16xf32> to vector<16xf32>
      %mul3A_1713 = arith.constant 4 : i32
      %mul3A_1714 = arith.muli %mul3A_1713, %add3A_1553 : i32
      %add3A_1715 = arith.constant 2 : i32
      %add3A_1716 = arith.addi %mul3A_1714, %add3A_1715 : i32
      %get3A_1717 = arith.index_cast %add3A_1716 : i32 to index
      %get3A_1718 = arith.constant 16 : index
      %get3A_1719 = tpu.vector_load %arg6[%get3A_1717, %get3A_1718] {strides = array<i32>} : memref<200x128xf32, #tpu.memory_space<vmem>>, vector<1x16xf32>,
      %get3A_1720 = vector.shape_cast %get3A_1719 : vector<1x16xf32> to vector<16xf32>
      %mul3A_1721 = arith.constant 4 : i32
      %mul3A_1722 = arith.muli %mul3A_1721, %add3A_1553 : i32
      %add3A_1723 = arith.constant 2 : i32
      %add3A_1724 = arith.addi %mul3A_1722, %add3A_1723 : i32
      %get3A_1725 = arith.index_cast %add3A_1724 : i32 to index
      %get3A_1726 = arith.constant 32 : index
      %get3A_1727 = tpu.vector_load %arg6[%get3A_1725, %get3A_1726] {strides = array<i32>} : memref<200x128xf32, #tpu.memory_space<vmem>>, vector<1x16xf32>,
      %get3A_1728 = vector.shape_cast %get3A_1727 : vector<1x16xf32> to vector<16xf32>
      %mul3A_1729 = arith.constant 4 : i32
      %mul3A_1730 = arith.muli %mul3A_1729, %add3A_1553 : i32
      %add3A_1731 = arith.constant 2 : i32
      %add3A_1732 = arith.addi %mul3A_1730, %add3A_1731 : i32
      %get3A_1733 = arith.index_cast %add3A_1732 : i32 to index
      %get3A_1734 = arith.constant 48 : index
      %get3A_1735 = tpu.vector_load %arg6[%get3A_1733, %get3A_1734] {strides = array<i32>} : memref<200x128xf32, #tpu.memory_space<vmem>>, vector<1x16xf32>,
      %get3A_1736 = vector.shape_cast %get3A_1735 : vector<1x16xf32> to vector<16xf32>
      %mul3A_1737 = arith.constant 4 : i32
      %mul3A_1738 = arith.muli %mul3A_1737, %add3A_1553 : i32
      %add3A_1739 = arith.constant 2 : i32
      %add3A_1740 = arith.addi %mul3A_1738, %add3A_1739 : i32
      %get3A_1741 = arith.index_cast %add3A_1740 : i32 to index
      %get3A_1742 = arith.constant 64 : index
      %get3A_1743 = tpu.vector_load %arg6[%get3A_1741, %get3A_1742] {strides = array<i32>} : memref<200x128xf32, #tpu.memory_space<vmem>>, vector<1x16xf32>,
      %get3A_1744 = vector.shape_cast %get3A_1743 : vector<1x16xf32> to vector<16xf32>
      %mul3A_1745 = arith.constant 4 : i32
      %mul3A_1746 = arith.muli %mul3A_1745, %add3A_1553 : i32
      %add3A_1747 = arith.constant 2 : i32
      %add3A_1748 = arith.addi %mul3A_1746, %add3A_1747 : i32
      %get3A_1749 = arith.index_cast %add3A_1748 : i32 to index
      %get3A_1750 = arith.constant 80 : index
      %get3A_1751 = tpu.vector_load %arg6[%get3A_1749, %get3A_1750] {strides = array<i32>} : memref<200x128xf32, #tpu.memory_space<vmem>>, vector<1x16xf32>,
      %get3A_1752 = vector.shape_cast %get3A_1751 : vector<1x16xf32> to vector<16xf32>
      %mul3A_1753 = arith.constant 4 : i32
      %mul3A_1754 = arith.muli %mul3A_1753, %add3A_1553 : i32
      %add3A_1755 = arith.constant 2 : i32
      %add3A_1756 = arith.addi %mul3A_1754, %add3A_1755 : i32
      %get3A_1757 = arith.index_cast %add3A_1756 : i32 to index
      %get3A_1758 = arith.constant 96 : index
      %get3A_1759 = tpu.vector_load %arg6[%get3A_1757, %get3A_1758] {strides = array<i32>} : memref<200x128xf32, #tpu.memory_space<vmem>>, vector<1x16xf32>,
      %get3A_1760 = vector.shape_cast %get3A_1759 : vector<1x16xf32> to vector<16xf32>
      %mul3A_1761 = arith.constant 4 : i32
      %mul3A_1762 = arith.muli %mul3A_1761, %add3A_1553 : i32
      %add3A_1763 = arith.constant 2 : i32
      %add3A_1764 = arith.addi %mul3A_1762, %add3A_1763 : i32
      %get3A_1765 = arith.index_cast %add3A_1764 : i32 to index
      %get3A_1766 = arith.constant 112 : index
      %get3A_1767 = tpu.vector_load %arg6[%get3A_1765, %get3A_1766] {strides = array<i32>} : memref<200x128xf32, #tpu.memory_space<vmem>>, vector<1x16xf32>,
      %get3A_1768 = vector.shape_cast %get3A_1767 : vector<1x16xf32> to vector<16xf32>
      %mul3A_1769 = arith.constant 4 : i32
      %mul3A_1770 = arith.muli %mul3A_1769, %add3A_1553 : i32
      %add3A_1771 = arith.constant 3 : i32
      %add3A_1772 = arith.addi %mul3A_1770, %add3A_1771 : i32
      %get3A_1773 = arith.index_cast %add3A_1772 : i32 to index
      %get3A_1774 = arith.constant 0 : index
      %get3A_1775 = tpu.vector_load %arg6[%get3A_1773, %get3A_1774] {strides = array<i32>} : memref<200x128xf32, #tpu.memory_space<vmem>>, vector<1x16xf32>,
      %get3A_1776 = vector.shape_cast %get3A_1775 : vector<1x16xf32> to vector<16xf32>
      %mul3A_1777 = arith.constant 4 : i32
      %mul3A_1778 = arith.muli %mul3A_1777, %add3A_1553 : i32
      %add3A_1779 = arith.constant 3 : i32
      %add3A_1780 = arith.addi %mul3A_1778, %add3A_1779 : i32
      %get3A_1781 = arith.index_cast %add3A_1780 : i32 to index
      %get3A_1782 = arith.constant 16 : index
      %get3A_1783 = tpu.vector_load %arg6[%get3A_1781, %get3A_1782] {strides = array<i32>} : memref<200x128xf32, #tpu.memory_space<vmem>>, vector<1x16xf32>,
      %get3A_1784 = vector.shape_cast %get3A_1783 : vector<1x16xf32> to vector<16xf32>
      %mul3A_1785 = arith.constant 4 : i32
      %mul3A_1786 = arith.muli %mul3A_1785, %add3A_1553 : i32
      %add3A_1787 = arith.constant 3 : i32
      %add3A_1788 = arith.addi %mul3A_1786, %add3A_1787 : i32
      %get3A_1789 = arith.index_cast %add3A_1788 : i32 to index
      %get3A_1790 = arith.constant 32 : index
      %get3A_1791 = tpu.vector_load %arg6[%get3A_1789, %get3A_1790] {strides = array<i32>} : memref<200x128xf32, #tpu.memory_space<vmem>>, vector<1x16xf32>,
      %get3A_1792 = vector.shape_cast %get3A_1791 : vector<1x16xf32> to vector<16xf32>
      %mul3A_1793 = arith.constant 4 : i32
      %mul3A_1794 = arith.muli %mul3A_1793, %add3A_1553 : i32
      %add3A_1795 = arith.constant 3 : i32
      %add3A_1796 = arith.addi %mul3A_1794, %add3A_1795 : i32
      %get3A_1797 = arith.index_cast %add3A_1796 : i32 to index
      %get3A_1798 = arith.constant 48 : index
      %get3A_1799 = tpu.vector_load %arg6[%get3A_1797, %get3A_1798] {strides = array<i32>} : memref<200x128xf32, #tpu.memory_space<vmem>>, vector<1x16xf32>,
      %get3A_1800 = vector.shape_cast %get3A_1799 : vector<1x16xf32> to vector<16xf32>
      %mul3A_1801 = arith.constant 4 : i32
      %mul3A_1802 = arith.muli %mul3A_1801, %add3A_1553 : i32
      %add3A_1803 = arith.constant 3 : i32
      %add3A_1804 = arith.addi %mul3A_1802, %add3A_1803 : i32
      %get3A_1805 = arith.index_cast %add3A_1804 : i32 to index
      %get3A_1806 = arith.constant 64 : index
      %get3A_1807 = tpu.vector_load %arg6[%get3A_1805, %get3A_1806] {strides = array<i32>} : memref<200x128xf32, #tpu.memory_space<vmem>>, vector<1x16xf32>,
      %get3A_1808 = vector.shape_cast %get3A_1807 : vector<1x16xf32> to vector<16xf32>
      %mul3A_1809 = arith.constant 4 : i32
      %mul3A_1810 = arith.muli %mul3A_1809, %add3A_1553 : i32
      %add3A_1811 = arith.constant 3 : i32
      %add3A_1812 = arith.addi %mul3A_1810, %add3A_1811 : i32
      %get3A_1813 = arith.index_cast %add3A_1812 : i32 to index
      %get3A_1814 = arith.constant 80 : index
      %get3A_1815 = tpu.vector_load %arg6[%get3A_1813, %get3A_1814] {strides = array<i32>} : memref<200x128xf32, #tpu.memory_space<vmem>>, vector<1x16xf32>,
      %get3A_1816 = vector.shape_cast %get3A_1815 : vector<1x16xf32> to vector<16xf32>
      %mul3A_1817 = arith.constant 4 : i32
      %mul3A_1818 = arith.muli %mul3A_1817, %add3A_1553 : i32
      %add3A_1819 = arith.constant 3 : i32
      %add3A_1820 = arith.addi %mul3A_1818, %add3A_1819 : i32
      %get3A_1821 = arith.index_cast %add3A_1820 : i32 to index
      %get3A_1822 = arith.constant 96 : index
      %get3A_1823 = tpu.vector_load %arg6[%get3A_1821, %get3A_1822] {strides = array<i32>} : memref<200x128xf32, #tpu.memory_space<vmem>>, vector<1x16xf32>,
      %get3A_1824 = vector.shape_cast %get3A_1823 : vector<1x16xf32> to vector<16xf32>
      %mul3A_1825 = arith.constant 4 : i32
      %mul3A_1826 = arith.muli %mul3A_1825, %add3A_1553 : i32
      %add3A_1827 = arith.constant 3 : i32
      %add3A_1828 = arith.addi %mul3A_1826, %add3A_1827 : i32
      %get3A_1829 = arith.index_cast %add3A_1828 : i32 to index
      %get3A_1830 = arith.constant 112 : index
      %get3A_1831 = tpu.vector_load %arg6[%get3A_1829, %get3A_1830] {strides = array<i32>} : memref<200x128xf32, #tpu.memory_space<vmem>>, vector<1x16xf32>,
      %get3A_1832 = vector.shape_cast %get3A_1831 : vector<1x16xf32> to vector<16xf32>
      %scan3A_1833 = arith.constant 0 : i32
      %scan3A_1834 = arith.constant 32 : i32
      %scan3A_1835 = arith.addi %scan3A_1833, %scan3A_1834 : i32
      %scan3A_1836 = arith.constant 1 : i32
      scf.for %scan3A_1902 = %scan3A_1833 to %scan3A_1835 step %scan3A_1836  : i32 {
        %mul3A_1903 = arith.constant 1 : i32
        %mul3A_1904 = arith.muli %scan3A_1902, %mul3A_1903 : i32
        %add3A_1905 = arith.constant 0 : i32
        %add3A_1906 = arith.addi %add3A_1905, %mul3A_1904 : i32
        %add3A_1907 = arith.constant 0 : i32
        %add3A_1908 = arith.addi %add3A_1907, %add3A_1906 : i32
        %get3A_1909 = arith.index_cast %add3A_1908 : i32 to index
        %get3A_1910 = arith.constant 0 : index
        %get3A_1911 = tpu.vector_load %arg11[%get3A_1909, %get3A_1910] {strides = array<i32>} : memref<128x128xf32, #tpu.memory_space<vmem>>, vector<1x16xf32>,
        %get3A_1912 = vector.shape_cast %get3A_1911 : vector<1x16xf32> to vector<16xf32>
        %add3A_1913 = arith.addf %get3A_1912, %get3A_1584 : vector<16xf32>
        %swap3A = arith.index_cast %add3A_1908 : i32 to index
        %swap3A_1914 = arith.constant 0 : index
        %swap3A_1915 = tpu.vector_load %arg11[%swap3A, %swap3A_1914] {strides = array<i32>} : memref<128x128xf32, #tpu.memory_space<vmem>>, vector<1x16xf32>,
        %swap3A_1916 = vector.shape_cast %swap3A_1915 : vector<1x16xf32> to vector<16xf32>
        %swap3A_1917 = vector.shape_cast %add3A_1913 : vector<16xf32> to vector<1x16xf32>
        tpu.vector_store %arg11[%swap3A, %swap3A_1914], %swap3A_1917 {strides = array<i32>} : memref<128x128xf32, #tpu.memory_space<vmem>>, vector<1x16xf32>,
        %get3A_1918 = arith.index_cast %add3A_1908 : i32 to index
        %get3A_1919 = arith.constant 16 : index
        %get3A_1920 = tpu.vector_load %arg11[%get3A_1918, %get3A_1919] {strides = array<i32>} : memref<128x128xf32, #tpu.memory_space<vmem>>, vector<1x16xf32>,
        %get3A_1921 = vector.shape_cast %get3A_1920 : vector<1x16xf32> to vector<16xf32>
        %add3A_1922 = arith.addf %get3A_1921, %get3A_1592 : vector<16xf32>
        %swap3A_1923 = arith.index_cast %add3A_1908 : i32 to index
        %swap3A_1924 = arith.constant 16 : index
        %swap3A_1925 = tpu.vector_load %arg11[%swap3A_1923, %swap3A_1924] {strides = array<i32>} : memref<128x128xf32, #tpu.memory_space<vmem>>, vector<1x16xf32>,
        %swap3A_1926 = vector.shape_cast %swap3A_1925 : vector<1x16xf32> to vector<16xf32>
        %swap3A_1927 = vector.shape_cast %add3A_1922 : vector<16xf32> to vector<1x16xf32>
        tpu.vector_store %arg11[%swap3A_1923, %swap3A_1924], %swap3A_1927 {strides = array<i32>} : memref<128x128xf32, #tpu.memory_space<vmem>>, vector<1x16xf32>,
        %get3A_1928 = arith.index_cast %add3A_1908 : i32 to index
        %get3A_1929 = arith.constant 32 : index
        %get3A_1930 = tpu.vector_load %arg11[%get3A_1928, %get3A_1929] {strides = array<i32>} : memref<128x128xf32, #tpu.memory_space<vmem>>, vector<1x16xf32>,
        %get3A_1931 = vector.shape_cast %get3A_1930 : vector<1x16xf32> to vector<16xf32>
        %add3A_1932 = arith.addf %get3A_1931, %get3A_1600 : vector<16xf32>
        %swap3A_1933 = arith.index_cast %add3A_1908 : i32 to index
        %swap3A_1934 = arith.constant 32 : index
        %swap3A_1935 = tpu.vector_load %arg11[%swap3A_1933, %swap3A_1934] {strides = array<i32>} : memref<128x128xf32, #tpu.memory_space<vmem>>, vector<1x16xf32>,
        %swap3A_1936 = vector.shape_cast %swap3A_1935 : vector<1x16xf32> to vector<16xf32>
        %swap3A_1937 = vector.shape_cast %add3A_1932 : vector<16xf32> to vector<1x16xf32>
        tpu.vector_store %arg11[%swap3A_1933, %swap3A_1934], %swap3A_1937 {strides = array<i32>} : memref<128x128xf32, #tpu.memory_space<vmem>>, vector<1x16xf32>,
        %get3A_1938 = arith.index_cast %add3A_1908 : i32 to index
        %get3A_1939 = arith.constant 48 : index
        %get3A_1940 = tpu.vector_load %arg11[%get3A_1938, %get3A_1939] {strides = array<i32>} : memref<128x128xf32, #tpu.memory_space<vmem>>, vector<1x16xf32>,
        %get3A_1941 = vector.shape_cast %get3A_1940 : vector<1x16xf32> to vector<16xf32>
        %add3A_1942 = arith.addf %get3A_1941, %get3A_1608 : vector<16xf32>
        %swap3A_1943 = arith.index_cast %add3A_1908 : i32 to index
        %swap3A_1944 = arith.constant 48 : index
        %swap3A_1945 = tpu.vector_load %arg11[%swap3A_1943, %swap3A_1944] {strides = array<i32>} : memref<128x128xf32, #tpu.memory_space<vmem>>, vector<1x16xf32>,
        %swap3A_1946 = vector.shape_cast %swap3A_1945 : vector<1x16xf32> to vector<16xf32>
        %swap3A_1947 = vector.shape_cast %add3A_1942 : vector<16xf32> to vector<1x16xf32>
        tpu.vector_store %arg11[%swap3A_1943, %swap3A_1944], %swap3A_1947 {strides = array<i32>} : memref<128x128xf32, #tpu.memory_space<vmem>>, vector<1x16xf32>,
        %get3A_1948 = arith.index_cast %add3A_1908 : i32 to index
        %get3A_1949 = arith.constant 64 : index
        %get3A_1950 = tpu.vector_load %arg11[%get3A_1948, %get3A_1949] {strides = array<i32>} : memref<128x128xf32, #tpu.memory_space<vmem>>, vector<1x16xf32>,
        %get3A_1951 = vector.shape_cast %get3A_1950 : vector<1x16xf32> to vector<16xf32>
        %add3A_1952 = arith.addf %get3A_1951, %get3A_1616 : vector<16xf32>
        %swap3A_1953 = arith.index_cast %add3A_1908 : i32 to index
        %swap3A_1954 = arith.constant 64 : index
        %swap3A_1955 = tpu.vector_load %arg11[%swap3A_1953, %swap3A_1954] {strides = array<i32>} : memref<128x128xf32, #tpu.memory_space<vmem>>, vector<1x16xf32>,
        %swap3A_1956 = vector.shape_cast %swap3A_1955 : vector<1x16xf32> to vector<16xf32>
        %swap3A_1957 = vector.shape_cast %add3A_1952 : vector<16xf32> to vector<1x16xf32>
        tpu.vector_store %arg11[%swap3A_1953, %swap3A_1954], %swap3A_1957 {strides = array<i32>} : memref<128x128xf32, #tpu.memory_space<vmem>>, vector<1x16xf32>,
        %get3A_1958 = arith.index_cast %add3A_1908 : i32 to index
        %get3A_1959 = arith.constant 80 : index
        %get3A_1960 = tpu.vector_load %arg11[%get3A_1958, %get3A_1959] {strides = array<i32>} : memref<128x128xf32, #tpu.memory_space<vmem>>, vector<1x16xf32>,
        %get3A_1961 = vector.shape_cast %get3A_1960 : vector<1x16xf32> to vector<16xf32>
        %add3A_1962 = arith.addf %get3A_1961, %get3A_1624 : vector<16xf32>
        %swap3A_1963 = arith.index_cast %add3A_1908 : i32 to index
        %swap3A_1964 = arith.constant 80 : index
        %swap3A_1965 = tpu.vector_load %arg11[%swap3A_1963, %swap3A_1964] {strides = array<i32>} : memref<128x128xf32, #tpu.memory_space<vmem>>, vector<1x16xf32>,
        %swap3A_1966 = vector.shape_cast %swap3A_1965 : vector<1x16xf32> to vector<16xf32>
        %swap3A_1967 = vector.shape_cast %add3A_1962 : vector<16xf32> to vector<1x16xf32>
        tpu.vector_store %arg11[%swap3A_1963, %swap3A_1964], %swap3A_1967 {strides = array<i32>} : memref<128x128xf32, #tpu.memory_space<vmem>>, vector<1x16xf32>,
        %get3A_1968 = arith.index_cast %add3A_1908 : i32 to index
        %get3A_1969 = arith.constant 96 : index
        %get3A_1970 = tpu.vector_load %arg11[%get3A_1968, %get3A_1969] {strides = array<i32>} : memref<128x128xf32, #tpu.memory_space<vmem>>, vector<1x16xf32>,
        %get3A_1971 = vector.shape_cast %get3A_1970 : vector<1x16xf32> to vector<16xf32>
        %add3A_1972 = arith.addf %get3A_1971, %get3A_1632 : vector<16xf32>
        %swap3A_1973 = arith.index_cast %add3A_1908 : i32 to index
        %swap3A_1974 = arith.constant 96 : index
        %swap3A_1975 = tpu.vector_load %arg11[%swap3A_1973, %swap3A_1974] {strides = array<i32>} : memref<128x128xf32, #tpu.memory_space<vmem>>, vector<1x16xf32>,
        %swap3A_1976 = vector.shape_cast %swap3A_1975 : vector<1x16xf32> to vector<16xf32>
        %swap3A_1977 = vector.shape_cast %add3A_1972 : vector<16xf32> to vector<1x16xf32>
        tpu.vector_store %arg11[%swap3A_1973, %swap3A_1974], %swap3A_1977 {strides = array<i32>} : memref<128x128xf32, #tpu.memory_space<vmem>>, vector<1x16xf32>,
        %get3A_1978 = arith.index_cast %add3A_1908 : i32 to index
        %get3A_1979 = arith.constant 112 : index
        %get3A_1980 = tpu.vector_load %arg11[%get3A_1978, %get3A_1979] {strides = array<i32>} : memref<128x128xf32, #tpu.memory_space<vmem>>, vector<1x16xf32>,
        %get3A_1981 = vector.shape_cast %get3A_1980 : vector<1x16xf32> to vector<16xf32>
        %add3A_1982 = arith.addf %get3A_1981, %get3A_1640 : vector<16xf32>
        %swap3A_1983 = arith.index_cast %add3A_1908 : i32 to index
        %swap3A_1984 = arith.constant 112 : index
        %swap3A_1985 = tpu.vector_load %arg11[%swap3A_1983, %swap3A_1984] {strides = array<i32>} : memref<128x128xf32, #tpu.memory_space<vmem>>, vector<1x16xf32>,
        %swap3A_1986 = vector.shape_cast %swap3A_1985 : vector<1x16xf32> to vector<16xf32>
        %swap3A_1987 = vector.shape_cast %add3A_1982 : vector<16xf32> to vector<1x16xf32>
        tpu.vector_store %arg11[%swap3A_1983, %swap3A_1984], %swap3A_1987 {strides = array<i32>} : memref<128x128xf32, #tpu.memory_space<vmem>>, vector<1x16xf32>,
        %add3A_1988 = arith.constant 32 : i32
        %add3A_1989 = arith.addi %add3A_1988, %add3A_1906 : i32
        %get3A_1990 = arith.index_cast %add3A_1989 : i32 to index
        %get3A_1991 = arith.constant 0 : index
        %get3A_1992 = tpu.vector_load %arg11[%get3A_1990, %get3A_1991] {strides = array<i32>} : memref<128x128xf32, #tpu.memory_space<vmem>>, vector<1x16xf32>,
        %get3A_1993 = vector.shape_cast %get3A_1992 : vector<1x16xf32> to vector<16xf32>
        %add3A_1994 = arith.addf %get3A_1993, %get3A_1648 : vector<16xf32>
        %swap3A_1995 = arith.index_cast %add3A_1989 : i32 to index
        %swap3A_1996 = arith.constant 0 : index
        %swap3A_1997 = tpu.vector_load %arg11[%swap3A_1995, %swap3A_1996] {strides = array<i32>} : memref<128x128xf32, #tpu.memory_space<vmem>>, vector<1x16xf32>,
        %swap3A_1998 = vector.shape_cast %swap3A_1997 : vector<1x16xf32> to vector<16xf32>
        %swap3A_1999 = vector.shape_cast %add3A_1994 : vector<16xf32> to vector<1x16xf32>
        tpu.vector_store %arg11[%swap3A_1995, %swap3A_1996], %swap3A_1999 {strides = array<i32>} : memref<128x128xf32, #tpu.memory_space<vmem>>, vector<1x16xf32>,
        %get3A_2000 = arith.index_cast %add3A_1989 : i32 to index
        %get3A_2001 = arith.constant 16 : index
        %get3A_2002 = tpu.vector_load %arg11[%get3A_2000, %get3A_2001] {strides = array<i32>} : memref<128x128xf32, #tpu.memory_space<vmem>>, vector<1x16xf32>,
        %get3A_2003 = vector.shape_cast %get3A_2002 : vector<1x16xf32> to vector<16xf32>
        %add3A_2004 = arith.addf %get3A_2003, %get3A_1656 : vector<16xf32>
        %swap3A_2005 = arith.index_cast %add3A_1989 : i32 to index
        %swap3A_2006 = arith.constant 16 : index
        %swap3A_2007 = tpu.vector_load %arg11[%swap3A_2005, %swap3A_2006] {strides = array<i32>} : memref<128x128xf32, #tpu.memory_space<vmem>>, vector<1x16xf32>,
        %swap3A_2008 = vector.shape_cast %swap3A_2007 : vector<1x16xf32> to vector<16xf32>
        %swap3A_2009 = vector.shape_cast %add3A_2004 : vector<16xf32> to vector<1x16xf32>
        tpu.vector_store %arg11[%swap3A_2005, %swap3A_2006], %swap3A_2009 {strides = array<i32>} : memref<128x128xf32, #tpu.memory_space<vmem>>, vector<1x16xf32>,
        %get3A_2010 = arith.index_cast %add3A_1989 : i32 to index
        %get3A_2011 = arith.constant 32 : index
        %get3A_2012 = tpu.vector_load %arg11[%get3A_2010, %get3A_2011] {strides = array<i32>} : memref<128x128xf32, #tpu.memory_space<vmem>>, vector<1x16xf32>,
        %get3A_2013 = vector.shape_cast %get3A_2012 : vector<1x16xf32> to vector<16xf32>
        %add3A_2014 = arith.addf %get3A_2013, %get3A_1664 : vector<16xf32>
        %swap3A_2015 = arith.index_cast %add3A_1989 : i32 to index
        %swap3A_2016 = arith.constant 32 : index
        %swap3A_2017 = tpu.vector_load %arg11[%swap3A_2015, %swap3A_2016] {strides = array<i32>} : memref<128x128xf32, #tpu.memory_space<vmem>>, vector<1x16xf32>,
        %swap3A_2018 = vector.shape_cast %swap3A_2017 : vector<1x16xf32> to vector<16xf32>
        %swap3A_2019 = vector.shape_cast %add3A_2014 : vector<16xf32> to vector<1x16xf32>
        tpu.vector_store %arg11[%swap3A_2015, %swap3A_2016], %swap3A_2019 {strides = array<i32>} : memref<128x128xf32, #tpu.memory_space<vmem>>, vector<1x16xf32>,
        %get3A_2020 = arith.index_cast %add3A_1989 : i32 to index
        %get3A_2021 = arith.constant 48 : index
        %get3A_2022 = tpu.vector_load %arg11[%get3A_2020, %get3A_2021] {strides = array<i32>} : memref<128x128xf32, #tpu.memory_space<vmem>>, vector<1x16xf32>,
        %get3A_2023 = vector.shape_cast %get3A_2022 : vector<1x16xf32> to vector<16xf32>
        %add3A_2024 = arith.addf %get3A_2023, %get3A_1672 : vector<16xf32>
        %swap3A_2025 = arith.index_cast %add3A_1989 : i32 to index
        %swap3A_2026 = arith.constant 48 : index
        %swap3A_2027 = tpu.vector_load %arg11[%swap3A_2025, %swap3A_2026] {strides = array<i32>} : memref<128x128xf32, #tpu.memory_space<vmem>>, vector<1x16xf32>,
        %swap3A_2028 = vector.shape_cast %swap3A_2027 : vector<1x16xf32> to vector<16xf32>
        %swap3A_2029 = vector.shape_cast %add3A_2024 : vector<16xf32> to vector<1x16xf32>
        tpu.vector_store %arg11[%swap3A_2025, %swap3A_2026], %swap3A_2029 {strides = array<i32>} : memref<128x128xf32, #tpu.memory_space<vmem>>, vector<1x16xf32>,
        %get3A_2030 = arith.index_cast %add3A_1989 : i32 to index
        %get3A_2031 = arith.constant 64 : index
        %get3A_2032 = tpu.vector_load %arg11[%get3A_2030, %get3A_2031] {strides = array<i32>} : memref<128x128xf32, #tpu.memory_space<vmem>>, vector<1x16xf32>,
        %get3A_2033 = vector.shape_cast %get3A_2032 : vector<1x16xf32> to vector<16xf32>
        %add3A_2034 = arith.addf %get3A_2033, %get3A_1680 : vector<16xf32>
        %swap3A_2035 = arith.index_cast %add3A_1989 : i32 to index
        %swap3A_2036 = arith.constant 64 : index
        %swap3A_2037 = tpu.vector_load %arg11[%swap3A_2035, %swap3A_2036] {strides = array<i32>} : memref<128x128xf32, #tpu.memory_space<vmem>>, vector<1x16xf32>,
        %swap3A_2038 = vector.shape_cast %swap3A_2037 : vector<1x16xf32> to vector<16xf32>
        %swap3A_2039 = vector.shape_cast %add3A_2034 : vector<16xf32> to vector<1x16xf32>
        tpu.vector_store %arg11[%swap3A_2035, %swap3A_2036], %swap3A_2039 {strides = array<i32>} : memref<128x128xf32, #tpu.memory_space<vmem>>, vector<1x16xf32>,
        %get3A_2040 = arith.index_cast %add3A_1989 : i32 to index
        %get3A_2041 = arith.constant 80 : index
        %get3A_2042 = tpu.vector_load %arg11[%get3A_2040, %get3A_2041] {strides = array<i32>} : memref<128x128xf32, #tpu.memory_space<vmem>>, vector<1x16xf32>,
        %get3A_2043 = vector.shape_cast %get3A_2042 : vector<1x16xf32> to vector<16xf32>
        %add3A_2044 = arith.addf %get3A_2043, %get3A_1688 : vector<16xf32>
        %swap3A_2045 = arith.index_cast %add3A_1989 : i32 to index
        %swap3A_2046 = arith.constant 80 : index
        %swap3A_2047 = tpu.vector_load %arg11[%swap3A_2045, %swap3A_2046] {strides = array<i32>} : memref<128x128xf32, #tpu.memory_space<vmem>>, vector<1x16xf32>,
        %swap3A_2048 = vector.shape_cast %swap3A_2047 : vector<1x16xf32> to vector<16xf32>
        %swap3A_2049 = vector.shape_cast %add3A_2044 : vector<16xf32> to vector<1x16xf32>
        tpu.vector_store %arg11[%swap3A_2045, %swap3A_2046], %swap3A_2049 {strides = array<i32>} : memref<128x128xf32, #tpu.memory_space<vmem>>, vector<1x16xf32>,
        %get3A_2050 = arith.index_cast %add3A_1989 : i32 to index
        %get3A_2051 = arith.constant 96 : index
        %get3A_2052 = tpu.vector_load %arg11[%get3A_2050, %get3A_2051] {strides = array<i32>} : memref<128x128xf32, #tpu.memory_space<vmem>>, vector<1x16xf32>,
        %get3A_2053 = vector.shape_cast %get3A_2052 : vector<1x16xf32> to vector<16xf32>
        %add3A_2054 = arith.addf %get3A_2053, %get3A_1696 : vector<16xf32>
        %swap3A_2055 = arith.index_cast %add3A_1989 : i32 to index
        %swap3A_2056 = arith.constant 96 : index
        %swap3A_2057 = tpu.vector_load %arg11[%swap3A_2055, %swap3A_2056] {strides = array<i32>} : memref<128x128xf32, #tpu.memory_space<vmem>>, vector<1x16xf32>,
        %swap3A_2058 = vector.shape_cast %swap3A_2057 : vector<1x16xf32> to vector<16xf32>
        %swap3A_2059 = vector.shape_cast %add3A_2054 : vector<16xf32> to vector<1x16xf32>
        tpu.vector_store %arg11[%swap3A_2055, %swap3A_2056], %swap3A_2059 {strides = array<i32>} : memref<128x128xf32, #tpu.memory_space<vmem>>, vector<1x16xf32>,
        %get3A_2060 = arith.index_cast %add3A_1989 : i32 to index
        %get3A_2061 = arith.constant 112 : index
        %get3A_2062 = tpu.vector_load %arg11[%get3A_2060, %get3A_2061] {strides = array<i32>} : memref<128x128xf32, #tpu.memory_space<vmem>>, vector<1x16xf32>,
        %get3A_2063 = vector.shape_cast %get3A_2062 : vector<1x16xf32> to vector<16xf32>
        %add3A_2064 = arith.addf %get3A_2063, %get3A_1704 : vector<16xf32>
        %swap3A_2065 = arith.index_cast %add3A_1989 : i32 to index
        %swap3A_2066 = arith.constant 112 : index
        %swap3A_2067 = tpu.vector_load %arg11[%swap3A_2065, %swap3A_2066] {strides = array<i32>} : memref<128x128xf32, #tpu.memory_space<vmem>>, vector<1x16xf32>,
        %swap3A_2068 = vector.shape_cast %swap3A_2067 : vector<1x16xf32> to vector<16xf32>
        %swap3A_2069 = vector.shape_cast %add3A_2064 : vector<16xf32> to vector<1x16xf32>
        tpu.vector_store %arg11[%swap3A_2065, %swap3A_2066], %swap3A_2069 {strides = array<i32>} : memref<128x128xf32, #tpu.memory_space<vmem>>, vector<1x16xf32>,
        %add3A_2070 = arith.constant 64 : i32
        %add3A_2071 = arith.addi %add3A_2070, %add3A_1906 : i32
        %get3A_2072 = arith.index_cast %add3A_2071 : i32 to index
        %get3A_2073 = arith.constant 0 : index
        %get3A_2074 = tpu.vector_load %arg11[%get3A_2072, %get3A_2073] {strides = array<i32>} : memref<128x128xf32, #tpu.memory_space<vmem>>, vector<1x16xf32>,
        %get3A_2075 = vector.shape_cast %get3A_2074 : vector<1x16xf32> to vector<16xf32>
        %add3A_2076 = arith.addf %get3A_2075, %get3A_1712 : vector<16xf32>
        %swap3A_2077 = arith.index_cast %add3A_2071 : i32 to index
        %swap3A_2078 = arith.constant 0 : index
        %swap3A_2079 = tpu.vector_load %arg11[%swap3A_2077, %swap3A_2078] {strides = array<i32>} : memref<128x128xf32, #tpu.memory_space<vmem>>, vector<1x16xf32>,
        %swap3A_2080 = vector.shape_cast %swap3A_2079 : vector<1x16xf32> to vector<16xf32>
        %swap3A_2081 = vector.shape_cast %add3A_2076 : vector<16xf32> to vector<1x16xf32>
        tpu.vector_store %arg11[%swap3A_2077, %swap3A_2078], %swap3A_2081 {strides = array<i32>} : memref<128x128xf32, #tpu.memory_space<vmem>>, vector<1x16xf32>,
        %get3A_2082 = arith.index_cast %add3A_2071 : i32 to index
        %get3A_2083 = arith.constant 16 : index
        %get3A_2084 = tpu.vector_load %arg11[%get3A_2082, %get3A_2083] {strides = array<i32>} : memref<128x128xf32, #tpu.memory_space<vmem>>, vector<1x16xf32>,
        %get3A_2085 = vector.shape_cast %get3A_2084 : vector<1x16xf32> to vector<16xf32>
        %add3A_2086 = arith.addf %get3A_2085, %get3A_1720 : vector<16xf32>
        %swap3A_2087 = arith.index_cast %add3A_2071 : i32 to index
        %swap3A_2088 = arith.constant 16 : index
        %swap3A_2089 = tpu.vector_load %arg11[%swap3A_2087, %swap3A_2088] {strides = array<i32>} : memref<128x128xf32, #tpu.memory_space<vmem>>, vector<1x16xf32>,
        %swap3A_2090 = vector.shape_cast %swap3A_2089 : vector<1x16xf32> to vector<16xf32>
        %swap3A_2091 = vector.shape_cast %add3A_2086 : vector<16xf32> to vector<1x16xf32>
        tpu.vector_store %arg11[%swap3A_2087, %swap3A_2088], %swap3A_2091 {strides = array<i32>} : memref<128x128xf32, #tpu.memory_space<vmem>>, vector<1x16xf32>,
        %get3A_2092 = arith.index_cast %add3A_2071 : i32 to index
        %get3A_2093 = arith.constant 32 : index
        %get3A_2094 = tpu.vector_load %arg11[%get3A_2092, %get3A_2093] {strides = array<i32>} : memref<128x128xf32, #tpu.memory_space<vmem>>, vector<1x16xf32>,
        %get3A_2095 = vector.shape_cast %get3A_2094 : vector<1x16xf32> to vector<16xf32>
        %add3A_2096 = arith.addf %get3A_2095, %get3A_1728 : vector<16xf32>
        %swap3A_2097 = arith.index_cast %add3A_2071 : i32 to index
        %swap3A_2098 = arith.constant 32 : index
        %swap3A_2099 = tpu.vector_load %arg11[%swap3A_2097, %swap3A_2098] {strides = array<i32>} : memref<128x128xf32, #tpu.memory_space<vmem>>, vector<1x16xf32>,
        %swap3A_2100 = vector.shape_cast %swap3A_2099 : vector<1x16xf32> to vector<16xf32>
        %swap3A_2101 = vector.shape_cast %add3A_2096 : vector<16xf32> to vector<1x16xf32>
        tpu.vector_store %arg11[%swap3A_2097, %swap3A_2098], %swap3A_2101 {strides = array<i32>} : memref<128x128xf32, #tpu.memory_space<vmem>>, vector<1x16xf32>,
        %get3A_2102 = arith.index_cast %add3A_2071 : i32 to index
        %get3A_2103 = arith.constant 48 : index
        %get3A_2104 = tpu.vector_load %arg11[%get3A_2102, %get3A_2103] {strides = array<i32>} : memref<128x128xf32, #tpu.memory_space<vmem>>, vector<1x16xf32>,
        %get3A_2105 = vector.shape_cast %get3A_2104 : vector<1x16xf32> to vector<16xf32>
        %add3A_2106 = arith.addf %get3A_2105, %get3A_1736 : vector<16xf32>
        %swap3A_2107 = arith.index_cast %add3A_2071 : i32 to index
        %swap3A_2108 = arith.constant 48 : index
        %swap3A_2109 = tpu.vector_load %arg11[%swap3A_2107, %swap3A_2108] {strides = array<i32>} : memref<128x128xf32, #tpu.memory_space<vmem>>, vector<1x16xf32>,
        %swap3A_2110 = vector.shape_cast %swap3A_2109 : vector<1x16xf32> to vector<16xf32>
        %swap3A_2111 = vector.shape_cast %add3A_2106 : vector<16xf32> to vector<1x16xf32>
        tpu.vector_store %arg11[%swap3A_2107, %swap3A_2108], %swap3A_2111 {strides = array<i32>} : memref<128x128xf32, #tpu.memory_space<vmem>>, vector<1x16xf32>,
        %get3A_2112 = arith.index_cast %add3A_2071 : i32 to index
        %get3A_2113 = arith.constant 64 : index
        %get3A_2114 = tpu.vector_load %arg11[%get3A_2112, %get3A_2113] {strides = array<i32>} : memref<128x128xf32, #tpu.memory_space<vmem>>, vector<1x16xf32>,
        %get3A_2115 = vector.shape_cast %get3A_2114 : vector<1x16xf32> to vector<16xf32>
        %add3A_2116 = arith.addf %get3A_2115, %get3A_1744 : vector<16xf32>
        %swap3A_2117 = arith.index_cast %add3A_2071 : i32 to index
        %swap3A_2118 = arith.constant 64 : index
        %swap3A_2119 = tpu.vector_load %arg11[%swap3A_2117, %swap3A_2118] {strides = array<i32>} : memref<128x128xf32, #tpu.memory_space<vmem>>, vector<1x16xf32>,
        %swap3A_2120 = vector.shape_cast %swap3A_2119 : vector<1x16xf32> to vector<16xf32>
        %swap3A_2121 = vector.shape_cast %add3A_2116 : vector<16xf32> to vector<1x16xf32>
        tpu.vector_store %arg11[%swap3A_2117, %swap3A_2118], %swap3A_2121 {strides = array<i32>} : memref<128x128xf32, #tpu.memory_space<vmem>>, vector<1x16xf32>,
        %get3A_2122 = arith.index_cast %add3A_2071 : i32 to index
        %get3A_2123 = arith.constant 80 : index
        %get3A_2124 = tpu.vector_load %arg11[%get3A_2122, %get3A_2123] {strides = array<i32>} : memref<128x128xf32, #tpu.memory_space<vmem>>, vector<1x16xf32>,
        %get3A_2125 = vector.shape_cast %get3A_2124 : vector<1x16xf32> to vector<16xf32>
        %add3A_2126 = arith.addf %get3A_2125, %get3A_1752 : vector<16xf32>
        %swap3A_2127 = arith.index_cast %add3A_2071 : i32 to index
        %swap3A_2128 = arith.constant 80 : index
        %swap3A_2129 = tpu.vector_load %arg11[%swap3A_2127, %swap3A_2128] {strides = array<i32>} : memref<128x128xf32, #tpu.memory_space<vmem>>, vector<1x16xf32>,
        %swap3A_2130 = vector.shape_cast %swap3A_2129 : vector<1x16xf32> to vector<16xf32>
        %swap3A_2131 = vector.shape_cast %add3A_2126 : vector<16xf32> to vector<1x16xf32>
        tpu.vector_store %arg11[%swap3A_2127, %swap3A_2128], %swap3A_2131 {strides = array<i32>} : memref<128x128xf32, #tpu.memory_space<vmem>>, vector<1x16xf32>,
        %get3A_2132 = arith.index_cast %add3A_2071 : i32 to index
        %get3A_2133 = arith.constant 96 : index
        %get3A_2134 = tpu.vector_load %arg11[%get3A_2132, %get3A_2133] {strides = array<i32>} : memref<128x128xf32, #tpu.memory_space<vmem>>, vector<1x16xf32>,
        %get3A_2135 = vector.shape_cast %get3A_2134 : vector<1x16xf32> to vector<16xf32>
        %add3A_2136 = arith.addf %get3A_2135, %get3A_1760 : vector<16xf32>
        %swap3A_2137 = arith.index_cast %add3A_2071 : i32 to index
        %swap3A_2138 = arith.constant 96 : index
        %swap3A_2139 = tpu.vector_load %arg11[%swap3A_2137, %swap3A_2138] {strides = array<i32>} : memref<128x128xf32, #tpu.memory_space<vmem>>, vector<1x16xf32>,
        %swap3A_2140 = vector.shape_cast %swap3A_2139 : vector<1x16xf32> to vector<16xf32>
        %swap3A_2141 = vector.shape_cast %add3A_2136 : vector<16xf32> to vector<1x16xf32>
        tpu.vector_store %arg11[%swap3A_2137, %swap3A_2138], %swap3A_2141 {strides = array<i32>} : memref<128x128xf32, #tpu.memory_space<vmem>>, vector<1x16xf32>,
        %get3A_2142 = arith.index_cast %add3A_2071 : i32 to index
        %get3A_2143 = arith.constant 112 : index
        %get3A_2144 = tpu.vector_load %arg11[%get3A_2142, %get3A_2143] {strides = array<i32>} : memref<128x128xf32, #tpu.memory_space<vmem>>, vector<1x16xf32>,
        %get3A_2145 = vector.shape_cast %get3A_2144 : vector<1x16xf32> to vector<16xf32>
        %add3A_2146 = arith.addf %get3A_2145, %get3A_1768 : vector<16xf32>
        %swap3A_2147 = arith.index_cast %add3A_2071 : i32 to index
        %swap3A_2148 = arith.constant 112 : index
        %swap3A_2149 = tpu.vector_load %arg11[%swap3A_2147, %swap3A_2148] {strides = array<i32>} : memref<128x128xf32, #tpu.memory_space<vmem>>, vector<1x16xf32>,
        %swap3A_2150 = vector.shape_cast %swap3A_2149 : vector<1x16xf32> to vector<16xf32>
        %swap3A_2151 = vector.shape_cast %add3A_2146 : vector<16xf32> to vector<1x16xf32>
        tpu.vector_store %arg11[%swap3A_2147, %swap3A_2148], %swap3A_2151 {strides = array<i32>} : memref<128x128xf32, #tpu.memory_space<vmem>>, vector<1x16xf32>,
        %add3A_2152 = arith.constant 96 : i32
        %add3A_2153 = arith.addi %add3A_2152, %add3A_1906 : i32
        %get3A_2154 = arith.index_cast %add3A_2153 : i32 to index
        %get3A_2155 = arith.constant 0 : index
        %get3A_2156 = tpu.vector_load %arg11[%get3A_2154, %get3A_2155] {strides = array<i32>} : memref<128x128xf32, #tpu.memory_space<vmem>>, vector<1x16xf32>,
        %get3A_2157 = vector.shape_cast %get3A_2156 : vector<1x16xf32> to vector<16xf32>
        %add3A_2158 = arith.addf %get3A_2157, %get3A_1776 : vector<16xf32>
        %swap3A_2159 = arith.index_cast %add3A_2153 : i32 to index
        %swap3A_2160 = arith.constant 0 : index
        %swap3A_2161 = tpu.vector_load %arg11[%swap3A_2159, %swap3A_2160] {strides = array<i32>} : memref<128x128xf32, #tpu.memory_space<vmem>>, vector<1x16xf32>,
        %swap3A_2162 = vector.shape_cast %swap3A_2161 : vector<1x16xf32> to vector<16xf32>
        %swap3A_2163 = vector.shape_cast %add3A_2158 : vector<16xf32> to vector<1x16xf32>
        tpu.vector_store %arg11[%swap3A_2159, %swap3A_2160], %swap3A_2163 {strides = array<i32>} : memref<128x128xf32, #tpu.memory_space<vmem>>, vector<1x16xf32>,
        %get3A_2164 = arith.index_cast %add3A_2153 : i32 to index
        %get3A_2165 = arith.constant 16 : index
        %get3A_2166 = tpu.vector_load %arg11[%get3A_2164, %get3A_2165] {strides = array<i32>} : memref<128x128xf32, #tpu.memory_space<vmem>>, vector<1x16xf32>,
        %get3A_2167 = vector.shape_cast %get3A_2166 : vector<1x16xf32> to vector<16xf32>
        %add3A_2168 = arith.addf %get3A_2167, %get3A_1784 : vector<16xf32>
        %swap3A_2169 = arith.index_cast %add3A_2153 : i32 to index
        %swap3A_2170 = arith.constant 16 : index
        %swap3A_2171 = tpu.vector_load %arg11[%swap3A_2169, %swap3A_2170] {strides = array<i32>} : memref<128x128xf32, #tpu.memory_space<vmem>>, vector<1x16xf32>,
        %swap3A_2172 = vector.shape_cast %swap3A_2171 : vector<1x16xf32> to vector<16xf32>
        %swap3A_2173 = vector.shape_cast %add3A_2168 : vector<16xf32> to vector<1x16xf32>
        tpu.vector_store %arg11[%swap3A_2169, %swap3A_2170], %swap3A_2173 {strides = array<i32>} : memref<128x128xf32, #tpu.memory_space<vmem>>, vector<1x16xf32>,
        %get3A_2174 = arith.index_cast %add3A_2153 : i32 to index
        %get3A_2175 = arith.constant 32 : index
        %get3A_2176 = tpu.vector_load %arg11[%get3A_2174, %get3A_2175] {strides = array<i32>} : memref<128x128xf32, #tpu.memory_space<vmem>>, vector<1x16xf32>,
        %get3A_2177 = vector.shape_cast %get3A_2176 : vector<1x16xf32> to vector<16xf32>
        %add3A_2178 = arith.addf %get3A_2177, %get3A_1792 : vector<16xf32>
        %swap3A_2179 = arith.index_cast %add3A_2153 : i32 to index
        %swap3A_2180 = arith.constant 32 : index
        %swap3A_2181 = tpu.vector_load %arg11[%swap3A_2179, %swap3A_2180] {strides = array<i32>} : memref<128x128xf32, #tpu.memory_space<vmem>>, vector<1x16xf32>,
        %swap3A_2182 = vector.shape_cast %swap3A_2181 : vector<1x16xf32> to vector<16xf32>
        %swap3A_2183 = vector.shape_cast %add3A_2178 : vector<16xf32> to vector<1x16xf32>
        tpu.vector_store %arg11[%swap3A_2179, %swap3A_2180], %swap3A_2183 {strides = array<i32>} : memref<128x128xf32, #tpu.memory_space<vmem>>, vector<1x16xf32>,
        %get3A_2184 = arith.index_cast %add3A_2153 : i32 to index
        %get3A_2185 = arith.constant 48 : index
        %get3A_2186 = tpu.vector_load %arg11[%get3A_2184, %get3A_2185] {strides = array<i32>} : memref<128x128xf32, #tpu.memory_space<vmem>>, vector<1x16xf32>,
        %get3A_2187 = vector.shape_cast %get3A_2186 : vector<1x16xf32> to vector<16xf32>
        %add3A_2188 = arith.addf %get3A_2187, %get3A_1800 : vector<16xf32>
        %swap3A_2189 = arith.index_cast %add3A_2153 : i32 to index
        %swap3A_2190 = arith.constant 48 : index
        %swap3A_2191 = tpu.vector_load %arg11[%swap3A_2189, %swap3A_2190] {strides = array<i32>} : memref<128x128xf32, #tpu.memory_space<vmem>>, vector<1x16xf32>,
        %swap3A_2192 = vector.shape_cast %swap3A_2191 : vector<1x16xf32> to vector<16xf32>
        %swap3A_2193 = vector.shape_cast %add3A_2188 : vector<16xf32> to vector<1x16xf32>
        tpu.vector_store %arg11[%swap3A_2189, %swap3A_2190], %swap3A_2193 {strides = array<i32>} : memref<128x128xf32, #tpu.memory_space<vmem>>, vector<1x16xf32>,
        %get3A_2194 = arith.index_cast %add3A_2153 : i32 to index
        %get3A_2195 = arith.constant 64 : index
        %get3A_2196 = tpu.vector_load %arg11[%get3A_2194, %get3A_2195] {strides = array<i32>} : memref<128x128xf32, #tpu.memory_space<vmem>>, vector<1x16xf32>,
        %get3A_2197 = vector.shape_cast %get3A_2196 : vector<1x16xf32> to vector<16xf32>
        %add3A_2198 = arith.addf %get3A_2197, %get3A_1808 : vector<16xf32>
        %swap3A_2199 = arith.index_cast %add3A_2153 : i32 to index
        %swap3A_2200 = arith.constant 64 : index
        %swap3A_2201 = tpu.vector_load %arg11[%swap3A_2199, %swap3A_2200] {strides = array<i32>} : memref<128x128xf32, #tpu.memory_space<vmem>>, vector<1x16xf32>,
        %swap3A_2202 = vector.shape_cast %swap3A_2201 : vector<1x16xf32> to vector<16xf32>
        %swap3A_2203 = vector.shape_cast %add3A_2198 : vector<16xf32> to vector<1x16xf32>
        tpu.vector_store %arg11[%swap3A_2199, %swap3A_2200], %swap3A_2203 {strides = array<i32>} : memref<128x128xf32, #tpu.memory_space<vmem>>, vector<1x16xf32>,
        %get3A_2204 = arith.index_cast %add3A_2153 : i32 to index
        %get3A_2205 = arith.constant 80 : index
        %get3A_2206 = tpu.vector_load %arg11[%get3A_2204, %get3A_2205] {strides = array<i32>} : memref<128x128xf32, #tpu.memory_space<vmem>>, vector<1x16xf32>,
        %get3A_2207 = vector.shape_cast %get3A_2206 : vector<1x16xf32> to vector<16xf32>
        %add3A_2208 = arith.addf %get3A_2207, %get3A_1816 : vector<16xf32>
        %swap3A_2209 = arith.index_cast %add3A_2153 : i32 to index
        %swap3A_2210 = arith.constant 80 : index
        %swap3A_2211 = tpu.vector_load %arg11[%swap3A_2209, %swap3A_2210] {strides = array<i32>} : memref<128x128xf32, #tpu.memory_space<vmem>>, vector<1x16xf32>,
        %swap3A_2212 = vector.shape_cast %swap3A_2211 : vector<1x16xf32> to vector<16xf32>
        %swap3A_2213 = vector.shape_cast %add3A_2208 : vector<16xf32> to vector<1x16xf32>
        tpu.vector_store %arg11[%swap3A_2209, %swap3A_2210], %swap3A_2213 {strides = array<i32>} : memref<128x128xf32, #tpu.memory_space<vmem>>, vector<1x16xf32>,
        %get3A_2214 = arith.index_cast %add3A_2153 : i32 to index
        %get3A_2215 = arith.constant 96 : index
        %get3A_2216 = tpu.vector_load %arg11[%get3A_2214, %get3A_2215] {strides = array<i32>} : memref<128x128xf32, #tpu.memory_space<vmem>>, vector<1x16xf32>,
        %get3A_2217 = vector.shape_cast %get3A_2216 : vector<1x16xf32> to vector<16xf32>
        %add3A_2218 = arith.addf %get3A_2217, %get3A_1824 : vector<16xf32>
        %swap3A_2219 = arith.index_cast %add3A_2153 : i32 to index
        %swap3A_2220 = arith.constant 96 : index
        %swap3A_2221 = tpu.vector_load %arg11[%swap3A_2219, %swap3A_2220] {strides = array<i32>} : memref<128x128xf32, #tpu.memory_space<vmem>>, vector<1x16xf32>,
        %swap3A_2222 = vector.shape_cast %swap3A_2221 : vector<1x16xf32> to vector<16xf32>
        %swap3A_2223 = vector.shape_cast %add3A_2218 : vector<16xf32> to vector<1x16xf32>
        tpu.vector_store %arg11[%swap3A_2219, %swap3A_2220], %swap3A_2223 {strides = array<i32>} : memref<128x128xf32, #tpu.memory_space<vmem>>, vector<1x16xf32>,
        %get3A_2224 = arith.index_cast %add3A_2153 : i32 to index
        %get3A_2225 = arith.constant 112 : index
        %get3A_2226 = tpu.vector_load %arg11[%get3A_2224, %get3A_2225] {strides = array<i32>} : memref<128x128xf32, #tpu.memory_space<vmem>>, vector<1x16xf32>,
        %get3A_2227 = vector.shape_cast %get3A_2226 : vector<1x16xf32> to vector<16xf32>
        %add3A_2228 = arith.addf %get3A_2227, %get3A_1832 : vector<16xf32>
        %swap3A_2229 = arith.index_cast %add3A_2153 : i32 to index
        %swap3A_2230 = arith.constant 112 : index
        %swap3A_2231 = tpu.vector_load %arg11[%swap3A_2229, %swap3A_2230] {strides = array<i32>} : memref<128x128xf32, #tpu.memory_space<vmem>>, vector<1x16xf32>,
        %swap3A_2232 = vector.shape_cast %swap3A_2231 : vector<1x16xf32> to vector<16xf32>
        %swap3A_2233 = vector.shape_cast %add3A_2228 : vector<16xf32> to vector<1x16xf32>
        tpu.vector_store %arg11[%swap3A_2229, %swap3A_2230], %swap3A_2233 {strides = array<i32>} : memref<128x128xf32, #tpu.memory_space<vmem>>, vector<1x16xf32>,
      }
      %scan3A_1837 = arith.constant 32 : i32
      %mul3A_1838 = arith.constant 4 : i32
      %mul3A_1839 = arith.muli %mul3A_1838, %add3A_1553 : i32
      %add3A_1840 = arith.constant 0 : i32
      %add3A_1841 = arith.addi %mul3A_1839, %add3A_1840 : i32
      %dma_start3A_1842 = arith.constant 0 : i32
      %dma_start3A_1843 = arith.constant 0 : i32
      %dma_start3A_1844 = tpu.memref_slice %arg11[%dma_start3A_1842, %dma_start3A_1843] : memref<128x128xf32, #tpu.memory_space<vmem>> -> memref<32x128xf32, #tpu.memory_space<vmem>>
      %dma_start3A_1845 = arith.constant 0 : i32
      %dma_start3A_1846 = tpu.memref_slice %arg5[%mul3A_2, %add3A_1841, %dma_start3A_1845] : memref<1024x200x128xf32, #tpu.memory_space<hbm>> -> memref<32x1x128xf32, #tpu.memory_space<hbm>>
      %dma_start3A_1847 = tpu.memref_squeeze %dma_start3A_1846 : memref<32x1x128xf32, #tpu.memory_space<hbm>> -> memref<32x128xf32, #tpu.memory_space<hbm>>
      %dma_start3A_1848 = arith.constant 0 : i32
      %dma_start3A_1849 = tpu.memref_slice %arg5[%mul3A_2, %add3A_1841, %dma_start3A_1848] : memref<1024x200x128xf32, #tpu.memory_space<hbm>> -> memref<32x1x128xf32, #tpu.memory_space<hbm>>
      %dma_start3A_1850 = tpu.memref_squeeze %dma_start3A_1849 : memref<32x1x128xf32, #tpu.memory_space<hbm>> -> memref<32x128xf32, #tpu.memory_space<hbm>>
      %dma_start3A_1851 = arith.constant 0 : i32
      %dma_start3A_1852 = arith.constant 0 : i32
      %dma_start3A_1853 = tpu.memref_slice %arg11[%dma_start3A_1851, %dma_start3A_1852] : memref<128x128xf32, #tpu.memory_space<vmem>> -> memref<32x128xf32, #tpu.memory_space<vmem>>
      tpu.enqueue_dma source(%dma_start3A_1853 : memref<32x128xf32, #tpu.memory_space<vmem>>) target(%dma_start3A_1850 : memref<32x128xf32, #tpu.memory_space<hbm>>) target_semaphore(%arg19 : memref<!tpu.dma_semaphore, #tpu.memory_space<semaphore_mem>>)
      %mul3A_1854 = arith.constant 4 : i32
      %mul3A_1855 = arith.muli %mul3A_1854, %add3A_1553 : i32
      %add3A_1856 = arith.constant 1 : i32
      %add3A_1857 = arith.addi %mul3A_1855, %add3A_1856 : i32
      %dma_start3A_1858 = arith.constant 32 : i32
      %dma_start3A_1859 = arith.constant 0 : i32
      %dma_start3A_1860 = tpu.memref_slice %arg11[%dma_start3A_1858, %dma_start3A_1859] : memref<128x128xf32, #tpu.memory_space<vmem>> -> memref<32x128xf32, #tpu.memory_space<vmem>>
      %dma_start3A_1861 = arith.constant 0 : i32
      %dma_start3A_1862 = tpu.memref_slice %arg5[%mul3A_2, %add3A_1857, %dma_start3A_1861] : memref<1024x200x128xf32, #tpu.memory_space<hbm>> -> memref<32x1x128xf32, #tpu.memory_space<hbm>>
      %dma_start3A_1863 = tpu.memref_squeeze %dma_start3A_1862 : memref<32x1x128xf32, #tpu.memory_space<hbm>> -> memref<32x128xf32, #tpu.memory_space<hbm>>
      %dma_start3A_1864 = arith.constant 0 : i32
      %dma_start3A_1865 = tpu.memref_slice %arg5[%mul3A_2, %add3A_1857, %dma_start3A_1864] : memref<1024x200x128xf32, #tpu.memory_space<hbm>> -> memref<32x1x128xf32, #tpu.memory_space<hbm>>
      %dma_start3A_1866 = tpu.memref_squeeze %dma_start3A_1865 : memref<32x1x128xf32, #tpu.memory_space<hbm>> -> memref<32x128xf32, #tpu.memory_space<hbm>>
      %dma_start3A_1867 = arith.constant 32 : i32
      %dma_start3A_1868 = arith.constant 0 : i32
      %dma_start3A_1869 = tpu.memref_slice %arg11[%dma_start3A_1867, %dma_start3A_1868] : memref<128x128xf32, #tpu.memory_space<vmem>> -> memref<32x128xf32, #tpu.memory_space<vmem>>
      tpu.enqueue_dma source(%dma_start3A_1869 : memref<32x128xf32, #tpu.memory_space<vmem>>) target(%dma_start3A_1866 : memref<32x128xf32, #tpu.memory_space<hbm>>) target_semaphore(%arg19 : memref<!tpu.dma_semaphore, #tpu.memory_space<semaphore_mem>>)
      %mul3A_1870 = arith.constant 4 : i32
      %mul3A_1871 = arith.muli %mul3A_1870, %add3A_1553 : i32
      %add3A_1872 = arith.constant 2 : i32
      %add3A_1873 = arith.addi %mul3A_1871, %add3A_1872 : i32
      %dma_start3A_1874 = arith.constant 64 : i32
      %dma_start3A_1875 = arith.constant 0 : i32
      %dma_start3A_1876 = tpu.memref_slice %arg11[%dma_start3A_1874, %dma_start3A_1875] : memref<128x128xf32, #tpu.memory_space<vmem>> -> memref<32x128xf32, #tpu.memory_space<vmem>>
      %dma_start3A_1877 = arith.constant 0 : i32
      %dma_start3A_1878 = tpu.memref_slice %arg5[%mul3A_2, %add3A_1873, %dma_start3A_1877] : memref<1024x200x128xf32, #tpu.memory_space<hbm>> -> memref<32x1x128xf32, #tpu.memory_space<hbm>>
      %dma_start3A_1879 = tpu.memref_squeeze %dma_start3A_1878 : memref<32x1x128xf32, #tpu.memory_space<hbm>> -> memref<32x128xf32, #tpu.memory_space<hbm>>
      %dma_start3A_1880 = arith.constant 0 : i32
      %dma_start3A_1881 = tpu.memref_slice %arg5[%mul3A_2, %add3A_1873, %dma_start3A_1880] : memref<1024x200x128xf32, #tpu.memory_space<hbm>> -> memref<32x1x128xf32, #tpu.memory_space<hbm>>
      %dma_start3A_1882 = tpu.memref_squeeze %dma_start3A_1881 : memref<32x1x128xf32, #tpu.memory_space<hbm>> -> memref<32x128xf32, #tpu.memory_space<hbm>>
      %dma_start3A_1883 = arith.constant 64 : i32
      %dma_start3A_1884 = arith.constant 0 : i32
      %dma_start3A_1885 = tpu.memref_slice %arg11[%dma_start3A_1883, %dma_start3A_1884] : memref<128x128xf32, #tpu.memory_space<vmem>> -> memref<32x128xf32, #tpu.memory_space<vmem>>
      tpu.enqueue_dma source(%dma_start3A_1885 : memref<32x128xf32, #tpu.memory_space<vmem>>) target(%dma_start3A_1882 : memref<32x128xf32, #tpu.memory_space<hbm>>) target_semaphore(%arg19 : memref<!tpu.dma_semaphore, #tpu.memory_space<semaphore_mem>>)
      %mul3A_1886 = arith.constant 4 : i32
      %mul3A_1887 = arith.muli %mul3A_1886, %add3A_1553 : i32
      %add3A_1888 = arith.constant 3 : i32
      %add3A_1889 = arith.addi %mul3A_1887, %add3A_1888 : i32
      %dma_start3A_1890 = arith.constant 96 : i32
      %dma_start3A_1891 = arith.constant 0 : i32
      %dma_start3A_1892 = tpu.memref_slice %arg11[%dma_start3A_1890, %dma_start3A_1891] : memref<128x128xf32, #tpu.memory_space<vmem>> -> memref<32x128xf32, #tpu.memory_space<vmem>>
      %dma_start3A_1893 = arith.constant 0 : i32
      %dma_start3A_1894 = tpu.memref_slice %arg5[%mul3A_2, %add3A_1889, %dma_start3A_1893] : memref<1024x200x128xf32, #tpu.memory_space<hbm>> -> memref<32x1x128xf32, #tpu.memory_space<hbm>>
      %dma_start3A_1895 = tpu.memref_squeeze %dma_start3A_1894 : memref<32x1x128xf32, #tpu.memory_space<hbm>> -> memref<32x128xf32, #tpu.memory_space<hbm>>
      %dma_start3A_1896 = arith.constant 0 : i32
      %dma_start3A_1897 = tpu.memref_slice %arg5[%mul3A_2, %add3A_1889, %dma_start3A_1896] : memref<1024x200x128xf32, #tpu.memory_space<hbm>> -> memref<32x1x128xf32, #tpu.memory_space<hbm>>
      %dma_start3A_1898 = tpu.memref_squeeze %dma_start3A_1897 : memref<32x1x128xf32, #tpu.memory_space<hbm>> -> memref<32x128xf32, #tpu.memory_space<hbm>>
      %dma_start3A_1899 = arith.constant 96 : i32
      %dma_start3A_1900 = arith.constant 0 : i32
      %dma_start3A_1901 = tpu.memref_slice %arg11[%dma_start3A_1899, %dma_start3A_1900] : memref<128x128xf32, #tpu.memory_space<vmem>> -> memref<32x128xf32, #tpu.memory_space<vmem>>
      tpu.enqueue_dma source(%dma_start3A_1901 : memref<32x128xf32, #tpu.memory_space<vmem>>) target(%dma_start3A_1898 : memref<32x128xf32, #tpu.memory_space<hbm>>) target_semaphore(%arg19 : memref<!tpu.dma_semaphore, #tpu.memory_space<semaphore_mem>>)
    }
    %scan3A_19 = arith.constant 12 : i32
    %dma_wait3A = arith.constant 0 : i32
    %dma_wait3A_20 = arith.constant 0 : i32
    %dma_wait3A_21 = tpu.memref_slice %arg3[%dma_wait3A, %dma_wait3A_20] : memref<100000x128xf32, #tpu.memory_space<hbm>> -> memref<128x128xf32, #tpu.memory_space<hbm>>
    %dma_wait3A_22 = arith.constant 0 : i32
    %dma_wait3A_23 = arith.constant 0 : i32
    %dma_wait3A_24 = tpu.memref_slice %arg3[%dma_wait3A_22, %dma_wait3A_23] : memref<100000x128xf32, #tpu.memory_space<hbm>> -> memref<128x128xf32, #tpu.memory_space<hbm>>
    tpu.wait_dma2 semaphore(%arg12 : memref<!tpu.dma_semaphore, #tpu.memory_space<semaphore_mem>>) src(%dma_wait3A_24 : memref<128x128xf32, #tpu.memory_space<hbm>>) dst(%arg8 : memref<128x128xf32, #tpu.memory_space<vmem>>)
    %get3A = arith.constant 192 : i32
    %get3A_25 = arith.index_cast %get3A : i32 to index
    %get3A_26 = arith.constant 0 : index
    %get3A_27 = tpu.vector_load %arg6[%get3A_25, %get3A_26] {strides = array<i32>} : memref<200x128xf32, #tpu.memory_space<vmem>>, vector<1x16xf32>,
    %get3A_28 = vector.shape_cast %get3A_27 : vector<1x16xf32> to vector<16xf32>
    %get3A_29 = arith.constant 192 : i32
    %get3A_30 = arith.index_cast %get3A_29 : i32 to index
    %get3A_31 = arith.constant 16 : index
    %get3A_32 = tpu.vector_load %arg6[%get3A_30, %get3A_31] {strides = array<i32>} : memref<200x128xf32, #tpu.memory_space<vmem>>, vector<1x16xf32>,
    %get3A_33 = vector.shape_cast %get3A_32 : vector<1x16xf32> to vector<16xf32>
    %get3A_34 = arith.constant 192 : i32
    %get3A_35 = arith.index_cast %get3A_34 : i32 to index
    %get3A_36 = arith.constant 32 : index
    %get3A_37 = tpu.vector_load %arg6[%get3A_35, %get3A_36] {strides = array<i32>} : memref<200x128xf32, #tpu.memory_space<vmem>>, vector<1x16xf32>,
    %get3A_38 = vector.shape_cast %get3A_37 : vector<1x16xf32> to vector<16xf32>
    %get3A_39 = arith.constant 192 : i32
    %get3A_40 = arith.index_cast %get3A_39 : i32 to index
    %get3A_41 = arith.constant 48 : index
    %get3A_42 = tpu.vector_load %arg6[%get3A_40, %get3A_41] {strides = array<i32>} : memref<200x128xf32, #tpu.memory_space<vmem>>, vector<1x16xf32>,
    %get3A_43 = vector.shape_cast %get3A_42 : vector<1x16xf32> to vector<16xf32>
    %get3A_44 = arith.constant 192 : i32
    %get3A_45 = arith.index_cast %get3A_44 : i32 to index
    %get3A_46 = arith.constant 64 : index
    %get3A_47 = tpu.vector_load %arg6[%get3A_45, %get3A_46] {strides = array<i32>} : memref<200x128xf32, #tpu.memory_space<vmem>>, vector<1x16xf32>,
    %get3A_48 = vector.shape_cast %get3A_47 : vector<1x16xf32> to vector<16xf32>
    %get3A_49 = arith.constant 192 : i32
    %get3A_50 = arith.index_cast %get3A_49 : i32 to index
    %get3A_51 = arith.constant 80 : index
    %get3A_52 = tpu.vector_load %arg6[%get3A_50, %get3A_51] {strides = array<i32>} : memref<200x128xf32, #tpu.memory_space<vmem>>, vector<1x16xf32>,
    %get3A_53 = vector.shape_cast %get3A_52 : vector<1x16xf32> to vector<16xf32>
    %get3A_54 = arith.constant 192 : i32
    %get3A_55 = arith.index_cast %get3A_54 : i32 to index
    %get3A_56 = arith.constant 96 : index
    %get3A_57 = tpu.vector_load %arg6[%get3A_55, %get3A_56] {strides = array<i32>} : memref<200x128xf32, #tpu.memory_space<vmem>>, vector<1x16xf32>,
    %get3A_58 = vector.shape_cast %get3A_57 : vector<1x16xf32> to vector<16xf32>
    %get3A_59 = arith.constant 192 : i32
    %get3A_60 = arith.index_cast %get3A_59 : i32 to index
    %get3A_61 = arith.constant 112 : index
    %get3A_62 = tpu.vector_load %arg6[%get3A_60, %get3A_61] {strides = array<i32>} : memref<200x128xf32, #tpu.memory_space<vmem>>, vector<1x16xf32>,
    %get3A_63 = vector.shape_cast %get3A_62 : vector<1x16xf32> to vector<16xf32>
    %get3A_64 = arith.constant 193 : i32
    %get3A_65 = arith.index_cast %get3A_64 : i32 to index
    %get3A_66 = arith.constant 0 : index
    %get3A_67 = tpu.vector_load %arg6[%get3A_65, %get3A_66] {strides = array<i32>} : memref<200x128xf32, #tpu.memory_space<vmem>>, vector<1x16xf32>,
    %get3A_68 = vector.shape_cast %get3A_67 : vector<1x16xf32> to vector<16xf32>
    %get3A_69 = arith.constant 193 : i32
    %get3A_70 = arith.index_cast %get3A_69 : i32 to index
    %get3A_71 = arith.constant 16 : index
    %get3A_72 = tpu.vector_load %arg6[%get3A_70, %get3A_71] {strides = array<i32>} : memref<200x128xf32, #tpu.memory_space<vmem>>, vector<1x16xf32>,
    %get3A_73 = vector.shape_cast %get3A_72 : vector<1x16xf32> to vector<16xf32>
    %get3A_74 = arith.constant 193 : i32
    %get3A_75 = arith.index_cast %get3A_74 : i32 to index
    %get3A_76 = arith.constant 32 : index
    %get3A_77 = tpu.vector_load %arg6[%get3A_75, %get3A_76] {strides = array<i32>} : memref<200x128xf32, #tpu.memory_space<vmem>>, vector<1x16xf32>,
    %get3A_78 = vector.shape_cast %get3A_77 : vector<1x16xf32> to vector<16xf32>
    %get3A_79 = arith.constant 193 : i32
    %get3A_80 = arith.index_cast %get3A_79 : i32 to index
    %get3A_81 = arith.constant 48 : index
    %get3A_82 = tpu.vector_load %arg6[%get3A_80, %get3A_81] {strides = array<i32>} : memref<200x128xf32, #tpu.memory_space<vmem>>, vector<1x16xf32>,
    %get3A_83 = vector.shape_cast %get3A_82 : vector<1x16xf32> to vector<16xf32>
    %get3A_84 = arith.constant 193 : i32
    %get3A_85 = arith.index_cast %get3A_84 : i32 to index
    %get3A_86 = arith.constant 64 : index
    %get3A_87 = tpu.vector_load %arg6[%get3A_85, %get3A_86] {strides = array<i32>} : memref<200x128xf32, #tpu.memory_space<vmem>>, vector<1x16xf32>,
    %get3A_88 = vector.shape_cast %get3A_87 : vector<1x16xf32> to vector<16xf32>
    %get3A_89 = arith.constant 193 : i32
    %get3A_90 = arith.index_cast %get3A_89 : i32 to index
    %get3A_91 = arith.constant 80 : index
    %get3A_92 = tpu.vector_load %arg6[%get3A_90, %get3A_91] {strides = array<i32>} : memref<200x128xf32, #tpu.memory_space<vmem>>, vector<1x16xf32>,
    %get3A_93 = vector.shape_cast %get3A_92 : vector<1x16xf32> to vector<16xf32>
    %get3A_94 = arith.constant 193 : i32
    %get3A_95 = arith.index_cast %get3A_94 : i32 to index
    %get3A_96 = arith.constant 96 : index
    %get3A_97 = tpu.vector_load %arg6[%get3A_95, %get3A_96] {strides = array<i32>} : memref<200x128xf32, #tpu.memory_space<vmem>>, vector<1x16xf32>,
    %get3A_98 = vector.shape_cast %get3A_97 : vector<1x16xf32> to vector<16xf32>
    %get3A_99 = arith.constant 193 : i32
    %get3A_100 = arith.index_cast %get3A_99 : i32 to index
    %get3A_101 = arith.constant 112 : index
    %get3A_102 = tpu.vector_load %arg6[%get3A_100, %get3A_101] {strides = array<i32>} : memref<200x128xf32, #tpu.memory_space<vmem>>, vector<1x16xf32>,
    %get3A_103 = vector.shape_cast %get3A_102 : vector<1x16xf32> to vector<16xf32>
    %get3A_104 = arith.constant 194 : i32
    %get3A_105 = arith.index_cast %get3A_104 : i32 to index
    %get3A_106 = arith.constant 0 : index
    %get3A_107 = tpu.vector_load %arg6[%get3A_105, %get3A_106] {strides = array<i32>} : memref<200x128xf32, #tpu.memory_space<vmem>>, vector<1x16xf32>,
    %get3A_108 = vector.shape_cast %get3A_107 : vector<1x16xf32> to vector<16xf32>
    %get3A_109 = arith.constant 194 : i32
    %get3A_110 = arith.index_cast %get3A_109 : i32 to index
    %get3A_111 = arith.constant 16 : index
    %get3A_112 = tpu.vector_load %arg6[%get3A_110, %get3A_111] {strides = array<i32>} : memref<200x128xf32, #tpu.memory_space<vmem>>, vector<1x16xf32>,
    %get3A_113 = vector.shape_cast %get3A_112 : vector<1x16xf32> to vector<16xf32>
    %get3A_114 = arith.constant 194 : i32
    %get3A_115 = arith.index_cast %get3A_114 : i32 to index
    %get3A_116 = arith.constant 32 : index
    %get3A_117 = tpu.vector_load %arg6[%get3A_115, %get3A_116] {strides = array<i32>} : memref<200x128xf32, #tpu.memory_space<vmem>>, vector<1x16xf32>,
    %get3A_118 = vector.shape_cast %get3A_117 : vector<1x16xf32> to vector<16xf32>
    %get3A_119 = arith.constant 194 : i32
    %get3A_120 = arith.index_cast %get3A_119 : i32 to index
    %get3A_121 = arith.constant 48 : index
    %get3A_122 = tpu.vector_load %arg6[%get3A_120, %get3A_121] {strides = array<i32>} : memref<200x128xf32, #tpu.memory_space<vmem>>, vector<1x16xf32>,
    %get3A_123 = vector.shape_cast %get3A_122 : vector<1x16xf32> to vector<16xf32>
    %get3A_124 = arith.constant 194 : i32
    %get3A_125 = arith.index_cast %get3A_124 : i32 to index
    %get3A_126 = arith.constant 64 : index
    %get3A_127 = tpu.vector_load %arg6[%get3A_125, %get3A_126] {strides = array<i32>} : memref<200x128xf32, #tpu.memory_space<vmem>>, vector<1x16xf32>,
    %get3A_128 = vector.shape_cast %get3A_127 : vector<1x16xf32> to vector<16xf32>
    %get3A_129 = arith.constant 194 : i32
    %get3A_130 = arith.index_cast %get3A_129 : i32 to index
    %get3A_131 = arith.constant 80 : index
    %get3A_132 = tpu.vector_load %arg6[%get3A_130, %get3A_131] {strides = array<i32>} : memref<200x128xf32, #tpu.memory_space<vmem>>, vector<1x16xf32>,
    %get3A_133 = vector.shape_cast %get3A_132 : vector<1x16xf32> to vector<16xf32>
    %get3A_134 = arith.constant 194 : i32
    %get3A_135 = arith.index_cast %get3A_134 : i32 to index
    %get3A_136 = arith.constant 96 : index
    %get3A_137 = tpu.vector_load %arg6[%get3A_135, %get3A_136] {strides = array<i32>} : memref<200x128xf32, #tpu.memory_space<vmem>>, vector<1x16xf32>,
    %get3A_138 = vector.shape_cast %get3A_137 : vector<1x16xf32> to vector<16xf32>
    %get3A_139 = arith.constant 194 : i32
    %get3A_140 = arith.index_cast %get3A_139 : i32 to index
    %get3A_141 = arith.constant 112 : index
    %get3A_142 = tpu.vector_load %arg6[%get3A_140, %get3A_141] {strides = array<i32>} : memref<200x128xf32, #tpu.memory_space<vmem>>, vector<1x16xf32>,
    %get3A_143 = vector.shape_cast %get3A_142 : vector<1x16xf32> to vector<16xf32>
    %get3A_144 = arith.constant 195 : i32
    %get3A_145 = arith.index_cast %get3A_144 : i32 to index
    %get3A_146 = arith.constant 0 : index
    %get3A_147 = tpu.vector_load %arg6[%get3A_145, %get3A_146] {strides = array<i32>} : memref<200x128xf32, #tpu.memory_space<vmem>>, vector<1x16xf32>,
    %get3A_148 = vector.shape_cast %get3A_147 : vector<1x16xf32> to vector<16xf32>
    %get3A_149 = arith.constant 195 : i32
    %get3A_150 = arith.index_cast %get3A_149 : i32 to index
    %get3A_151 = arith.constant 16 : index
    %get3A_152 = tpu.vector_load %arg6[%get3A_150, %get3A_151] {strides = array<i32>} : memref<200x128xf32, #tpu.memory_space<vmem>>, vector<1x16xf32>,
    %get3A_153 = vector.shape_cast %get3A_152 : vector<1x16xf32> to vector<16xf32>
    %get3A_154 = arith.constant 195 : i32
    %get3A_155 = arith.index_cast %get3A_154 : i32 to index
    %get3A_156 = arith.constant 32 : index
    %get3A_157 = tpu.vector_load %arg6[%get3A_155, %get3A_156] {strides = array<i32>} : memref<200x128xf32, #tpu.memory_space<vmem>>, vector<1x16xf32>,
    %get3A_158 = vector.shape_cast %get3A_157 : vector<1x16xf32> to vector<16xf32>
    %get3A_159 = arith.constant 195 : i32
    %get3A_160 = arith.index_cast %get3A_159 : i32 to index
    %get3A_161 = arith.constant 48 : index
    %get3A_162 = tpu.vector_load %arg6[%get3A_160, %get3A_161] {strides = array<i32>} : memref<200x128xf32, #tpu.memory_space<vmem>>, vector<1x16xf32>,
    %get3A_163 = vector.shape_cast %get3A_162 : vector<1x16xf32> to vector<16xf32>
    %get3A_164 = arith.constant 195 : i32
    %get3A_165 = arith.index_cast %get3A_164 : i32 to index
    %get3A_166 = arith.constant 64 : index
    %get3A_167 = tpu.vector_load %arg6[%get3A_165, %get3A_166] {strides = array<i32>} : memref<200x128xf32, #tpu.memory_space<vmem>>, vector<1x16xf32>,
    %get3A_168 = vector.shape_cast %get3A_167 : vector<1x16xf32> to vector<16xf32>
    %get3A_169 = arith.constant 195 : i32
    %get3A_170 = arith.index_cast %get3A_169 : i32 to index
    %get3A_171 = arith.constant 80 : index
    %get3A_172 = tpu.vector_load %arg6[%get3A_170, %get3A_171] {strides = array<i32>} : memref<200x128xf32, #tpu.memory_space<vmem>>, vector<1x16xf32>,
    %get3A_173 = vector.shape_cast %get3A_172 : vector<1x16xf32> to vector<16xf32>
    %get3A_174 = arith.constant 195 : i32
    %get3A_175 = arith.index_cast %get3A_174 : i32 to index
    %get3A_176 = arith.constant 96 : index
    %get3A_177 = tpu.vector_load %arg6[%get3A_175, %get3A_176] {strides = array<i32>} : memref<200x128xf32, #tpu.memory_space<vmem>>, vector<1x16xf32>,
    %get3A_178 = vector.shape_cast %get3A_177 : vector<1x16xf32> to vector<16xf32>
    %get3A_179 = arith.constant 195 : i32
    %get3A_180 = arith.index_cast %get3A_179 : i32 to index
    %get3A_181 = arith.constant 112 : index
    %get3A_182 = tpu.vector_load %arg6[%get3A_180, %get3A_181] {strides = array<i32>} : memref<200x128xf32, #tpu.memory_space<vmem>>, vector<1x16xf32>,
    %get3A_183 = vector.shape_cast %get3A_182 : vector<1x16xf32> to vector<16xf32>
    %scan3A_184 = arith.constant 0 : i32
    %scan3A_185 = arith.constant 32 : i32
    %scan3A_186 = arith.addi %scan3A_184, %scan3A_185 : i32
    %scan3A_187 = arith.constant 1 : i32
    scf.for %scan3A_500 = %scan3A_184 to %scan3A_186 step %scan3A_187  : i32 {
      %mul3A_501 = arith.constant 1 : i32
      %mul3A_502 = arith.muli %scan3A_500, %mul3A_501 : i32
      %add3A_503 = arith.constant 0 : i32
      %add3A_504 = arith.addi %add3A_503, %mul3A_502 : i32
      %add3A_505 = arith.constant 0 : i32
      %add3A_506 = arith.addi %add3A_505, %add3A_504 : i32
      %get3A_507 = arith.index_cast %add3A_506 : i32 to index
      %get3A_508 = arith.constant 0 : index
      %get3A_509 = tpu.vector_load %arg8[%get3A_507, %get3A_508] {strides = array<i32>} : memref<128x128xf32, #tpu.memory_space<vmem>>, vector<1x16xf32>,
      %get3A_510 = vector.shape_cast %get3A_509 : vector<1x16xf32> to vector<16xf32>
      %add3A_511 = arith.addf %get3A_510, %get3A_28 : vector<16xf32>
      %swap3A = arith.index_cast %add3A_506 : i32 to index
      %swap3A_512 = arith.constant 0 : index
      %swap3A_513 = tpu.vector_load %arg8[%swap3A, %swap3A_512] {strides = array<i32>} : memref<128x128xf32, #tpu.memory_space<vmem>>, vector<1x16xf32>,
      %swap3A_514 = vector.shape_cast %swap3A_513 : vector<1x16xf32> to vector<16xf32>
      %swap3A_515 = vector.shape_cast %add3A_511 : vector<16xf32> to vector<1x16xf32>
      tpu.vector_store %arg8[%swap3A, %swap3A_512], %swap3A_515 {strides = array<i32>} : memref<128x128xf32, #tpu.memory_space<vmem>>, vector<1x16xf32>,
      %get3A_516 = arith.index_cast %add3A_506 : i32 to index
      %get3A_517 = arith.constant 16 : index
      %get3A_518 = tpu.vector_load %arg8[%get3A_516, %get3A_517] {strides = array<i32>} : memref<128x128xf32, #tpu.memory_space<vmem>>, vector<1x16xf32>,
      %get3A_519 = vector.shape_cast %get3A_518 : vector<1x16xf32> to vector<16xf32>
      %add3A_520 = arith.addf %get3A_519, %get3A_33 : vector<16xf32>
      %swap3A_521 = arith.index_cast %add3A_506 : i32 to index
      %swap3A_522 = arith.constant 16 : index
      %swap3A_523 = tpu.vector_load %arg8[%swap3A_521, %swap3A_522] {strides = array<i32>} : memref<128x128xf32, #tpu.memory_space<vmem>>, vector<1x16xf32>,
      %swap3A_524 = vector.shape_cast %swap3A_523 : vector<1x16xf32> to vector<16xf32>
      %swap3A_525 = vector.shape_cast %add3A_520 : vector<16xf32> to vector<1x16xf32>
      tpu.vector_store %arg8[%swap3A_521, %swap3A_522], %swap3A_525 {strides = array<i32>} : memref<128x128xf32, #tpu.memory_space<vmem>>, vector<1x16xf32>,
      %get3A_526 = arith.index_cast %add3A_506 : i32 to index
      %get3A_527 = arith.constant 32 : index
      %get3A_528 = tpu.vector_load %arg8[%get3A_526, %get3A_527] {strides = array<i32>} : memref<128x128xf32, #tpu.memory_space<vmem>>, vector<1x16xf32>,
      %get3A_529 = vector.shape_cast %get3A_528 : vector<1x16xf32> to vector<16xf32>
      %add3A_530 = arith.addf %get3A_529, %get3A_38 : vector<16xf32>
      %swap3A_531 = arith.index_cast %add3A_506 : i32 to index
      %swap3A_532 = arith.constant 32 : index
      %swap3A_533 = tpu.vector_load %arg8[%swap3A_531, %swap3A_532] {strides = array<i32>} : memref<128x128xf32, #tpu.memory_space<vmem>>, vector<1x16xf32>,
      %swap3A_534 = vector.shape_cast %swap3A_533 : vector<1x16xf32> to vector<16xf32>
      %swap3A_535 = vector.shape_cast %add3A_530 : vector<16xf32> to vector<1x16xf32>
      tpu.vector_store %arg8[%swap3A_531, %swap3A_532], %swap3A_535 {strides = array<i32>} : memref<128x128xf32, #tpu.memory_space<vmem>>, vector<1x16xf32>,
      %get3A_536 = arith.index_cast %add3A_506 : i32 to index
      %get3A_537 = arith.constant 48 : index
      %get3A_538 = tpu.vector_load %arg8[%get3A_536, %get3A_537] {strides = array<i32>} : memref<128x128xf32, #tpu.memory_space<vmem>>, vector<1x16xf32>,
      %get3A_539 = vector.shape_cast %get3A_538 : vector<1x16xf32> to vector<16xf32>
      %add3A_540 = arith.addf %get3A_539, %get3A_43 : vector<16xf32>
      %swap3A_541 = arith.index_cast %add3A_506 : i32 to index
      %swap3A_542 = arith.constant 48 : index
      %swap3A_543 = tpu.vector_load %arg8[%swap3A_541, %swap3A_542] {strides = array<i32>} : memref<128x128xf32, #tpu.memory_space<vmem>>, vector<1x16xf32>,
      %swap3A_544 = vector.shape_cast %swap3A_543 : vector<1x16xf32> to vector<16xf32>
      %swap3A_545 = vector.shape_cast %add3A_540 : vector<16xf32> to vector<1x16xf32>
      tpu.vector_store %arg8[%swap3A_541, %swap3A_542], %swap3A_545 {strides = array<i32>} : memref<128x128xf32, #tpu.memory_space<vmem>>, vector<1x16xf32>,
      %get3A_546 = arith.index_cast %add3A_506 : i32 to index
      %get3A_547 = arith.constant 64 : index
      %get3A_548 = tpu.vector_load %arg8[%get3A_546, %get3A_547] {strides = array<i32>} : memref<128x128xf32, #tpu.memory_space<vmem>>, vector<1x16xf32>,
      %get3A_549 = vector.shape_cast %get3A_548 : vector<1x16xf32> to vector<16xf32>
      %add3A_550 = arith.addf %get3A_549, %get3A_48 : vector<16xf32>
      %swap3A_551 = arith.index_cast %add3A_506 : i32 to index
      %swap3A_552 = arith.constant 64 : index
      %swap3A_553 = tpu.vector_load %arg8[%swap3A_551, %swap3A_552] {strides = array<i32>} : memref<128x128xf32, #tpu.memory_space<vmem>>, vector<1x16xf32>,
      %swap3A_554 = vector.shape_cast %swap3A_553 : vector<1x16xf32> to vector<16xf32>
      %swap3A_555 = vector.shape_cast %add3A_550 : vector<16xf32> to vector<1x16xf32>
      tpu.vector_store %arg8[%swap3A_551, %swap3A_552], %swap3A_555 {strides = array<i32>} : memref<128x128xf32, #tpu.memory_space<vmem>>, vector<1x16xf32>,
      %get3A_556 = arith.index_cast %add3A_506 : i32 to index
      %get3A_557 = arith.constant 80 : index
      %get3A_558 = tpu.vector_load %arg8[%get3A_556, %get3A_557] {strides = array<i32>} : memref<128x128xf32, #tpu.memory_space<vmem>>, vector<1x16xf32>,
      %get3A_559 = vector.shape_cast %get3A_558 : vector<1x16xf32> to vector<16xf32>
      %add3A_560 = arith.addf %get3A_559, %get3A_53 : vector<16xf32>
      %swap3A_561 = arith.index_cast %add3A_506 : i32 to index
      %swap3A_562 = arith.constant 80 : index
      %swap3A_563 = tpu.vector_load %arg8[%swap3A_561, %swap3A_562] {strides = array<i32>} : memref<128x128xf32, #tpu.memory_space<vmem>>, vector<1x16xf32>,
      %swap3A_564 = vector.shape_cast %swap3A_563 : vector<1x16xf32> to vector<16xf32>
      %swap3A_565 = vector.shape_cast %add3A_560 : vector<16xf32> to vector<1x16xf32>
      tpu.vector_store %arg8[%swap3A_561, %swap3A_562], %swap3A_565 {strides = array<i32>} : memref<128x128xf32, #tpu.memory_space<vmem>>, vector<1x16xf32>,
      %get3A_566 = arith.index_cast %add3A_506 : i32 to index
      %get3A_567 = arith.constant 96 : index
      %get3A_568 = tpu.vector_load %arg8[%get3A_566, %get3A_567] {strides = array<i32>} : memref<128x128xf32, #tpu.memory_space<vmem>>, vector<1x16xf32>,
      %get3A_569 = vector.shape_cast %get3A_568 : vector<1x16xf32> to vector<16xf32>
      %add3A_570 = arith.addf %get3A_569, %get3A_58 : vector<16xf32>
      %swap3A_571 = arith.index_cast %add3A_506 : i32 to index
      %swap3A_572 = arith.constant 96 : index
      %swap3A_573 = tpu.vector_load %arg8[%swap3A_571, %swap3A_572] {strides = array<i32>} : memref<128x128xf32, #tpu.memory_space<vmem>>, vector<1x16xf32>,
      %swap3A_574 = vector.shape_cast %swap3A_573 : vector<1x16xf32> to vector<16xf32>
      %swap3A_575 = vector.shape_cast %add3A_570 : vector<16xf32> to vector<1x16xf32>
      tpu.vector_store %arg8[%swap3A_571, %swap3A_572], %swap3A_575 {strides = array<i32>} : memref<128x128xf32, #tpu.memory_space<vmem>>, vector<1x16xf32>,
      %get3A_576 = arith.index_cast %add3A_506 : i32 to index
      %get3A_577 = arith.constant 112 : index
      %get3A_578 = tpu.vector_load %arg8[%get3A_576, %get3A_577] {strides = array<i32>} : memref<128x128xf32, #tpu.memory_space<vmem>>, vector<1x16xf32>,
      %get3A_579 = vector.shape_cast %get3A_578 : vector<1x16xf32> to vector<16xf32>
      %add3A_580 = arith.addf %get3A_579, %get3A_63 : vector<16xf32>
      %swap3A_581 = arith.index_cast %add3A_506 : i32 to index
      %swap3A_582 = arith.constant 112 : index
      %swap3A_583 = tpu.vector_load %arg8[%swap3A_581, %swap3A_582] {strides = array<i32>} : memref<128x128xf32, #tpu.memory_space<vmem>>, vector<1x16xf32>,
      %swap3A_584 = vector.shape_cast %swap3A_583 : vector<1x16xf32> to vector<16xf32>
      %swap3A_585 = vector.shape_cast %add3A_580 : vector<16xf32> to vector<1x16xf32>
      tpu.vector_store %arg8[%swap3A_581, %swap3A_582], %swap3A_585 {strides = array<i32>} : memref<128x128xf32, #tpu.memory_space<vmem>>, vector<1x16xf32>,
      %add3A_586 = arith.constant 32 : i32
      %add3A_587 = arith.addi %add3A_586, %add3A_504 : i32
      %get3A_588 = arith.index_cast %add3A_587 : i32 to index
      %get3A_589 = arith.constant 0 : index
      %get3A_590 = tpu.vector_load %arg8[%get3A_588, %get3A_589] {strides = array<i32>} : memref<128x128xf32, #tpu.memory_space<vmem>>, vector<1x16xf32>,
      %get3A_591 = vector.shape_cast %get3A_590 : vector<1x16xf32> to vector<16xf32>
      %add3A_592 = arith.addf %get3A_591, %get3A_68 : vector<16xf32>
      %swap3A_593 = arith.index_cast %add3A_587 : i32 to index
      %swap3A_594 = arith.constant 0 : index
      %swap3A_595 = tpu.vector_load %arg8[%swap3A_593, %swap3A_594] {strides = array<i32>} : memref<128x128xf32, #tpu.memory_space<vmem>>, vector<1x16xf32>,
      %swap3A_596 = vector.shape_cast %swap3A_595 : vector<1x16xf32> to vector<16xf32>
      %swap3A_597 = vector.shape_cast %add3A_592 : vector<16xf32> to vector<1x16xf32>
      tpu.vector_store %arg8[%swap3A_593, %swap3A_594], %swap3A_597 {strides = array<i32>} : memref<128x128xf32, #tpu.memory_space<vmem>>, vector<1x16xf32>,
      %get3A_598 = arith.index_cast %add3A_587 : i32 to index
      %get3A_599 = arith.constant 16 : index
      %get3A_600 = tpu.vector_load %arg8[%get3A_598, %get3A_599] {strides = array<i32>} : memref<128x128xf32, #tpu.memory_space<vmem>>, vector<1x16xf32>,
      %get3A_601 = vector.shape_cast %get3A_600 : vector<1x16xf32> to vector<16xf32>
      %add3A_602 = arith.addf %get3A_601, %get3A_73 : vector<16xf32>
      %swap3A_603 = arith.index_cast %add3A_587 : i32 to index
      %swap3A_604 = arith.constant 16 : index
      %swap3A_605 = tpu.vector_load %arg8[%swap3A_603, %swap3A_604] {strides = array<i32>} : memref<128x128xf32, #tpu.memory_space<vmem>>, vector<1x16xf32>,
      %swap3A_606 = vector.shape_cast %swap3A_605 : vector<1x16xf32> to vector<16xf32>
      %swap3A_607 = vector.shape_cast %add3A_602 : vector<16xf32> to vector<1x16xf32>
      tpu.vector_store %arg8[%swap3A_603, %swap3A_604], %swap3A_607 {strides = array<i32>} : memref<128x128xf32, #tpu.memory_space<vmem>>, vector<1x16xf32>,
      %get3A_608 = arith.index_cast %add3A_587 : i32 to index
      %get3A_609 = arith.constant 32 : index
      %get3A_610 = tpu.vector_load %arg8[%get3A_608, %get3A_609] {strides = array<i32>} : memref<128x128xf32, #tpu.memory_space<vmem>>, vector<1x16xf32>,
      %get3A_611 = vector.shape_cast %get3A_610 : vector<1x16xf32> to vector<16xf32>
      %add3A_612 = arith.addf %get3A_611, %get3A_78 : vector<16xf32>
      %swap3A_613 = arith.index_cast %add3A_587 : i32 to index
      %swap3A_614 = arith.constant 32 : index
      %swap3A_615 = tpu.vector_load %arg8[%swap3A_613, %swap3A_614] {strides = array<i32>} : memref<128x128xf32, #tpu.memory_space<vmem>>, vector<1x16xf32>,
      %swap3A_616 = vector.shape_cast %swap3A_615 : vector<1x16xf32> to vector<16xf32>
      %swap3A_617 = vector.shape_cast %add3A_612 : vector<16xf32> to vector<1x16xf32>
      tpu.vector_store %arg8[%swap3A_613, %swap3A_614], %swap3A_617 {strides = array<i32>} : memref<128x128xf32, #tpu.memory_space<vmem>>, vector<1x16xf32>,
      %get3A_618 = arith.index_cast %add3A_587 : i32 to index
      %get3A_619 = arith.constant 48 : index
      %get3A_620 = tpu.vector_load %arg8[%get3A_618, %get3A_619] {strides = array<i32>} : memref<128x128xf32, #tpu.memory_space<vmem>>, vector<1x16xf32>,
      %get3A_621 = vector.shape_cast %get3A_620 : vector<1x16xf32> to vector<16xf32>
      %add3A_622 = arith.addf %get3A_621, %get3A_83 : vector<16xf32>
      %swap3A_623 = arith.index_cast %add3A_587 : i32 to index
      %swap3A_624 = arith.constant 48 : index
      %swap3A_625 = tpu.vector_load %arg8[%swap3A_623, %swap3A_624] {strides = array<i32>} : memref<128x128xf32, #tpu.memory_space<vmem>>, vector<1x16xf32>,
      %swap3A_626 = vector.shape_cast %swap3A_625 : vector<1x16xf32> to vector<16xf32>
      %swap3A_627 = vector.shape_cast %add3A_622 : vector<16xf32> to vector<1x16xf32>
      tpu.vector_store %arg8[%swap3A_623, %swap3A_624], %swap3A_627 {strides = array<i32>} : memref<128x128xf32, #tpu.memory_space<vmem>>, vector<1x16xf32>,
      %get3A_628 = arith.index_cast %add3A_587 : i32 to index
      %get3A_629 = arith.constant 64 : index
      %get3A_630 = tpu.vector_load %arg8[%get3A_628, %get3A_629] {strides = array<i32>} : memref<128x128xf32, #tpu.memory_space<vmem>>, vector<1x16xf32>,
      %get3A_631 = vector.shape_cast %get3A_630 : vector<1x16xf32> to vector<16xf32>
      %add3A_632 = arith.addf %get3A_631, %get3A_88 : vector<16xf32>
      %swap3A_633 = arith.index_cast %add3A_587 : i32 to index
      %swap3A_634 = arith.constant 64 : index
      %swap3A_635 = tpu.vector_load %arg8[%swap3A_633, %swap3A_634] {strides = array<i32>} : memref<128x128xf32, #tpu.memory_space<vmem>>, vector<1x16xf32>,
      %swap3A_636 = vector.shape_cast %swap3A_635 : vector<1x16xf32> to vector<16xf32>
      %swap3A_637 = vector.shape_cast %add3A_632 : vector<16xf32> to vector<1x16xf32>
      tpu.vector_store %arg8[%swap3A_633, %swap3A_634], %swap3A_637 {strides = array<i32>} : memref<128x128xf32, #tpu.memory_space<vmem>>, vector<1x16xf32>,
      %get3A_638 = arith.index_cast %add3A_587 : i32 to index
      %get3A_639 = arith.constant 80 : index
      %get3A_640 = tpu.vector_load %arg8[%get3A_638, %get3A_639] {strides = array<i32>} : memref<128x128xf32, #tpu.memory_space<vmem>>, vector<1x16xf32>,
      %get3A_641 = vector.shape_cast %get3A_640 : vector<1x16xf32> to vector<16xf32>
      %add3A_642 = arith.addf %get3A_641, %get3A_93 : vector<16xf32>
      %swap3A_643 = arith.index_cast %add3A_587 : i32 to index
      %swap3A_644 = arith.constant 80 : index
      %swap3A_645 = tpu.vector_load %arg8[%swap3A_643, %swap3A_644] {strides = array<i32>} : memref<128x128xf32, #tpu.memory_space<vmem>>, vector<1x16xf32>,
      %swap3A_646 = vector.shape_cast %swap3A_645 : vector<1x16xf32> to vector<16xf32>
      %swap3A_647 = vector.shape_cast %add3A_642 : vector<16xf32> to vector<1x16xf32>
      tpu.vector_store %arg8[%swap3A_643, %swap3A_644], %swap3A_647 {strides = array<i32>} : memref<128x128xf32, #tpu.memory_space<vmem>>, vector<1x16xf32>,
      %get3A_648 = arith.index_cast %add3A_587 : i32 to index
      %get3A_649 = arith.constant 96 : index
      %get3A_650 = tpu.vector_load %arg8[%get3A_648, %get3A_649] {strides = array<i32>} : memref<128x128xf32, #tpu.memory_space<vmem>>, vector<1x16xf32>,
      %get3A_651 = vector.shape_cast %get3A_650 : vector<1x16xf32> to vector<16xf32>
      %add3A_652 = arith.addf %get3A_651, %get3A_98 : vector<16xf32>
      %swap3A_653 = arith.index_cast %add3A_587 : i32 to index
      %swap3A_654 = arith.constant 96 : index
      %swap3A_655 = tpu.vector_load %arg8[%swap3A_653, %swap3A_654] {strides = array<i32>} : memref<128x128xf32, #tpu.memory_space<vmem>>, vector<1x16xf32>,
      %swap3A_656 = vector.shape_cast %swap3A_655 : vector<1x16xf32> to vector<16xf32>
      %swap3A_657 = vector.shape_cast %add3A_652 : vector<16xf32> to vector<1x16xf32>
      tpu.vector_store %arg8[%swap3A_653, %swap3A_654], %swap3A_657 {strides = array<i32>} : memref<128x128xf32, #tpu.memory_space<vmem>>, vector<1x16xf32>,
      %get3A_658 = arith.index_cast %add3A_587 : i32 to index
      %get3A_659 = arith.constant 112 : index
      %get3A_660 = tpu.vector_load %arg8[%get3A_658, %get3A_659] {strides = array<i32>} : memref<128x128xf32, #tpu.memory_space<vmem>>, vector<1x16xf32>,
      %get3A_661 = vector.shape_cast %get3A_660 : vector<1x16xf32> to vector<16xf32>
      %add3A_662 = arith.addf %get3A_661, %get3A_103 : vector<16xf32>
      %swap3A_663 = arith.index_cast %add3A_587 : i32 to index
      %swap3A_664 = arith.constant 112 : index
      %swap3A_665 = tpu.vector_load %arg8[%swap3A_663, %swap3A_664] {strides = array<i32>} : memref<128x128xf32, #tpu.memory_space<vmem>>, vector<1x16xf32>,
      %swap3A_666 = vector.shape_cast %swap3A_665 : vector<1x16xf32> to vector<16xf32>
      %swap3A_667 = vector.shape_cast %add3A_662 : vector<16xf32> to vector<1x16xf32>
      tpu.vector_store %arg8[%swap3A_663, %swap3A_664], %swap3A_667 {strides = array<i32>} : memref<128x128xf32, #tpu.memory_space<vmem>>, vector<1x16xf32>,
      %add3A_668 = arith.constant 64 : i32
      %add3A_669 = arith.addi %add3A_668, %add3A_504 : i32
      %get3A_670 = arith.index_cast %add3A_669 : i32 to index
      %get3A_671 = arith.constant 0 : index
      %get3A_672 = tpu.vector_load %arg8[%get3A_670, %get3A_671] {strides = array<i32>} : memref<128x128xf32, #tpu.memory_space<vmem>>, vector<1x16xf32>,
      %get3A_673 = vector.shape_cast %get3A_672 : vector<1x16xf32> to vector<16xf32>
      %add3A_674 = arith.addf %get3A_673, %get3A_108 : vector<16xf32>
      %swap3A_675 = arith.index_cast %add3A_669 : i32 to index
      %swap3A_676 = arith.constant 0 : index
      %swap3A_677 = tpu.vector_load %arg8[%swap3A_675, %swap3A_676] {strides = array<i32>} : memref<128x128xf32, #tpu.memory_space<vmem>>, vector<1x16xf32>,
      %swap3A_678 = vector.shape_cast %swap3A_677 : vector<1x16xf32> to vector<16xf32>
      %swap3A_679 = vector.shape_cast %add3A_674 : vector<16xf32> to vector<1x16xf32>
      tpu.vector_store %arg8[%swap3A_675, %swap3A_676], %swap3A_679 {strides = array<i32>} : memref<128x128xf32, #tpu.memory_space<vmem>>, vector<1x16xf32>,
      %get3A_680 = arith.index_cast %add3A_669 : i32 to index
      %get3A_681 = arith.constant 16 : index
      %get3A_682 = tpu.vector_load %arg8[%get3A_680, %get3A_681] {strides = array<i32>} : memref<128x128xf32, #tpu.memory_space<vmem>>, vector<1x16xf32>,
      %get3A_683 = vector.shape_cast %get3A_682 : vector<1x16xf32> to vector<16xf32>
      %add3A_684 = arith.addf %get3A_683, %get3A_113 : vector<16xf32>
      %swap3A_685 = arith.index_cast %add3A_669 : i32 to index
      %swap3A_686 = arith.constant 16 : index
      %swap3A_687 = tpu.vector_load %arg8[%swap3A_685, %swap3A_686] {strides = array<i32>} : memref<128x128xf32, #tpu.memory_space<vmem>>, vector<1x16xf32>,
      %swap3A_688 = vector.shape_cast %swap3A_687 : vector<1x16xf32> to vector<16xf32>
      %swap3A_689 = vector.shape_cast %add3A_684 : vector<16xf32> to vector<1x16xf32>
      tpu.vector_store %arg8[%swap3A_685, %swap3A_686], %swap3A_689 {strides = array<i32>} : memref<128x128xf32, #tpu.memory_space<vmem>>, vector<1x16xf32>,
      %get3A_690 = arith.index_cast %add3A_669 : i32 to index
      %get3A_691 = arith.constant 32 : index
      %get3A_692 = tpu.vector_load %arg8[%get3A_690, %get3A_691] {strides = array<i32>} : memref<128x128xf32, #tpu.memory_space<vmem>>, vector<1x16xf32>,
      %get3A_693 = vector.shape_cast %get3A_692 : vector<1x16xf32> to vector<16xf32>
      %add3A_694 = arith.addf %get3A_693, %get3A_118 : vector<16xf32>
      %swap3A_695 = arith.index_cast %add3A_669 : i32 to index
      %swap3A_696 = arith.constant 32 : index
      %swap3A_697 = tpu.vector_load %arg8[%swap3A_695, %swap3A_696] {strides = array<i32>} : memref<128x128xf32, #tpu.memory_space<vmem>>, vector<1x16xf32>,
      %swap3A_698 = vector.shape_cast %swap3A_697 : vector<1x16xf32> to vector<16xf32>
      %swap3A_699 = vector.shape_cast %add3A_694 : vector<16xf32> to vector<1x16xf32>
      tpu.vector_store %arg8[%swap3A_695, %swap3A_696], %swap3A_699 {strides = array<i32>} : memref<128x128xf32, #tpu.memory_space<vmem>>, vector<1x16xf32>,
      %get3A_700 = arith.index_cast %add3A_669 : i32 to index
      %get3A_701 = arith.constant 48 : index
      %get3A_702 = tpu.vector_load %arg8[%get3A_700, %get3A_701] {strides = array<i32>} : memref<128x128xf32, #tpu.memory_space<vmem>>, vector<1x16xf32>,
      %get3A_703 = vector.shape_cast %get3A_702 : vector<1x16xf32> to vector<16xf32>
      %add3A_704 = arith.addf %get3A_703, %get3A_123 : vector<16xf32>
      %swap3A_705 = arith.index_cast %add3A_669 : i32 to index
      %swap3A_706 = arith.constant 48 : index
      %swap3A_707 = tpu.vector_load %arg8[%swap3A_705, %swap3A_706] {strides = array<i32>} : memref<128x128xf32, #tpu.memory_space<vmem>>, vector<1x16xf32>,
      %swap3A_708 = vector.shape_cast %swap3A_707 : vector<1x16xf32> to vector<16xf32>
      %swap3A_709 = vector.shape_cast %add3A_704 : vector<16xf32> to vector<1x16xf32>
      tpu.vector_store %arg8[%swap3A_705, %swap3A_706], %swap3A_709 {strides = array<i32>} : memref<128x128xf32, #tpu.memory_space<vmem>>, vector<1x16xf32>,
      %get3A_710 = arith.index_cast %add3A_669 : i32 to index
      %get3A_711 = arith.constant 64 : index
      %get3A_712 = tpu.vector_load %arg8[%get3A_710, %get3A_711] {strides = array<i32>} : memref<128x128xf32, #tpu.memory_space<vmem>>, vector<1x16xf32>,
      %get3A_713 = vector.shape_cast %get3A_712 : vector<1x16xf32> to vector<16xf32>
      %add3A_714 = arith.addf %get3A_713, %get3A_128 : vector<16xf32>
      %swap3A_715 = arith.index_cast %add3A_669 : i32 to index
      %swap3A_716 = arith.constant 64 : index
      %swap3A_717 = tpu.vector_load %arg8[%swap3A_715, %swap3A_716] {strides = array<i32>} : memref<128x128xf32, #tpu.memory_space<vmem>>, vector<1x16xf32>,
      %swap3A_718 = vector.shape_cast %swap3A_717 : vector<1x16xf32> to vector<16xf32>
      %swap3A_719 = vector.shape_cast %add3A_714 : vector<16xf32> to vector<1x16xf32>
      tpu.vector_store %arg8[%swap3A_715, %swap3A_716], %swap3A_719 {strides = array<i32>} : memref<128x128xf32, #tpu.memory_space<vmem>>, vector<1x16xf32>,
      %get3A_720 = arith.index_cast %add3A_669 : i32 to index
      %get3A_721 = arith.constant 80 : index
      %get3A_722 = tpu.vector_load %arg8[%get3A_720, %get3A_721] {strides = array<i32>} : memref<128x128xf32, #tpu.memory_space<vmem>>, vector<1x16xf32>,
      %get3A_723 = vector.shape_cast %get3A_722 : vector<1x16xf32> to vector<16xf32>
      %add3A_724 = arith.addf %get3A_723, %get3A_133 : vector<16xf32>
      %swap3A_725 = arith.index_cast %add3A_669 : i32 to index
      %swap3A_726 = arith.constant 80 : index
      %swap3A_727 = tpu.vector_load %arg8[%swap3A_725, %swap3A_726] {strides = array<i32>} : memref<128x128xf32, #tpu.memory_space<vmem>>, vector<1x16xf32>,
      %swap3A_728 = vector.shape_cast %swap3A_727 : vector<1x16xf32> to vector<16xf32>
      %swap3A_729 = vector.shape_cast %add3A_724 : vector<16xf32> to vector<1x16xf32>
      tpu.vector_store %arg8[%swap3A_725, %swap3A_726], %swap3A_729 {strides = array<i32>} : memref<128x128xf32, #tpu.memory_space<vmem>>, vector<1x16xf32>,
      %get3A_730 = arith.index_cast %add3A_669 : i32 to index
      %get3A_731 = arith.constant 96 : index
      %get3A_732 = tpu.vector_load %arg8[%get3A_730, %get3A_731] {strides = array<i32>} : memref<128x128xf32, #tpu.memory_space<vmem>>, vector<1x16xf32>,
      %get3A_733 = vector.shape_cast %get3A_732 : vector<1x16xf32> to vector<16xf32>
      %add3A_734 = arith.addf %get3A_733, %get3A_138 : vector<16xf32>
      %swap3A_735 = arith.index_cast %add3A_669 : i32 to index
      %swap3A_736 = arith.constant 96 : index
      %swap3A_737 = tpu.vector_load %arg8[%swap3A_735, %swap3A_736] {strides = array<i32>} : memref<128x128xf32, #tpu.memory_space<vmem>>, vector<1x16xf32>,
      %swap3A_738 = vector.shape_cast %swap3A_737 : vector<1x16xf32> to vector<16xf32>
      %swap3A_739 = vector.shape_cast %add3A_734 : vector<16xf32> to vector<1x16xf32>
      tpu.vector_store %arg8[%swap3A_735, %swap3A_736], %swap3A_739 {strides = array<i32>} : memref<128x128xf32, #tpu.memory_space<vmem>>, vector<1x16xf32>,
      %get3A_740 = arith.index_cast %add3A_669 : i32 to index
      %get3A_741 = arith.constant 112 : index
      %get3A_742 = tpu.vector_load %arg8[%get3A_740, %get3A_741] {strides = array<i32>} : memref<128x128xf32, #tpu.memory_space<vmem>>, vector<1x16xf32>,
      %get3A_743 = vector.shape_cast %get3A_742 : vector<1x16xf32> to vector<16xf32>
      %add3A_744 = arith.addf %get3A_743, %get3A_143 : vector<16xf32>
      %swap3A_745 = arith.index_cast %add3A_669 : i32 to index
      %swap3A_746 = arith.constant 112 : index
      %swap3A_747 = tpu.vector_load %arg8[%swap3A_745, %swap3A_746] {strides = array<i32>} : memref<128x128xf32, #tpu.memory_space<vmem>>, vector<1x16xf32>,
      %swap3A_748 = vector.shape_cast %swap3A_747 : vector<1x16xf32> to vector<16xf32>
      %swap3A_749 = vector.shape_cast %add3A_744 : vector<16xf32> to vector<1x16xf32>
      tpu.vector_store %arg8[%swap3A_745, %swap3A_746], %swap3A_749 {strides = array<i32>} : memref<128x128xf32, #tpu.memory_space<vmem>>, vector<1x16xf32>,
      %add3A_750 = arith.constant 96 : i32
      %add3A_751 = arith.addi %add3A_750, %add3A_504 : i32
      %get3A_752 = arith.index_cast %add3A_751 : i32 to index
      %get3A_753 = arith.constant 0 : index
      %get3A_754 = tpu.vector_load %arg8[%get3A_752, %get3A_753] {strides = array<i32>} : memref<128x128xf32, #tpu.memory_space<vmem>>, vector<1x16xf32>,
      %get3A_755 = vector.shape_cast %get3A_754 : vector<1x16xf32> to vector<16xf32>
      %add3A_756 = arith.addf %get3A_755, %get3A_148 : vector<16xf32>
      %swap3A_757 = arith.index_cast %add3A_751 : i32 to index
      %swap3A_758 = arith.constant 0 : index
      %swap3A_759 = tpu.vector_load %arg8[%swap3A_757, %swap3A_758] {strides = array<i32>} : memref<128x128xf32, #tpu.memory_space<vmem>>, vector<1x16xf32>,
      %swap3A_760 = vector.shape_cast %swap3A_759 : vector<1x16xf32> to vector<16xf32>
      %swap3A_761 = vector.shape_cast %add3A_756 : vector<16xf32> to vector<1x16xf32>
      tpu.vector_store %arg8[%swap3A_757, %swap3A_758], %swap3A_761 {strides = array<i32>} : memref<128x128xf32, #tpu.memory_space<vmem>>, vector<1x16xf32>,
      %get3A_762 = arith.index_cast %add3A_751 : i32 to index
      %get3A_763 = arith.constant 16 : index
      %get3A_764 = tpu.vector_load %arg8[%get3A_762, %get3A_763] {strides = array<i32>} : memref<128x128xf32, #tpu.memory_space<vmem>>, vector<1x16xf32>,
      %get3A_765 = vector.shape_cast %get3A_764 : vector<1x16xf32> to vector<16xf32>
      %add3A_766 = arith.addf %get3A_765, %get3A_153 : vector<16xf32>
      %swap3A_767 = arith.index_cast %add3A_751 : i32 to index
      %swap3A_768 = arith.constant 16 : index
      %swap3A_769 = tpu.vector_load %arg8[%swap3A_767, %swap3A_768] {strides = array<i32>} : memref<128x128xf32, #tpu.memory_space<vmem>>, vector<1x16xf32>,
      %swap3A_770 = vector.shape_cast %swap3A_769 : vector<1x16xf32> to vector<16xf32>
      %swap3A_771 = vector.shape_cast %add3A_766 : vector<16xf32> to vector<1x16xf32>
      tpu.vector_store %arg8[%swap3A_767, %swap3A_768], %swap3A_771 {strides = array<i32>} : memref<128x128xf32, #tpu.memory_space<vmem>>, vector<1x16xf32>,
      %get3A_772 = arith.index_cast %add3A_751 : i32 to index
      %get3A_773 = arith.constant 32 : index
      %get3A_774 = tpu.vector_load %arg8[%get3A_772, %get3A_773] {strides = array<i32>} : memref<128x128xf32, #tpu.memory_space<vmem>>, vector<1x16xf32>,
      %get3A_775 = vector.shape_cast %get3A_774 : vector<1x16xf32> to vector<16xf32>
      %add3A_776 = arith.addf %get3A_775, %get3A_158 : vector<16xf32>
      %swap3A_777 = arith.index_cast %add3A_751 : i32 to index
      %swap3A_778 = arith.constant 32 : index
      %swap3A_779 = tpu.vector_load %arg8[%swap3A_777, %swap3A_778] {strides = array<i32>} : memref<128x128xf32, #tpu.memory_space<vmem>>, vector<1x16xf32>,
      %swap3A_780 = vector.shape_cast %swap3A_779 : vector<1x16xf32> to vector<16xf32>
      %swap3A_781 = vector.shape_cast %add3A_776 : vector<16xf32> to vector<1x16xf32>
      tpu.vector_store %arg8[%swap3A_777, %swap3A_778], %swap3A_781 {strides = array<i32>} : memref<128x128xf32, #tpu.memory_space<vmem>>, vector<1x16xf32>,
      %get3A_782 = arith.index_cast %add3A_751 : i32 to index
      %get3A_783 = arith.constant 48 : index
      %get3A_784 = tpu.vector_load %arg8[%get3A_782, %get3A_783] {strides = array<i32>} : memref<128x128xf32, #tpu.memory_space<vmem>>, vector<1x16xf32>,
      %get3A_785 = vector.shape_cast %get3A_784 : vector<1x16xf32> to vector<16xf32>
      %add3A_786 = arith.addf %get3A_785, %get3A_163 : vector<16xf32>
      %swap3A_787 = arith.index_cast %add3A_751 : i32 to index
      %swap3A_788 = arith.constant 48 : index
      %swap3A_789 = tpu.vector_load %arg8[%swap3A_787, %swap3A_788] {strides = array<i32>} : memref<128x128xf32, #tpu.memory_space<vmem>>, vector<1x16xf32>,
      %swap3A_790 = vector.shape_cast %swap3A_789 : vector<1x16xf32> to vector<16xf32>
      %swap3A_791 = vector.shape_cast %add3A_786 : vector<16xf32> to vector<1x16xf32>
      tpu.vector_store %arg8[%swap3A_787, %swap3A_788], %swap3A_791 {strides = array<i32>} : memref<128x128xf32, #tpu.memory_space<vmem>>, vector<1x16xf32>,
      %get3A_792 = arith.index_cast %add3A_751 : i32 to index
      %get3A_793 = arith.constant 64 : index
      %get3A_794 = tpu.vector_load %arg8[%get3A_792, %get3A_793] {strides = array<i32>} : memref<128x128xf32, #tpu.memory_space<vmem>>, vector<1x16xf32>,
      %get3A_795 = vector.shape_cast %get3A_794 : vector<1x16xf32> to vector<16xf32>
      %add3A_796 = arith.addf %get3A_795, %get3A_168 : vector<16xf32>
      %swap3A_797 = arith.index_cast %add3A_751 : i32 to index
      %swap3A_798 = arith.constant 64 : index
      %swap3A_799 = tpu.vector_load %arg8[%swap3A_797, %swap3A_798] {strides = array<i32>} : memref<128x128xf32, #tpu.memory_space<vmem>>, vector<1x16xf32>,
      %swap3A_800 = vector.shape_cast %swap3A_799 : vector<1x16xf32> to vector<16xf32>
      %swap3A_801 = vector.shape_cast %add3A_796 : vector<16xf32> to vector<1x16xf32>
      tpu.vector_store %arg8[%swap3A_797, %swap3A_798], %swap3A_801 {strides = array<i32>} : memref<128x128xf32, #tpu.memory_space<vmem>>, vector<1x16xf32>,
      %get3A_802 = arith.index_cast %add3A_751 : i32 to index
      %get3A_803 = arith.constant 80 : index
      %get3A_804 = tpu.vector_load %arg8[%get3A_802, %get3A_803] {strides = array<i32>} : memref<128x128xf32, #tpu.memory_space<vmem>>, vector<1x16xf32>,
      %get3A_805 = vector.shape_cast %get3A_804 : vector<1x16xf32> to vector<16xf32>
      %add3A_806 = arith.addf %get3A_805, %get3A_173 : vector<16xf32>
      %swap3A_807 = arith.index_cast %add3A_751 : i32 to index
      %swap3A_808 = arith.constant 80 : index
      %swap3A_809 = tpu.vector_load %arg8[%swap3A_807, %swap3A_808] {strides = array<i32>} : memref<128x128xf32, #tpu.memory_space<vmem>>, vector<1x16xf32>,
      %swap3A_810 = vector.shape_cast %swap3A_809 : vector<1x16xf32> to vector<16xf32>
      %swap3A_811 = vector.shape_cast %add3A_806 : vector<16xf32> to vector<1x16xf32>
      tpu.vector_store %arg8[%swap3A_807, %swap3A_808], %swap3A_811 {strides = array<i32>} : memref<128x128xf32, #tpu.memory_space<vmem>>, vector<1x16xf32>,
      %get3A_812 = arith.index_cast %add3A_751 : i32 to index
      %get3A_813 = arith.constant 96 : index
      %get3A_814 = tpu.vector_load %arg8[%get3A_812, %get3A_813] {strides = array<i32>} : memref<128x128xf32, #tpu.memory_space<vmem>>, vector<1x16xf32>,
      %get3A_815 = vector.shape_cast %get3A_814 : vector<1x16xf32> to vector<16xf32>
      %add3A_816 = arith.addf %get3A_815, %get3A_178 : vector<16xf32>
      %swap3A_817 = arith.index_cast %add3A_751 : i32 to index
      %swap3A_818 = arith.constant 96 : index
      %swap3A_819 = tpu.vector_load %arg8[%swap3A_817, %swap3A_818] {strides = array<i32>} : memref<128x128xf32, #tpu.memory_space<vmem>>, vector<1x16xf32>,
      %swap3A_820 = vector.shape_cast %swap3A_819 : vector<1x16xf32> to vector<16xf32>
      %swap3A_821 = vector.shape_cast %add3A_816 : vector<16xf32> to vector<1x16xf32>
      tpu.vector_store %arg8[%swap3A_817, %swap3A_818], %swap3A_821 {strides = array<i32>} : memref<128x128xf32, #tpu.memory_space<vmem>>, vector<1x16xf32>,
      %get3A_822 = arith.index_cast %add3A_751 : i32 to index
      %get3A_823 = arith.constant 112 : index
      %get3A_824 = tpu.vector_load %arg8[%get3A_822, %get3A_823] {strides = array<i32>} : memref<128x128xf32, #tpu.memory_space<vmem>>, vector<1x16xf32>,
      %get3A_825 = vector.shape_cast %get3A_824 : vector<1x16xf32> to vector<16xf32>
      %add3A_826 = arith.addf %get3A_825, %get3A_183 : vector<16xf32>
      %swap3A_827 = arith.index_cast %add3A_751 : i32 to index
      %swap3A_828 = arith.constant 112 : index
      %swap3A_829 = tpu.vector_load %arg8[%swap3A_827, %swap3A_828] {strides = array<i32>} : memref<128x128xf32, #tpu.memory_space<vmem>>, vector<1x16xf32>,
      %swap3A_830 = vector.shape_cast %swap3A_829 : vector<1x16xf32> to vector<16xf32>
      %swap3A_831 = vector.shape_cast %add3A_826 : vector<16xf32> to vector<1x16xf32>
      tpu.vector_store %arg8[%swap3A_827, %swap3A_828], %swap3A_831 {strides = array<i32>} : memref<128x128xf32, #tpu.memory_space<vmem>>, vector<1x16xf32>,
    }
    %scan3A_188 = arith.constant 32 : i32
    %dma_start3A_189 = arith.constant 192 : i32
    %dma_start3A_190 = arith.constant 0 : i32
    %dma_start3A_191 = arith.constant 0 : i32
    %dma_start3A_192 = tpu.memref_slice %arg8[%dma_start3A_190, %dma_start3A_191] : memref<128x128xf32, #tpu.memory_space<vmem>> -> memref<32x128xf32, #tpu.memory_space<vmem>>
    %dma_start3A_193 = arith.constant 0 : i32
    %dma_start3A_194 = tpu.memref_slice %arg5[%mul3A_2, %dma_start3A_189, %dma_start3A_193] : memref<1024x200x128xf32, #tpu.memory_space<hbm>> -> memref<32x1x128xf32, #tpu.memory_space<hbm>>
    %dma_start3A_195 = tpu.memref_squeeze %dma_start3A_194 : memref<32x1x128xf32, #tpu.memory_space<hbm>> -> memref<32x128xf32, #tpu.memory_space<hbm>>
    %dma_start3A_196 = arith.constant 0 : i32
    %dma_start3A_197 = tpu.memref_slice %arg5[%mul3A_2, %dma_start3A_189, %dma_start3A_196] : memref<1024x200x128xf32, #tpu.memory_space<hbm>> -> memref<32x1x128xf32, #tpu.memory_space<hbm>>
    %dma_start3A_198 = tpu.memref_squeeze %dma_start3A_197 : memref<32x1x128xf32, #tpu.memory_space<hbm>> -> memref<32x128xf32, #tpu.memory_space<hbm>>
    %dma_start3A_199 = arith.constant 0 : i32
    %dma_start3A_200 = arith.constant 0 : i32
    %dma_start3A_201 = tpu.memref_slice %arg8[%dma_start3A_199, %dma_start3A_200] : memref<128x128xf32, #tpu.memory_space<vmem>> -> memref<32x128xf32, #tpu.memory_space<vmem>>
    tpu.enqueue_dma source(%dma_start3A_201 : memref<32x128xf32, #tpu.memory_space<vmem>>) target(%dma_start3A_198 : memref<32x128xf32, #tpu.memory_space<hbm>>) target_semaphore(%arg16 : memref<!tpu.dma_semaphore, #tpu.memory_space<semaphore_mem>>)
    %dma_start3A_202 = arith.constant 193 : i32
    %dma_start3A_203 = arith.constant 32 : i32
    %dma_start3A_204 = arith.constant 0 : i32
    %dma_start3A_205 = tpu.memref_slice %arg8[%dma_start3A_203, %dma_start3A_204] : memref<128x128xf32, #tpu.memory_space<vmem>> -> memref<32x128xf32, #tpu.memory_space<vmem>>
    %dma_start3A_206 = arith.constant 0 : i32
    %dma_start3A_207 = tpu.memref_slice %arg5[%mul3A_2, %dma_start3A_202, %dma_start3A_206] : memref<1024x200x128xf32, #tpu.memory_space<hbm>> -> memref<32x1x128xf32, #tpu.memory_space<hbm>>
    %dma_start3A_208 = tpu.memref_squeeze %dma_start3A_207 : memref<32x1x128xf32, #tpu.memory_space<hbm>> -> memref<32x128xf32, #tpu.memory_space<hbm>>
    %dma_start3A_209 = arith.constant 0 : i32
    %dma_start3A_210 = tpu.memref_slice %arg5[%mul3A_2, %dma_start3A_202, %dma_start3A_209] : memref<1024x200x128xf32, #tpu.memory_space<hbm>> -> memref<32x1x128xf32, #tpu.memory_space<hbm>>
    %dma_start3A_211 = tpu.memref_squeeze %dma_start3A_210 : memref<32x1x128xf32, #tpu.memory_space<hbm>> -> memref<32x128xf32, #tpu.memory_space<hbm>>
    %dma_start3A_212 = arith.constant 32 : i32
    %dma_start3A_213 = arith.constant 0 : i32
    %dma_start3A_214 = tpu.memref_slice %arg8[%dma_start3A_212, %dma_start3A_213] : memref<128x128xf32, #tpu.memory_space<vmem>> -> memref<32x128xf32, #tpu.memory_space<vmem>>
    tpu.enqueue_dma source(%dma_start3A_214 : memref<32x128xf32, #tpu.memory_space<vmem>>) target(%dma_start3A_211 : memref<32x128xf32, #tpu.memory_space<hbm>>) target_semaphore(%arg16 : memref<!tpu.dma_semaphore, #tpu.memory_space<semaphore_mem>>)
    %dma_start3A_215 = arith.constant 194 : i32
    %dma_start3A_216 = arith.constant 64 : i32
    %dma_start3A_217 = arith.constant 0 : i32
    %dma_start3A_218 = tpu.memref_slice %arg8[%dma_start3A_216, %dma_start3A_217] : memref<128x128xf32, #tpu.memory_space<vmem>> -> memref<32x128xf32, #tpu.memory_space<vmem>>
    %dma_start3A_219 = arith.constant 0 : i32
    %dma_start3A_220 = tpu.memref_slice %arg5[%mul3A_2, %dma_start3A_215, %dma_start3A_219] : memref<1024x200x128xf32, #tpu.memory_space<hbm>> -> memref<32x1x128xf32, #tpu.memory_space<hbm>>
    %dma_start3A_221 = tpu.memref_squeeze %dma_start3A_220 : memref<32x1x128xf32, #tpu.memory_space<hbm>> -> memref<32x128xf32, #tpu.memory_space<hbm>>
    %dma_start3A_222 = arith.constant 0 : i32
    %dma_start3A_223 = tpu.memref_slice %arg5[%mul3A_2, %dma_start3A_215, %dma_start3A_222] : memref<1024x200x128xf32, #tpu.memory_space<hbm>> -> memref<32x1x128xf32, #tpu.memory_space<hbm>>
    %dma_start3A_224 = tpu.memref_squeeze %dma_start3A_223 : memref<32x1x128xf32, #tpu.memory_space<hbm>> -> memref<32x128xf32, #tpu.memory_space<hbm>>
    %dma_start3A_225 = arith.constant 64 : i32
    %dma_start3A_226 = arith.constant 0 : i32
    %dma_start3A_227 = tpu.memref_slice %arg8[%dma_start3A_225, %dma_start3A_226] : memref<128x128xf32, #tpu.memory_space<vmem>> -> memref<32x128xf32, #tpu.memory_space<vmem>>
    tpu.enqueue_dma source(%dma_start3A_227 : memref<32x128xf32, #tpu.memory_space<vmem>>) target(%dma_start3A_224 : memref<32x128xf32, #tpu.memory_space<hbm>>) target_semaphore(%arg16 : memref<!tpu.dma_semaphore, #tpu.memory_space<semaphore_mem>>)
    %dma_start3A_228 = arith.constant 195 : i32
    %dma_start3A_229 = arith.constant 96 : i32
    %dma_start3A_230 = arith.constant 0 : i32
    %dma_start3A_231 = tpu.memref_slice %arg8[%dma_start3A_229, %dma_start3A_230] : memref<128x128xf32, #tpu.memory_space<vmem>> -> memref<32x128xf32, #tpu.memory_space<vmem>>
    %dma_start3A_232 = arith.constant 0 : i32
    %dma_start3A_233 = tpu.memref_slice %arg5[%mul3A_2, %dma_start3A_228, %dma_start3A_232] : memref<1024x200x128xf32, #tpu.memory_space<hbm>> -> memref<32x1x128xf32, #tpu.memory_space<hbm>>
    %dma_start3A_234 = tpu.memref_squeeze %dma_start3A_233 : memref<32x1x128xf32, #tpu.memory_space<hbm>> -> memref<32x128xf32, #tpu.memory_space<hbm>>
    %dma_start3A_235 = arith.constant 0 : i32
    %dma_start3A_236 = tpu.memref_slice %arg5[%mul3A_2, %dma_start3A_228, %dma_start3A_235] : memref<1024x200x128xf32, #tpu.memory_space<hbm>> -> memref<32x1x128xf32, #tpu.memory_space<hbm>>
    %dma_start3A_237 = tpu.memref_squeeze %dma_start3A_236 : memref<32x1x128xf32, #tpu.memory_space<hbm>> -> memref<32x128xf32, #tpu.memory_space<hbm>>
    %dma_start3A_238 = arith.constant 96 : i32
    %dma_start3A_239 = arith.constant 0 : i32
    %dma_start3A_240 = tpu.memref_slice %arg8[%dma_start3A_238, %dma_start3A_239] : memref<128x128xf32, #tpu.memory_space<vmem>> -> memref<32x128xf32, #tpu.memory_space<vmem>>
    tpu.enqueue_dma source(%dma_start3A_240 : memref<32x128xf32, #tpu.memory_space<vmem>>) target(%dma_start3A_237 : memref<32x128xf32, #tpu.memory_space<hbm>>) target_semaphore(%arg16 : memref<!tpu.dma_semaphore, #tpu.memory_space<semaphore_mem>>)
    %dma_wait3A_241 = arith.constant 0 : i32
    %dma_wait3A_242 = arith.constant 0 : i32
    %dma_wait3A_243 = tpu.memref_slice %arg3[%dma_wait3A_241, %dma_wait3A_242] : memref<100000x128xf32, #tpu.memory_space<hbm>> -> memref<128x128xf32, #tpu.memory_space<hbm>>
    %dma_wait3A_244 = arith.constant 0 : i32
    %dma_wait3A_245 = arith.constant 0 : i32
    %dma_wait3A_246 = tpu.memref_slice %arg3[%dma_wait3A_244, %dma_wait3A_245] : memref<100000x128xf32, #tpu.memory_space<hbm>> -> memref<128x128xf32, #tpu.memory_space<hbm>>
    tpu.wait_dma2 semaphore(%arg13 : memref<!tpu.dma_semaphore, #tpu.memory_space<semaphore_mem>>) src(%dma_wait3A_246 : memref<128x128xf32, #tpu.memory_space<hbm>>) dst(%arg9 : memref<128x128xf32, #tpu.memory_space<vmem>>)
    %get3A_247 = arith.constant 196 : i32
    %get3A_248 = arith.index_cast %get3A_247 : i32 to index
    %get3A_249 = arith.constant 0 : index
    %get3A_250 = tpu.vector_load %arg6[%get3A_248, %get3A_249] {strides = array<i32>} : memref<200x128xf32, #tpu.memory_space<vmem>>, vector<1x16xf32>,
    %get3A_251 = vector.shape_cast %get3A_250 : vector<1x16xf32> to vector<16xf32>
    %get3A_252 = arith.constant 196 : i32
    %get3A_253 = arith.index_cast %get3A_252 : i32 to index
    %get3A_254 = arith.constant 16 : index
    %get3A_255 = tpu.vector_load %arg6[%get3A_253, %get3A_254] {strides = array<i32>} : memref<200x128xf32, #tpu.memory_space<vmem>>, vector<1x16xf32>,
    %get3A_256 = vector.shape_cast %get3A_255 : vector<1x16xf32> to vector<16xf32>
    %get3A_257 = arith.constant 196 : i32
    %get3A_258 = arith.index_cast %get3A_257 : i32 to index
    %get3A_259 = arith.constant 32 : index
    %get3A_260 = tpu.vector_load %arg6[%get3A_258, %get3A_259] {strides = array<i32>} : memref<200x128xf32, #tpu.memory_space<vmem>>, vector<1x16xf32>,
    %get3A_261 = vector.shape_cast %get3A_260 : vector<1x16xf32> to vector<16xf32>
    %get3A_262 = arith.constant 196 : i32
    %get3A_263 = arith.index_cast %get3A_262 : i32 to index
    %get3A_264 = arith.constant 48 : index
    %get3A_265 = tpu.vector_load %arg6[%get3A_263, %get3A_264] {strides = array<i32>} : memref<200x128xf32, #tpu.memory_space<vmem>>, vector<1x16xf32>,
    %get3A_266 = vector.shape_cast %get3A_265 : vector<1x16xf32> to vector<16xf32>
    %get3A_267 = arith.constant 196 : i32
    %get3A_268 = arith.index_cast %get3A_267 : i32 to index
    %get3A_269 = arith.constant 64 : index
    %get3A_270 = tpu.vector_load %arg6[%get3A_268, %get3A_269] {strides = array<i32>} : memref<200x128xf32, #tpu.memory_space<vmem>>, vector<1x16xf32>,
    %get3A_271 = vector.shape_cast %get3A_270 : vector<1x16xf32> to vector<16xf32>
    %get3A_272 = arith.constant 196 : i32
    %get3A_273 = arith.index_cast %get3A_272 : i32 to index
    %get3A_274 = arith.constant 80 : index
    %get3A_275 = tpu.vector_load %arg6[%get3A_273, %get3A_274] {strides = array<i32>} : memref<200x128xf32, #tpu.memory_space<vmem>>, vector<1x16xf32>,
    %get3A_276 = vector.shape_cast %get3A_275 : vector<1x16xf32> to vector<16xf32>
    %get3A_277 = arith.constant 196 : i32
    %get3A_278 = arith.index_cast %get3A_277 : i32 to index
    %get3A_279 = arith.constant 96 : index
    %get3A_280 = tpu.vector_load %arg6[%get3A_278, %get3A_279] {strides = array<i32>} : memref<200x128xf32, #tpu.memory_space<vmem>>, vector<1x16xf32>,
    %get3A_281 = vector.shape_cast %get3A_280 : vector<1x16xf32> to vector<16xf32>
    %get3A_282 = arith.constant 196 : i32
    %get3A_283 = arith.index_cast %get3A_282 : i32 to index
    %get3A_284 = arith.constant 112 : index
    %get3A_285 = tpu.vector_load %arg6[%get3A_283, %get3A_284] {strides = array<i32>} : memref<200x128xf32, #tpu.memory_space<vmem>>, vector<1x16xf32>,
    %get3A_286 = vector.shape_cast %get3A_285 : vector<1x16xf32> to vector<16xf32>
    %get3A_287 = arith.constant 197 : i32
    %get3A_288 = arith.index_cast %get3A_287 : i32 to index
    %get3A_289 = arith.constant 0 : index
    %get3A_290 = tpu.vector_load %arg6[%get3A_288, %get3A_289] {strides = array<i32>} : memref<200x128xf32, #tpu.memory_space<vmem>>, vector<1x16xf32>,
    %get3A_291 = vector.shape_cast %get3A_290 : vector<1x16xf32> to vector<16xf32>
    %get3A_292 = arith.constant 197 : i32
    %get3A_293 = arith.index_cast %get3A_292 : i32 to index
    %get3A_294 = arith.constant 16 : index
    %get3A_295 = tpu.vector_load %arg6[%get3A_293, %get3A_294] {strides = array<i32>} : memref<200x128xf32, #tpu.memory_space<vmem>>, vector<1x16xf32>,
    %get3A_296 = vector.shape_cast %get3A_295 : vector<1x16xf32> to vector<16xf32>
    %get3A_297 = arith.constant 197 : i32
    %get3A_298 = arith.index_cast %get3A_297 : i32 to index
    %get3A_299 = arith.constant 32 : index
    %get3A_300 = tpu.vector_load %arg6[%get3A_298, %get3A_299] {strides = array<i32>} : memref<200x128xf32, #tpu.memory_space<vmem>>, vector<1x16xf32>,
    %get3A_301 = vector.shape_cast %get3A_300 : vector<1x16xf32> to vector<16xf32>
    %get3A_302 = arith.constant 197 : i32
    %get3A_303 = arith.index_cast %get3A_302 : i32 to index
    %get3A_304 = arith.constant 48 : index
    %get3A_305 = tpu.vector_load %arg6[%get3A_303, %get3A_304] {strides = array<i32>} : memref<200x128xf32, #tpu.memory_space<vmem>>, vector<1x16xf32>,
    %get3A_306 = vector.shape_cast %get3A_305 : vector<1x16xf32> to vector<16xf32>
    %get3A_307 = arith.constant 197 : i32
    %get3A_308 = arith.index_cast %get3A_307 : i32 to index
    %get3A_309 = arith.constant 64 : index
    %get3A_310 = tpu.vector_load %arg6[%get3A_308, %get3A_309] {strides = array<i32>} : memref<200x128xf32, #tpu.memory_space<vmem>>, vector<1x16xf32>,
    %get3A_311 = vector.shape_cast %get3A_310 : vector<1x16xf32> to vector<16xf32>
    %get3A_312 = arith.constant 197 : i32
    %get3A_313 = arith.index_cast %get3A_312 : i32 to index
    %get3A_314 = arith.constant 80 : index
    %get3A_315 = tpu.vector_load %arg6[%get3A_313, %get3A_314] {strides = array<i32>} : memref<200x128xf32, #tpu.memory_space<vmem>>, vector<1x16xf32>,
    %get3A_316 = vector.shape_cast %get3A_315 : vector<1x16xf32> to vector<16xf32>
    %get3A_317 = arith.constant 197 : i32
    %get3A_318 = arith.index_cast %get3A_317 : i32 to index
    %get3A_319 = arith.constant 96 : index
    %get3A_320 = tpu.vector_load %arg6[%get3A_318, %get3A_319] {strides = array<i32>} : memref<200x128xf32, #tpu.memory_space<vmem>>, vector<1x16xf32>,
    %get3A_321 = vector.shape_cast %get3A_320 : vector<1x16xf32> to vector<16xf32>
    %get3A_322 = arith.constant 197 : i32
    %get3A_323 = arith.index_cast %get3A_322 : i32 to index
    %get3A_324 = arith.constant 112 : index
    %get3A_325 = tpu.vector_load %arg6[%get3A_323, %get3A_324] {strides = array<i32>} : memref<200x128xf32, #tpu.memory_space<vmem>>, vector<1x16xf32>,
    %get3A_326 = vector.shape_cast %get3A_325 : vector<1x16xf32> to vector<16xf32>
    %get3A_327 = arith.constant 198 : i32
    %get3A_328 = arith.index_cast %get3A_327 : i32 to index
    %get3A_329 = arith.constant 0 : index
    %get3A_330 = tpu.vector_load %arg6[%get3A_328, %get3A_329] {strides = array<i32>} : memref<200x128xf32, #tpu.memory_space<vmem>>, vector<1x16xf32>,
    %get3A_331 = vector.shape_cast %get3A_330 : vector<1x16xf32> to vector<16xf32>
    %get3A_332 = arith.constant 198 : i32
    %get3A_333 = arith.index_cast %get3A_332 : i32 to index
    %get3A_334 = arith.constant 16 : index
    %get3A_335 = tpu.vector_load %arg6[%get3A_333, %get3A_334] {strides = array<i32>} : memref<200x128xf32, #tpu.memory_space<vmem>>, vector<1x16xf32>,
    %get3A_336 = vector.shape_cast %get3A_335 : vector<1x16xf32> to vector<16xf32>
    %get3A_337 = arith.constant 198 : i32
    %get3A_338 = arith.index_cast %get3A_337 : i32 to index
    %get3A_339 = arith.constant 32 : index
    %get3A_340 = tpu.vector_load %arg6[%get3A_338, %get3A_339] {strides = array<i32>} : memref<200x128xf32, #tpu.memory_space<vmem>>, vector<1x16xf32>,
    %get3A_341 = vector.shape_cast %get3A_340 : vector<1x16xf32> to vector<16xf32>
    %get3A_342 = arith.constant 198 : i32
    %get3A_343 = arith.index_cast %get3A_342 : i32 to index
    %get3A_344 = arith.constant 48 : index
    %get3A_345 = tpu.vector_load %arg6[%get3A_343, %get3A_344] {strides = array<i32>} : memref<200x128xf32, #tpu.memory_space<vmem>>, vector<1x16xf32>,
    %get3A_346 = vector.shape_cast %get3A_345 : vector<1x16xf32> to vector<16xf32>
    %get3A_347 = arith.constant 198 : i32
    %get3A_348 = arith.index_cast %get3A_347 : i32 to index
    %get3A_349 = arith.constant 64 : index
    %get3A_350 = tpu.vector_load %arg6[%get3A_348, %get3A_349] {strides = array<i32>} : memref<200x128xf32, #tpu.memory_space<vmem>>, vector<1x16xf32>,
    %get3A_351 = vector.shape_cast %get3A_350 : vector<1x16xf32> to vector<16xf32>
    %get3A_352 = arith.constant 198 : i32
    %get3A_353 = arith.index_cast %get3A_352 : i32 to index
    %get3A_354 = arith.constant 80 : index
    %get3A_355 = tpu.vector_load %arg6[%get3A_353, %get3A_354] {strides = array<i32>} : memref<200x128xf32, #tpu.memory_space<vmem>>, vector<1x16xf32>,
    %get3A_356 = vector.shape_cast %get3A_355 : vector<1x16xf32> to vector<16xf32>
    %get3A_357 = arith.constant 198 : i32
    %get3A_358 = arith.index_cast %get3A_357 : i32 to index
    %get3A_359 = arith.constant 96 : index
    %get3A_360 = tpu.vector_load %arg6[%get3A_358, %get3A_359] {strides = array<i32>} : memref<200x128xf32, #tpu.memory_space<vmem>>, vector<1x16xf32>,
    %get3A_361 = vector.shape_cast %get3A_360 : vector<1x16xf32> to vector<16xf32>
    %get3A_362 = arith.constant 198 : i32
    %get3A_363 = arith.index_cast %get3A_362 : i32 to index
    %get3A_364 = arith.constant 112 : index
    %get3A_365 = tpu.vector_load %arg6[%get3A_363, %get3A_364] {strides = array<i32>} : memref<200x128xf32, #tpu.memory_space<vmem>>, vector<1x16xf32>,
    %get3A_366 = vector.shape_cast %get3A_365 : vector<1x16xf32> to vector<16xf32>
    %get3A_367 = arith.constant 199 : i32
    %get3A_368 = arith.index_cast %get3A_367 : i32 to index
    %get3A_369 = arith.constant 0 : index
    %get3A_370 = tpu.vector_load %arg6[%get3A_368, %get3A_369] {strides = array<i32>} : memref<200x128xf32, #tpu.memory_space<vmem>>, vector<1x16xf32>,
    %get3A_371 = vector.shape_cast %get3A_370 : vector<1x16xf32> to vector<16xf32>
    %get3A_372 = arith.constant 199 : i32
    %get3A_373 = arith.index_cast %get3A_372 : i32 to index
    %get3A_374 = arith.constant 16 : index
    %get3A_375 = tpu.vector_load %arg6[%get3A_373, %get3A_374] {strides = array<i32>} : memref<200x128xf32, #tpu.memory_space<vmem>>, vector<1x16xf32>,
    %get3A_376 = vector.shape_cast %get3A_375 : vector<1x16xf32> to vector<16xf32>
    %get3A_377 = arith.constant 199 : i32
    %get3A_378 = arith.index_cast %get3A_377 : i32 to index
    %get3A_379 = arith.constant 32 : index
    %get3A_380 = tpu.vector_load %arg6[%get3A_378, %get3A_379] {strides = array<i32>} : memref<200x128xf32, #tpu.memory_space<vmem>>, vector<1x16xf32>,
    %get3A_381 = vector.shape_cast %get3A_380 : vector<1x16xf32> to vector<16xf32>
    %get3A_382 = arith.constant 199 : i32
    %get3A_383 = arith.index_cast %get3A_382 : i32 to index
    %get3A_384 = arith.constant 48 : index
    %get3A_385 = tpu.vector_load %arg6[%get3A_383, %get3A_384] {strides = array<i32>} : memref<200x128xf32, #tpu.memory_space<vmem>>, vector<1x16xf32>,
    %get3A_386 = vector.shape_cast %get3A_385 : vector<1x16xf32> to vector<16xf32>
    %get3A_387 = arith.constant 199 : i32
    %get3A_388 = arith.index_cast %get3A_387 : i32 to index
    %get3A_389 = arith.constant 64 : index
    %get3A_390 = tpu.vector_load %arg6[%get3A_388, %get3A_389] {strides = array<i32>} : memref<200x128xf32, #tpu.memory_space<vmem>>, vector<1x16xf32>,
    %get3A_391 = vector.shape_cast %get3A_390 : vector<1x16xf32> to vector<16xf32>
    %get3A_392 = arith.constant 199 : i32
    %get3A_393 = arith.index_cast %get3A_392 : i32 to index
    %get3A_394 = arith.constant 80 : index
    %get3A_395 = tpu.vector_load %arg6[%get3A_393, %get3A_394] {strides = array<i32>} : memref<200x128xf32, #tpu.memory_space<vmem>>, vector<1x16xf32>,
    %get3A_396 = vector.shape_cast %get3A_395 : vector<1x16xf32> to vector<16xf32>
    %get3A_397 = arith.constant 199 : i32
    %get3A_398 = arith.index_cast %get3A_397 : i32 to index
    %get3A_399 = arith.constant 96 : index
    %get3A_400 = tpu.vector_load %arg6[%get3A_398, %get3A_399] {strides = array<i32>} : memref<200x128xf32, #tpu.memory_space<vmem>>, vector<1x16xf32>,
    %get3A_401 = vector.shape_cast %get3A_400 : vector<1x16xf32> to vector<16xf32>
    %get3A_402 = arith.constant 199 : i32
    %get3A_403 = arith.index_cast %get3A_402 : i32 to index
    %get3A_404 = arith.constant 112 : index
    %get3A_405 = tpu.vector_load %arg6[%get3A_403, %get3A_404] {strides = array<i32>} : memref<200x128xf32, #tpu.memory_space<vmem>>, vector<1x16xf32>,
    %get3A_406 = vector.shape_cast %get3A_405 : vector<1x16xf32> to vector<16xf32>
    %scan3A_407 = arith.constant 0 : i32
    %scan3A_408 = arith.constant 32 : i32
    %scan3A_409 = arith.addi %scan3A_407, %scan3A_408 : i32
    %scan3A_410 = arith.constant 1 : i32
    scf.for %scan3A_500 = %scan3A_407 to %scan3A_409 step %scan3A_410  : i32 {
      %mul3A_501 = arith.constant 1 : i32
      %mul3A_502 = arith.muli %scan3A_500, %mul3A_501 : i32
      %add3A_503 = arith.constant 0 : i32
      %add3A_504 = arith.addi %add3A_503, %mul3A_502 : i32
      %add3A_505 = arith.constant 0 : i32
      %add3A_506 = arith.addi %add3A_505, %add3A_504 : i32
      %get3A_507 = arith.index_cast %add3A_506 : i32 to index
      %get3A_508 = arith.constant 0 : index
      %get3A_509 = tpu.vector_load %arg9[%get3A_507, %get3A_508] {strides = array<i32>} : memref<128x128xf32, #tpu.memory_space<vmem>>, vector<1x16xf32>,
      %get3A_510 = vector.shape_cast %get3A_509 : vector<1x16xf32> to vector<16xf32>
      %add3A_511 = arith.addf %get3A_510, %get3A_251 : vector<16xf32>
      %swap3A = arith.index_cast %add3A_506 : i32 to index
      %swap3A_512 = arith.constant 0 : index
      %swap3A_513 = tpu.vector_load %arg9[%swap3A, %swap3A_512] {strides = array<i32>} : memref<128x128xf32, #tpu.memory_space<vmem>>, vector<1x16xf32>,
      %swap3A_514 = vector.shape_cast %swap3A_513 : vector<1x16xf32> to vector<16xf32>
      %swap3A_515 = vector.shape_cast %add3A_511 : vector<16xf32> to vector<1x16xf32>
      tpu.vector_store %arg9[%swap3A, %swap3A_512], %swap3A_515 {strides = array<i32>} : memref<128x128xf32, #tpu.memory_space<vmem>>, vector<1x16xf32>,
      %get3A_516 = arith.index_cast %add3A_506 : i32 to index
      %get3A_517 = arith.constant 16 : index
      %get3A_518 = tpu.vector_load %arg9[%get3A_516, %get3A_517] {strides = array<i32>} : memref<128x128xf32, #tpu.memory_space<vmem>>, vector<1x16xf32>,
      %get3A_519 = vector.shape_cast %get3A_518 : vector<1x16xf32> to vector<16xf32>
      %add3A_520 = arith.addf %get3A_519, %get3A_256 : vector<16xf32>
      %swap3A_521 = arith.index_cast %add3A_506 : i32 to index
      %swap3A_522 = arith.constant 16 : index
      %swap3A_523 = tpu.vector_load %arg9[%swap3A_521, %swap3A_522] {strides = array<i32>} : memref<128x128xf32, #tpu.memory_space<vmem>>, vector<1x16xf32>,
      %swap3A_524 = vector.shape_cast %swap3A_523 : vector<1x16xf32> to vector<16xf32>
      %swap3A_525 = vector.shape_cast %add3A_520 : vector<16xf32> to vector<1x16xf32>
      tpu.vector_store %arg9[%swap3A_521, %swap3A_522], %swap3A_525 {strides = array<i32>} : memref<128x128xf32, #tpu.memory_space<vmem>>, vector<1x16xf32>,
      %get3A_526 = arith.index_cast %add3A_506 : i32 to index
      %get3A_527 = arith.constant 32 : index
      %get3A_528 = tpu.vector_load %arg9[%get3A_526, %get3A_527] {strides = array<i32>} : memref<128x128xf32, #tpu.memory_space<vmem>>, vector<1x16xf32>,
      %get3A_529 = vector.shape_cast %get3A_528 : vector<1x16xf32> to vector<16xf32>
      %add3A_530 = arith.addf %get3A_529, %get3A_261 : vector<16xf32>
      %swap3A_531 = arith.index_cast %add3A_506 : i32 to index
      %swap3A_532 = arith.constant 32 : index
      %swap3A_533 = tpu.vector_load %arg9[%swap3A_531, %swap3A_532] {strides = array<i32>} : memref<128x128xf32, #tpu.memory_space<vmem>>, vector<1x16xf32>,
      %swap3A_534 = vector.shape_cast %swap3A_533 : vector<1x16xf32> to vector<16xf32>
      %swap3A_535 = vector.shape_cast %add3A_530 : vector<16xf32> to vector<1x16xf32>
      tpu.vector_store %arg9[%swap3A_531, %swap3A_532], %swap3A_535 {strides = array<i32>} : memref<128x128xf32, #tpu.memory_space<vmem>>, vector<1x16xf32>,
      %get3A_536 = arith.index_cast %add3A_506 : i32 to index
      %get3A_537 = arith.constant 48 : index
      %get3A_538 = tpu.vector_load %arg9[%get3A_536, %get3A_537] {strides = array<i32>} : memref<128x128xf32, #tpu.memory_space<vmem>>, vector<1x16xf32>,
      %get3A_539 = vector.shape_cast %get3A_538 : vector<1x16xf32> to vector<16xf32>
      %add3A_540 = arith.addf %get3A_539, %get3A_266 : vector<16xf32>
      %swap3A_541 = arith.index_cast %add3A_506 : i32 to index
      %swap3A_542 = arith.constant 48 : index
      %swap3A_543 = tpu.vector_load %arg9[%swap3A_541, %swap3A_542] {strides = array<i32>} : memref<128x128xf32, #tpu.memory_space<vmem>>, vector<1x16xf32>,
      %swap3A_544 = vector.shape_cast %swap3A_543 : vector<1x16xf32> to vector<16xf32>
      %swap3A_545 = vector.shape_cast %add3A_540 : vector<16xf32> to vector<1x16xf32>
      tpu.vector_store %arg9[%swap3A_541, %swap3A_542], %swap3A_545 {strides = array<i32>} : memref<128x128xf32, #tpu.memory_space<vmem>>, vector<1x16xf32>,
      %get3A_546 = arith.index_cast %add3A_506 : i32 to index
      %get3A_547 = arith.constant 64 : index
      %get3A_548 = tpu.vector_load %arg9[%get3A_546, %get3A_547] {strides = array<i32>} : memref<128x128xf32, #tpu.memory_space<vmem>>, vector<1x16xf32>,
      %get3A_549 = vector.shape_cast %get3A_548 : vector<1x16xf32> to vector<16xf32>
      %add3A_550 = arith.addf %get3A_549, %get3A_271 : vector<16xf32>
      %swap3A_551 = arith.index_cast %add3A_506 : i32 to index
      %swap3A_552 = arith.constant 64 : index
      %swap3A_553 = tpu.vector_load %arg9[%swap3A_551, %swap3A_552] {strides = array<i32>} : memref<128x128xf32, #tpu.memory_space<vmem>>, vector<1x16xf32>,
      %swap3A_554 = vector.shape_cast %swap3A_553 : vector<1x16xf32> to vector<16xf32>
      %swap3A_555 = vector.shape_cast %add3A_550 : vector<16xf32> to vector<1x16xf32>
      tpu.vector_store %arg9[%swap3A_551, %swap3A_552], %swap3A_555 {strides = array<i32>} : memref<128x128xf32, #tpu.memory_space<vmem>>, vector<1x16xf32>,
      %get3A_556 = arith.index_cast %add3A_506 : i32 to index
      %get3A_557 = arith.constant 80 : index
      %get3A_558 = tpu.vector_load %arg9[%get3A_556, %get3A_557] {strides = array<i32>} : memref<128x128xf32, #tpu.memory_space<vmem>>, vector<1x16xf32>,
      %get3A_559 = vector.shape_cast %get3A_558 : vector<1x16xf32> to vector<16xf32>
      %add3A_560 = arith.addf %get3A_559, %get3A_276 : vector<16xf32>
      %swap3A_561 = arith.index_cast %add3A_506 : i32 to index
      %swap3A_562 = arith.constant 80 : index
      %swap3A_563 = tpu.vector_load %arg9[%swap3A_561, %swap3A_562] {strides = array<i32>} : memref<128x128xf32, #tpu.memory_space<vmem>>, vector<1x16xf32>,
      %swap3A_564 = vector.shape_cast %swap3A_563 : vector<1x16xf32> to vector<16xf32>
      %swap3A_565 = vector.shape_cast %add3A_560 : vector<16xf32> to vector<1x16xf32>
      tpu.vector_store %arg9[%swap3A_561, %swap3A_562], %swap3A_565 {strides = array<i32>} : memref<128x128xf32, #tpu.memory_space<vmem>>, vector<1x16xf32>,
      %get3A_566 = arith.index_cast %add3A_506 : i32 to index
      %get3A_567 = arith.constant 96 : index
      %get3A_568 = tpu.vector_load %arg9[%get3A_566, %get3A_567] {strides = array<i32>} : memref<128x128xf32, #tpu.memory_space<vmem>>, vector<1x16xf32>,
      %get3A_569 = vector.shape_cast %get3A_568 : vector<1x16xf32> to vector<16xf32>
      %add3A_570 = arith.addf %get3A_569, %get3A_281 : vector<16xf32>
      %swap3A_571 = arith.index_cast %add3A_506 : i32 to index
      %swap3A_572 = arith.constant 96 : index
      %swap3A_573 = tpu.vector_load %arg9[%swap3A_571, %swap3A_572] {strides = array<i32>} : memref<128x128xf32, #tpu.memory_space<vmem>>, vector<1x16xf32>,
      %swap3A_574 = vector.shape_cast %swap3A_573 : vector<1x16xf32> to vector<16xf32>
      %swap3A_575 = vector.shape_cast %add3A_570 : vector<16xf32> to vector<1x16xf32>
      tpu.vector_store %arg9[%swap3A_571, %swap3A_572], %swap3A_575 {strides = array<i32>} : memref<128x128xf32, #tpu.memory_space<vmem>>, vector<1x16xf32>,
      %get3A_576 = arith.index_cast %add3A_506 : i32 to index
      %get3A_577 = arith.constant 112 : index
      %get3A_578 = tpu.vector_load %arg9[%get3A_576, %get3A_577] {strides = array<i32>} : memref<128x128xf32, #tpu.memory_space<vmem>>, vector<1x16xf32>,
      %get3A_579 = vector.shape_cast %get3A_578 : vector<1x16xf32> to vector<16xf32>
      %add3A_580 = arith.addf %get3A_579, %get3A_286 : vector<16xf32>
      %swap3A_581 = arith.index_cast %add3A_506 : i32 to index
      %swap3A_582 = arith.constant 112 : index
      %swap3A_583 = tpu.vector_load %arg9[%swap3A_581, %swap3A_582] {strides = array<i32>} : memref<128x128xf32, #tpu.memory_space<vmem>>, vector<1x16xf32>,
      %swap3A_584 = vector.shape_cast %swap3A_583 : vector<1x16xf32> to vector<16xf32>
      %swap3A_585 = vector.shape_cast %add3A_580 : vector<16xf32> to vector<1x16xf32>
      tpu.vector_store %arg9[%swap3A_581, %swap3A_582], %swap3A_585 {strides = array<i32>} : memref<128x128xf32, #tpu.memory_space<vmem>>, vector<1x16xf32>,
      %add3A_586 = arith.constant 32 : i32
      %add3A_587 = arith.addi %add3A_586, %add3A_504 : i32
      %get3A_588 = arith.index_cast %add3A_587 : i32 to index
      %get3A_589 = arith.constant 0 : index
      %get3A_590 = tpu.vector_load %arg9[%get3A_588, %get3A_589] {strides = array<i32>} : memref<128x128xf32, #tpu.memory_space<vmem>>, vector<1x16xf32>,
      %get3A_591 = vector.shape_cast %get3A_590 : vector<1x16xf32> to vector<16xf32>
      %add3A_592 = arith.addf %get3A_591, %get3A_291 : vector<16xf32>
      %swap3A_593 = arith.index_cast %add3A_587 : i32 to index
      %swap3A_594 = arith.constant 0 : index
      %swap3A_595 = tpu.vector_load %arg9[%swap3A_593, %swap3A_594] {strides = array<i32>} : memref<128x128xf32, #tpu.memory_space<vmem>>, vector<1x16xf32>,
      %swap3A_596 = vector.shape_cast %swap3A_595 : vector<1x16xf32> to vector<16xf32>
      %swap3A_597 = vector.shape_cast %add3A_592 : vector<16xf32> to vector<1x16xf32>
      tpu.vector_store %arg9[%swap3A_593, %swap3A_594], %swap3A_597 {strides = array<i32>} : memref<128x128xf32, #tpu.memory_space<vmem>>, vector<1x16xf32>,
      %get3A_598 = arith.index_cast %add3A_587 : i32 to index
      %get3A_599 = arith.constant 16 : index
      %get3A_600 = tpu.vector_load %arg9[%get3A_598, %get3A_599] {strides = array<i32>} : memref<128x128xf32, #tpu.memory_space<vmem>>, vector<1x16xf32>,
      %get3A_601 = vector.shape_cast %get3A_600 : vector<1x16xf32> to vector<16xf32>
      %add3A_602 = arith.addf %get3A_601, %get3A_296 : vector<16xf32>
      %swap3A_603 = arith.index_cast %add3A_587 : i32 to index
      %swap3A_604 = arith.constant 16 : index
      %swap3A_605 = tpu.vector_load %arg9[%swap3A_603, %swap3A_604] {strides = array<i32>} : memref<128x128xf32, #tpu.memory_space<vmem>>, vector<1x16xf32>,
      %swap3A_606 = vector.shape_cast %swap3A_605 : vector<1x16xf32> to vector<16xf32>
      %swap3A_607 = vector.shape_cast %add3A_602 : vector<16xf32> to vector<1x16xf32>
      tpu.vector_store %arg9[%swap3A_603, %swap3A_604], %swap3A_607 {strides = array<i32>} : memref<128x128xf32, #tpu.memory_space<vmem>>, vector<1x16xf32>,
      %get3A_608 = arith.index_cast %add3A_587 : i32 to index
      %get3A_609 = arith.constant 32 : index
      %get3A_610 = tpu.vector_load %arg9[%get3A_608, %get3A_609] {strides = array<i32>} : memref<128x128xf32, #tpu.memory_space<vmem>>, vector<1x16xf32>,
      %get3A_611 = vector.shape_cast %get3A_610 : vector<1x16xf32> to vector<16xf32>
      %add3A_612 = arith.addf %get3A_611, %get3A_301 : vector<16xf32>
      %swap3A_613 = arith.index_cast %add3A_587 : i32 to index
      %swap3A_614 = arith.constant 32 : index
      %swap3A_615 = tpu.vector_load %arg9[%swap3A_613, %swap3A_614] {strides = array<i32>} : memref<128x128xf32, #tpu.memory_space<vmem>>, vector<1x16xf32>,
      %swap3A_616 = vector.shape_cast %swap3A_615 : vector<1x16xf32> to vector<16xf32>
      %swap3A_617 = vector.shape_cast %add3A_612 : vector<16xf32> to vector<1x16xf32>
      tpu.vector_store %arg9[%swap3A_613, %swap3A_614], %swap3A_617 {strides = array<i32>} : memref<128x128xf32, #tpu.memory_space<vmem>>, vector<1x16xf32>,
      %get3A_618 = arith.index_cast %add3A_587 : i32 to index
      %get3A_619 = arith.constant 48 : index
      %get3A_620 = tpu.vector_load %arg9[%get3A_618, %get3A_619] {strides = array<i32>} : memref<128x128xf32, #tpu.memory_space<vmem>>, vector<1x16xf32>,
      %get3A_621 = vector.shape_cast %get3A_620 : vector<1x16xf32> to vector<16xf32>
      %add3A_622 = arith.addf %get3A_621, %get3A_306 : vector<16xf32>
      %swap3A_623 = arith.index_cast %add3A_587 : i32 to index
      %swap3A_624 = arith.constant 48 : index
      %swap3A_625 = tpu.vector_load %arg9[%swap3A_623, %swap3A_624] {strides = array<i32>} : memref<128x128xf32, #tpu.memory_space<vmem>>, vector<1x16xf32>,
      %swap3A_626 = vector.shape_cast %swap3A_625 : vector<1x16xf32> to vector<16xf32>
      %swap3A_627 = vector.shape_cast %add3A_622 : vector<16xf32> to vector<1x16xf32>
      tpu.vector_store %arg9[%swap3A_623, %swap3A_624], %swap3A_627 {strides = array<i32>} : memref<128x128xf32, #tpu.memory_space<vmem>>, vector<1x16xf32>,
      %get3A_628 = arith.index_cast %add3A_587 : i32 to index
      %get3A_629 = arith.constant 64 : index
      %get3A_630 = tpu.vector_load %arg9[%get3A_628, %get3A_629] {strides = array<i32>} : memref<128x128xf32, #tpu.memory_space<vmem>>, vector<1x16xf32>,
      %get3A_631 = vector.shape_cast %get3A_630 : vector<1x16xf32> to vector<16xf32>
      %add3A_632 = arith.addf %get3A_631, %get3A_311 : vector<16xf32>
      %swap3A_633 = arith.index_cast %add3A_587 : i32 to index
      %swap3A_634 = arith.constant 64 : index
      %swap3A_635 = tpu.vector_load %arg9[%swap3A_633, %swap3A_634] {strides = array<i32>} : memref<128x128xf32, #tpu.memory_space<vmem>>, vector<1x16xf32>,
      %swap3A_636 = vector.shape_cast %swap3A_635 : vector<1x16xf32> to vector<16xf32>
      %swap3A_637 = vector.shape_cast %add3A_632 : vector<16xf32> to vector<1x16xf32>
      tpu.vector_store %arg9[%swap3A_633, %swap3A_634], %swap3A_637 {strides = array<i32>} : memref<128x128xf32, #tpu.memory_space<vmem>>, vector<1x16xf32>,
      %get3A_638 = arith.index_cast %add3A_587 : i32 to index
      %get3A_639 = arith.constant 80 : index
      %get3A_640 = tpu.vector_load %arg9[%get3A_638, %get3A_639] {strides = array<i32>} : memref<128x128xf32, #tpu.memory_space<vmem>>, vector<1x16xf32>,
      %get3A_641 = vector.shape_cast %get3A_640 : vector<1x16xf32> to vector<16xf32>
      %add3A_642 = arith.addf %get3A_641, %get3A_316 : vector<16xf32>
      %swap3A_643 = arith.index_cast %add3A_587 : i32 to index
      %swap3A_644 = arith.constant 80 : index
      %swap3A_645 = tpu.vector_load %arg9[%swap3A_643, %swap3A_644] {strides = array<i32>} : memref<128x128xf32, #tpu.memory_space<vmem>>, vector<1x16xf32>,
      %swap3A_646 = vector.shape_cast %swap3A_645 : vector<1x16xf32> to vector<16xf32>
      %swap3A_647 = vector.shape_cast %add3A_642 : vector<16xf32> to vector<1x16xf32>
      tpu.vector_store %arg9[%swap3A_643, %swap3A_644], %swap3A_647 {strides = array<i32>} : memref<128x128xf32, #tpu.memory_space<vmem>>, vector<1x16xf32>,
      %get3A_648 = arith.index_cast %add3A_587 : i32 to index
      %get3A_649 = arith.constant 96 : index
      %get3A_650 = tpu.vector_load %arg9[%get3A_648, %get3A_649] {strides = array<i32>} : memref<128x128xf32, #tpu.memory_space<vmem>>, vector<1x16xf32>,
      %get3A_651 = vector.shape_cast %get3A_650 : vector<1x16xf32> to vector<16xf32>
      %add3A_652 = arith.addf %get3A_651, %get3A_321 : vector<16xf32>
      %swap3A_653 = arith.index_cast %add3A_587 : i32 to index
      %swap3A_654 = arith.constant 96 : index
      %swap3A_655 = tpu.vector_load %arg9[%swap3A_653, %swap3A_654] {strides = array<i32>} : memref<128x128xf32, #tpu.memory_space<vmem>>, vector<1x16xf32>,
      %swap3A_656 = vector.shape_cast %swap3A_655 : vector<1x16xf32> to vector<16xf32>
      %swap3A_657 = vector.shape_cast %add3A_652 : vector<16xf32> to vector<1x16xf32>
      tpu.vector_store %arg9[%swap3A_653, %swap3A_654], %swap3A_657 {strides = array<i32>} : memref<128x128xf32, #tpu.memory_space<vmem>>, vector<1x16xf32>,
      %get3A_658 = arith.index_cast %add3A_587 : i32 to index
      %get3A_659 = arith.constant 112 : index
      %get3A_660 = tpu.vector_load %arg9[%get3A_658, %get3A_659] {strides = array<i32>} : memref<128x128xf32, #tpu.memory_space<vmem>>, vector<1x16xf32>,
      %get3A_661 = vector.shape_cast %get3A_660 : vector<1x16xf32> to vector<16xf32>
      %add3A_662 = arith.addf %get3A_661, %get3A_326 : vector<16xf32>
      %swap3A_663 = arith.index_cast %add3A_587 : i32 to index
      %swap3A_664 = arith.constant 112 : index
      %swap3A_665 = tpu.vector_load %arg9[%swap3A_663, %swap3A_664] {strides = array<i32>} : memref<128x128xf32, #tpu.memory_space<vmem>>, vector<1x16xf32>,
      %swap3A_666 = vector.shape_cast %swap3A_665 : vector<1x16xf32> to vector<16xf32>
      %swap3A_667 = vector.shape_cast %add3A_662 : vector<16xf32> to vector<1x16xf32>
      tpu.vector_store %arg9[%swap3A_663, %swap3A_664], %swap3A_667 {strides = array<i32>} : memref<128x128xf32, #tpu.memory_space<vmem>>, vector<1x16xf32>,
      %add3A_668 = arith.constant 64 : i32
      %add3A_669 = arith.addi %add3A_668, %add3A_504 : i32
      %get3A_670 = arith.index_cast %add3A_669 : i32 to index
      %get3A_671 = arith.constant 0 : index
      %get3A_672 = tpu.vector_load %arg9[%get3A_670, %get3A_671] {strides = array<i32>} : memref<128x128xf32, #tpu.memory_space<vmem>>, vector<1x16xf32>,
      %get3A_673 = vector.shape_cast %get3A_672 : vector<1x16xf32> to vector<16xf32>
      %add3A_674 = arith.addf %get3A_673, %get3A_331 : vector<16xf32>
      %swap3A_675 = arith.index_cast %add3A_669 : i32 to index
      %swap3A_676 = arith.constant 0 : index
      %swap3A_677 = tpu.vector_load %arg9[%swap3A_675, %swap3A_676] {strides = array<i32>} : memref<128x128xf32, #tpu.memory_space<vmem>>, vector<1x16xf32>,
      %swap3A_678 = vector.shape_cast %swap3A_677 : vector<1x16xf32> to vector<16xf32>
      %swap3A_679 = vector.shape_cast %add3A_674 : vector<16xf32> to vector<1x16xf32>
      tpu.vector_store %arg9[%swap3A_675, %swap3A_676], %swap3A_679 {strides = array<i32>} : memref<128x128xf32, #tpu.memory_space<vmem>>, vector<1x16xf32>,
      %get3A_680 = arith.index_cast %add3A_669 : i32 to index
      %get3A_681 = arith.constant 16 : index
      %get3A_682 = tpu.vector_load %arg9[%get3A_680, %get3A_681] {strides = array<i32>} : memref<128x128xf32, #tpu.memory_space<vmem>>, vector<1x16xf32>,
      %get3A_683 = vector.shape_cast %get3A_682 : vector<1x16xf32> to vector<16xf32>
      %add3A_684 = arith.addf %get3A_683, %get3A_336 : vector<16xf32>
      %swap3A_685 = arith.index_cast %add3A_669 : i32 to index
      %swap3A_686 = arith.constant 16 : index
      %swap3A_687 = tpu.vector_load %arg9[%swap3A_685, %swap3A_686] {strides = array<i32>} : memref<128x128xf32, #tpu.memory_space<vmem>>, vector<1x16xf32>,
      %swap3A_688 = vector.shape_cast %swap3A_687 : vector<1x16xf32> to vector<16xf32>
      %swap3A_689 = vector.shape_cast %add3A_684 : vector<16xf32> to vector<1x16xf32>
      tpu.vector_store %arg9[%swap3A_685, %swap3A_686], %swap3A_689 {strides = array<i32>} : memref<128x128xf32, #tpu.memory_space<vmem>>, vector<1x16xf32>,
      %get3A_690 = arith.index_cast %add3A_669 : i32 to index
      %get3A_691 = arith.constant 32 : index
      %get3A_692 = tpu.vector_load %arg9[%get3A_690, %get3A_691] {strides = array<i32>} : memref<128x128xf32, #tpu.memory_space<vmem>>, vector<1x16xf32>,
      %get3A_693 = vector.shape_cast %get3A_692 : vector<1x16xf32> to vector<16xf32>
      %add3A_694 = arith.addf %get3A_693, %get3A_341 : vector<16xf32>
      %swap3A_695 = arith.index_cast %add3A_669 : i32 to index
      %swap3A_696 = arith.constant 32 : index
      %swap3A_697 = tpu.vector_load %arg9[%swap3A_695, %swap3A_696] {strides = array<i32>} : memref<128x128xf32, #tpu.memory_space<vmem>>, vector<1x16xf32>,
      %swap3A_698 = vector.shape_cast %swap3A_697 : vector<1x16xf32> to vector<16xf32>
      %swap3A_699 = vector.shape_cast %add3A_694 : vector<16xf32> to vector<1x16xf32>
      tpu.vector_store %arg9[%swap3A_695, %swap3A_696], %swap3A_699 {strides = array<i32>} : memref<128x128xf32, #tpu.memory_space<vmem>>, vector<1x16xf32>,
      %get3A_700 = arith.index_cast %add3A_669 : i32 to index
      %get3A_701 = arith.constant 48 : index
      %get3A_702 = tpu.vector_load %arg9[%get3A_700, %get3A_701] {strides = array<i32>} : memref<128x128xf32, #tpu.memory_space<vmem>>, vector<1x16xf32>,
      %get3A_703 = vector.shape_cast %get3A_702 : vector<1x16xf32> to vector<16xf32>
      %add3A_704 = arith.addf %get3A_703, %get3A_346 : vector<16xf32>
      %swap3A_705 = arith.index_cast %add3A_669 : i32 to index
      %swap3A_706 = arith.constant 48 : index
      %swap3A_707 = tpu.vector_load %arg9[%swap3A_705, %swap3A_706] {strides = array<i32>} : memref<128x128xf32, #tpu.memory_space<vmem>>, vector<1x16xf32>,
      %swap3A_708 = vector.shape_cast %swap3A_707 : vector<1x16xf32> to vector<16xf32>
      %swap3A_709 = vector.shape_cast %add3A_704 : vector<16xf32> to vector<1x16xf32>
      tpu.vector_store %arg9[%swap3A_705, %swap3A_706], %swap3A_709 {strides = array<i32>} : memref<128x128xf32, #tpu.memory_space<vmem>>, vector<1x16xf32>,
      %get3A_710 = arith.index_cast %add3A_669 : i32 to index
      %get3A_711 = arith.constant 64 : index
      %get3A_712 = tpu.vector_load %arg9[%get3A_710, %get3A_711] {strides = array<i32>} : memref<128x128xf32, #tpu.memory_space<vmem>>, vector<1x16xf32>,
      %get3A_713 = vector.shape_cast %get3A_712 : vector<1x16xf32> to vector<16xf32>
      %add3A_714 = arith.addf %get3A_713, %get3A_351 : vector<16xf32>
      %swap3A_715 = arith.index_cast %add3A_669 : i32 to index
      %swap3A_716 = arith.constant 64 : index
      %swap3A_717 = tpu.vector_load %arg9[%swap3A_715, %swap3A_716] {strides = array<i32>} : memref<128x128xf32, #tpu.memory_space<vmem>>, vector<1x16xf32>,
      %swap3A_718 = vector.shape_cast %swap3A_717 : vector<1x16xf32> to vector<16xf32>
      %swap3A_719 = vector.shape_cast %add3A_714 : vector<16xf32> to vector<1x16xf32>
      tpu.vector_store %arg9[%swap3A_715, %swap3A_716], %swap3A_719 {strides = array<i32>} : memref<128x128xf32, #tpu.memory_space<vmem>>, vector<1x16xf32>,
      %get3A_720 = arith.index_cast %add3A_669 : i32 to index
      %get3A_721 = arith.constant 80 : index
      %get3A_722 = tpu.vector_load %arg9[%get3A_720, %get3A_721] {strides = array<i32>} : memref<128x128xf32, #tpu.memory_space<vmem>>, vector<1x16xf32>,
      %get3A_723 = vector.shape_cast %get3A_722 : vector<1x16xf32> to vector<16xf32>
      %add3A_724 = arith.addf %get3A_723, %get3A_356 : vector<16xf32>
      %swap3A_725 = arith.index_cast %add3A_669 : i32 to index
      %swap3A_726 = arith.constant 80 : index
      %swap3A_727 = tpu.vector_load %arg9[%swap3A_725, %swap3A_726] {strides = array<i32>} : memref<128x128xf32, #tpu.memory_space<vmem>>, vector<1x16xf32>,
      %swap3A_728 = vector.shape_cast %swap3A_727 : vector<1x16xf32> to vector<16xf32>
      %swap3A_729 = vector.shape_cast %add3A_724 : vector<16xf32> to vector<1x16xf32>
      tpu.vector_store %arg9[%swap3A_725, %swap3A_726], %swap3A_729 {strides = array<i32>} : memref<128x128xf32, #tpu.memory_space<vmem>>, vector<1x16xf32>,
      %get3A_730 = arith.index_cast %add3A_669 : i32 to index
      %get3A_731 = arith.constant 96 : index
      %get3A_732 = tpu.vector_load %arg9[%get3A_730, %get3A_731] {strides = array<i32>} : memref<128x128xf32, #tpu.memory_space<vmem>>, vector<1x16xf32>,
      %get3A_733 = vector.shape_cast %get3A_732 : vector<1x16xf32> to vector<16xf32>
      %add3A_734 = arith.addf %get3A_733, %get3A_361 : vector<16xf32>
      %swap3A_735 = arith.index_cast %add3A_669 : i32 to index
      %swap3A_736 = arith.constant 96 : index
      %swap3A_737 = tpu.vector_load %arg9[%swap3A_735, %swap3A_736] {strides = array<i32>} : memref<128x128xf32, #tpu.memory_space<vmem>>, vector<1x16xf32>,
      %swap3A_738 = vector.shape_cast %swap3A_737 : vector<1x16xf32> to vector<16xf32>
      %swap3A_739 = vector.shape_cast %add3A_734 : vector<16xf32> to vector<1x16xf32>
      tpu.vector_store %arg9[%swap3A_735, %swap3A_736], %swap3A_739 {strides = array<i32>} : memref<128x128xf32, #tpu.memory_space<vmem>>, vector<1x16xf32>,
      %get3A_740 = arith.index_cast %add3A_669 : i32 to index
      %get3A_741 = arith.constant 112 : index
      %get3A_742 = tpu.vector_load %arg9[%get3A_740, %get3A_741] {strides = array<i32>} : memref<128x128xf32, #tpu.memory_space<vmem>>, vector<1x16xf32>,
      %get3A_743 = vector.shape_cast %get3A_742 : vector<1x16xf32> to vector<16xf32>
      %add3A_744 = arith.addf %get3A_743, %get3A_366 : vector<16xf32>
      %swap3A_745 = arith.index_cast %add3A_669 : i32 to index
      %swap3A_746 = arith.constant 112 : index
      %swap3A_747 = tpu.vector_load %arg9[%swap3A_745, %swap3A_746] {strides = array<i32>} : memref<128x128xf32, #tpu.memory_space<vmem>>, vector<1x16xf32>,
      %swap3A_748 = vector.shape_cast %swap3A_747 : vector<1x16xf32> to vector<16xf32>
      %swap3A_749 = vector.shape_cast %add3A_744 : vector<16xf32> to vector<1x16xf32>
      tpu.vector_store %arg9[%swap3A_745, %swap3A_746], %swap3A_749 {strides = array<i32>} : memref<128x128xf32, #tpu.memory_space<vmem>>, vector<1x16xf32>,
      %add3A_750 = arith.constant 96 : i32
      %add3A_751 = arith.addi %add3A_750, %add3A_504 : i32
      %get3A_752 = arith.index_cast %add3A_751 : i32 to index
      %get3A_753 = arith.constant 0 : index
      %get3A_754 = tpu.vector_load %arg9[%get3A_752, %get3A_753] {strides = array<i32>} : memref<128x128xf32, #tpu.memory_space<vmem>>, vector<1x16xf32>,
      %get3A_755 = vector.shape_cast %get3A_754 : vector<1x16xf32> to vector<16xf32>
      %add3A_756 = arith.addf %get3A_755, %get3A_371 : vector<16xf32>
      %swap3A_757 = arith.index_cast %add3A_751 : i32 to index
      %swap3A_758 = arith.constant 0 : index
      %swap3A_759 = tpu.vector_load %arg9[%swap3A_757, %swap3A_758] {strides = array<i32>} : memref<128x128xf32, #tpu.memory_space<vmem>>, vector<1x16xf32>,
      %swap3A_760 = vector.shape_cast %swap3A_759 : vector<1x16xf32> to vector<16xf32>
      %swap3A_761 = vector.shape_cast %add3A_756 : vector<16xf32> to vector<1x16xf32>
      tpu.vector_store %arg9[%swap3A_757, %swap3A_758], %swap3A_761 {strides = array<i32>} : memref<128x128xf32, #tpu.memory_space<vmem>>, vector<1x16xf32>,
      %get3A_762 = arith.index_cast %add3A_751 : i32 to index
      %get3A_763 = arith.constant 16 : index
      %get3A_764 = tpu.vector_load %arg9[%get3A_762, %get3A_763] {strides = array<i32>} : memref<128x128xf32, #tpu.memory_space<vmem>>, vector<1x16xf32>,
      %get3A_765 = vector.shape_cast %get3A_764 : vector<1x16xf32> to vector<16xf32>
      %add3A_766 = arith.addf %get3A_765, %get3A_376 : vector<16xf32>
      %swap3A_767 = arith.index_cast %add3A_751 : i32 to index
      %swap3A_768 = arith.constant 16 : index
      %swap3A_769 = tpu.vector_load %arg9[%swap3A_767, %swap3A_768] {strides = array<i32>} : memref<128x128xf32, #tpu.memory_space<vmem>>, vector<1x16xf32>,
      %swap3A_770 = vector.shape_cast %swap3A_769 : vector<1x16xf32> to vector<16xf32>
      %swap3A_771 = vector.shape_cast %add3A_766 : vector<16xf32> to vector<1x16xf32>
      tpu.vector_store %arg9[%swap3A_767, %swap3A_768], %swap3A_771 {strides = array<i32>} : memref<128x128xf32, #tpu.memory_space<vmem>>, vector<1x16xf32>,
      %get3A_772 = arith.index_cast %add3A_751 : i32 to index
      %get3A_773 = arith.constant 32 : index
      %get3A_774 = tpu.vector_load %arg9[%get3A_772, %get3A_773] {strides = array<i32>} : memref<128x128xf32, #tpu.memory_space<vmem>>, vector<1x16xf32>,
      %get3A_775 = vector.shape_cast %get3A_774 : vector<1x16xf32> to vector<16xf32>
      %add3A_776 = arith.addf %get3A_775, %get3A_381 : vector<16xf32>
      %swap3A_777 = arith.index_cast %add3A_751 : i32 to index
      %swap3A_778 = arith.constant 32 : index
      %swap3A_779 = tpu.vector_load %arg9[%swap3A_777, %swap3A_778] {strides = array<i32>} : memref<128x128xf32, #tpu.memory_space<vmem>>, vector<1x16xf32>,
      %swap3A_780 = vector.shape_cast %swap3A_779 : vector<1x16xf32> to vector<16xf32>
      %swap3A_781 = vector.shape_cast %add3A_776 : vector<16xf32> to vector<1x16xf32>
      tpu.vector_store %arg9[%swap3A_777, %swap3A_778], %swap3A_781 {strides = array<i32>} : memref<128x128xf32, #tpu.memory_space<vmem>>, vector<1x16xf32>,
      %get3A_782 = arith.index_cast %add3A_751 : i32 to index
      %get3A_783 = arith.constant 48 : index
      %get3A_784 = tpu.vector_load %arg9[%get3A_782, %get3A_783] {strides = array<i32>} : memref<128x128xf32, #tpu.memory_space<vmem>>, vector<1x16xf32>,
      %get3A_785 = vector.shape_cast %get3A_784 : vector<1x16xf32> to vector<16xf32>
      %add3A_786 = arith.addf %get3A_785, %get3A_386 : vector<16xf32>
      %swap3A_787 = arith.index_cast %add3A_751 : i32 to index
      %swap3A_788 = arith.constant 48 : index
      %swap3A_789 = tpu.vector_load %arg9[%swap3A_787, %swap3A_788] {strides = array<i32>} : memref<128x128xf32, #tpu.memory_space<vmem>>, vector<1x16xf32>,
      %swap3A_790 = vector.shape_cast %swap3A_789 : vector<1x16xf32> to vector<16xf32>
      %swap3A_791 = vector.shape_cast %add3A_786 : vector<16xf32> to vector<1x16xf32>
      tpu.vector_store %arg9[%swap3A_787, %swap3A_788], %swap3A_791 {strides = array<i32>} : memref<128x128xf32, #tpu.memory_space<vmem>>, vector<1x16xf32>,
      %get3A_792 = arith.index_cast %add3A_751 : i32 to index
      %get3A_793 = arith.constant 64 : index
      %get3A_794 = tpu.vector_load %arg9[%get3A_792, %get3A_793] {strides = array<i32>} : memref<128x128xf32, #tpu.memory_space<vmem>>, vector<1x16xf32>,
      %get3A_795 = vector.shape_cast %get3A_794 : vector<1x16xf32> to vector<16xf32>
      %add3A_796 = arith.addf %get3A_795, %get3A_391 : vector<16xf32>
      %swap3A_797 = arith.index_cast %add3A_751 : i32 to index
      %swap3A_798 = arith.constant 64 : index
      %swap3A_799 = tpu.vector_load %arg9[%swap3A_797, %swap3A_798] {strides = array<i32>} : memref<128x128xf32, #tpu.memory_space<vmem>>, vector<1x16xf32>,
      %swap3A_800 = vector.shape_cast %swap3A_799 : vector<1x16xf32> to vector<16xf32>
      %swap3A_801 = vector.shape_cast %add3A_796 : vector<16xf32> to vector<1x16xf32>
      tpu.vector_store %arg9[%swap3A_797, %swap3A_798], %swap3A_801 {strides = array<i32>} : memref<128x128xf32, #tpu.memory_space<vmem>>, vector<1x16xf32>,
      %get3A_802 = arith.index_cast %add3A_751 : i32 to index
      %get3A_803 = arith.constant 80 : index
      %get3A_804 = tpu.vector_load %arg9[%get3A_802, %get3A_803] {strides = array<i32>} : memref<128x128xf32, #tpu.memory_space<vmem>>, vector<1x16xf32>,
      %get3A_805 = vector.shape_cast %get3A_804 : vector<1x16xf32> to vector<16xf32>
      %add3A_806 = arith.addf %get3A_805, %get3A_396 : vector<16xf32>
      %swap3A_807 = arith.index_cast %add3A_751 : i32 to index
      %swap3A_808 = arith.constant 80 : index
      %swap3A_809 = tpu.vector_load %arg9[%swap3A_807, %swap3A_808] {strides = array<i32>} : memref<128x128xf32, #tpu.memory_space<vmem>>, vector<1x16xf32>,
      %swap3A_810 = vector.shape_cast %swap3A_809 : vector<1x16xf32> to vector<16xf32>
      %swap3A_811 = vector.shape_cast %add3A_806 : vector<16xf32> to vector<1x16xf32>
      tpu.vector_store %arg9[%swap3A_807, %swap3A_808], %swap3A_811 {strides = array<i32>} : memref<128x128xf32, #tpu.memory_space<vmem>>, vector<1x16xf32>,
      %get3A_812 = arith.index_cast %add3A_751 : i32 to index
      %get3A_813 = arith.constant 96 : index
      %get3A_814 = tpu.vector_load %arg9[%get3A_812, %get3A_813] {strides = array<i32>} : memref<128x128xf32, #tpu.memory_space<vmem>>, vector<1x16xf32>,
      %get3A_815 = vector.shape_cast %get3A_814 : vector<1x16xf32> to vector<16xf32>
      %add3A_816 = arith.addf %get3A_815, %get3A_401 : vector<16xf32>
      %swap3A_817 = arith.index_cast %add3A_751 : i32 to index
      %swap3A_818 = arith.constant 96 : index
      %swap3A_819 = tpu.vector_load %arg9[%swap3A_817, %swap3A_818] {strides = array<i32>} : memref<128x128xf32, #tpu.memory_space<vmem>>, vector<1x16xf32>,
      %swap3A_820 = vector.shape_cast %swap3A_819 : vector<1x16xf32> to vector<16xf32>
      %swap3A_821 = vector.shape_cast %add3A_816 : vector<16xf32> to vector<1x16xf32>
      tpu.vector_store %arg9[%swap3A_817, %swap3A_818], %swap3A_821 {strides = array<i32>} : memref<128x128xf32, #tpu.memory_space<vmem>>, vector<1x16xf32>,
      %get3A_822 = arith.index_cast %add3A_751 : i32 to index
      %get3A_823 = arith.constant 112 : index
      %get3A_824 = tpu.vector_load %arg9[%get3A_822, %get3A_823] {strides = array<i32>} : memref<128x128xf32, #tpu.memory_space<vmem>>, vector<1x16xf32>,
      %get3A_825 = vector.shape_cast %get3A_824 : vector<1x16xf32> to vector<16xf32>
      %add3A_826 = arith.addf %get3A_825, %get3A_406 : vector<16xf32>
      %swap3A_827 = arith.index_cast %add3A_751 : i32 to index
      %swap3A_828 = arith.constant 112 : index
      %swap3A_829 = tpu.vector_load %arg9[%swap3A_827, %swap3A_828] {strides = array<i32>} : memref<128x128xf32, #tpu.memory_space<vmem>>, vector<1x16xf32>,
      %swap3A_830 = vector.shape_cast %swap3A_829 : vector<1x16xf32> to vector<16xf32>
      %swap3A_831 = vector.shape_cast %add3A_826 : vector<16xf32> to vector<1x16xf32>
      tpu.vector_store %arg9[%swap3A_827, %swap3A_828], %swap3A_831 {strides = array<i32>} : memref<128x128xf32, #tpu.memory_space<vmem>>, vector<1x16xf32>,
    }
    %scan3A_411 = arith.constant 32 : i32
    %dma_start3A_412 = arith.constant 196 : i32
    %dma_start3A_413 = arith.constant 0 : i32
    %dma_start3A_414 = arith.constant 0 : i32
    %dma_start3A_415 = tpu.memref_slice %arg9[%dma_start3A_413, %dma_start3A_414] : memref<128x128xf32, #tpu.memory_space<vmem>> -> memref<32x128xf32, #tpu.memory_space<vmem>>
    %dma_start3A_416 = arith.constant 0 : i32
    %dma_start3A_417 = tpu.memref_slice %arg5[%mul3A_2, %dma_start3A_412, %dma_start3A_416] : memref<1024x200x128xf32, #tpu.memory_space<hbm>> -> memref<32x1x128xf32, #tpu.memory_space<hbm>>
    %dma_start3A_418 = tpu.memref_squeeze %dma_start3A_417 : memref<32x1x128xf32, #tpu.memory_space<hbm>> -> memref<32x128xf32, #tpu.memory_space<hbm>>
    %dma_start3A_419 = arith.constant 0 : i32
    %dma_start3A_420 = tpu.memref_slice %arg5[%mul3A_2, %dma_start3A_412, %dma_start3A_419] : memref<1024x200x128xf32, #tpu.memory_space<hbm>> -> memref<32x1x128xf32, #tpu.memory_space<hbm>>
    %dma_start3A_421 = tpu.memref_squeeze %dma_start3A_420 : memref<32x1x128xf32, #tpu.memory_space<hbm>> -> memref<32x128xf32, #tpu.memory_space<hbm>>
    %dma_start3A_422 = arith.constant 0 : i32
    %dma_start3A_423 = arith.constant 0 : i32
    %dma_start3A_424 = tpu.memref_slice %arg9[%dma_start3A_422, %dma_start3A_423] : memref<128x128xf32, #tpu.memory_space<vmem>> -> memref<32x128xf32, #tpu.memory_space<vmem>>
    tpu.enqueue_dma source(%dma_start3A_424 : memref<32x128xf32, #tpu.memory_space<vmem>>) target(%dma_start3A_421 : memref<32x128xf32, #tpu.memory_space<hbm>>) target_semaphore(%arg17 : memref<!tpu.dma_semaphore, #tpu.memory_space<semaphore_mem>>)
    %dma_start3A_425 = arith.constant 197 : i32
    %dma_start3A_426 = arith.constant 32 : i32
    %dma_start3A_427 = arith.constant 0 : i32
    %dma_start3A_428 = tpu.memref_slice %arg9[%dma_start3A_426, %dma_start3A_427] : memref<128x128xf32, #tpu.memory_space<vmem>> -> memref<32x128xf32, #tpu.memory_space<vmem>>
    %dma_start3A_429 = arith.constant 0 : i32
    %dma_start3A_430 = tpu.memref_slice %arg5[%mul3A_2, %dma_start3A_425, %dma_start3A_429] : memref<1024x200x128xf32, #tpu.memory_space<hbm>> -> memref<32x1x128xf32, #tpu.memory_space<hbm>>
    %dma_start3A_431 = tpu.memref_squeeze %dma_start3A_430 : memref<32x1x128xf32, #tpu.memory_space<hbm>> -> memref<32x128xf32, #tpu.memory_space<hbm>>
    %dma_start3A_432 = arith.constant 0 : i32
    %dma_start3A_433 = tpu.memref_slice %arg5[%mul3A_2, %dma_start3A_425, %dma_start3A_432] : memref<1024x200x128xf32, #tpu.memory_space<hbm>> -> memref<32x1x128xf32, #tpu.memory_space<hbm>>
    %dma_start3A_434 = tpu.memref_squeeze %dma_start3A_433 : memref<32x1x128xf32, #tpu.memory_space<hbm>> -> memref<32x128xf32, #tpu.memory_space<hbm>>
    %dma_start3A_435 = arith.constant 32 : i32
    %dma_start3A_436 = arith.constant 0 : i32
    %dma_start3A_437 = tpu.memref_slice %arg9[%dma_start3A_435, %dma_start3A_436] : memref<128x128xf32, #tpu.memory_space<vmem>> -> memref<32x128xf32, #tpu.memory_space<vmem>>
    tpu.enqueue_dma source(%dma_start3A_437 : memref<32x128xf32, #tpu.memory_space<vmem>>) target(%dma_start3A_434 : memref<32x128xf32, #tpu.memory_space<hbm>>) target_semaphore(%arg17 : memref<!tpu.dma_semaphore, #tpu.memory_space<semaphore_mem>>)
    %dma_start3A_438 = arith.constant 198 : i32
    %dma_start3A_439 = arith.constant 64 : i32
    %dma_start3A_440 = arith.constant 0 : i32
    %dma_start3A_441 = tpu.memref_slice %arg9[%dma_start3A_439, %dma_start3A_440] : memref<128x128xf32, #tpu.memory_space<vmem>> -> memref<32x128xf32, #tpu.memory_space<vmem>>
    %dma_start3A_442 = arith.constant 0 : i32
    %dma_start3A_443 = tpu.memref_slice %arg5[%mul3A_2, %dma_start3A_438, %dma_start3A_442] : memref<1024x200x128xf32, #tpu.memory_space<hbm>> -> memref<32x1x128xf32, #tpu.memory_space<hbm>>
    %dma_start3A_444 = tpu.memref_squeeze %dma_start3A_443 : memref<32x1x128xf32, #tpu.memory_space<hbm>> -> memref<32x128xf32, #tpu.memory_space<hbm>>
    %dma_start3A_445 = arith.constant 0 : i32
    %dma_start3A_446 = tpu.memref_slice %arg5[%mul3A_2, %dma_start3A_438, %dma_start3A_445] : memref<1024x200x128xf32, #tpu.memory_space<hbm>> -> memref<32x1x128xf32, #tpu.memory_space<hbm>>
    %dma_start3A_447 = tpu.memref_squeeze %dma_start3A_446 : memref<32x1x128xf32, #tpu.memory_space<hbm>> -> memref<32x128xf32, #tpu.memory_space<hbm>>
    %dma_start3A_448 = arith.constant 64 : i32
    %dma_start3A_449 = arith.constant 0 : i32
    %dma_start3A_450 = tpu.memref_slice %arg9[%dma_start3A_448, %dma_start3A_449] : memref<128x128xf32, #tpu.memory_space<vmem>> -> memref<32x128xf32, #tpu.memory_space<vmem>>
    tpu.enqueue_dma source(%dma_start3A_450 : memref<32x128xf32, #tpu.memory_space<vmem>>) target(%dma_start3A_447 : memref<32x128xf32, #tpu.memory_space<hbm>>) target_semaphore(%arg17 : memref<!tpu.dma_semaphore, #tpu.memory_space<semaphore_mem>>)
    %dma_start3A_451 = arith.constant 199 : i32
    %dma_start3A_452 = arith.constant 96 : i32
    %dma_start3A_453 = arith.constant 0 : i32
    %dma_start3A_454 = tpu.memref_slice %arg9[%dma_start3A_452, %dma_start3A_453] : memref<128x128xf32, #tpu.memory_space<vmem>> -> memref<32x128xf32, #tpu.memory_space<vmem>>
    %dma_start3A_455 = arith.constant 0 : i32
    %dma_start3A_456 = tpu.memref_slice %arg5[%mul3A_2, %dma_start3A_451, %dma_start3A_455] : memref<1024x200x128xf32, #tpu.memory_space<hbm>> -> memref<32x1x128xf32, #tpu.memory_space<hbm>>
    %dma_start3A_457 = tpu.memref_squeeze %dma_start3A_456 : memref<32x1x128xf32, #tpu.memory_space<hbm>> -> memref<32x128xf32, #tpu.memory_space<hbm>>
    %dma_start3A_458 = arith.constant 0 : i32
    %dma_start3A_459 = tpu.memref_slice %arg5[%mul3A_2, %dma_start3A_451, %dma_start3A_458] : memref<1024x200x128xf32, #tpu.memory_space<hbm>> -> memref<32x1x128xf32, #tpu.memory_space<hbm>>
    %dma_start3A_460 = tpu.memref_squeeze %dma_start3A_459 : memref<32x1x128xf32, #tpu.memory_space<hbm>> -> memref<32x128xf32, #tpu.memory_space<hbm>>
    %dma_start3A_461 = arith.constant 96 : i32
    %dma_start3A_462 = arith.constant 0 : i32
    %dma_start3A_463 = tpu.memref_slice %arg9[%dma_start3A_461, %dma_start3A_462] : memref<128x128xf32, #tpu.memory_space<vmem>> -> memref<32x128xf32, #tpu.memory_space<vmem>>
    tpu.enqueue_dma source(%dma_start3A_463 : memref<32x128xf32, #tpu.memory_space<vmem>>) target(%dma_start3A_460 : memref<32x128xf32, #tpu.memory_space<hbm>>) target_semaphore(%arg17 : memref<!tpu.dma_semaphore, #tpu.memory_space<semaphore_mem>>)
    %dma_wait3A_464 = arith.constant 0 : i32
    %dma_wait3A_465 = arith.constant 0 : i32
    %dma_wait3A_466 = arith.constant 0 : i32
    %dma_wait3A_467 = tpu.memref_slice %arg5[%dma_wait3A_464, %dma_wait3A_465, %dma_wait3A_466] : memref<1024x200x128xf32, #tpu.memory_space<hbm>> -> memref<1x128x128xf32, #tpu.memory_space<hbm>>
    %dma_wait3A_468 = tpu.memref_squeeze %dma_wait3A_467 : memref<1x128x128xf32, #tpu.memory_space<hbm>> -> memref<128x128xf32, #tpu.memory_space<hbm>>
    %dma_wait3A_469 = arith.constant 0 : i32
    %dma_wait3A_470 = arith.constant 0 : i32
    %dma_wait3A_471 = tpu.memref_slice %arg5[%dma_wait3A_464, %dma_wait3A_469, %dma_wait3A_470] : memref<1024x200x128xf32, #tpu.memory_space<hbm>> -> memref<1x128x128xf32, #tpu.memory_space<hbm>>
    %dma_wait3A_472 = tpu.memref_squeeze %dma_wait3A_471 : memref<1x128x128xf32, #tpu.memory_space<hbm>> -> memref<128x128xf32, #tpu.memory_space<hbm>>
    tpu.wait_dma2 semaphore(%arg16 : memref<!tpu.dma_semaphore, #tpu.memory_space<semaphore_mem>>) src(%arg8 : memref<128x128xf32, #tpu.memory_space<vmem>>) dst(%dma_wait3A_472 : memref<128x128xf32, #tpu.memory_space<hbm>>)
    %dma_wait3A_473 = arith.constant 0 : i32
    %dma_wait3A_474 = arith.constant 0 : i32
    %dma_wait3A_475 = arith.constant 0 : i32
    %dma_wait3A_476 = tpu.memref_slice %arg5[%dma_wait3A_473, %dma_wait3A_474, %dma_wait3A_475] : memref<1024x200x128xf32, #tpu.memory_space<hbm>> -> memref<1x128x128xf32, #tpu.memory_space<hbm>>
    %dma_wait3A_477 = tpu.memref_squeeze %dma_wait3A_476 : memref<1x128x128xf32, #tpu.memory_space<hbm>> -> memref<128x128xf32, #tpu.memory_space<hbm>>
    %dma_wait3A_478 = arith.constant 0 : i32
    %dma_wait3A_479 = arith.constant 0 : i32
    %dma_wait3A_480 = tpu.memref_slice %arg5[%dma_wait3A_473, %dma_wait3A_478, %dma_wait3A_479] : memref<1024x200x128xf32, #tpu.memory_space<hbm>> -> memref<1x128x128xf32, #tpu.memory_space<hbm>>
    %dma_wait3A_481 = tpu.memref_squeeze %dma_wait3A_480 : memref<1x128x128xf32, #tpu.memory_space<hbm>> -> memref<128x128xf32, #tpu.memory_space<hbm>>
    tpu.wait_dma2 semaphore(%arg17 : memref<!tpu.dma_semaphore, #tpu.memory_space<semaphore_mem>>) src(%arg9 : memref<128x128xf32, #tpu.memory_space<vmem>>) dst(%dma_wait3A_481 : memref<128x128xf32, #tpu.memory_space<hbm>>)
    %dma_wait3A_482 = arith.constant 0 : i32
    %dma_wait3A_483 = arith.constant 0 : i32
    %dma_wait3A_484 = arith.constant 0 : i32
    %dma_wait3A_485 = tpu.memref_slice %arg5[%dma_wait3A_482, %dma_wait3A_483, %dma_wait3A_484] : memref<1024x200x128xf32, #tpu.memory_space<hbm>> -> memref<1x128x128xf32, #tpu.memory_space<hbm>>
    %dma_wait3A_486 = tpu.memref_squeeze %dma_wait3A_485 : memref<1x128x128xf32, #tpu.memory_space<hbm>> -> memref<128x128xf32, #tpu.memory_space<hbm>>
    %dma_wait3A_487 = arith.constant 0 : i32
    %dma_wait3A_488 = arith.constant 0 : i32
    %dma_wait3A_489 = tpu.memref_slice %arg5[%dma_wait3A_482, %dma_wait3A_487, %dma_wait3A_488] : memref<1024x200x128xf32, #tpu.memory_space<hbm>> -> memref<1x128x128xf32, #tpu.memory_space<hbm>>
    %dma_wait3A_490 = tpu.memref_squeeze %dma_wait3A_489 : memref<1x128x128xf32, #tpu.memory_space<hbm>> -> memref<128x128xf32, #tpu.memory_space<hbm>>
    tpu.wait_dma2 semaphore(%arg18 : memref<!tpu.dma_semaphore, #tpu.memory_space<semaphore_mem>>) src(%arg10 : memref<128x128xf32, #tpu.memory_space<vmem>>) dst(%dma_wait3A_490 : memref<128x128xf32, #tpu.memory_space<hbm>>)
    %dma_wait3A_491 = arith.constant 0 : i32
    %dma_wait3A_492 = arith.constant 0 : i32
    %dma_wait3A_493 = arith.constant 0 : i32
    %dma_wait3A_494 = tpu.memref_slice %arg5[%dma_wait3A_491, %dma_wait3A_492, %dma_wait3A_493] : memref<1024x200x128xf32, #tpu.memory_space<hbm>> -> memref<1x128x128xf32, #tpu.memory_space<hbm>>
    %dma_wait3A_495 = tpu.memref_squeeze %dma_wait3A_494 : memref<1x128x128xf32, #tpu.memory_space<hbm>> -> memref<128x128xf32, #tpu.memory_space<hbm>>
    %dma_wait3A_496 = arith.constant 0 : i32
    %dma_wait3A_497 = arith.constant 0 : i32
    %dma_wait3A_498 = tpu.memref_slice %arg5[%dma_wait3A_491, %dma_wait3A_496, %dma_wait3A_497] : memref<1024x200x128xf32, #tpu.memory_space<hbm>> -> memref<1x128x128xf32, #tpu.memory_space<hbm>>
    %dma_wait3A_499 = tpu.memref_squeeze %dma_wait3A_498 : memref<1x128x128xf32, #tpu.memory_space<hbm>> -> memref<128x128xf32, #tpu.memory_space<hbm>>
    tpu.wait_dma2 semaphore(%arg19 : memref<!tpu.dma_semaphore, #tpu.memory_space<semaphore_mem>>) src(%arg11 : memref<128x128xf32, #tpu.memory_space<vmem>>) dst(%dma_wait3A_499 : memref<128x128xf32, #tpu.memory_space<hbm>>)
    return
  }
}

</mosaic_0001>

<sc_bundles>
// kernel: kernel.3.cloned.1.call-start
scs
__scs_entry_jumppad:
0x0: {  	(pc) =	sbr.rel $0x88, $3  }
0x1: {  	(tag) =	ssettag $0x0;
	lr =	simm.s32 $0x1  }
0x2: {  	[smem:$0x3F9E] =	sst lr;
	_ =	strace $0xD0000000  }
0x3: {  	_ = 	snop  }
0x4: {  	_ = 	snop  }
0x5: {  	_ = 	snop  }
0x6: {  	_ = 	snop  }
0x7: {  	_ = 	snop  }
__scs_overlays_trampoline_lowered:
0x8: {  	[smem:$0x3FAD] =	sst s0  }
0x9: {  	[smem:$0x3FAE] =	sst s1  }
0xa: {  	[smem:$0x3FAF] =	sst s2  }
0xb: {  	[smem:$0x3FB0] =	sst s3  }
0xc: {  	[smem:$0x3FB1] =	sst s4  }
0xd: {  	[smem:$0x3FB2] =	sst s5  }
0xe: {  	[smem:$0x3FB3] =	sst s6  }
0xf: {  	[smem:$0x3FB4] =	sst s7  }
0x10: {  	[smem:$0x3FB5] =	sst s8  }
0x11: {  	[smem:$0x3FB6] =	sst s9;
	s0 =	simm.s32 @!p0 $0x0  }
0x12: {  	s1 =	sld [smem:$0x3F9C];
	s0 =	simm.s32 @p0 $0x1  }
0x13: {  	[smem:$0x3FB7] =	sst s0;
	s0 =	simm.s32 @!p1 $0x0  }
0x14: {  	s2 =	sld [smem:$0x3F9B];
	s0 =	simm.s32 @p1 $0x1  }
0x15: {  	[smem:$0x3FB8] =	sst s0;
	s0 =	simm.s32 @!p2 $0x0  }
0x16: {  	s3 =	sld [smem:$0x3FDB];
	s0 =	simm.s32 @p2 $0x1  }
0x17: {  	s4 =	simm.s32 $0x1BF5;
	[smem:$0x3FBA] =	sst s0  }
0x18: {  	s0 =	sld [smem:$0x3F9D];
	_ =	swait.ge [sflag:s4], $0x0  }
0x19: {  	s7 =	sld [smem:$0x3F9E]  }
0x1a: {  	s8 =	sadd.s32 $0xFFFFE003, lr  }
0x1b: {  	s9 =	sadd.s32 $0xFFFFFEF7, lr;
	s5 =	simm.s32 $0xFFFFFFFF;
	p2 =	slt.u32 s8, $0xFFFFF086  }
0x1c: {  	p1 =	slt.u32 s9, $0xF7A;
	s5 =	simm.s32 @!p2 $0x0  }
0x1d: {  	s5 =	simm.s32 @p1 $0x1;
	p0 =	seq.s32 s7, s2  }
0x1e: {  	s7 =	smul.u32 @!p0 $0xF7A, s2;
	p2 =	seq.s32 @!p0 s5, $0x0  }
0x1f: {  	s9 =	smul.u32 $0xF7A, s1;
	s8 =	simm.s32 @!p0 $0x1BF5;
	p2 =	por !p2, p0  }
0x20: {  	[sflag:s8] =	ssyncset.s32 @!p0 $0xFFFFF086;
	s6 =	sadd.s32 @!p0 s3, s7;
	s7 =	simm.s32 @!p0 $0x108  }
0x21: {  	s3 =	sadd.s32 s3, s9;
	s6 =	sadd.s32 @!p0 $0x88, s6;
	s7 =	simm.s32 @p2 $0x1082  }
0x22: {  	[simem:s7], [sflag:s8] =	dma.local @!p0 [hbm:s6], $0xF7A  }
0x23: {  	s9 =	sor.u32 $0xD0000000, s2;
	s6 =	simm.s32 $0x108;
	_ =	swait.ge @!p0 [sflag:s8], $0x0  }
0x24: {  	s3 =	sadd.s32 $0x88, s3;
	s6 =	simm.s32 @!p1 $0x1082;
	[sflag:s4] =	ssyncset.s32 $0xFFFFF086  }
0x25: {  	[simem:s6], [sflag:s4] =	dma.local [hbm:s3], $0xF7A  }
0x26: {  	[smem:$0x3F9E] =	sst s1;
	(tag) =	ssettag s2;
	_ =	strace s9  }
0x27: {  	s1 =	sld [smem:$0x3FAE]  }
0x28: {  	s2 =	sld [smem:$0x3FAF]  }
0x29: {  	s4 =	sld [smem:$0x3FB1]  }
0x2a: {  	p0 =	seq.s32 s5, $0x0;
	s5 =	sld [smem:$0x3FB2]  }
0x2b: {  	s6 =	sld [smem:$0x3FB3]  }
0x2c: {  	s7 =	sld [smem:$0x3FB4]  }
0x2d: {  	s3 =	simm.s32 $0x108;
	s8 =	sld [smem:$0x3FB5]  }
0x2e: {  	s3 =	simm.s32 @!p0 $0x1082;
	s9 =	sld [smem:$0x3FB6]  }
0x2f: {  	lr =	sadd.s32 s0, s3;
	s0 =	sld [smem:$0x3FAD]  }
0x30: {  	s3 =	sld [smem:$0x3FB0]  }
0x31: {  	[smem:$0x3FB9] =	sst s10  }
0x32: {  	s10 =	sld [smem:$0x3FB7];
	_ =	sdelay $0x3  }
0x33: {  	p0 =	seq.s32 s10, $0x1;
	s10 =	sld [smem:$0x3FB9];
	_ =	sdelay $0x3  }
0x34: {  	[smem:$0x3FB9] =	sst s10  }
0x35: {  	s10 =	sld [smem:$0x3FB8];
	_ =	sdelay $0x3  }
0x36: {  	p1 =	seq.s32 s10, $0x1;
	s10 =	sld [smem:$0x3FB9];
	_ =	sdelay $0x3  }
0x37: {  	[smem:$0x3FB9] =	sst s10  }
0x38: {  	s10 =	sld [smem:$0x3FBA]  }
0x39: {  	_ = 	snop;
	(pc) =	sbr.ind lr, $3  }
0x3a: {  	_ = 	snop  }
0x3b: {  	_ = 	snop  }
0x3c: {  	p2 =	seq.s32 s10, $0x1;
	s10 =	sld [smem:$0x3FB9]  }
0x3d: {  	_ =	shalt  }
0x3e: {  	_ =	shalt  }
0x3f: {  	_ =	shalt  }
0x40: {  	_ =	shalt  }
0x41: {  	_ =	shalt  }
0x42: {  	_ =	shalt  }
0x43: {  	_ =	shalt  }
0x44: {  	_ =	shalt  }
0x45: {  	_ =	shalt  }
0x46: {  	_ =	shalt  }
0x47: {  	_ =	shalt  }
0x48: {  	_ =	shalt  }
0x49: {  	_ =	shalt  }
0x4a: {  	_ =	shalt  }
0x4b: {  	_ =	shalt  }
0x4c: {  	_ =	shalt  }
0x4d: {  	_ =	shalt  }
0x4e: {  	_ =	shalt  }
0x4f: {  	_ =	shalt  }
0x50: {  	_ =	shalt  }
0x51: {  	_ =	shalt  }
0x52: {  	_ =	shalt  }
0x53: {  	_ =	shalt  }
0x54: {  	_ =	shalt  }
0x55: {  	_ =	shalt  }
0x56: {  	_ =	shalt  }
0x57: {  	_ =	shalt  }
0x58: {  	_ =	shalt  }
0x59: {  	_ =	shalt  }
0x5a: {  	_ =	shalt  }
0x5b: {  	_ =	shalt  }
0x5c: {  	_ =	shalt  }
0x5d: {  	_ =	shalt  }
0x5e: {  	_ =	shalt  }
0x5f: {  	_ =	shalt  }
0x60: {  	_ =	shalt  }
0x61: {  	_ =	shalt  }
0x62: {  	_ =	shalt  }
0x63: {  	_ =	shalt  }
0x64: {  	_ =	shalt  }
0x65: {  	_ =	shalt  }
0x66: {  	_ =	shalt  }
0x67: {  	_ =	shalt  }
0x68: {  	_ =	shalt  }
0x69: {  	_ =	shalt  }
0x6a: {  	_ =	shalt  }
0x6b: {  	_ =	shalt  }
0x6c: {  	_ =	shalt  }
0x6d: {  	_ =	shalt  }
0x6e: {  	_ =	shalt  }
0x6f: {  	_ =	shalt  }
0x70: {  	_ =	shalt  }
0x71: {  	_ =	shalt  }
0x72: {  	_ =	shalt  }
0x73: {  	_ =	shalt  }
0x74: {  	_ =	shalt  }
0x75: {  	_ =	shalt  }
0x76: {  	_ =	shalt  }
0x77: {  	_ =	shalt  }
0x78: {  	_ =	shalt  }
0x79: {  	_ =	shalt  }
0x7a: {  	_ =	shalt  }
0x7b: {  	_ =	shalt  }
0x7c: {  	_ =	shalt  }
0x7d: {  	_ =	shalt  }
0x7e: {  	_ =	shalt  }
0x7f: {  	_ =	shalt  }
0x80: {  	_ =	shalt  }
0x81: {  	_ =	shalt  }
0x82: {  	_ =	shalt  }
0x83: {  	_ =	shalt  }
0x84: {  	_ =	shalt  }
0x85: {  	_ =	shalt  }
0x86: {  	_ =	shalt  }
0x87: {  	_ =	shalt  }
.Lfunc_end0:
.L_simem_size_0:
called_computation_lowered:
.L_overlay_start_0:
0x88: {  	s2 =	sld [smem:$0x3FD9]  }
0x89: {  	s3 =	sld [smem:$0x3FFE];
	_ =	sdelay $0x1  }
0x8a: {  	s1 =	srdreg.scid  }
0x8b: {  	s0 =	sand.u32 $0x1, s1  }
0x8c: {  	s17 =	sshll.u32 s0, $0xA;
	s2 =	sadd.s32 s3, s2  }
0x8d: {  	s2 =	sadd.s32 s2, s17  }
0x8e: {  	[smem:$0x3FC5] =	sst s2  }
0x8f: {  	_ = 	snop  }
0x90: {  	s2 =	sld [smem:$0x3FC8]  }
0x91: {  	s18 =	sld [smem:$0x3FC7]  }
0x92: {  	s4 =	sld [smem:$0x3FD0];
	(tm) =	ssettm $0x1  }
0x93: {  	s5 =	sld [smem:$0x3FFB];
	_ =	sdelay $0x3  }
0x94: {  	_ =	strace s5  }
0x95: {  	s5 =	sld [smem:$0x3FFC];
	_ =	sdelay $0x3  }
0x96: {  	_ =	strace s5  }
0x97: {  	s5 =	sld [smem:$0x3FFD];
	_ =	sdelay $0x3  }
0x98: {  	_ =	strace s5  }
0x99: {  	_ =	strace $0x8FFFFFFF  }
0x9a: {  	s19 =	sld [smem:$0x3FDB];
	_ =	sdelay $0x1  }
0x9b: {  	s6 =	simm.s32 $_scs_section_size  }
0x9c: {  	s7 =	simm.s32 $_size__tile_overlayer_lowered;
	s8 =	simm.s32 $_tile_overlayer_lowered  }
0x9d: {  	s22 =	simm.s32 $0x1BFF;
	s21 =	sshll.u32 s8, $0x1;
	s5 =	sadd.s32 s6, s19  }
0x9e: {  	s9 =	simm.s32 $0x0;
	s20 =	sshll.u32 s7, $0x1;
	s7 =	sadd.s32 s21, s5  }
0x9f: {  	[timem:s9], [sflag:s22] =	dma.local [hbm:s7], s20  }
0xa0: {  	_ =	swait.ge [sflag:s22], s20  }
0xa1: {  	s6 =	ssub.s32 $0x0, s20;
	[sflag:s22] =	ssyncset.done $0x0  }
0xa2: {  	[sflag:s22] =	ssyncadd.s32 s6;
	_ =	sdelay $0x1  }
0xa3: {  	s23 =	simm.s32 $0x1B8B  }
0xa4: {  	_ =	swait.ge [sflag:s23], $0x1  }
0xa5: {  	[sflag:s23] =	ssyncset.done $0x0  }
0xa6: {  	s25 =	simm.s32 $0x1B8E;
	s24 =	sld [smem:$0x3FFE];
	[sflag:s23] =	ssyncadd.s32 $0xFFFFFFFF  }
0xa7: {  	s26 =	simm.s32 $execute0_lowered;
	[smem:$0x3FD2] =	sst s25  }
0xa8: {  	s7 =	sshll.u32 s26, $0x1;
	_ =	strace $0x80000046;
	[dreg:$0x1] =	wrdreg $0xFFFFFFFF  }
0xa9: {  	s28 =	simm.s32 $_size_execute0_lowered;
	s5 =	sadd.s32 s5, s7;
	[dreg:$0x0] =	wrdreg $0x0  }
0xaa: {  	s7 =	sshll.u32 s28, $0x1;
	[dreg:$0x2] =	wrdreg s5  }
0xab: {  	[dreg:$0x3] =	wrdreg s7  }
0xac: {  	[dreg:$0x4] =	wrdreg $0xC0  }
0xad: {  	_ =	task [dreg:s9], $0x5FFFF  }
0xae: {  	[dreg:$0x1] =	wrdreg $0xFFFFFFFF  }
0xaf: {  	[dreg:$0x0] =	wrdreg $0x60  }
0xb0: {  	[dreg:$0x2] =	wrdreg s24  }
0xb1: {  	[dreg:$0x3] =	wrdreg s2  }
0xb2: {  	[dreg:$0x4] =	wrdreg s18  }
0xb3: {  	[dreg:$0x5] =	wrdreg s4  }
0xb4: {  	[dreg:$0x6] =	wrdreg $0x9  }
0xb5: {  	_ =	task.clear_ibuf [dreg:s9], $0x7FFFF;
	_ =	strace $0x90000046  }
0xb6: {  	s29 =	simm.s32 $0x9;
	_ =	strace $0x80000048  }
0xb7: {  	_ =	swait.ge [sflag:s29], $0x1  }
0xb8: {  	[sflag:s29] =	ssyncadd.s32 $0xFFFFFFFF  }
0xb9: {  	_ =	strace $0x90000048  }
0xba: {  	_ =	sfence  }
0xbb: {  	s30 =	sld [smem:$0x0];
	_ =	sdelay $0x2  }
0xbc: {  	s31 =	sshll.u32 s1, $0xD;
	s1 =	sshrl.u32 s1, $0x2  }
0xbd: {  	s3 =	sand.u32 $0x4000, s31;
	s1 =	sadd.s32 s1, s30  }
0xbe: {  	s0 =	sor.u32 s3, s0;
	s1 =	sshll.u32 s1, $0x11  }
0xbf: {  	s0 =	sor.u32 s1, s0  }
0xc0: {  	s0 =	sadd.s32 $0x8F2B, s0  }
0xc1: {  	[sflag:s0] =	ssyncadd.remote.s32 $0x1  }
0xc2: {  	_ =	sfence.sel $0xFFFF  }
0xc3: {  	[dreg:$0x0] =	wrdreg $0xFFFFFFFF;
	(pc) =	sbr.abs _section_cstart, $3  }
0xc4: {  	[dreg:$0x1] =	wrdreg $0xFFFFFFFF  }
0xc5: {  	_ =	task.clear_ibuf [dreg:s9], $0x2FFFF;
	_ =	strace $0x9FFFFFFF  }
0xc6: {  	(tm) =	ssettm $0x7FFFFFFF  }
0xc7: {  	_ =	shalt  }
tec
execute0_lowered:
.L_overlay_start_1:
0x0: {  	(tag) =	ssettag $0x1  }
0x1: {  	s0 =	rddreg [dreg:$0x0]  }
0x2: {  	s1 =	rddreg [dreg:$0x1];
	s2 =	srdreg.scid  }
0x3: {  	s3 =	stileid.u32;
	s4 =	rddreg [dreg:$0x3];
	s5 =	simm.s32 $0x0  }
0x4: {  	s28 =	simm.s32 $0x8000;
	s30 =	simm.s32 $0xC000;
	s31 =	simm.s32 $0x10000  }
0x5: {  	s7 =	simm.s32 $0x2;
	s2 =	sand.u32 $0x1, s2;
	s3 =	sshll.u32 s3, $0x1  }
0x6: {  	s17 =	simm.s32 $0xF000;
	s15 =	simm.s32 $0x0;
	s3 =	sor.u32 s2, s3  }
0x7: {  	[smem:$0x7FF] =	sst s5;
	s8 =	sadd.s32 $0x10, s4;
	s18 =	smul.u32 $0x380, s3  }
0x8: {  	s9 =	sadd.s32 $0x20, s4;
	s10 =	sadd.s32 $0x30, s4;
	s2 =	ssub.s32 $0x2, s2  }
0x9: {  	s6 =	sshrl.u32 s2, $0x1;
	s19 =	smul.u32 $0x19000, s3;
	s0 =	sadd.s32 s18, s0  }
0xa: {  	_ =	strace $0x80000047;
	s2 =	ssub.s32 s2, s6;
	s0 =	sadd.s32 $0x400, s0  }
0xb: {  	s29 =	smax.u32 s2, $0x1;
	[dreg:$0x5] =	wrdreg s0;
	s0 =	sadd.s32 s19, s4  }
0xc: {  	s11 =	sadd.s32 $0x40, s4;
	[dreg:$0xe] =	wrdreg s29;
	s20 =	sadd.s32 $0xC00, s0  }
0xd: {  	s12 =	sadd.s32 $0x50, s4;
	s21 =	sadd.s32 $0xC10, s0;
	[dreg:$0x6] =	wrdreg s20  }
0xe: {  	s13 =	sadd.s32 $0x60, s4;
	s22 =	sadd.s32 $0xC20, s0;
	[dreg:$0x7] =	wrdreg s21  }
0xf: {  	s14 =	sadd.s32 $0x70, s4;
	s23 =	sadd.s32 $0xC30, s0;
	[dreg:$0x8] =	wrdreg s22  }
0x10: {  	s5 =	simm.s32 $0x14000;
	s24 =	sadd.s32 $0xC40, s0;
	[dreg:$0x9] =	wrdreg s23  }
0x11: {  	s6 =	smul.u32 $0xC8000, s3;
	s25 =	sadd.s32 $0xC50, s0;
	[dreg:$0xa] =	wrdreg s24  }
0x12: {  	s2 =	simm.s32 $0x1;
	s26 =	sadd.s32 $0xC60, s0;
	[dreg:$0xb] =	wrdreg s25  }
0x13: {  	s18 =	simm.s32 $0x5;
	s0 =	sadd.s32 $0xC70, s0;
	[dreg:$0xc] =	wrdreg s26  }
0x14: {  	s19 =	simm.s32 $0x3;
	[dreg:$0xd] =	wrdreg s0;
	s25 =	simm.s32 $0x6400  }
0x15: {  	s26 =	simm.s32 $0x80;
	s23 =	simm.s32 $0x6;
	s24 =	simm.s32 $0x4  }
.LBB2_1:
0x16: {  	[dreg:$0xf] =	wrdreg s15  }
0x17: {  	s0 =	rddreg [dreg:$0x2];
	s3 =	simm.s32 $0x0;
	s21 =	simm.s32 $0x9  }
0x18: {  	[tilespmem:s3], [sflag:$0x9] =	stream.linear.gather [hbm4b:s0+s3], $0x6400, $0x38;
	[tilespmem:$0x18000] =	vst v63  }
0x19: {  	_ =	swait.ge [sflag:s21], $0x6400  }
0x1a: {  	[sflag:s21] =	ssyncset.done $0x0  }
0x1b: {  	s22 =	rddreg [dreg:$0x5];
	[sflag:s21] =	ssyncadd.s32 $0xFFFF9C00  }
0x1c: {  	[tilespmem:s25], [sflag:$0x9] =	stream.linear.gather [hbm4b:s22+s3], $0x1900, $0x38;
	[tilespmem:$0x18000] =	vst v63  }
0x1d: {  	_ =	swait.ge [sflag:s21], $0x1900  }
0x1e: {  	[sflag:s21] =	ssyncset.done $0x0  }
0x1f: {  	[sflag:s21] =	ssyncadd.s32 $0xFFFFE700  }
0x20: {  	[tilespmem:s28], [sflag:$0x1] =	stream.indirect.gather [hbm4b:s1+s26], $0x80, s25, s26, $0xb8;
	[tilespmem:$0x18000] =	vst v63  }
0x21: {  	s29 =	simm.s32 $0x6480;
	s20 =	simm.s32 $0x0  }
0x22: {  	[tilespmem:s30], [sflag:$0x2] =	stream.indirect.gather [hbm4b:s1+s26], $0x80, s29, s26, $0xb8;
	[tilespmem:$0x18000] =	vst v63  }
.LBB2_2:
0x23: {  	p0 =	seq.s32 s20, $0x0  }
0x24: {  	s21 =	sshll.u32 s20, $0xB;
	s0 =	simm.s32 @!p0 $0x7  }
0x25: {  	s22 =	sor.u32 $0x400, s21;
	_ =	swait.ge @!p0 [sflag:s0], $0x4000  }
0x26: {  	s3 =	sshrl.u32 s22, $0x2;
	[sflag:s0] =	ssyncset.done @!p0 $0x0  }
0x27: {  	s29 =	sadd.s32 $0x6400, s3;
	[sflag:s0] =	ssyncadd.s32 @!p0 $0xFFFFC000  }
0x28: {  	[tilespmem:s31], [sflag:$0x3] =	stream.indirect.gather [hbm4b:s1+s26], $0x80, s29, s26, $0xb8;
	[tilespmem:$0x18000] =	vst v63  }
0x29: {  	_ =	swait.ge [sflag:s2], $0x4000  }
0x2a: {  	[sflag:s2] =	ssyncset.done $0x0  }
0x2b: {  	[sflag:s2] =	ssyncadd.s32 $0xFFFFC000  }
0x2c: {  	v0 =	vld [tilespmem:s21+$0x0]  }
0x2d: {  	v1 =	vld [tilespmem:s21+$0x10]  }
0x2e: {  	v2 =	vld [tilespmem:s21+$0x20]  }
0x2f: {  	v3 =	vld [tilespmem:s21+$0x30]  }
0x30: {  	v4 =	vld [tilespmem:s21+$0x40]  }
0x31: {  	v5 =	vld [tilespmem:s21+$0x50]  }
0x32: {  	v6 =	vld [tilespmem:s21+$0x60]  }
0x33: {  	v7 =	vld [tilespmem:s21+$0x70]  }
0x34: {  	v8 =	vld [tilespmem:s21+$0x80]  }
0x35: {  	v9 =	vld [tilespmem:s21+$0x90]  }
0x36: {  	v10 =	vld [tilespmem:s21+$0xA0]  }
0x37: {  	v11 =	vld [tilespmem:s21+$0xB0]  }
0x38: {  	v12 =	vld [tilespmem:s21+$0xC0]  }
0x39: {  	v13 =	vld [tilespmem:s21+$0xD0]  }
0x3a: {  	v14 =	vld [tilespmem:s21+$0xE0]  }
0x3b: {  	v15 =	vld [tilespmem:s21+$0xF0]  }
0x3c: {  	v16 =	vld [tilespmem:s21+$0x100]  }
0x3d: {  	v17 =	vld [tilespmem:s21+$0x110]  }
0x3e: {  	v19 =	vld [tilespmem:s21+$0x120]  }
0x3f: {  	v21 =	vld [tilespmem:s21+$0x130]  }
0x40: {  	v23 =	vld [tilespmem:s21+$0x140]  }
0x41: {  	v25 =	vld [tilespmem:s21+$0x150]  }
0x42: {  	v27 =	vld [tilespmem:s21+$0x160]  }
0x43: {  	v28 =	vld [tilespmem:s21+$0x170]  }
0x44: {  	v30 =	vld [tilespmem:s21+$0x180]  }
0x45: {  	v31 =	vld [tilespmem:s21+$0x190]  }
0x46: {  	v29 =	vld [tilespmem:s21+$0x1A0]  }
0x47: {  	v26 =	vld [tilespmem:s21+$0x1B0]  }
0x48: {  	v24 =	vld [tilespmem:s21+$0x1C0]  }
0x49: {  	v22 =	vld [tilespmem:s21+$0x1D0]  }
0x4a: {  	v20 =	vld [tilespmem:s21+$0x1E0]  }
0x4b: {  	s0 =	simm.s32 $0x0;
	v18 =	vld [tilespmem:s21+$0x1F0]  }
0x4c: {  	v32 =	vld [tilespmem:s0+$0x8000]  }
0x4d: {  	v33 =	vld [tilespmem:s0+$0x8010]  }
0x4e: {  	v34 =	vld [tilespmem:s0+$0x8020]  }
0x4f: {  	v35 =	vld [tilespmem:s0+$0x8030]  }
0x50: {  	v36 =	vld [tilespmem:s0+$0x8040]  }
0x51: {  	v37 =	vld [tilespmem:s0+$0x8050];
	v32 =	vadd.f32 v32, v0  }
0x52: {  	v38 =	vld [tilespmem:s0+$0x8060];
	v33 =	vadd.f32 v33, v1  }
0x53: {  	v50 =	vld [tilespmem:s0+$0xA010];
	v34 =	vadd.f32 v34, v2;
	[tilespmem:s0+$0x8000] =	vst v32  }
0x54: {  	v51 =	vld [tilespmem:s0+$0xA020];
	v35 =	vadd.f32 v35, v3;
	[tilespmem:s0+$0x8010] =	vst v33  }
0x55: {  	v52 =	vld [tilespmem:s0+$0xA030];
	v36 =	vadd.f32 v36, v4;
	[tilespmem:s0+$0x8020] =	vst v34  }
0x56: {  	v53 =	vld [tilespmem:s0+$0xA040];
	v37 =	vadd.f32 v37, v5;
	[tilespmem:s0+$0x8030] =	vst v35  }
0x57: {  	v54 =	vld [tilespmem:s0+$0xA050];
	v38 =	vadd.f32 v38, v6;
	[tilespmem:s0+$0x8040] =	vst v36  }
0x58: {  	v39 =	vld [tilespmem:s0+$0xA060];
	v55 =	vadd.f32 v50, v17;
	[tilespmem:s0+$0x8050] =	vst v37  }
0x59: {  	v56 =	vld [tilespmem:s0+$0xA070];
	v57 =	vadd.f32 v51, v19;
	[tilespmem:s0+$0x8060] =	vst v38  }
0x5a: {  	v40 =	vld [tilespmem:s0+$0x8070];
	v59 =	vadd.f32 v52, v21;
	[tilespmem:s0+$0xA010] =	vst v55  }
0x5b: {  	v41 =	vld [tilespmem:s0+$0x9000];
	v61 =	vadd.f32 v53, v23;
	[tilespmem:s0+$0xA020] =	vst v57  }
0x5c: {  	v42 =	vld [tilespmem:s0+$0x9010];
	v62 =	vadd.f32 v54, v25;
	[tilespmem:s0+$0xA030] =	vst v59  }
0x5d: {  	v43 =	vld [tilespmem:s0+$0x9020];
	v39 =	vadd.f32 v39, v27;
	[tilespmem:s0+$0xA040] =	vst v61  }
0x5e: {  	v44 =	vld [tilespmem:s0+$0x9030];
	v63 =	vadd.f32 v56, v28;
	[tilespmem:s0+$0xA050] =	vst v62  }
0x5f: {  	v48 =	vld [tilespmem:s0+$0x9070];
	v32 =	vadd.f32 v40, v7;
	[tilespmem:s0+$0xA060] =	vst v39  }
0x60: {  	v47 =	vld [tilespmem:s0+$0x9060];
	v33 =	vadd.f32 v41, v8;
	[tilespmem:s0+$0xA070] =	vst v63  }
0x61: {  	v49 =	vld [tilespmem:s0+$0xA000];
	v34 =	vadd.f32 v42, v9;
	[tilespmem:s0+$0x8070] =	vst v32  }
0x62: {  	v46 =	vld [tilespmem:s0+$0x9050];
	v35 =	vadd.f32 v43, v10;
	[tilespmem:s0+$0x9000] =	vst v33  }
0x63: {  	v45 =	vld [tilespmem:s0+$0x9040];
	v36 =	vadd.f32 v44, v11;
	[tilespmem:s0+$0x9010] =	vst v34  }
0x64: {  	v58 =	vld [tilespmem:s0+$0xB000];
	[tilespmem:s0+$0x9020] =	vst v35;
	v33 =	vadd.f32 v48, v15  }
0x65: {  	v60 =	vld [tilespmem:s0+$0xB010];
	[tilespmem:s0+$0x9030] =	vst v36;
	v32 =	vadd.f32 v47, v14  }
0x66: {  	v34 =	vadd.f32 v49, v16;
	[tilespmem:s0+$0x9070] =	vst v33;
	v33 =	vld [tilespmem:s0+$0xB020]  }
0x67: {  	v38 =	vadd.f32 v46, v13;
	[tilespmem:s0+$0x9060] =	vst v32;
	v32 =	vld [tilespmem:s0+$0xB030]  }
0x68: {  	v37 =	vadd.f32 v45, v12;
	[tilespmem:s0+$0xA000] =	vst v34;
	v34 =	vld [tilespmem:s0+$0xB040]  }
0x69: {  	[tilespmem:s0+$0x9050] =	vst v38;
	v35 =	vld [tilespmem:s0+$0xB050];
	v38 =	vadd.f32 v58, v30  }
0x6a: {  	s3 =	simm.s32 $0x200;
	[tilespmem:s0+$0x9040] =	vst v37;
	v37 =	vadd.f32 v60, v31;
	v36 =	vld [tilespmem:s0+$0xB060]  }
.LBB2_3:
0x6b: {  	s15 =	sshra.s32 s3, $0x2;
	p1 =	sne.s32 s3, $0x3E00;
	[tilespmem:s0+$0xB000] =	vst v38;
	v33 =	vadd.f32 v33, v29;
	v38 =	vld [tilespmem:s0+$0xB070]  }
0x6c: {  	v39 =	vld [tilespmem:s15+$0x8000];
	[tilespmem:s0+$0xB010] =	vst v37;
	v32 =	vadd.f32 v32, v26  }
0x6d: {  	v37 =	vld [tilespmem:s15+$0x8010];
	[tilespmem:s0+$0xB020] =	vst v33;
	v33 =	vadd.f32 v34, v24  }
0x6e: {  	v34 =	vld [tilespmem:s15+$0x8020];
	[tilespmem:s0+$0xB030] =	vst v32;
	v32 =	vadd.f32 v35, v22  }
0x6f: {  	v35 =	vld [tilespmem:s15+$0x8030];
	[tilespmem:s0+$0xB040] =	vst v33;
	v33 =	vadd.f32 v36, v20  }
0x70: {  	v36 =	vld [tilespmem:s15+$0x8040];
	[tilespmem:s0+$0xB050] =	vst v32;
	v32 =	vadd.f32 v38, v18  }
0x71: {  	v38 =	vadd.f32 v39, v0;
	v39 =	vld [tilespmem:s15+$0x8050];
	[tilespmem:s0+$0xB060] =	vst v33  }
0x72: {  	v33 =	vadd.f32 v37, v1;
	v37 =	vld [tilespmem:s15+$0x8060];
	[tilespmem:s0+$0xB070] =	vst v32;
	s0 =	smov.u32 s15  }
0x73: {  	[tilespmem:s0+$0x8000] =	vst v38;
	v32 =	vadd.f32 v34, v2;
	v34 =	vld [tilespmem:s0+$0x8070]  }
0x74: {  	[tilespmem:s0+$0x8010] =	vst v33;
	v33 =	vadd.f32 v35, v3;
	v35 =	vld [tilespmem:s0+$0x9000]  }
0x75: {  	[tilespmem:s0+$0x8020] =	vst v32;
	v32 =	vadd.f32 v36, v4;
	v36 =	vld [tilespmem:s0+$0x9010]  }
0x76: {  	[tilespmem:s0+$0x8030] =	vst v33;
	v33 =	vadd.f32 v39, v5;
	v38 =	vld [tilespmem:s0+$0x9020]  }
0x77: {  	[tilespmem:s0+$0x8040] =	vst v32;
	v32 =	vadd.f32 v37, v6;
	v37 =	vld [tilespmem:s0+$0x9030]  }
0x78: {  	[tilespmem:s0+$0x8050] =	vst v33;
	v33 =	vadd.f32 v34, v7;
	v34 =	vld [tilespmem:s0+$0x9040]  }
0x79: {  	[tilespmem:s0+$0x8060] =	vst v32;
	v32 =	vadd.f32 v35, v8;
	v35 =	vld [tilespmem:s0+$0x9050]  }
0x7a: {  	[tilespmem:s0+$0x8070] =	vst v33;
	v33 =	vadd.f32 v36, v9;
	v36 =	vld [tilespmem:s0+$0x9060]  }
0x7b: {  	[tilespmem:s0+$0x9000] =	vst v32;
	v32 =	vadd.f32 v38, v10;
	v38 =	vld [tilespmem:s0+$0x9070]  }
0x7c: {  	[tilespmem:s0+$0x9010] =	vst v33;
	v33 =	vadd.f32 v37, v11;
	v37 =	vld [tilespmem:s0+$0xA000]  }
0x7d: {  	[tilespmem:s0+$0x9020] =	vst v32;
	v32 =	vadd.f32 v34, v12;
	v34 =	vld [tilespmem:s0+$0xA010]  }
0x7e: {  	[tilespmem:s0+$0x9030] =	vst v33;
	v33 =	vadd.f32 v35, v13;
	v35 =	vld [tilespmem:s0+$0xA020]  }
0x7f: {  	[tilespmem:s0+$0x9040] =	vst v32;
	v32 =	vadd.f32 v36, v14;
	v36 =	vld [tilespmem:s0+$0xA030]  }
0x80: {  	[tilespmem:s0+$0x9050] =	vst v33;
	v33 =	vadd.f32 v38, v15;
	v38 =	vld [tilespmem:s0+$0xA040]  }
0x81: {  	[tilespmem:s0+$0x9060] =	vst v32;
	v32 =	vadd.f32 v37, v16;
	v37 =	vld [tilespmem:s0+$0xA050]  }
0x82: {  	[tilespmem:s0+$0x9070] =	vst v33;
	v33 =	vadd.f32 v34, v17;
	v34 =	vld [tilespmem:s0+$0xA060]  }
0x83: {  	[tilespmem:s0+$0xA000] =	vst v32;
	v32 =	vadd.f32 v35, v19;
	v35 =	vld [tilespmem:s0+$0xA070]  }
0x84: {  	[tilespmem:s0+$0xA010] =	vst v33;
	v33 =	vadd.f32 v36, v21;
	v36 =	vld [tilespmem:s0+$0xB000]  }
0x85: {  	[tilespmem:s0+$0xA020] =	vst v32;
	v32 =	vadd.f32 v38, v23;
	v39 =	vld [tilespmem:s0+$0xB010]  }
.Ltmp0:
0x86: {  	[tilespmem:s0+$0xA030] =	vst v33;
	v37 =	vadd.f32 v37, v25;
	v33 =	vld [tilespmem:s0+$0xB020];
	(pc) =	sbr.rel @p1 .LBB2_3-.Ltmp0, $4  }
0x87: {  	[tilespmem:s0+$0xA040] =	vst v32;
	v38 =	vadd.f32 v34, v27;
	v32 =	vld [tilespmem:s0+$0xB030]  }
0x88: {  	[tilespmem:s0+$0xA050] =	vst v37;
	v37 =	vadd.f32 v35, v28;
	v34 =	vld [tilespmem:s0+$0xB040]  }
0x89: {  	[tilespmem:s0+$0xA060] =	vst v38;
	v38 =	vadd.f32 v36, v30;
	v35 =	vld [tilespmem:s0+$0xB050]  }
0x8a: {  	s3 =	sadd.s32 $0x200, s3;
	[tilespmem:s0+$0xA070] =	vst v37;
	v37 =	vadd.f32 v39, v31;
	v36 =	vld [tilespmem:s0+$0xB060]  }
0x8b: {  	[tilespmem:s0+$0xB000] =	vst v38;
	v0 =	vadd.f32 v33, v29;
	v1 =	vld [tilespmem:s0+$0xB070]  }
0x8c: {  	[tilespmem:s0+$0xB010] =	vst v37;
	v2 =	vadd.f32 v32, v26  }
0x8d: {  	[tilespmem:s0+$0xB020] =	vst v0;
	v0 =	vadd.f32 v34, v24  }
0x8e: {  	[tilespmem:s0+$0xB030] =	vst v2;
	v2 =	vadd.f32 v35, v22  }
0x8f: {  	[tilespmem:s0+$0xB040] =	vst v0;
	v0 =	vadd.f32 v36, v20  }
0x90: {  	s3 =	sor.u32 s6, s21;
	[tilespmem:s0+$0xB050] =	vst v2;
	v1 =	vadd.f32 v1, v18  }
0x91: {  	s3 =	sshrl.u32 s3, $0x3;
	[tilespmem:s0+$0xB060] =	vst v0  }
0x92: {  	s15 =	sadd.s32 s4, s3;
	[tilespmem:s0+$0xB070] =	vst v1  }
0x93: {  	[hbm4b:s15+s26] =	stream.strided.scatter [tilespmem:s28], [sflag:$0x5], $0x1000, s25, s26, $0x38;
	[tilespmem:$0x18000] =	vst v63  }
0x94: {  	s16 =	sadd.s32 s3, s8;
	s15 =	simm.s32 $0x9000  }
0x95: {  	[hbm4b:s16+s26] =	stream.strided.scatter [tilespmem:s15], [sflag:$0x5], $0x1000, s25, s26, $0x38;
	[tilespmem:$0x18000] =	vst v63  }
0x96: {  	s15 =	sadd.s32 s3, s9;
	s16 =	simm.s32 $0xA000  }
0x97: {  	[hbm4b:s15+s26] =	stream.strided.scatter [tilespmem:s16], [sflag:$0x5], $0x1000, s25, s26, $0x38;
	[tilespmem:$0x18000] =	vst v63  }
0x98: {  	s15 =	sadd.s32 s3, s10;
	s16 =	simm.s32 $0xB000  }
0x99: {  	[hbm4b:s15+s26] =	stream.strided.scatter [tilespmem:s16], [sflag:$0x5], $0x1000, s25, s26, $0x38;
	[tilespmem:$0x18000] =	vst v63  }
0x9a: {  	s15 =	simm.s32 @!p0 $0x8  }
0x9b: {  	s0 =	sor.u32 $0x600, s21;
	_ =	swait.ge @!p0 [sflag:s15], $0x4000  }
0x9c: {  	s29 =	sshrl.u32 s0, $0x2;
	[sflag:s15] =	ssyncset.done @!p0 $0x0  }
0x9d: {  	s16 =	sadd.s32 $0x6400, s29;
	[sflag:s15] =	ssyncadd.s32 @!p0 $0xFFFFC000  }
0x9e: {  	[tilespmem:s5], [sflag:$0x4] =	stream.indirect.gather [hbm4b:s1+s26], $0x80, s16, s26, $0xb8;
	[tilespmem:$0x18000] =	vst v63  }
0x9f: {  	_ =	swait.ge [sflag:s7], $0x4000  }
0xa0: {  	[sflag:s7] =	ssyncset.done $0x0  }
0xa1: {  	[sflag:s7] =	ssyncadd.s32 $0xFFFFC000  }
0xa2: {  	v0 =	vld [tilespmem:s21+$0x200]  }
0xa3: {  	v1 =	vld [tilespmem:s21+$0x210]  }
0xa4: {  	v2 =	vld [tilespmem:s21+$0x220]  }
0xa5: {  	v3 =	vld [tilespmem:s21+$0x230]  }
0xa6: {  	v4 =	vld [tilespmem:s21+$0x240]  }
0xa7: {  	v5 =	vld [tilespmem:s21+$0x250]  }
0xa8: {  	v6 =	vld [tilespmem:s21+$0x260]  }
0xa9: {  	v7 =	vld [tilespmem:s21+$0x270]  }
0xaa: {  	v8 =	vld [tilespmem:s21+$0x280]  }
0xab: {  	v9 =	vld [tilespmem:s21+$0x290]  }
0xac: {  	v10 =	vld [tilespmem:s21+$0x2A0]  }
0xad: {  	v11 =	vld [tilespmem:s21+$0x2B0]  }
0xae: {  	v12 =	vld [tilespmem:s21+$0x2C0]  }
0xaf: {  	v13 =	vld [tilespmem:s21+$0x2D0]  }
0xb0: {  	v14 =	vld [tilespmem:s21+$0x2E0]  }
0xb1: {  	v15 =	vld [tilespmem:s21+$0x2F0]  }
0xb2: {  	v16 =	vld [tilespmem:s21+$0x300]  }
0xb3: {  	v17 =	vld [tilespmem:s21+$0x310]  }
0xb4: {  	v19 =	vld [tilespmem:s21+$0x320]  }
0xb5: {  	v21 =	vld [tilespmem:s21+$0x330]  }
0xb6: {  	v23 =	vld [tilespmem:s21+$0x340]  }
0xb7: {  	v25 =	vld [tilespmem:s21+$0x350]  }
0xb8: {  	v27 =	vld [tilespmem:s21+$0x360]  }
0xb9: {  	v28 =	vld [tilespmem:s21+$0x370]  }
0xba: {  	v30 =	vld [tilespmem:s21+$0x380]  }
0xbb: {  	v31 =	vld [tilespmem:s21+$0x390]  }
0xbc: {  	v29 =	vld [tilespmem:s21+$0x3A0]  }
0xbd: {  	v26 =	vld [tilespmem:s21+$0x3B0]  }
0xbe: {  	v24 =	vld [tilespmem:s21+$0x3C0]  }
0xbf: {  	v22 =	vld [tilespmem:s21+$0x3D0]  }
0xc0: {  	v20 =	vld [tilespmem:s21+$0x3E0]  }
0xc1: {  	s29 =	simm.s32 $0x0;
	v18 =	vld [tilespmem:s21+$0x3F0]  }
0xc2: {  	v57 =	vld [tilespmem:s29+$0xC000]  }
0xc3: {  	v58 =	vld [tilespmem:s29+$0xC010]  }
0xc4: {  	v59 =	vld [tilespmem:s29+$0xC020]  }
0xc5: {  	v60 =	vld [tilespmem:s29+$0xC030]  }
0xc6: {  	v61 =	vld [tilespmem:s29+$0xC040]  }
0xc7: {  	v62 =	vld [tilespmem:s29+$0xC050];
	v32 =	vadd.f32 v57, v0  }
0xc8: {  	v63 =	vld [tilespmem:s29+$0xC060];
	v33 =	vadd.f32 v58, v1  }
0xc9: {  	v50 =	vld [tilespmem:s29+$0xE010];
	v34 =	vadd.f32 v59, v2;
	[tilespmem:s29+$0xC000] =	vst v32  }
0xca: {  	v51 =	vld [tilespmem:s29+$0xE020];
	v35 =	vadd.f32 v60, v3;
	[tilespmem:s29+$0xC010] =	vst v33  }
0xcb: {  	v52 =	vld [tilespmem:s29+$0xE030];
	v36 =	vadd.f32 v61, v4;
	[tilespmem:s29+$0xC020] =	vst v34  }
0xcc: {  	v53 =	vld [tilespmem:s29+$0xE040];
	v37 =	vadd.f32 v62, v5;
	[tilespmem:s29+$0xC030] =	vst v35  }
0xcd: {  	v54 =	vld [tilespmem:s29+$0xE050];
	v38 =	vadd.f32 v63, v6;
	[tilespmem:s29+$0xC040] =	vst v36  }
0xce: {  	v39 =	vld [tilespmem:s29+$0xE060];
	v55 =	vadd.f32 v50, v17;
	[tilespmem:s29+$0xC050] =	vst v37  }
0xcf: {  	v56 =	vld [tilespmem:s29+$0xE070];
	v57 =	vadd.f32 v51, v19;
	[tilespmem:s29+$0xC060] =	vst v38  }
0xd0: {  	v40 =	vld [tilespmem:s29+$0xC070];
	v59 =	vadd.f32 v52, v21;
	[tilespmem:s29+$0xE010] =	vst v55  }
0xd1: {  	v41 =	vld [tilespmem:s29+$0xD000];
	v61 =	vadd.f32 v53, v23;
	[tilespmem:s29+$0xE020] =	vst v57  }
0xd2: {  	v42 =	vld [tilespmem:s29+$0xD010];
	v62 =	vadd.f32 v54, v25;
	[tilespmem:s29+$0xE030] =	vst v59  }
0xd3: {  	v43 =	vld [tilespmem:s29+$0xD020];
	v39 =	vadd.f32 v39, v27;
	[tilespmem:s29+$0xE040] =	vst v61  }
0xd4: {  	v44 =	vld [tilespmem:s29+$0xD030];
	v63 =	vadd.f32 v56, v28;
	[tilespmem:s29+$0xE050] =	vst v62  }
0xd5: {  	v48 =	vld [tilespmem:s29+$0xD070];
	v32 =	vadd.f32 v40, v7;
	[tilespmem:s29+$0xE060] =	vst v39  }
0xd6: {  	v47 =	vld [tilespmem:s29+$0xD060];
	v33 =	vadd.f32 v41, v8;
	[tilespmem:s29+$0xE070] =	vst v63  }
0xd7: {  	v49 =	vld [tilespmem:s29+$0xE000];
	v34 =	vadd.f32 v42, v9;
	[tilespmem:s29+$0xC070] =	vst v32  }
0xd8: {  	v46 =	vld [tilespmem:s29+$0xD050];
	v35 =	vadd.f32 v43, v10;
	[tilespmem:s29+$0xD000] =	vst v33  }
0xd9: {  	v45 =	vld [tilespmem:s29+$0xD040];
	v36 =	vadd.f32 v44, v11;
	[tilespmem:s29+$0xD010] =	vst v34  }
0xda: {  	v58 =	vld [tilespmem:s29+$0xF000];
	[tilespmem:s29+$0xD020] =	vst v35;
	v33 =	vadd.f32 v48, v15  }
0xdb: {  	v60 =	vld [tilespmem:s29+$0xF010];
	[tilespmem:s29+$0xD030] =	vst v36;
	v32 =	vadd.f32 v47, v14  }
0xdc: {  	v34 =	vadd.f32 v49, v16;
	[tilespmem:s29+$0xD070] =	vst v33;
	v33 =	vld [tilespmem:s29+$0xF020]  }
0xdd: {  	v38 =	vadd.f32 v46, v13;
	[tilespmem:s29+$0xD060] =	vst v32;
	v32 =	vld [tilespmem:s29+$0xF030]  }
0xde: {  	v37 =	vadd.f32 v45, v12;
	[tilespmem:s29+$0xE000] =	vst v34;
	v34 =	vld [tilespmem:s29+$0xF040]  }
0xdf: {  	[tilespmem:s29+$0xD050] =	vst v38;
	v35 =	vld [tilespmem:s29+$0xF050];
	v38 =	vadd.f32 v58, v30  }
0xe0: {  	s15 =	simm.s32 $0x200;
	[tilespmem:s29+$0xD040] =	vst v37;
	v36 =	vld [tilespmem:s29+$0xF060];
	v37 =	vadd.f32 v60, v31  }
.LBB2_5:
0xe1: {  	s16 =	sshra.s32 s15, $0x2;
	p0 =	sne.s32 s15, $0x3E00;
	[tilespmem:s29+$0xF000] =	vst v38;
	v33 =	vadd.f32 v33, v29;
	v38 =	vld [tilespmem:s29+$0xF070]  }
0xe2: {  	v39 =	vld [tilespmem:s16+$0xC000];
	[tilespmem:s29+$0xF010] =	vst v37;
	v32 =	vadd.f32 v32, v26  }
0xe3: {  	v37 =	vld [tilespmem:s16+$0xC010];
	[tilespmem:s29+$0xF020] =	vst v33;
	v33 =	vadd.f32 v34, v24  }
0xe4: {  	v34 =	vld [tilespmem:s16+$0xC020];
	[tilespmem:s29+$0xF030] =	vst v32;
	v32 =	vadd.f32 v35, v22  }
0xe5: {  	v35 =	vld [tilespmem:s16+$0xC030];
	[tilespmem:s29+$0xF040] =	vst v33;
	v33 =	vadd.f32 v36, v20  }
0xe6: {  	v36 =	vld [tilespmem:s16+$0xC040];
	[tilespmem:s29+$0xF050] =	vst v32;
	v32 =	vadd.f32 v38, v18  }
0xe7: {  	v38 =	vadd.f32 v39, v0;
	v39 =	vld [tilespmem:s16+$0xC050];
	[tilespmem:s29+$0xF060] =	vst v33  }
0xe8: {  	v33 =	vadd.f32 v37, v1;
	v37 =	vld [tilespmem:s16+$0xC060];
	[tilespmem:s29+$0xF070] =	vst v32;
	s29 =	smov.u32 s16  }
0xe9: {  	[tilespmem:s29+$0xC000] =	vst v38;
	v32 =	vadd.f32 v34, v2;
	v34 =	vld [tilespmem:s29+$0xC070]  }
0xea: {  	[tilespmem:s29+$0xC010] =	vst v33;
	v33 =	vadd.f32 v35, v3;
	v35 =	vld [tilespmem:s29+$0xD000]  }
0xeb: {  	[tilespmem:s29+$0xC020] =	vst v32;
	v32 =	vadd.f32 v36, v4;
	v36 =	vld [tilespmem:s29+$0xD010]  }
0xec: {  	[tilespmem:s29+$0xC030] =	vst v33;
	v33 =	vadd.f32 v39, v5;
	v38 =	vld [tilespmem:s29+$0xD020]  }
0xed: {  	[tilespmem:s29+$0xC040] =	vst v32;
	v32 =	vadd.f32 v37, v6;
	v37 =	vld [tilespmem:s29+$0xD030]  }
0xee: {  	[tilespmem:s29+$0xC050] =	vst v33;
	v33 =	vadd.f32 v34, v7;
	v34 =	vld [tilespmem:s29+$0xD040]  }
0xef: {  	[tilespmem:s29+$0xC060] =	vst v32;
	v32 =	vadd.f32 v35, v8;
	v35 =	vld [tilespmem:s29+$0xD050]  }
0xf0: {  	[tilespmem:s29+$0xC070] =	vst v33;
	v33 =	vadd.f32 v36, v9;
	v36 =	vld [tilespmem:s29+$0xD060]  }
0xf1: {  	[tilespmem:s29+$0xD000] =	vst v32;
	v32 =	vadd.f32 v38, v10;
	v38 =	vld [tilespmem:s29+$0xD070]  }
0xf2: {  	[tilespmem:s29+$0xD010] =	vst v33;
	v33 =	vadd.f32 v37, v11;
	v37 =	vld [tilespmem:s29+$0xE000]  }
0xf3: {  	[tilespmem:s29+$0xD020] =	vst v32;
	v32 =	vadd.f32 v34, v12;
	v34 =	vld [tilespmem:s29+$0xE010]  }
0xf4: {  	[tilespmem:s29+$0xD030] =	vst v33;
	v33 =	vadd.f32 v35, v13;
	v35 =	vld [tilespmem:s29+$0xE020]  }
0xf5: {  	[tilespmem:s29+$0xD040] =	vst v32;
	v32 =	vadd.f32 v36, v14;
	v36 =	vld [tilespmem:s29+$0xE030]  }
0xf6: {  	[tilespmem:s29+$0xD050] =	vst v33;
	v33 =	vadd.f32 v38, v15;
	v38 =	vld [tilespmem:s29+$0xE040]  }
0xf7: {  	[tilespmem:s29+$0xD060] =	vst v32;
	v32 =	vadd.f32 v37, v16;
	v37 =	vld [tilespmem:s29+$0xE050]  }
0xf8: {  	[tilespmem:s29+$0xD070] =	vst v33;
	v33 =	vadd.f32 v34, v17;
	v34 =	vld [tilespmem:s29+$0xE060]  }
0xf9: {  	[tilespmem:s29+$0xE000] =	vst v32;
	v32 =	vadd.f32 v35, v19;
	v35 =	vld [tilespmem:s29+$0xE070]  }
0xfa: {  	[tilespmem:s29+$0xE010] =	vst v33;
	v33 =	vadd.f32 v36, v21;
	v36 =	vld [tilespmem:s29+$0xF000]  }
0xfb: {  	[tilespmem:s29+$0xE020] =	vst v32;
	v32 =	vadd.f32 v38, v23;
	v39 =	vld [tilespmem:s29+$0xF010]  }
.Ltmp1:
0xfc: {  	[tilespmem:s29+$0xE030] =	vst v33;
	v37 =	vadd.f32 v37, v25;
	v33 =	vld [tilespmem:s29+$0xF020];
	(pc) =	sbr.rel @p0 .LBB2_5-.Ltmp1, $4  }
0xfd: {  	[tilespmem:s29+$0xE040] =	vst v32;
	v38 =	vadd.f32 v34, v27;
	v32 =	vld [tilespmem:s29+$0xF030]  }
0xfe: {  	[tilespmem:s29+$0xE050] =	vst v37;
	v37 =	vadd.f32 v35, v28;
	v34 =	vld [tilespmem:s29+$0xF040]  }
0xff: {  	[tilespmem:s29+$0xE060] =	vst v38;
	v38 =	vadd.f32 v36, v30;
	v35 =	vld [tilespmem:s29+$0xF050]  }
0x100: {  	s15 =	sadd.s32 $0x200, s15;
	[tilespmem:s29+$0xE070] =	vst v37;
	v37 =	vadd.f32 v39, v31;
	v36 =	vld [tilespmem:s29+$0xF060]  }
0x101: {  	[tilespmem:s29+$0xF000] =	vst v38;
	v0 =	vadd.f32 v33, v29;
	v1 =	vld [tilespmem:s29+$0xF070]  }
0x102: {  	[tilespmem:s29+$0xF010] =	vst v37;
	v2 =	vadd.f32 v32, v26  }
0x103: {  	[tilespmem:s29+$0xF020] =	vst v0;
	v0 =	vadd.f32 v34, v24  }
0x104: {  	[tilespmem:s29+$0xF030] =	vst v2;
	v2 =	vadd.f32 v35, v22  }
0x105: {  	[tilespmem:s29+$0xF040] =	vst v0;
	v0 =	vadd.f32 v36, v20  }
0x106: {  	[tilespmem:s29+$0xF050] =	vst v2;
	v1 =	vadd.f32 v1, v18  }
0x107: {  	[tilespmem:s29+$0xF060] =	vst v0  }
0x108: {  	s15 =	sadd.s32 s3, s11;
	[tilespmem:s29+$0xF070] =	vst v1  }
0x109: {  	[hbm4b:s15+s26] =	stream.strided.scatter [tilespmem:s30], [sflag:$0x6], $0x1000, s25, s26, $0x38;
	[tilespmem:$0x18000] =	vst v63  }
0x10a: {  	s16 =	simm.s32 $0xD000;
	s15 =	sadd.s32 s3, s12  }
0x10b: {  	[hbm4b:s15+s26] =	stream.strided.scatter [tilespmem:s16], [sflag:$0x6], $0x1000, s25, s26, $0x38;
	[tilespmem:$0x18000] =	vst v63  }
0x10c: {  	s15 =	sadd.s32 s3, s13;
	s16 =	simm.s32 $0xE000  }
0x10d: {  	[hbm4b:s15+s26] =	stream.strided.scatter [tilespmem:s16], [sflag:$0x6], $0x1000, s25, s26, $0x38;
	[tilespmem:$0x18000] =	vst v63  }
0x10e: {  	s15 =	sadd.s32 s3, s14  }
0x10f: {  	[hbm4b:s15+s26] =	stream.strided.scatter [tilespmem:s17], [sflag:$0x6], $0x1000, s25, s26, $0x38;
	[tilespmem:$0x18000] =	vst v63  }
0x110: {  	_ =	swait.ge [sflag:s18], $0x4000  }
0x111: {  	s3 =	sshrl.u32 s21, $0x2;
	[sflag:s18] =	ssyncset.done $0x0  }
0x112: {  	s16 =	sadd.s32 $0x6600, s3;
	[sflag:s18] =	ssyncadd.s32 $0xFFFFC000  }
0x113: {  	[tilespmem:s28], [sflag:$0x1] =	stream.indirect.gather [hbm4b:s1+s26], $0x80, s16, s26, $0xb8;
	[tilespmem:$0x18000] =	vst v63  }
0x114: {  	_ =	swait.ge [sflag:s19], $0x4000  }
0x115: {  	[sflag:s19] =	ssyncset.done $0x0  }
0x116: {  	[sflag:s19] =	ssyncadd.s32 $0xFFFFC000  }
0x117: {  	v0 =	vld [tilespmem:s22+$0x0]  }
0x118: {  	v1 =	vld [tilespmem:s22+$0x10]  }
0x119: {  	v2 =	vld [tilespmem:s22+$0x20]  }
0x11a: {  	v3 =	vld [tilespmem:s22+$0x30]  }
0x11b: {  	v4 =	vld [tilespmem:s22+$0x40]  }
0x11c: {  	v5 =	vld [tilespmem:s22+$0x50]  }
0x11d: {  	v6 =	vld [tilespmem:s22+$0x60]  }
0x11e: {  	v7 =	vld [tilespmem:s22+$0x70]  }
0x11f: {  	v8 =	vld [tilespmem:s21+$0x480]  }
0x120: {  	v9 =	vld [tilespmem:s21+$0x490]  }
0x121: {  	v10 =	vld [tilespmem:s21+$0x4A0]  }
0x122: {  	v11 =	vld [tilespmem:s21+$0x4B0]  }
0x123: {  	v12 =	vld [tilespmem:s21+$0x4C0]  }
0x124: {  	v13 =	vld [tilespmem:s21+$0x4D0]  }
0x125: {  	v14 =	vld [tilespmem:s21+$0x4E0]  }
0x126: {  	v15 =	vld [tilespmem:s21+$0x4F0]  }
0x127: {  	v16 =	vld [tilespmem:s21+$0x500]  }
0x128: {  	v17 =	vld [tilespmem:s21+$0x510]  }
0x129: {  	v19 =	vld [tilespmem:s21+$0x520]  }
0x12a: {  	v21 =	vld [tilespmem:s21+$0x530]  }
0x12b: {  	v23 =	vld [tilespmem:s21+$0x540]  }
0x12c: {  	v25 =	vld [tilespmem:s21+$0x550]  }
0x12d: {  	v27 =	vld [tilespmem:s21+$0x560]  }
0x12e: {  	v28 =	vld [tilespmem:s21+$0x570]  }
0x12f: {  	v30 =	vld [tilespmem:s21+$0x580]  }
0x130: {  	v31 =	vld [tilespmem:s21+$0x590]  }
0x131: {  	v29 =	vld [tilespmem:s21+$0x5A0]  }
0x132: {  	v26 =	vld [tilespmem:s21+$0x5B0]  }
0x133: {  	v24 =	vld [tilespmem:s21+$0x5C0]  }
0x134: {  	v22 =	vld [tilespmem:s21+$0x5D0]  }
0x135: {  	v20 =	vld [tilespmem:s21+$0x5E0]  }
0x136: {  	s29 =	simm.s32 $0x0;
	v18 =	vld [tilespmem:s21+$0x5F0]  }
0x137: {  	v57 =	vld [tilespmem:s29+$0x10000]  }
0x138: {  	v58 =	vld [tilespmem:s29+$0x10010]  }
0x139: {  	v59 =	vld [tilespmem:s29+$0x10020]  }
0x13a: {  	v60 =	vld [tilespmem:s29+$0x10030]  }
0x13b: {  	v61 =	vld [tilespmem:s29+$0x10040]  }
0x13c: {  	v62 =	vld [tilespmem:s29+$0x10050];
	v32 =	vadd.f32 v57, v0  }
0x13d: {  	v63 =	vld [tilespmem:s29+$0x10060];
	v33 =	vadd.f32 v58, v1  }
0x13e: {  	v50 =	vld [tilespmem:s29+$0x12010];
	v34 =	vadd.f32 v59, v2;
	[tilespmem:s29+$0x10000] =	vst v32  }
0x13f: {  	v51 =	vld [tilespmem:s29+$0x12020];
	v35 =	vadd.f32 v60, v3;
	[tilespmem:s29+$0x10010] =	vst v33  }
0x140: {  	v52 =	vld [tilespmem:s29+$0x12030];
	v36 =	vadd.f32 v61, v4;
	[tilespmem:s29+$0x10020] =	vst v34  }
0x141: {  	v53 =	vld [tilespmem:s29+$0x12040];
	v37 =	vadd.f32 v62, v5;
	[tilespmem:s29+$0x10030] =	vst v35  }
0x142: {  	v54 =	vld [tilespmem:s29+$0x12050];
	v38 =	vadd.f32 v63, v6;
	[tilespmem:s29+$0x10040] =	vst v36  }
0x143: {  	v39 =	vld [tilespmem:s29+$0x12060];
	v55 =	vadd.f32 v50, v17;
	[tilespmem:s29+$0x10050] =	vst v37  }
0x144: {  	v56 =	vld [tilespmem:s29+$0x12070];
	v57 =	vadd.f32 v51, v19;
	[tilespmem:s29+$0x10060] =	vst v38  }
0x145: {  	v40 =	vld [tilespmem:s29+$0x10070];
	v59 =	vadd.f32 v52, v21;
	[tilespmem:s29+$0x12010] =	vst v55  }
0x146: {  	v41 =	vld [tilespmem:s29+$0x11000];
	v61 =	vadd.f32 v53, v23;
	[tilespmem:s29+$0x12020] =	vst v57  }
0x147: {  	v42 =	vld [tilespmem:s29+$0x11010];
	v62 =	vadd.f32 v54, v25;
	[tilespmem:s29+$0x12030] =	vst v59  }
0x148: {  	v43 =	vld [tilespmem:s29+$0x11020];
	v39 =	vadd.f32 v39, v27;
	[tilespmem:s29+$0x12040] =	vst v61  }
0x149: {  	v44 =	vld [tilespmem:s29+$0x11030];
	v63 =	vadd.f32 v56, v28;
	[tilespmem:s29+$0x12050] =	vst v62  }
0x14a: {  	v48 =	vld [tilespmem:s29+$0x11070];
	v32 =	vadd.f32 v40, v7;
	[tilespmem:s29+$0x12060] =	vst v39  }
0x14b: {  	v47 =	vld [tilespmem:s29+$0x11060];
	v33 =	vadd.f32 v41, v8;
	[tilespmem:s29+$0x12070] =	vst v63  }
0x14c: {  	v49 =	vld [tilespmem:s29+$0x12000];
	v34 =	vadd.f32 v42, v9;
	[tilespmem:s29+$0x10070] =	vst v32  }
0x14d: {  	v46 =	vld [tilespmem:s29+$0x11050];
	v35 =	vadd.f32 v43, v10;
	[tilespmem:s29+$0x11000] =	vst v33  }
0x14e: {  	v45 =	vld [tilespmem:s29+$0x11040];
	v36 =	vadd.f32 v44, v11;
	[tilespmem:s29+$0x11010] =	vst v34  }
0x14f: {  	v58 =	vld [tilespmem:s29+$0x13000];
	[tilespmem:s29+$0x11020] =	vst v35;
	v33 =	vadd.f32 v48, v15  }
0x150: {  	v60 =	vld [tilespmem:s29+$0x13010];
	[tilespmem:s29+$0x11030] =	vst v36;
	v32 =	vadd.f32 v47, v14  }
0x151: {  	v34 =	vadd.f32 v49, v16;
	[tilespmem:s29+$0x11070] =	vst v33;
	v33 =	vld [tilespmem:s29+$0x13020]  }
0x152: {  	v38 =	vadd.f32 v46, v13;
	[tilespmem:s29+$0x11060] =	vst v32;
	v32 =	vld [tilespmem:s29+$0x13030]  }
0x153: {  	v37 =	vadd.f32 v45, v12;
	[tilespmem:s29+$0x12000] =	vst v34;
	v34 =	vld [tilespmem:s29+$0x13040]  }
0x154: {  	[tilespmem:s29+$0x11050] =	vst v38;
	v35 =	vld [tilespmem:s29+$0x13050];
	v38 =	vadd.f32 v58, v30  }
0x155: {  	s15 =	simm.s32 $0x200;
	[tilespmem:s29+$0x11040] =	vst v37;
	v36 =	vld [tilespmem:s29+$0x13060];
	v37 =	vadd.f32 v60, v31  }
.LBB2_7:
0x156: {  	s16 =	sshra.s32 s15, $0x2;
	p0 =	sne.s32 s15, $0x3E00;
	[tilespmem:s29+$0x13000] =	vst v38;
	v33 =	vadd.f32 v33, v29;
	v38 =	vld [tilespmem:s29+$0x13070]  }
0x157: {  	v39 =	vld [tilespmem:s16+$0x10000];
	[tilespmem:s29+$0x13010] =	vst v37;
	v32 =	vadd.f32 v32, v26  }
0x158: {  	v37 =	vld [tilespmem:s16+$0x10010];
	[tilespmem:s29+$0x13020] =	vst v33;
	v33 =	vadd.f32 v34, v24  }
0x159: {  	v34 =	vld [tilespmem:s16+$0x10020];
	[tilespmem:s29+$0x13030] =	vst v32;
	v32 =	vadd.f32 v35, v22  }
0x15a: {  	v35 =	vld [tilespmem:s16+$0x10030];
	[tilespmem:s29+$0x13040] =	vst v33;
	v33 =	vadd.f32 v36, v20  }
0x15b: {  	v36 =	vld [tilespmem:s16+$0x10040];
	[tilespmem:s29+$0x13050] =	vst v32;
	v32 =	vadd.f32 v38, v18  }
0x15c: {  	v38 =	vadd.f32 v39, v0;
	v39 =	vld [tilespmem:s16+$0x10050];
	[tilespmem:s29+$0x13060] =	vst v33  }
0x15d: {  	v33 =	vadd.f32 v37, v1;
	v37 =	vld [tilespmem:s16+$0x10060];
	[tilespmem:s29+$0x13070] =	vst v32;
	s29 =	smov.u32 s16  }
0x15e: {  	[tilespmem:s29+$0x10000] =	vst v38;
	v32 =	vadd.f32 v34, v2;
	v34 =	vld [tilespmem:s29+$0x10070]  }
0x15f: {  	[tilespmem:s29+$0x10010] =	vst v33;
	v33 =	vadd.f32 v35, v3;
	v35 =	vld [tilespmem:s29+$0x11000]  }
0x160: {  	[tilespmem:s29+$0x10020] =	vst v32;
	v32 =	vadd.f32 v36, v4;
	v36 =	vld [tilespmem:s29+$0x11010]  }
0x161: {  	[tilespmem:s29+$0x10030] =	vst v33;
	v33 =	vadd.f32 v39, v5;
	v38 =	vld [tilespmem:s29+$0x11020]  }
0x162: {  	[tilespmem:s29+$0x10040] =	vst v32;
	v32 =	vadd.f32 v37, v6;
	v37 =	vld [tilespmem:s29+$0x11030]  }
0x163: {  	[tilespmem:s29+$0x10050] =	vst v33;
	v33 =	vadd.f32 v34, v7;
	v34 =	vld [tilespmem:s29+$0x11040]  }
0x164: {  	[tilespmem:s29+$0x10060] =	vst v32;
	v32 =	vadd.f32 v35, v8;
	v35 =	vld [tilespmem:s29+$0x11050]  }
0x165: {  	[tilespmem:s29+$0x10070] =	vst v33;
	v33 =	vadd.f32 v36, v9;
	v36 =	vld [tilespmem:s29+$0x11060]  }
0x166: {  	[tilespmem:s29+$0x11000] =	vst v32;
	v32 =	vadd.f32 v38, v10;
	v38 =	vld [tilespmem:s29+$0x11070]  }
0x167: {  	[tilespmem:s29+$0x11010] =	vst v33;
	v33 =	vadd.f32 v37, v11;
	v37 =	vld [tilespmem:s29+$0x12000]  }
0x168: {  	[tilespmem:s29+$0x11020] =	vst v32;
	v32 =	vadd.f32 v34, v12;
	v34 =	vld [tilespmem:s29+$0x12010]  }
0x169: {  	[tilespmem:s29+$0x11030] =	vst v33;
	v33 =	vadd.f32 v35, v13;
	v35 =	vld [tilespmem:s29+$0x12020]  }
0x16a: {  	[tilespmem:s29+$0x11040] =	vst v32;
	v32 =	vadd.f32 v36, v14;
	v36 =	vld [tilespmem:s29+$0x12030]  }
0x16b: {  	[tilespmem:s29+$0x11050] =	vst v33;
	v33 =	vadd.f32 v38, v15;
	v38 =	vld [tilespmem:s29+$0x12040]  }
0x16c: {  	[tilespmem:s29+$0x11060] =	vst v32;
	v32 =	vadd.f32 v37, v16;
	v37 =	vld [tilespmem:s29+$0x12050]  }
0x16d: {  	[tilespmem:s29+$0x11070] =	vst v33;
	v33 =	vadd.f32 v34, v17;
	v34 =	vld [tilespmem:s29+$0x12060]  }
0x16e: {  	[tilespmem:s29+$0x12000] =	vst v32;
	v32 =	vadd.f32 v35, v19;
	v35 =	vld [tilespmem:s29+$0x12070]  }
0x16f: {  	[tilespmem:s29+$0x12010] =	vst v33;
	v33 =	vadd.f32 v36, v21;
	v36 =	vld [tilespmem:s29+$0x13000]  }
0x170: {  	[tilespmem:s29+$0x12020] =	vst v32;
	v32 =	vadd.f32 v38, v23;
	v39 =	vld [tilespmem:s29+$0x13010]  }
.Ltmp2:
0x171: {  	[tilespmem:s29+$0x12030] =	vst v33;
	v37 =	vadd.f32 v37, v25;
	v33 =	vld [tilespmem:s29+$0x13020];
	(pc) =	sbr.rel @p0 .LBB2_7-.Ltmp2, $4  }
0x172: {  	[tilespmem:s29+$0x12040] =	vst v32;
	v38 =	vadd.f32 v34, v27;
	v32 =	vld [tilespmem:s29+$0x13030]  }
0x173: {  	[tilespmem:s29+$0x12050] =	vst v37;
	v37 =	vadd.f32 v35, v28;
	v34 =	vld [tilespmem:s29+$0x13040]  }
0x174: {  	[tilespmem:s29+$0x12060] =	vst v38;
	v38 =	vadd.f32 v36, v30;
	v35 =	vld [tilespmem:s29+$0x13050]  }
0x175: {  	s15 =	sadd.s32 $0x200, s15;
	[tilespmem:s29+$0x12070] =	vst v37;
	v37 =	vadd.f32 v39, v31;
	v36 =	vld [tilespmem:s29+$0x13060]  }
0x176: {  	[tilespmem:s29+$0x13000] =	vst v38;
	v0 =	vadd.f32 v33, v29;
	v1 =	vld [tilespmem:s29+$0x13070]  }
0x177: {  	[tilespmem:s29+$0x13010] =	vst v37;
	v2 =	vadd.f32 v32, v26  }
0x178: {  	[tilespmem:s29+$0x13020] =	vst v0;
	v0 =	vadd.f32 v34, v24  }
0x179: {  	[tilespmem:s29+$0x13030] =	vst v2;
	v2 =	vadd.f32 v35, v22  }
0x17a: {  	[tilespmem:s29+$0x13040] =	vst v0;
	v0 =	vadd.f32 v36, v20  }
0x17b: {  	s15 =	sor.u32 s6, s22;
	[tilespmem:s29+$0x13050] =	vst v2;
	v1 =	vadd.f32 v1, v18  }
0x17c: {  	s15 =	sshrl.u32 s15, $0x3;
	[tilespmem:s29+$0x13060] =	vst v0  }
0x17d: {  	s16 =	sadd.s32 s4, s15;
	[tilespmem:s29+$0x13070] =	vst v1  }
0x17e: {  	[hbm4b:s16+s26] =	stream.strided.scatter [tilespmem:s31], [sflag:$0x7], $0x1000, s25, s26, $0x38;
	[tilespmem:$0x18000] =	vst v63  }
0x17f: {  	s22 =	sadd.s32 s15, s8;
	s29 =	simm.s32 $0x11000  }
0x180: {  	[hbm4b:s22+s26] =	stream.strided.scatter [tilespmem:s29], [sflag:$0x7], $0x1000, s25, s26, $0x38;
	[tilespmem:$0x18000] =	vst v63  }
0x181: {  	s22 =	sadd.s32 s15, s9;
	s29 =	simm.s32 $0x12000  }
0x182: {  	[hbm4b:s22+s26] =	stream.strided.scatter [tilespmem:s29], [sflag:$0x7], $0x1000, s25, s26, $0x38;
	[tilespmem:$0x18000] =	vst v63  }
0x183: {  	s15 =	sadd.s32 s15, s10;
	s29 =	simm.s32 $0x13000  }
0x184: {  	[hbm4b:s15+s26] =	stream.strided.scatter [tilespmem:s29], [sflag:$0x7], $0x1000, s25, s26, $0x38;
	[tilespmem:$0x18000] =	vst v63  }
0x185: {  	_ =	swait.ge [sflag:s23], $0x4000  }
0x186: {  	[sflag:s23] =	ssyncset.done $0x0  }
0x187: {  	s3 =	sadd.s32 $0x6680, s3;
	[sflag:s23] =	ssyncadd.s32 $0xFFFFC000  }
0x188: {  	[tilespmem:s30], [sflag:$0x2] =	stream.indirect.gather [hbm4b:s1+s26], $0x80, s3, s26, $0xb8;
	[tilespmem:$0x18000] =	vst v63  }
0x189: {  	_ =	swait.ge [sflag:s24], $0x4000  }
0x18a: {  	[sflag:s24] =	ssyncset.done $0x0  }
0x18b: {  	[sflag:s24] =	ssyncadd.s32 $0xFFFFC000  }
0x18c: {  	v0 =	vld [tilespmem:s0+$0x0]  }
0x18d: {  	v1 =	vld [tilespmem:s0+$0x10]  }
0x18e: {  	v2 =	vld [tilespmem:s0+$0x20]  }
0x18f: {  	v3 =	vld [tilespmem:s0+$0x30]  }
0x190: {  	v4 =	vld [tilespmem:s0+$0x40]  }
0x191: {  	v5 =	vld [tilespmem:s0+$0x50]  }
0x192: {  	v6 =	vld [tilespmem:s0+$0x60]  }
0x193: {  	v7 =	vld [tilespmem:s0+$0x70]  }
0x194: {  	v8 =	vld [tilespmem:s21+$0x680]  }
0x195: {  	v9 =	vld [tilespmem:s21+$0x690]  }
0x196: {  	v10 =	vld [tilespmem:s21+$0x6A0]  }
0x197: {  	v11 =	vld [tilespmem:s21+$0x6B0]  }
0x198: {  	v12 =	vld [tilespmem:s21+$0x6C0]  }
0x199: {  	v13 =	vld [tilespmem:s21+$0x6D0]  }
0x19a: {  	v14 =	vld [tilespmem:s21+$0x6E0]  }
0x19b: {  	v15 =	vld [tilespmem:s21+$0x6F0]  }
0x19c: {  	v16 =	vld [tilespmem:s21+$0x700]  }
0x19d: {  	v18 =	vld [tilespmem:s21+$0x710]  }
0x19e: {  	v19 =	vld [tilespmem:s21+$0x720]  }
0x19f: {  	v21 =	vld [tilespmem:s21+$0x730]  }
0x1a0: {  	v23 =	vld [tilespmem:s21+$0x740]  }
0x1a1: {  	v25 =	vld [tilespmem:s21+$0x750]  }
0x1a2: {  	v27 =	vld [tilespmem:s21+$0x760]  }
0x1a3: {  	v28 =	vld [tilespmem:s21+$0x770]  }
0x1a4: {  	v30 =	vld [tilespmem:s21+$0x780]  }
0x1a5: {  	v31 =	vld [tilespmem:s21+$0x790]  }
0x1a6: {  	v29 =	vld [tilespmem:s21+$0x7A0]  }
0x1a7: {  	v26 =	vld [tilespmem:s21+$0x7B0]  }
0x1a8: {  	v24 =	vld [tilespmem:s21+$0x7C0]  }
0x1a9: {  	v22 =	vld [tilespmem:s21+$0x7D0]  }
0x1aa: {  	v20 =	vld [tilespmem:s21+$0x7E0]  }
0x1ab: {  	s3 =	simm.s32 $0x0;
	v17 =	vld [tilespmem:s21+$0x7F0]  }
0x1ac: {  	v57 =	vld [tilespmem:s3+$0x14000]  }
0x1ad: {  	v58 =	vld [tilespmem:s3+$0x14010]  }
0x1ae: {  	v59 =	vld [tilespmem:s3+$0x14020]  }
0x1af: {  	v60 =	vld [tilespmem:s3+$0x14030]  }
0x1b0: {  	v61 =	vld [tilespmem:s3+$0x14040]  }
0x1b1: {  	v62 =	vld [tilespmem:s3+$0x14050];
	v32 =	vadd.f32 v57, v0  }
0x1b2: {  	v63 =	vld [tilespmem:s3+$0x14060];
	v33 =	vadd.f32 v58, v1  }
0x1b3: {  	v50 =	vld [tilespmem:s3+$0x16010];
	v34 =	vadd.f32 v59, v2;
	[tilespmem:s3+$0x14000] =	vst v32  }
0x1b4: {  	v51 =	vld [tilespmem:s3+$0x16020];
	v35 =	vadd.f32 v60, v3;
	[tilespmem:s3+$0x14010] =	vst v33  }
0x1b5: {  	v52 =	vld [tilespmem:s3+$0x16030];
	v36 =	vadd.f32 v61, v4;
	[tilespmem:s3+$0x14020] =	vst v34  }
0x1b6: {  	v53 =	vld [tilespmem:s3+$0x16040];
	v37 =	vadd.f32 v62, v5;
	[tilespmem:s3+$0x14030] =	vst v35  }
0x1b7: {  	v54 =	vld [tilespmem:s3+$0x16050];
	v38 =	vadd.f32 v63, v6;
	[tilespmem:s3+$0x14040] =	vst v36  }
0x1b8: {  	v39 =	vld [tilespmem:s3+$0x16060];
	v55 =	vadd.f32 v50, v18;
	[tilespmem:s3+$0x14050] =	vst v37  }
0x1b9: {  	v56 =	vld [tilespmem:s3+$0x16070];
	v57 =	vadd.f32 v51, v19;
	[tilespmem:s3+$0x14060] =	vst v38  }
0x1ba: {  	v40 =	vld [tilespmem:s3+$0x14070];
	v59 =	vadd.f32 v52, v21;
	[tilespmem:s3+$0x16010] =	vst v55  }
0x1bb: {  	v41 =	vld [tilespmem:s3+$0x15000];
	v61 =	vadd.f32 v53, v23;
	[tilespmem:s3+$0x16020] =	vst v57  }
0x1bc: {  	v42 =	vld [tilespmem:s3+$0x15010];
	v62 =	vadd.f32 v54, v25;
	[tilespmem:s3+$0x16030] =	vst v59  }
0x1bd: {  	v43 =	vld [tilespmem:s3+$0x15020];
	v39 =	vadd.f32 v39, v27;
	[tilespmem:s3+$0x16040] =	vst v61  }
0x1be: {  	v44 =	vld [tilespmem:s3+$0x15030];
	v63 =	vadd.f32 v56, v28;
	[tilespmem:s3+$0x16050] =	vst v62  }
0x1bf: {  	v48 =	vld [tilespmem:s3+$0x15070];
	v32 =	vadd.f32 v40, v7;
	[tilespmem:s3+$0x16060] =	vst v39  }
0x1c0: {  	v47 =	vld [tilespmem:s3+$0x15060];
	v33 =	vadd.f32 v41, v8;
	[tilespmem:s3+$0x16070] =	vst v63  }
0x1c1: {  	v49 =	vld [tilespmem:s3+$0x16000];
	v34 =	vadd.f32 v42, v9;
	[tilespmem:s3+$0x14070] =	vst v32  }
0x1c2: {  	v46 =	vld [tilespmem:s3+$0x15050];
	v35 =	vadd.f32 v43, v10;
	[tilespmem:s3+$0x15000] =	vst v33  }
0x1c3: {  	v45 =	vld [tilespmem:s3+$0x15040];
	v36 =	vadd.f32 v44, v11;
	[tilespmem:s3+$0x15010] =	vst v34  }
0x1c4: {  	v58 =	vld [tilespmem:s3+$0x17000];
	[tilespmem:s3+$0x15020] =	vst v35;
	v33 =	vadd.f32 v48, v15  }
0x1c5: {  	v60 =	vld [tilespmem:s3+$0x17010];
	[tilespmem:s3+$0x15030] =	vst v36;
	v32 =	vadd.f32 v47, v14  }
0x1c6: {  	v34 =	vadd.f32 v49, v16;
	[tilespmem:s3+$0x15070] =	vst v33;
	v33 =	vld [tilespmem:s3+$0x17020]  }
0x1c7: {  	v38 =	vadd.f32 v46, v13;
	[tilespmem:s3+$0x15060] =	vst v32;
	v32 =	vld [tilespmem:s3+$0x17030]  }
0x1c8: {  	v37 =	vadd.f32 v45, v12;
	[tilespmem:s3+$0x16000] =	vst v34;
	v34 =	vld [tilespmem:s3+$0x17040]  }
0x1c9: {  	[tilespmem:s3+$0x15050] =	vst v38;
	v35 =	vld [tilespmem:s3+$0x17050];
	v38 =	vadd.f32 v58, v30  }
0x1ca: {  	s15 =	simm.s32 $0x200;
	[tilespmem:s3+$0x15040] =	vst v37;
	v36 =	vld [tilespmem:s3+$0x17060];
	v37 =	vadd.f32 v60, v31  }
.LBB2_9:
0x1cb: {  	s16 =	sshra.s32 s15, $0x2;
	p0 =	sne.s32 s15, $0x3E00;
	[tilespmem:s3+$0x17000] =	vst v38;
	v33 =	vadd.f32 v33, v29;
	v38 =	vld [tilespmem:s3+$0x17070]  }
0x1cc: {  	v39 =	vld [tilespmem:s16+$0x14000];
	[tilespmem:s3+$0x17010] =	vst v37;
	v32 =	vadd.f32 v32, v26  }
0x1cd: {  	v37 =	vld [tilespmem:s16+$0x14010];
	[tilespmem:s3+$0x17020] =	vst v33;
	v33 =	vadd.f32 v34, v24  }
0x1ce: {  	v34 =	vld [tilespmem:s16+$0x14020];
	[tilespmem:s3+$0x17030] =	vst v32;
	v32 =	vadd.f32 v35, v22  }
0x1cf: {  	v35 =	vld [tilespmem:s16+$0x14030];
	[tilespmem:s3+$0x17040] =	vst v33;
	v33 =	vadd.f32 v36, v20  }
0x1d0: {  	v36 =	vld [tilespmem:s16+$0x14040];
	[tilespmem:s3+$0x17050] =	vst v32;
	v32 =	vadd.f32 v38, v17  }
0x1d1: {  	v38 =	vadd.f32 v39, v0;
	v39 =	vld [tilespmem:s16+$0x14050];
	[tilespmem:s3+$0x17060] =	vst v33  }
0x1d2: {  	v33 =	vadd.f32 v37, v1;
	v37 =	vld [tilespmem:s16+$0x14060];
	[tilespmem:s3+$0x17070] =	vst v32;
	s3 =	smov.u32 s16  }
0x1d3: {  	[tilespmem:s3+$0x14000] =	vst v38;
	v32 =	vadd.f32 v34, v2;
	v34 =	vld [tilespmem:s3+$0x14070]  }
0x1d4: {  	[tilespmem:s3+$0x14010] =	vst v33;
	v33 =	vadd.f32 v35, v3;
	v35 =	vld [tilespmem:s3+$0x15000]  }
0x1d5: {  	[tilespmem:s3+$0x14020] =	vst v32;
	v32 =	vadd.f32 v36, v4;
	v36 =	vld [tilespmem:s3+$0x15010]  }
0x1d6: {  	[tilespmem:s3+$0x14030] =	vst v33;
	v33 =	vadd.f32 v39, v5;
	v38 =	vld [tilespmem:s3+$0x15020]  }
0x1d7: {  	[tilespmem:s3+$0x14040] =	vst v32;
	v32 =	vadd.f32 v37, v6;
	v37 =	vld [tilespmem:s3+$0x15030]  }
0x1d8: {  	[tilespmem:s3+$0x14050] =	vst v33;
	v33 =	vadd.f32 v34, v7;
	v34 =	vld [tilespmem:s3+$0x15040]  }
0x1d9: {  	[tilespmem:s3+$0x14060] =	vst v32;
	v32 =	vadd.f32 v35, v8;
	v35 =	vld [tilespmem:s3+$0x15050]  }
0x1da: {  	[tilespmem:s3+$0x14070] =	vst v33;
	v33 =	vadd.f32 v36, v9;
	v36 =	vld [tilespmem:s3+$0x15060]  }
0x1db: {  	[tilespmem:s3+$0x15000] =	vst v32;
	v32 =	vadd.f32 v38, v10;
	v38 =	vld [tilespmem:s3+$0x15070]  }
0x1dc: {  	[tilespmem:s3+$0x15010] =	vst v33;
	v33 =	vadd.f32 v37, v11;
	v37 =	vld [tilespmem:s3+$0x16000]  }
0x1dd: {  	[tilespmem:s3+$0x15020] =	vst v32;
	v32 =	vadd.f32 v34, v12;
	v34 =	vld [tilespmem:s3+$0x16010]  }
0x1de: {  	[tilespmem:s3+$0x15030] =	vst v33;
	v33 =	vadd.f32 v35, v13;
	v35 =	vld [tilespmem:s3+$0x16020]  }
0x1df: {  	[tilespmem:s3+$0x15040] =	vst v32;
	v32 =	vadd.f32 v36, v14;
	v36 =	vld [tilespmem:s3+$0x16030]  }
0x1e0: {  	[tilespmem:s3+$0x15050] =	vst v33;
	v33 =	vadd.f32 v38, v15;
	v38 =	vld [tilespmem:s3+$0x16040]  }
0x1e1: {  	[tilespmem:s3+$0x15060] =	vst v32;
	v32 =	vadd.f32 v37, v16;
	v37 =	vld [tilespmem:s3+$0x16050]  }
0x1e2: {  	[tilespmem:s3+$0x15070] =	vst v33;
	v33 =	vadd.f32 v34, v18;
	v34 =	vld [tilespmem:s3+$0x16060]  }
0x1e3: {  	[tilespmem:s3+$0x16000] =	vst v32;
	v32 =	vadd.f32 v35, v19;
	v35 =	vld [tilespmem:s3+$0x16070]  }
0x1e4: {  	[tilespmem:s3+$0x16010] =	vst v33;
	v33 =	vadd.f32 v36, v21;
	v36 =	vld [tilespmem:s3+$0x17000]  }
0x1e5: {  	[tilespmem:s3+$0x16020] =	vst v32;
	v32 =	vadd.f32 v38, v23;
	v39 =	vld [tilespmem:s3+$0x17010]  }
.Ltmp3:
0x1e6: {  	[tilespmem:s3+$0x16030] =	vst v33;
	v37 =	vadd.f32 v37, v25;
	v33 =	vld [tilespmem:s3+$0x17020];
	(pc) =	sbr.rel @p0 .LBB2_9-.Ltmp3, $4  }
0x1e7: {  	[tilespmem:s3+$0x16040] =	vst v32;
	v38 =	vadd.f32 v34, v27;
	v32 =	vld [tilespmem:s3+$0x17030]  }
0x1e8: {  	[tilespmem:s3+$0x16050] =	vst v37;
	v37 =	vadd.f32 v35, v28;
	v34 =	vld [tilespmem:s3+$0x17040]  }
0x1e9: {  	[tilespmem:s3+$0x16060] =	vst v38;
	v38 =	vadd.f32 v36, v30;
	v35 =	vld [tilespmem:s3+$0x17050]  }
0x1ea: {  	s15 =	sadd.s32 $0x200, s15;
	[tilespmem:s3+$0x16070] =	vst v37;
	v37 =	vadd.f32 v39, v31;
	v36 =	vld [tilespmem:s3+$0x17060]  }
0x1eb: {  	[tilespmem:s3+$0x17000] =	vst v38;
	v0 =	vadd.f32 v33, v29;
	v1 =	vld [tilespmem:s3+$0x17070]  }
0x1ec: {  	[tilespmem:s3+$0x17010] =	vst v37;
	v2 =	vadd.f32 v32, v26  }
0x1ed: {  	[tilespmem:s3+$0x17020] =	vst v0;
	v61 =	vadd.f32 v34, v24  }
0x1ee: {  	[tilespmem:s3+$0x17030] =	vst v2;
	v62 =	vadd.f32 v35, v22  }
0x1ef: {  	s0 =	sand.u32 $0x7C00, s0;
	[tilespmem:s3+$0x17040] =	vst v61;
	v63 =	vadd.f32 v36, v20  }
0x1f0: {  	s0 =	sor.u32 s6, s0;
	[tilespmem:s3+$0x17050] =	vst v62;
	v1 =	vadd.f32 v1, v17  }
0x1f1: {  	s0 =	sshrl.u32 s0, $0x3;
	[tilespmem:s3+$0x17060] =	vst v63  }
0x1f2: {  	s20 =	sadd.s32 $0x1, s20;
	s15 =	sadd.s32 s0, s11;
	[tilespmem:s3+$0x17070] =	vst v1  }
0x1f3: {  	[hbm4b:s15+s26] =	stream.strided.scatter [tilespmem:s5], [sflag:$0x8], $0x1000, s25, s26, $0x38;
	[tilespmem:$0x18000] =	vst v63  }
0x1f4: {  	p0 =	sne.s32 s20, $0xC;
	s16 =	sadd.s32 s0, s12;
	s15 =	simm.s32 $0x15000  }
0x1f5: {  	[hbm4b:s16+s26] =	stream.strided.scatter [tilespmem:s15], [sflag:$0x8], $0x1000, s25, s26, $0x38;
	[tilespmem:$0x18000] =	vst v63  }
.Ltmp4:
0x1f6: {  	_ = 	snop;
	(pc) =	sbr.rel @p0 .LBB2_2-.Ltmp4, $4  }
0x1f7: {  	s22 =	simm.s32 $0x16000;
	s21 =	sadd.s32 s0, s13  }
0x1f8: {  	[hbm4b:s21+s26] =	stream.strided.scatter [tilespmem:s22], [sflag:$0x8], $0x1000, s25, s26, $0x38;
	[tilespmem:$0x18000] =	vst v63  }
0x1f9: {  	s29 =	simm.s32 $0x17000;
	s0 =	sadd.s32 s0, s14  }
0x1fa: {  	[hbm4b:s0+s26] =	stream.strided.scatter [tilespmem:s29], [sflag:$0x8], $0x1000, s25, s26, $0x38;
	[tilespmem:$0x18000] =	vst v63  }
0x1fb: {  	_ =	swait.ge [sflag:s2], $0x4000  }
0x1fc: {  	[sflag:s2] =	ssyncset.done $0x0  }
0x1fd: {  	[sflag:s2] =	ssyncadd.s32 $0xFFFFC000  }
0x1fe: {  	v0 =	vld [tilespmem:$0x6000]  }
0x1ff: {  	v1 =	vld [tilespmem:$0x6010]  }
0x200: {  	v2 =	vld [tilespmem:$0x6020]  }
0x201: {  	v3 =	vld [tilespmem:$0x6030]  }
0x202: {  	v4 =	vld [tilespmem:$0x6040]  }
0x203: {  	v5 =	vld [tilespmem:$0x6050]  }
0x204: {  	v6 =	vld [tilespmem:$0x6060]  }
0x205: {  	v7 =	vld [tilespmem:$0x6070]  }
0x206: {  	v8 =	vld [tilespmem:$0x6080]  }
0x207: {  	v9 =	vld [tilespmem:$0x6090]  }
0x208: {  	v10 =	vld [tilespmem:$0x60A0]  }
0x209: {  	v11 =	vld [tilespmem:$0x60B0]  }
0x20a: {  	v12 =	vld [tilespmem:$0x60C0]  }
0x20b: {  	v13 =	vld [tilespmem:$0x60D0]  }
0x20c: {  	v14 =	vld [tilespmem:$0x60E0]  }
0x20d: {  	v15 =	vld [tilespmem:$0x60F0]  }
0x20e: {  	v16 =	vld [tilespmem:$0x6100]  }
0x20f: {  	v17 =	vld [tilespmem:$0x6110]  }
0x210: {  	v19 =	vld [tilespmem:$0x6120]  }
0x211: {  	v21 =	vld [tilespmem:$0x6130]  }
0x212: {  	v23 =	vld [tilespmem:$0x6140]  }
0x213: {  	v25 =	vld [tilespmem:$0x6150]  }
0x214: {  	v27 =	vld [tilespmem:$0x6160]  }
0x215: {  	v28 =	vld [tilespmem:$0x6170]  }
0x216: {  	v30 =	vld [tilespmem:$0x6180]  }
0x217: {  	v31 =	vld [tilespmem:$0x6190]  }
0x218: {  	v29 =	vld [tilespmem:$0x61A0]  }
0x219: {  	v26 =	vld [tilespmem:$0x61B0]  }
0x21a: {  	v24 =	vld [tilespmem:$0x61C0]  }
0x21b: {  	v22 =	vld [tilespmem:$0x61D0]  }
0x21c: {  	v20 =	vld [tilespmem:$0x61E0]  }
0x21d: {  	s0 =	simm.s32 $0x0;
	v18 =	vld [tilespmem:$0x61F0]  }
0x21e: {  	v32 =	vld [tilespmem:s0+$0x8000]  }
0x21f: {  	v33 =	vld [tilespmem:s0+$0x8010]  }
0x220: {  	v34 =	vld [tilespmem:s0+$0x8020]  }
0x221: {  	v35 =	vld [tilespmem:s0+$0x8030]  }
0x222: {  	v36 =	vld [tilespmem:s0+$0x8040]  }
0x223: {  	v37 =	vld [tilespmem:s0+$0x8050];
	v32 =	vadd.f32 v32, v0  }
0x224: {  	v38 =	vld [tilespmem:s0+$0x8060];
	v33 =	vadd.f32 v33, v1  }
0x225: {  	v50 =	vld [tilespmem:s0+$0xA010];
	v34 =	vadd.f32 v34, v2;
	[tilespmem:s0+$0x8000] =	vst v32  }
0x226: {  	v51 =	vld [tilespmem:s0+$0xA020];
	v35 =	vadd.f32 v35, v3;
	[tilespmem:s0+$0x8010] =	vst v33  }
0x227: {  	v52 =	vld [tilespmem:s0+$0xA030];
	v36 =	vadd.f32 v36, v4;
	[tilespmem:s0+$0x8020] =	vst v34  }
0x228: {  	v53 =	vld [tilespmem:s0+$0xA040];
	v37 =	vadd.f32 v37, v5;
	[tilespmem:s0+$0x8030] =	vst v35  }
0x229: {  	v54 =	vld [tilespmem:s0+$0xA050];
	v38 =	vadd.f32 v38, v6;
	[tilespmem:s0+$0x8040] =	vst v36  }
0x22a: {  	v39 =	vld [tilespmem:s0+$0xA060];
	v55 =	vadd.f32 v50, v17;
	[tilespmem:s0+$0x8050] =	vst v37  }
0x22b: {  	v56 =	vld [tilespmem:s0+$0xA070];
	v57 =	vadd.f32 v51, v19;
	[tilespmem:s0+$0x8060] =	vst v38  }
0x22c: {  	v40 =	vld [tilespmem:s0+$0x8070];
	v59 =	vadd.f32 v52, v21;
	[tilespmem:s0+$0xA010] =	vst v55  }
0x22d: {  	v41 =	vld [tilespmem:s0+$0x9000];
	v61 =	vadd.f32 v53, v23;
	[tilespmem:s0+$0xA020] =	vst v57  }
0x22e: {  	v42 =	vld [tilespmem:s0+$0x9010];
	v62 =	vadd.f32 v54, v25;
	[tilespmem:s0+$0xA030] =	vst v59  }
0x22f: {  	v43 =	vld [tilespmem:s0+$0x9020];
	v39 =	vadd.f32 v39, v27;
	[tilespmem:s0+$0xA040] =	vst v61  }
0x230: {  	v44 =	vld [tilespmem:s0+$0x9030];
	v63 =	vadd.f32 v56, v28;
	[tilespmem:s0+$0xA050] =	vst v62  }
0x231: {  	v48 =	vld [tilespmem:s0+$0x9070];
	v32 =	vadd.f32 v40, v7;
	[tilespmem:s0+$0xA060] =	vst v39  }
0x232: {  	v47 =	vld [tilespmem:s0+$0x9060];
	v33 =	vadd.f32 v41, v8;
	[tilespmem:s0+$0xA070] =	vst v63  }
0x233: {  	v49 =	vld [tilespmem:s0+$0xA000];
	v34 =	vadd.f32 v42, v9;
	[tilespmem:s0+$0x8070] =	vst v32  }
0x234: {  	v46 =	vld [tilespmem:s0+$0x9050];
	v35 =	vadd.f32 v43, v10;
	[tilespmem:s0+$0x9000] =	vst v33  }
0x235: {  	v45 =	vld [tilespmem:s0+$0x9040];
	v36 =	vadd.f32 v44, v11;
	[tilespmem:s0+$0x9010] =	vst v34  }
0x236: {  	v58 =	vld [tilespmem:s0+$0xB000];
	[tilespmem:s0+$0x9020] =	vst v35;
	v33 =	vadd.f32 v48, v15  }
0x237: {  	v60 =	vld [tilespmem:s0+$0xB010];
	[tilespmem:s0+$0x9030] =	vst v36;
	v32 =	vadd.f32 v47, v14  }
0x238: {  	v34 =	vadd.f32 v49, v16;
	[tilespmem:s0+$0x9070] =	vst v33;
	v33 =	vld [tilespmem:s0+$0xB020]  }
0x239: {  	v38 =	vadd.f32 v46, v13;
	[tilespmem:s0+$0x9060] =	vst v32;
	v32 =	vld [tilespmem:s0+$0xB030]  }
0x23a: {  	v37 =	vadd.f32 v45, v12;
	[tilespmem:s0+$0xA000] =	vst v34;
	v34 =	vld [tilespmem:s0+$0xB040]  }
0x23b: {  	[tilespmem:s0+$0x9050] =	vst v38;
	v35 =	vld [tilespmem:s0+$0xB050];
	v38 =	vadd.f32 v58, v30  }
0x23c: {  	s3 =	simm.s32 $0x200;
	[tilespmem:s0+$0x9040] =	vst v37;
	v37 =	vadd.f32 v60, v31;
	v36 =	vld [tilespmem:s0+$0xB060]  }
.LBB2_12:
0x23d: {  	s15 =	sshra.s32 s3, $0x2;
	p0 =	sne.s32 s3, $0x3E00;
	[tilespmem:s0+$0xB000] =	vst v38;
	v33 =	vadd.f32 v33, v29;
	v38 =	vld [tilespmem:s0+$0xB070]  }
0x23e: {  	v39 =	vld [tilespmem:s15+$0x8000];
	[tilespmem:s0+$0xB010] =	vst v37;
	v32 =	vadd.f32 v32, v26  }
0x23f: {  	v37 =	vld [tilespmem:s15+$0x8010];
	[tilespmem:s0+$0xB020] =	vst v33;
	v33 =	vadd.f32 v34, v24  }
0x240: {  	v34 =	vld [tilespmem:s15+$0x8020];
	[tilespmem:s0+$0xB030] =	vst v32;
	v32 =	vadd.f32 v35, v22  }
0x241: {  	v35 =	vld [tilespmem:s15+$0x8030];
	[tilespmem:s0+$0xB040] =	vst v33;
	v33 =	vadd.f32 v36, v20  }
0x242: {  	v36 =	vld [tilespmem:s15+$0x8040];
	[tilespmem:s0+$0xB050] =	vst v32;
	v32 =	vadd.f32 v38, v18  }
0x243: {  	v38 =	vadd.f32 v39, v0;
	v39 =	vld [tilespmem:s15+$0x8050];
	[tilespmem:s0+$0xB060] =	vst v33  }
0x244: {  	v33 =	vadd.f32 v37, v1;
	v37 =	vld [tilespmem:s15+$0x8060];
	[tilespmem:s0+$0xB070] =	vst v32;
	s0 =	smov.u32 s15  }
0x245: {  	[tilespmem:s0+$0x8000] =	vst v38;
	v32 =	vadd.f32 v34, v2;
	v34 =	vld [tilespmem:s0+$0x8070]  }
0x246: {  	[tilespmem:s0+$0x8010] =	vst v33;
	v33 =	vadd.f32 v35, v3;
	v35 =	vld [tilespmem:s0+$0x9000]  }
0x247: {  	[tilespmem:s0+$0x8020] =	vst v32;
	v32 =	vadd.f32 v36, v4;
	v36 =	vld [tilespmem:s0+$0x9010]  }
0x248: {  	[tilespmem:s0+$0x8030] =	vst v33;
	v33 =	vadd.f32 v39, v5;
	v38 =	vld [tilespmem:s0+$0x9020]  }
0x249: {  	[tilespmem:s0+$0x8040] =	vst v32;
	v32 =	vadd.f32 v37, v6;
	v37 =	vld [tilespmem:s0+$0x9030]  }
0x24a: {  	[tilespmem:s0+$0x8050] =	vst v33;
	v33 =	vadd.f32 v34, v7;
	v34 =	vld [tilespmem:s0+$0x9040]  }
0x24b: {  	[tilespmem:s0+$0x8060] =	vst v32;
	v32 =	vadd.f32 v35, v8;
	v35 =	vld [tilespmem:s0+$0x9050]  }
0x24c: {  	[tilespmem:s0+$0x8070] =	vst v33;
	v33 =	vadd.f32 v36, v9;
	v36 =	vld [tilespmem:s0+$0x9060]  }
0x24d: {  	[tilespmem:s0+$0x9000] =	vst v32;
	v32 =	vadd.f32 v38, v10;
	v38 =	vld [tilespmem:s0+$0x9070]  }
0x24e: {  	[tilespmem:s0+$0x9010] =	vst v33;
	v33 =	vadd.f32 v37, v11;
	v37 =	vld [tilespmem:s0+$0xA000]  }
0x24f: {  	[tilespmem:s0+$0x9020] =	vst v32;
	v32 =	vadd.f32 v34, v12;
	v34 =	vld [tilespmem:s0+$0xA010]  }
0x250: {  	[tilespmem:s0+$0x9030] =	vst v33;
	v33 =	vadd.f32 v35, v13;
	v35 =	vld [tilespmem:s0+$0xA020]  }
0x251: {  	[tilespmem:s0+$0x9040] =	vst v32;
	v32 =	vadd.f32 v36, v14;
	v36 =	vld [tilespmem:s0+$0xA030]  }
0x252: {  	[tilespmem:s0+$0x9050] =	vst v33;
	v33 =	vadd.f32 v38, v15;
	v38 =	vld [tilespmem:s0+$0xA040]  }
0x253: {  	[tilespmem:s0+$0x9060] =	vst v32;
	v32 =	vadd.f32 v37, v16;
	v37 =	vld [tilespmem:s0+$0xA050]  }
0x254: {  	[tilespmem:s0+$0x9070] =	vst v33;
	v33 =	vadd.f32 v34, v17;
	v34 =	vld [tilespmem:s0+$0xA060]  }
0x255: {  	[tilespmem:s0+$0xA000] =	vst v32;
	v32 =	vadd.f32 v35, v19;
	v35 =	vld [tilespmem:s0+$0xA070]  }
0x256: {  	[tilespmem:s0+$0xA010] =	vst v33;
	v33 =	vadd.f32 v36, v21;
	v36 =	vld [tilespmem:s0+$0xB000]  }
0x257: {  	[tilespmem:s0+$0xA020] =	vst v32;
	v32 =	vadd.f32 v38, v23;
	v39 =	vld [tilespmem:s0+$0xB010]  }
.Ltmp5:
0x258: {  	[tilespmem:s0+$0xA030] =	vst v33;
	v37 =	vadd.f32 v37, v25;
	v33 =	vld [tilespmem:s0+$0xB020];
	(pc) =	sbr.rel @p0 .LBB2_12-.Ltmp5, $4  }
0x259: {  	[tilespmem:s0+$0xA040] =	vst v32;
	v38 =	vadd.f32 v34, v27;
	v32 =	vld [tilespmem:s0+$0xB030]  }
0x25a: {  	[tilespmem:s0+$0xA050] =	vst v37;
	v37 =	vadd.f32 v35, v28;
	v34 =	vld [tilespmem:s0+$0xB040]  }
0x25b: {  	[tilespmem:s0+$0xA060] =	vst v38;
	v38 =	vadd.f32 v36, v30;
	v35 =	vld [tilespmem:s0+$0xB050]  }
0x25c: {  	s3 =	sadd.s32 $0x200, s3;
	[tilespmem:s0+$0xA070] =	vst v37;
	v37 =	vadd.f32 v39, v31;
	v36 =	vld [tilespmem:s0+$0xB060]  }
0x25d: {  	[tilespmem:s0+$0xB000] =	vst v38;
	v0 =	vadd.f32 v33, v29;
	v1 =	vld [tilespmem:s0+$0xB070]  }
0x25e: {  	[tilespmem:s0+$0xB010] =	vst v37;
	v2 =	vadd.f32 v32, v26  }
0x25f: {  	[tilespmem:s0+$0xB020] =	vst v0;
	v0 =	vadd.f32 v34, v24  }
0x260: {  	[tilespmem:s0+$0xB030] =	vst v2;
	v2 =	vadd.f32 v35, v22  }
0x261: {  	[tilespmem:s0+$0xB040] =	vst v0;
	v0 =	vadd.f32 v36, v20  }
0x262: {  	[tilespmem:s0+$0xB050] =	vst v2;
	v1 =	vadd.f32 v1, v18  }
0x263: {  	[tilespmem:s0+$0xB060] =	vst v0  }
0x264: {  	s15 =	rddreg [dreg:$0x6];
	[tilespmem:s0+$0xB070] =	vst v1  }
0x265: {  	[hbm4b:s15+s26] =	stream.strided.scatter [tilespmem:s28], [sflag:$0x5], $0x1000, s25, s26, $0x38;
	[tilespmem:$0x18000] =	vst v63  }
0x266: {  	s16 =	rddreg [dreg:$0x7];
	s3 =	simm.s32 $0x9000  }
0x267: {  	[hbm4b:s16+s26] =	stream.strided.scatter [tilespmem:s3], [sflag:$0x5], $0x1000, s25, s26, $0x38;
	[tilespmem:$0x18000] =	vst v63  }
0x268: {  	s20 =	rddreg [dreg:$0x8];
	s21 =	simm.s32 $0xA000  }
0x269: {  	[hbm4b:s20+s26] =	stream.strided.scatter [tilespmem:s21], [sflag:$0x5], $0x1000, s25, s26, $0x38;
	[tilespmem:$0x18000] =	vst v63  }
0x26a: {  	s22 =	rddreg [dreg:$0x9];
	s29 =	simm.s32 $0xB000  }
0x26b: {  	[hbm4b:s22+s26] =	stream.strided.scatter [tilespmem:s29], [sflag:$0x5], $0x1000, s25, s26, $0x38;
	[tilespmem:$0x18000] =	vst v63  }
0x26c: {  	_ =	swait.ge [sflag:s7], $0x4000  }
0x26d: {  	[sflag:s7] =	ssyncset.done $0x0  }
0x26e: {  	[sflag:s7] =	ssyncadd.s32 $0xFFFFC000  }
0x26f: {  	v0 =	vld [tilespmem:$0x6200]  }
0x270: {  	v1 =	vld [tilespmem:$0x6210]  }
0x271: {  	v2 =	vld [tilespmem:$0x6220]  }
0x272: {  	v3 =	vld [tilespmem:$0x6230]  }
0x273: {  	v4 =	vld [tilespmem:$0x6240]  }
0x274: {  	v5 =	vld [tilespmem:$0x6250]  }
0x275: {  	v6 =	vld [tilespmem:$0x6260]  }
0x276: {  	v7 =	vld [tilespmem:$0x6270]  }
0x277: {  	v8 =	vld [tilespmem:$0x6280]  }
0x278: {  	v9 =	vld [tilespmem:$0x6290]  }
0x279: {  	v10 =	vld [tilespmem:$0x62A0]  }
0x27a: {  	v11 =	vld [tilespmem:$0x62B0]  }
0x27b: {  	v12 =	vld [tilespmem:$0x62C0]  }
0x27c: {  	v13 =	vld [tilespmem:$0x62D0]  }
0x27d: {  	v14 =	vld [tilespmem:$0x62E0]  }
0x27e: {  	v15 =	vld [tilespmem:$0x62F0]  }
0x27f: {  	v16 =	vld [tilespmem:$0x6300]  }
0x280: {  	v17 =	vld [tilespmem:$0x6310]  }
0x281: {  	v19 =	vld [tilespmem:$0x6320]  }
0x282: {  	v21 =	vld [tilespmem:$0x6330]  }
0x283: {  	v23 =	vld [tilespmem:$0x6340]  }
0x284: {  	v25 =	vld [tilespmem:$0x6350]  }
0x285: {  	v27 =	vld [tilespmem:$0x6360]  }
0x286: {  	v28 =	vld [tilespmem:$0x6370]  }
0x287: {  	v30 =	vld [tilespmem:$0x6380]  }
0x288: {  	v31 =	vld [tilespmem:$0x6390]  }
0x289: {  	v29 =	vld [tilespmem:$0x63A0]  }
0x28a: {  	v26 =	vld [tilespmem:$0x63B0]  }
0x28b: {  	v24 =	vld [tilespmem:$0x63C0]  }
0x28c: {  	v22 =	vld [tilespmem:$0x63D0]  }
0x28d: {  	v20 =	vld [tilespmem:$0x63E0]  }
0x28e: {  	s0 =	simm.s32 $0x0;
	v18 =	vld [tilespmem:$0x63F0]  }
0x28f: {  	v57 =	vld [tilespmem:s0+$0xC000]  }
0x290: {  	v58 =	vld [tilespmem:s0+$0xC010]  }
0x291: {  	v59 =	vld [tilespmem:s0+$0xC020]  }
0x292: {  	v60 =	vld [tilespmem:s0+$0xC030]  }
0x293: {  	v61 =	vld [tilespmem:s0+$0xC040]  }
0x294: {  	v62 =	vld [tilespmem:s0+$0xC050];
	v32 =	vadd.f32 v57, v0  }
0x295: {  	v63 =	vld [tilespmem:s0+$0xC060];
	v33 =	vadd.f32 v58, v1  }
0x296: {  	v50 =	vld [tilespmem:s0+$0xE010];
	v34 =	vadd.f32 v59, v2;
	[tilespmem:s0+$0xC000] =	vst v32  }
0x297: {  	v51 =	vld [tilespmem:s0+$0xE020];
	v35 =	vadd.f32 v60, v3;
	[tilespmem:s0+$0xC010] =	vst v33  }
0x298: {  	v52 =	vld [tilespmem:s0+$0xE030];
	v36 =	vadd.f32 v61, v4;
	[tilespmem:s0+$0xC020] =	vst v34  }
0x299: {  	v53 =	vld [tilespmem:s0+$0xE040];
	v37 =	vadd.f32 v62, v5;
	[tilespmem:s0+$0xC030] =	vst v35  }
0x29a: {  	v54 =	vld [tilespmem:s0+$0xE050];
	v38 =	vadd.f32 v63, v6;
	[tilespmem:s0+$0xC040] =	vst v36  }
0x29b: {  	v39 =	vld [tilespmem:s0+$0xE060];
	v55 =	vadd.f32 v50, v17;
	[tilespmem:s0+$0xC050] =	vst v37  }
0x29c: {  	v56 =	vld [tilespmem:s0+$0xE070];
	v57 =	vadd.f32 v51, v19;
	[tilespmem:s0+$0xC060] =	vst v38  }
0x29d: {  	v40 =	vld [tilespmem:s0+$0xC070];
	v59 =	vadd.f32 v52, v21;
	[tilespmem:s0+$0xE010] =	vst v55  }
0x29e: {  	v41 =	vld [tilespmem:s0+$0xD000];
	v61 =	vadd.f32 v53, v23;
	[tilespmem:s0+$0xE020] =	vst v57  }
0x29f: {  	v42 =	vld [tilespmem:s0+$0xD010];
	v62 =	vadd.f32 v54, v25;
	[tilespmem:s0+$0xE030] =	vst v59  }
0x2a0: {  	v43 =	vld [tilespmem:s0+$0xD020];
	v39 =	vadd.f32 v39, v27;
	[tilespmem:s0+$0xE040] =	vst v61  }
0x2a1: {  	v44 =	vld [tilespmem:s0+$0xD030];
	v63 =	vadd.f32 v56, v28;
	[tilespmem:s0+$0xE050] =	vst v62  }
0x2a2: {  	v48 =	vld [tilespmem:s0+$0xD070];
	v32 =	vadd.f32 v40, v7;
	[tilespmem:s0+$0xE060] =	vst v39  }
0x2a3: {  	v47 =	vld [tilespmem:s0+$0xD060];
	v33 =	vadd.f32 v41, v8;
	[tilespmem:s0+$0xE070] =	vst v63  }
0x2a4: {  	v49 =	vld [tilespmem:s0+$0xE000];
	v34 =	vadd.f32 v42, v9;
	[tilespmem:s0+$0xC070] =	vst v32  }
0x2a5: {  	v46 =	vld [tilespmem:s0+$0xD050];
	v35 =	vadd.f32 v43, v10;
	[tilespmem:s0+$0xD000] =	vst v33  }
0x2a6: {  	v45 =	vld [tilespmem:s0+$0xD040];
	v36 =	vadd.f32 v44, v11;
	[tilespmem:s0+$0xD010] =	vst v34  }
0x2a7: {  	v58 =	vld [tilespmem:s0+$0xF000];
	[tilespmem:s0+$0xD020] =	vst v35;
	v33 =	vadd.f32 v48, v15  }
0x2a8: {  	v60 =	vld [tilespmem:s0+$0xF010];
	[tilespmem:s0+$0xD030] =	vst v36;
	v32 =	vadd.f32 v47, v14  }
0x2a9: {  	v34 =	vadd.f32 v49, v16;
	[tilespmem:s0+$0xD070] =	vst v33;
	v33 =	vld [tilespmem:s0+$0xF020]  }
0x2aa: {  	v38 =	vadd.f32 v46, v13;
	[tilespmem:s0+$0xD060] =	vst v32;
	v32 =	vld [tilespmem:s0+$0xF030]  }
0x2ab: {  	v37 =	vadd.f32 v45, v12;
	[tilespmem:s0+$0xE000] =	vst v34;
	v34 =	vld [tilespmem:s0+$0xF040]  }
0x2ac: {  	[tilespmem:s0+$0xD050] =	vst v38;
	v35 =	vld [tilespmem:s0+$0xF050];
	v38 =	vadd.f32 v58, v30  }
0x2ad: {  	s3 =	simm.s32 $0x200;
	[tilespmem:s0+$0xD040] =	vst v37;
	v36 =	vld [tilespmem:s0+$0xF060];
	v37 =	vadd.f32 v60, v31  }
.LBB2_14:
0x2ae: {  	s15 =	sshra.s32 s3, $0x2;
	p0 =	sne.s32 s3, $0x3E00;
	[tilespmem:s0+$0xF000] =	vst v38;
	v33 =	vadd.f32 v33, v29;
	v38 =	vld [tilespmem:s0+$0xF070]  }
0x2af: {  	v39 =	vld [tilespmem:s15+$0xC000];
	[tilespmem:s0+$0xF010] =	vst v37;
	v32 =	vadd.f32 v32, v26  }
0x2b0: {  	v37 =	vld [tilespmem:s15+$0xC010];
	[tilespmem:s0+$0xF020] =	vst v33;
	v33 =	vadd.f32 v34, v24  }
0x2b1: {  	v34 =	vld [tilespmem:s15+$0xC020];
	[tilespmem:s0+$0xF030] =	vst v32;
	v32 =	vadd.f32 v35, v22  }
0x2b2: {  	v35 =	vld [tilespmem:s15+$0xC030];
	[tilespmem:s0+$0xF040] =	vst v33;
	v33 =	vadd.f32 v36, v20  }
0x2b3: {  	v36 =	vld [tilespmem:s15+$0xC040];
	[tilespmem:s0+$0xF050] =	vst v32;
	v32 =	vadd.f32 v38, v18  }
0x2b4: {  	v38 =	vadd.f32 v39, v0;
	v39 =	vld [tilespmem:s15+$0xC050];
	[tilespmem:s0+$0xF060] =	vst v33  }
0x2b5: {  	v33 =	vadd.f32 v37, v1;
	v37 =	vld [tilespmem:s15+$0xC060];
	[tilespmem:s0+$0xF070] =	vst v32;
	s0 =	smov.u32 s15  }
0x2b6: {  	[tilespmem:s0+$0xC000] =	vst v38;
	v32 =	vadd.f32 v34, v2;
	v34 =	vld [tilespmem:s0+$0xC070]  }
0x2b7: {  	[tilespmem:s0+$0xC010] =	vst v33;
	v33 =	vadd.f32 v35, v3;
	v35 =	vld [tilespmem:s0+$0xD000]  }
0x2b8: {  	[tilespmem:s0+$0xC020] =	vst v32;
	v32 =	vadd.f32 v36, v4;
	v36 =	vld [tilespmem:s0+$0xD010]  }
0x2b9: {  	[tilespmem:s0+$0xC030] =	vst v33;
	v33 =	vadd.f32 v39, v5;
	v38 =	vld [tilespmem:s0+$0xD020]  }
0x2ba: {  	[tilespmem:s0+$0xC040] =	vst v32;
	v32 =	vadd.f32 v37, v6;
	v37 =	vld [tilespmem:s0+$0xD030]  }
0x2bb: {  	[tilespmem:s0+$0xC050] =	vst v33;
	v33 =	vadd.f32 v34, v7;
	v34 =	vld [tilespmem:s0+$0xD040]  }
0x2bc: {  	[tilespmem:s0+$0xC060] =	vst v32;
	v32 =	vadd.f32 v35, v8;
	v35 =	vld [tilespmem:s0+$0xD050]  }
0x2bd: {  	[tilespmem:s0+$0xC070] =	vst v33;
	v33 =	vadd.f32 v36, v9;
	v36 =	vld [tilespmem:s0+$0xD060]  }
0x2be: {  	[tilespmem:s0+$0xD000] =	vst v32;
	v32 =	vadd.f32 v38, v10;
	v38 =	vld [tilespmem:s0+$0xD070]  }
0x2bf: {  	[tilespmem:s0+$0xD010] =	vst v33;
	v33 =	vadd.f32 v37, v11;
	v37 =	vld [tilespmem:s0+$0xE000]  }
0x2c0: {  	[tilespmem:s0+$0xD020] =	vst v32;
	v32 =	vadd.f32 v34, v12;
	v34 =	vld [tilespmem:s0+$0xE010]  }
0x2c1: {  	[tilespmem:s0+$0xD030] =	vst v33;
	v33 =	vadd.f32 v35, v13;
	v35 =	vld [tilespmem:s0+$0xE020]  }
0x2c2: {  	[tilespmem:s0+$0xD040] =	vst v32;
	v32 =	vadd.f32 v36, v14;
	v36 =	vld [tilespmem:s0+$0xE030]  }
0x2c3: {  	[tilespmem:s0+$0xD050] =	vst v33;
	v33 =	vadd.f32 v38, v15;
	v38 =	vld [tilespmem:s0+$0xE040]  }
0x2c4: {  	[tilespmem:s0+$0xD060] =	vst v32;
	v32 =	vadd.f32 v37, v16;
	v37 =	vld [tilespmem:s0+$0xE050]  }
0x2c5: {  	[tilespmem:s0+$0xD070] =	vst v33;
	v33 =	vadd.f32 v34, v17;
	v34 =	vld [tilespmem:s0+$0xE060]  }
0x2c6: {  	[tilespmem:s0+$0xE000] =	vst v32;
	v32 =	vadd.f32 v35, v19;
	v35 =	vld [tilespmem:s0+$0xE070]  }
0x2c7: {  	[tilespmem:s0+$0xE010] =	vst v33;
	v33 =	vadd.f32 v36, v21;
	v36 =	vld [tilespmem:s0+$0xF000]  }
0x2c8: {  	[tilespmem:s0+$0xE020] =	vst v32;
	v32 =	vadd.f32 v38, v23;
	v39 =	vld [tilespmem:s0+$0xF010]  }
.Ltmp6:
0x2c9: {  	[tilespmem:s0+$0xE030] =	vst v33;
	v37 =	vadd.f32 v37, v25;
	v33 =	vld [tilespmem:s0+$0xF020];
	(pc) =	sbr.rel @p0 .LBB2_14-.Ltmp6, $4  }
0x2ca: {  	[tilespmem:s0+$0xE040] =	vst v32;
	v38 =	vadd.f32 v34, v27;
	v32 =	vld [tilespmem:s0+$0xF030]  }
0x2cb: {  	[tilespmem:s0+$0xE050] =	vst v37;
	v37 =	vadd.f32 v35, v28;
	v34 =	vld [tilespmem:s0+$0xF040]  }
0x2cc: {  	[tilespmem:s0+$0xE060] =	vst v38;
	v38 =	vadd.f32 v36, v30;
	v35 =	vld [tilespmem:s0+$0xF050]  }
0x2cd: {  	s3 =	sadd.s32 $0x200, s3;
	[tilespmem:s0+$0xE070] =	vst v37;
	v37 =	vadd.f32 v39, v31;
	v36 =	vld [tilespmem:s0+$0xF060]  }
0x2ce: {  	[tilespmem:s0+$0xF000] =	vst v38;
	v0 =	vadd.f32 v33, v29;
	v1 =	vld [tilespmem:s0+$0xF070]  }
0x2cf: {  	[tilespmem:s0+$0xF010] =	vst v37;
	v2 =	vadd.f32 v32, v26  }
0x2d0: {  	[tilespmem:s0+$0xF020] =	vst v0;
	v61 =	vadd.f32 v34, v24  }
0x2d1: {  	[tilespmem:s0+$0xF030] =	vst v2;
	v62 =	vadd.f32 v35, v22  }
0x2d2: {  	[tilespmem:s0+$0xF040] =	vst v61;
	v63 =	vadd.f32 v36, v20  }
0x2d3: {  	[tilespmem:s0+$0xF050] =	vst v62;
	v1 =	vadd.f32 v1, v18  }
0x2d4: {  	[tilespmem:s0+$0xF060] =	vst v63  }
0x2d5: {  	s22 =	rddreg [dreg:$0xa];
	[tilespmem:s0+$0xF070] =	vst v1  }
0x2d6: {  	[hbm4b:s22+s26] =	stream.strided.scatter [tilespmem:s30], [sflag:$0x6], $0x1000, s25, s26, $0x38;
	[tilespmem:$0x18000] =	vst v63  }
0x2d7: {  	s29 =	rddreg [dreg:$0xb];
	s3 =	simm.s32 $0xD000  }
0x2d8: {  	[hbm4b:s29+s26] =	stream.strided.scatter [tilespmem:s3], [sflag:$0x6], $0x1000, s25, s26, $0x38;
	[tilespmem:$0x18000] =	vst v63  }
0x2d9: {  	s15 =	rddreg [dreg:$0xc];
	s16 =	simm.s32 $0xE000  }
0x2da: {  	[hbm4b:s15+s26] =	stream.strided.scatter [tilespmem:s16], [sflag:$0x6], $0x1000, s25, s26, $0x38;
	[tilespmem:$0x18000] =	vst v63  }
0x2db: {  	s20 =	rddreg [dreg:$0xd]  }
0x2dc: {  	[hbm4b:s20+s26] =	stream.strided.scatter [tilespmem:s17], [sflag:$0x6], $0x1000, s25, s26, $0x38;
	[tilespmem:$0x18000] =	vst v63  }
0x2dd: {  	_ =	swait.ge [sflag:s18], $0x4000  }
0x2de: {  	[sflag:s18] =	ssyncset.done $0x0  }
0x2df: {  	[sflag:s18] =	ssyncadd.s32 $0xFFFFC000  }
0x2e0: {  	_ =	swait.ge [sflag:s23], $0x4000  }
0x2e1: {  	[sflag:s23] =	ssyncset.done $0x0  }
0x2e2: {  	s21 =	simm.s32 $0x7;
	[sflag:s23] =	ssyncadd.s32 $0xFFFFC000  }
0x2e3: {  	_ =	swait.ge [sflag:s21], $0x4000  }
0x2e4: {  	[sflag:s21] =	ssyncset.done $0x0  }
0x2e5: {  	s22 =	simm.s32 $0x8;
	[sflag:s21] =	ssyncadd.s32 $0xFFFFC000  }
0x2e6: {  	_ =	swait.ge [sflag:s22], $0x4000  }
0x2e7: {  	s15 =	rddreg [dreg:$0xf]  }
0x2e8: {  	s29 =	rddreg [dreg:$0xe];
	s15 =	sadd.s32 $0x1, s15  }
0x2e9: {  	p0 =	sne.s32 s15, s29  }
.Ltmp7:
0x2ea: {  	_ = 	snop;
	(pc) =	sbr.rel @p0 .LBB2_1-.Ltmp7, $3  }
0x2eb: {  	_ =	sdelay $0x1  }
0x2ec: {  	[sflag:s22] =	ssyncset.done $0x0  }
0x2ed: {  	[sflag:s22] =	ssyncadd.s32 $0xFFFFC000  }
0x2ee: {  	_ =	sfence.sel $0x180000  }
0x2ef: {  	[bflag:$0x0] =	sbarrier.arrive $0xFFFF  }
0x2f0: {  	_ =	strace $0x90000047  }
0x2f1: {  	s0 =	stileid.u32;
	[bflag:$0x2] =	sbarrier.arrive $0xFFFF  }
0x2f2: {  	p0 =	sne.s32 s0, $0x0;
	s0 =	rddreg [dreg:$0x4]  }
0x2f3: {  	s0 =	sadd.s32 @!p0 $0x100000, s0  }
0x2f4: {  	[sflag:s0] =	ssyncadd.tile.s32 @!p0 $0x1;
	_ =	shalt  }
.Lfunc_end2:
_tile_overlayer_lowered:
.L_overlay_start_2:
0x2f5: {  	(tag) =	ssettag $0x2  }
0x2f6: {  	s0 =	rddreg [dreg:$0x0];
	s2 =	stileid.u32  }
0x2f7: {  	s1 =	rddreg [dreg:$0x1];
	p0 =	sne.s32 s2, $0x0  }
0x2f8: {  	s3 =	rddreg [dreg:$0x2];
	[bflag:$0x3] =	sbarrier.arrive $0xFFFF;
	s2 =	simm.s32 @!p0 $0x1C09  }
0x2f9: {  	[timem:s3], [sflag:s2] =	dma.local @!p0 [hbm:s0], s1  }
0x2fa: {  	s0 =	simm.s32 @!p0 $0x9  }
0x2fb: {  	_ =	swait.ge @!p0 [sflag:s0], s1  }
0x2fc: {  	s1 =	ssub.s32 @!p0 $0x0, s1;
	[sflag:s0] =	ssyncset.done @!p0 $0x0  }
0x2fd: {  	[sflag:s0] =	ssyncadd.s32 @!p0 s1  }
0x2fe: {  	[bflag:$0x3] =	sbarrier.arrive $0xFFFF  }
0x2ff: {  	_ =	shalt  }

</sc_bundles>
